<compile_context>
chip_gen: v7x
topology: tpu7x:2x2x1
jax: 0.10.2.dev20260603
libtpu: 0.0.44.dev20260713+nightly
codegen_flags: <defaults>
</compile_context>

<pallas_src>
import functools

import jax
import jax.numpy as jnp
from jax import lax
from jax.experimental import pallas as pl
from jax.experimental.pallas import tpu as pltpu
from jax.experimental.pallas import tpu_sc as plsc

NC = 2
NS = 16
L = 16
NW = NC * NS
TW = 128
DEPTH = 8


def _mf_body(bpw, dim, uids_hbm, iids_hbm, utT_hbm, itT_hbm, out_hbm,
             uidx_v, iidx_v, uwnd, iwnd, out_v, sem_u, sem_i):
    wid = lax.axis_index("s") * NC + lax.axis_index("c")
    base = wid * bpw
    ngroups = bpw // L

    pltpu.sync_copy(uids_hbm.at[pl.ds(base, bpw)], uidx_v)
    pltpu.sync_copy(iids_hbm.at[pl.ds(base, bpw)], iidx_v)

    def fire(uscal, iscal, slot):
        uoff = pl.multiple_of((uscal >> 7) * TW, TW)
        ioff = pl.multiple_of((iscal >> 7) * TW, TW)
        pltpu.async_copy(utT_hbm.at[:, pl.ds(uoff, TW)], uwnd.at[slot],
                         sem_u)
        pltpu.async_copy(itT_hbm.at[:, pl.ds(ioff, TW)], iwnd.at[slot],
                         sem_i)

    def wait(slot):
        pltpu.make_async_copy(utT_hbm.at[:, pl.ds(0, TW)], uwnd.at[slot],
                              sem_u).wait()
        pltpu.make_async_copy(itT_hbm.at[:, pl.ds(0, TW)], iwnd.at[slot],
                              sem_i).wait()

    kvec0 = lax.iota(jnp.int32, L)
    kvec1 = kvec0 + L
    lane0 = kvec0 == 0

    def consume(j, uscal, iscal, slot):
        ures = lax.broadcast(uscal & (TW - 1), (L,))
        ires = lax.broadcast(iscal & (TW - 1), (L,))
        u0 = plsc.load_gather(uwnd.at[slot], [kvec0, ures])
        u1 = plsc.load_gather(uwnd.at[slot], [kvec1, ures])
        v0 = plsc.load_gather(iwnd.at[slot], [kvec0, ires])
        v1 = plsc.load_gather(iwnd.at[slot], [kvec1, ires])
        p = u0 * v0 + u1 * v1
        s = lax.reduce_sum_p.bind(p, axes=(0,))
        plsc.store_scatter(out_v, [lax.broadcast(j, (L,))],
                           lax.broadcast(s, (L,)), mask=lane0)

    uv0 = uidx_v[pl.ds(0, L)]
    iv0 = iidx_v[pl.ds(0, L)]
    for e in range(DEPTH):
        fire(uv0[e], iv0[e], e)

    def body(g, _):
        s0 = pl.ds(g * L, L)
        s1 = pl.ds(g * L + L, L)
        uv, iv = uidx_v[s0], iidx_v[s0]
        uvn, ivn = uidx_v[s1], iidx_v[s1]
        for e in range(L):
            slot = e % DEPTH
            wait(slot)
            consume(g * L + e, uv[e], iv[e], slot)
            en = e + DEPTH
            if en < L:
                fire(uv[en], iv[en], en % DEPTH)
            else:
                fire(uvn[en - L], ivn[en - L], en % DEPTH)
        return 0

    lax.fori_loop(0, ngroups - 1, body, 0)

    gl = ngroups - 1
    sl = pl.ds(gl * L, L)
    uv, iv = uidx_v[sl], iidx_v[sl]
    for e in range(L):
        slot = e % DEPTH
        wait(slot)
        consume(gl * L + e, uv[e], iv[e], slot)
        en = e + DEPTH
        if en < L:
            fire(uv[en], iv[en], en % DEPTH)

    pltpu.sync_copy(out_v, out_hbm.at[pl.ds(base, bpw)])


def kernel(uids, iids, user_table, item_table):
    batch = uids.shape[0]
    n, dim = user_table.shape
    bpw = batch // NW

    mesh = plsc.VectorSubcoreMesh(core_axis_name="c", subcore_axis_name="s")
    k = pl.kernel(
        functools.partial(_mf_body, bpw, dim),
        out_type=jax.ShapeDtypeStruct((batch,), jnp.float32),
        mesh=mesh,
        compiler_params=pltpu.CompilerParams(needs_layout_passes=False),
        scratch_types=[
            pltpu.VMEM((bpw,), jnp.int32),
            pltpu.VMEM((bpw,), jnp.int32),
            pltpu.VMEM((DEPTH, dim, TW), jnp.float32),
            pltpu.VMEM((DEPTH, dim, TW), jnp.float32),
            pltpu.VMEM((bpw,), jnp.float32),
            pltpu.SemaphoreType.DMA,
            pltpu.SemaphoreType.DMA,
        ],
    )
    return k(uids.astype(jnp.int32), iids.astype(jnp.int32),
             user_table.T, item_table.T)

# --- scband reference (transcript-rebuilt; emitter-appended) ---
"""Pipeline reference for scband-mf-2843268350219 (READ-ONLY COPY).

The authoritative reference and input builder live on the scoring server;
editing this copy changes nothing except your own understanding.
"""

import jax, jax.numpy as jnp
import numpy as np

USER_N = 1000000
ITEM_N = 1000000
DIM = 32
BATCH = 16384

def setup_inputs(seed: int = 0) -> dict:
    key = jax.random.key(seed)
    k1, k2, k3, k4 = jax.random.split(key, 4)
    uids = jax.random.randint(k1, (BATCH,), 0, USER_N, dtype=jnp.int64 if jax.config.jax_enable_x64 else jnp.int32)
    iids = jax.random.randint(k2, (BATCH,), 0, ITEM_N, dtype=jnp.int64 if jax.config.jax_enable_x64 else jnp.int32)
    user_table = jax.random.normal(k3, (USER_N, DIM), dtype=jnp.float32)
    item_table = jax.random.normal(k4, (ITEM_N, DIM), dtype=jnp.float32)
    return {"uids": uids, "iids": iids, "user_table": user_table, "item_table": item_table}

def reference(uids, iids, user_table, item_table):
    uemb = jnp.take(user_table, uids, axis=0)
    iemb = jnp.take(item_table, iids, axis=0)
    dot_score = jnp.sum(uemb * iemb, axis=1)
    return dot_score

if __name__ == "__main__":
    import jax
    _d = setup_inputs()
    print(jax.jit(kernel)(*tuple(_d.values())))

</pallas_src>

<mosaic_0001>
#map = affine_map<(d0, d1) -> (0)>
#map1 = affine_map<(d0, d1) -> (0, 0)>
module attributes {stable_mosaic.version = 14 : i64} {
  func.func @_mf_body(%arg0: i32, %arg1: i32, %arg2: memref<16384xi32, #tpu.memory_space<hbm>>, %arg3: memref<16384xi32, #tpu.memory_space<hbm>>, %arg4: memref<32x1000000xf32, #tpu.memory_space<hbm>>, %arg5: memref<32x1000000xf32, #tpu.memory_space<hbm>>, %arg6: memref<16384xf32, #tpu.memory_space<hbm>>, %arg7: memref<512xi32, #tpu.memory_space<vmem>>, %arg8: memref<512xi32, #tpu.memory_space<vmem>>, %arg9: memref<8x32x128xf32, #tpu.memory_space<vmem>>, %arg10: memref<8x32x128xf32, #tpu.memory_space<vmem>>, %arg11: memref<512xf32, #tpu.memory_space<vmem>>, %arg12: memref<!tpu.dma_semaphore, #tpu.memory_space<semaphore_mem>>, %arg13: memref<!tpu.dma_semaphore, #tpu.memory_space<semaphore_mem>>) attributes {dimension_semantics = [#tpu.dimension_semantics<core_parallel>, #tpu.dimension_semantics<subcore_parallel>], iteration_bounds = array<i64: 2, 16>, scalar_prefetch = 0 : i64, scratch_operands = 7 : i64, tpu.core_type = #tpu.core_type<sc_vector_subcore>, window_params = [{transform_indices = #map}, {transform_indices = #map}, {transform_indices = #map1}, {transform_indices = #map1}, {transform_indices = #map}]} {
    %mul3A = arith.constant 2 : i32
    %mul3A_0 = arith.muli %arg1, %mul3A : i32
    %add3A = arith.addi %mul3A_0, %arg0 : i32
    %mul3A_1 = arith.constant 512 : i32
    %mul3A_2 = arith.muli %add3A, %mul3A_1 : i32
    "tpu.region"() ({
      %run_scoped3A = tpu.sem_alloc : memref<!tpu.dma_semaphore, #tpu.memory_space<semaphore_mem>>
      %dma_start3A_1835 = tpu.memref_slice %arg2[%mul3A_2] : memref<16384xi32, #tpu.memory_space<hbm>> -> memref<512xi32, #tpu.memory_space<hbm>>
      %dma_start3A_1836 = tpu.memref_slice %arg2[%mul3A_2] : memref<16384xi32, #tpu.memory_space<hbm>> -> memref<512xi32, #tpu.memory_space<hbm>>
      tpu.enqueue_dma source(%dma_start3A_1836 : memref<512xi32, #tpu.memory_space<hbm>>) target(%arg7 : memref<512xi32, #tpu.memory_space<vmem>>) target_semaphore(%run_scoped3A : memref<!tpu.dma_semaphore, #tpu.memory_space<semaphore_mem>>)
      %dma_wait3A_1837 = tpu.memref_slice %arg2[%mul3A_2] : memref<16384xi32, #tpu.memory_space<hbm>> -> memref<512xi32, #tpu.memory_space<hbm>>
      %dma_wait3A_1838 = tpu.memref_slice %arg2[%mul3A_2] : memref<16384xi32, #tpu.memory_space<hbm>> -> memref<512xi32, #tpu.memory_space<hbm>>
      tpu.wait_dma2 semaphore(%run_scoped3A : memref<!tpu.dma_semaphore, #tpu.memory_space<semaphore_mem>>) src(%dma_wait3A_1838 : memref<512xi32, #tpu.memory_space<hbm>>) dst(%arg7 : memref<512xi32, #tpu.memory_space<vmem>>)
      tpu.yield
    }) : () -> ()
    "tpu.region"() ({
      %run_scoped3A = tpu.sem_alloc : memref<!tpu.dma_semaphore, #tpu.memory_space<semaphore_mem>>
      %dma_start3A_1835 = tpu.memref_slice %arg3[%mul3A_2] : memref<16384xi32, #tpu.memory_space<hbm>> -> memref<512xi32, #tpu.memory_space<hbm>>
      %dma_start3A_1836 = tpu.memref_slice %arg3[%mul3A_2] : memref<16384xi32, #tpu.memory_space<hbm>> -> memref<512xi32, #tpu.memory_space<hbm>>
      tpu.enqueue_dma source(%dma_start3A_1836 : memref<512xi32, #tpu.memory_space<hbm>>) target(%arg8 : memref<512xi32, #tpu.memory_space<vmem>>) target_semaphore(%run_scoped3A : memref<!tpu.dma_semaphore, #tpu.memory_space<semaphore_mem>>)
      %dma_wait3A_1837 = tpu.memref_slice %arg3[%mul3A_2] : memref<16384xi32, #tpu.memory_space<hbm>> -> memref<512xi32, #tpu.memory_space<hbm>>
      %dma_wait3A_1838 = tpu.memref_slice %arg3[%mul3A_2] : memref<16384xi32, #tpu.memory_space<hbm>> -> memref<512xi32, #tpu.memory_space<hbm>>
      tpu.wait_dma2 semaphore(%run_scoped3A : memref<!tpu.dma_semaphore, #tpu.memory_space<semaphore_mem>>) src(%dma_wait3A_1838 : memref<512xi32, #tpu.memory_space<hbm>>) dst(%arg8 : memref<512xi32, #tpu.memory_space<vmem>>)
      tpu.yield
    }) : () -> ()
    %iota3A = tpu.iota {dimensions = array<i32: 0>} : vector<16xi32>
    %add3A_3 = arith.constant 16 : i32
    %add3A_4 = vector.broadcast %add3A_3 : i32 to vector<16xi32>
    %add3A_5 = arith.addi %iota3A, %add3A_4 : vector<16xi32>
    %eq3A = arith.constant 0 : i32
    %eq3A_6 = vector.broadcast %eq3A : i32 to vector<16xi32>
    %eq3A_7 = arith.cmpi eq, %iota3A, %eq3A_6 : vector<16xi32>
    %get3A = arith.constant 0 : index
    %get3A_8 = tpu.vector_load %arg7[%get3A] {strides = array<i32>} : memref<512xi32, #tpu.memory_space<vmem>>, vector<16xi32>,
    %get3A_9 = arith.constant 0 : index
    %get3A_10 = tpu.vector_load %arg8[%get3A_9] {strides = array<i32>} : memref<512xi32, #tpu.memory_space<vmem>>, vector<16xi32>,
    %slice3A = vector.extract_strided_slice %get3A_8 {offsets = [0], sizes = [1], strides = [1]} : vector<16xi32> to vector<1xi32>
    %squeeze3A = vector.extract %slice3A[0] : i32 from vector<1xi32>
    %slice3A_11 = vector.extract_strided_slice %get3A_10 {offsets = [0], sizes = [1], strides = [1]} : vector<16xi32> to vector<1xi32>
    %squeeze3A_12 = vector.extract %slice3A_11[0] : i32 from vector<1xi32>
    %shift_right_arithmetic3A = arith.constant 7 : i32
    %shift_right_arithmetic3A_13 = arith.shrsi %squeeze3A, %shift_right_arithmetic3A : i32
    %mul3A_14 = arith.constant 128 : i32
    %mul3A_15 = arith.muli %shift_right_arithmetic3A_13, %mul3A_14 : i32
    %multiple_of3A = tpu.assume_multiple %mul3A_15, 128 : i32
    %shift_right_arithmetic3A_16 = arith.constant 7 : i32
    %shift_right_arithmetic3A_17 = arith.shrsi %squeeze3A_12, %shift_right_arithmetic3A_16 : i32
    %mul3A_18 = arith.constant 128 : i32
    %mul3A_19 = arith.muli %shift_right_arithmetic3A_17, %mul3A_18 : i32
    %multiple_of3A_20 = tpu.assume_multiple %mul3A_19, 128 : i32
    %dma_start3A = arith.constant 0 : i32
    %dma_start3A_21 = arith.constant 0 : i32
    %dma_start3A_22 = arith.constant 0 : i32
    %dma_start3A_23 = tpu.memref_slice %arg9[%dma_start3A, %dma_start3A_21, %dma_start3A_22] : memref<8x32x128xf32, #tpu.memory_space<vmem>> -> memref<1x32x128xf32, #tpu.memory_space<vmem>>
    %dma_start3A_24 = tpu.memref_squeeze %dma_start3A_23 : memref<1x32x128xf32, #tpu.memory_space<vmem>> -> memref<32x128xf32, #tpu.memory_space<vmem>>
    %dma_start3A_25 = arith.constant 0 : i32
    %dma_start3A_26 = tpu.memref_slice %arg4[%dma_start3A_25, %multiple_of3A] : memref<32x1000000xf32, #tpu.memory_space<hbm>> -> memref<32x128xf32, #tpu.memory_space<hbm>>
    %dma_start3A_27 = arith.constant 0 : i32
    %dma_start3A_28 = arith.constant 0 : i32
    %dma_start3A_29 = tpu.memref_slice %arg9[%dma_start3A, %dma_start3A_27, %dma_start3A_28] : memref<8x32x128xf32, #tpu.memory_space<vmem>> -> memref<1x32x128xf32, #tpu.memory_space<vmem>>
    %dma_start3A_30 = tpu.memref_squeeze %dma_start3A_29 : memref<1x32x128xf32, #tpu.memory_space<vmem>> -> memref<32x128xf32, #tpu.memory_space<vmem>>
    %dma_start3A_31 = arith.constant 0 : i32
    %dma_start3A_32 = tpu.memref_slice %arg4[%dma_start3A_31, %multiple_of3A] : memref<32x1000000xf32, #tpu.memory_space<hbm>> -> memref<32x128xf32, #tpu.memory_space<hbm>>
    tpu.enqueue_dma source(%dma_start3A_32 : memref<32x128xf32, #tpu.memory_space<hbm>>) target(%dma_start3A_30 : memref<32x128xf32, #tpu.memory_space<vmem>>) target_semaphore(%arg12 : memref<!tpu.dma_semaphore, #tpu.memory_space<semaphore_mem>>)
    %dma_start3A_33 = arith.constant 0 : i32
    %dma_start3A_34 = arith.constant 0 : i32
    %dma_start3A_35 = arith.constant 0 : i32
    %dma_start3A_36 = tpu.memref_slice %arg10[%dma_start3A_33, %dma_start3A_34, %dma_start3A_35] : memref<8x32x128xf32, #tpu.memory_space<vmem>> -> memref<1x32x128xf32, #tpu.memory_space<vmem>>
    %dma_start3A_37 = tpu.memref_squeeze %dma_start3A_36 : memref<1x32x128xf32, #tpu.memory_space<vmem>> -> memref<32x128xf32, #tpu.memory_space<vmem>>
    %dma_start3A_38 = arith.constant 0 : i32
    %dma_start3A_39 = tpu.memref_slice %arg5[%dma_start3A_38, %multiple_of3A_20] : memref<32x1000000xf32, #tpu.memory_space<hbm>> -> memref<32x128xf32, #tpu.memory_space<hbm>>
    %dma_start3A_40 = arith.constant 0 : i32
    %dma_start3A_41 = arith.constant 0 : i32
    %dma_start3A_42 = tpu.memref_slice %arg10[%dma_start3A_33, %dma_start3A_40, %dma_start3A_41] : memref<8x32x128xf32, #tpu.memory_space<vmem>> -> memref<1x32x128xf32, #tpu.memory_space<vmem>>
    %dma_start3A_43 = tpu.memref_squeeze %dma_start3A_42 : memref<1x32x128xf32, #tpu.memory_space<vmem>> -> memref<32x128xf32, #tpu.memory_space<vmem>>
    %dma_start3A_44 = arith.constant 0 : i32
    %dma_start3A_45 = tpu.memref_slice %arg5[%dma_start3A_44, %multiple_of3A_20] : memref<32x1000000xf32, #tpu.memory_space<hbm>> -> memref<32x128xf32, #tpu.memory_space<hbm>>
    tpu.enqueue_dma source(%dma_start3A_45 : memref<32x128xf32, #tpu.memory_space<hbm>>) target(%dma_start3A_43 : memref<32x128xf32, #tpu.memory_space<vmem>>) target_semaphore(%arg13 : memref<!tpu.dma_semaphore, #tpu.memory_space<semaphore_mem>>)
    %slice3A_46 = vector.extract_strided_slice %get3A_8 {offsets = [1], sizes = [1], strides = [1]} : vector<16xi32> to vector<1xi32>
    %squeeze3A_47 = vector.extract %slice3A_46[0] : i32 from vector<1xi32>
    %slice3A_48 = vector.extract_strided_slice %get3A_10 {offsets = [1], sizes = [1], strides = [1]} : vector<16xi32> to vector<1xi32>
    %squeeze3A_49 = vector.extract %slice3A_48[0] : i32 from vector<1xi32>
    %shift_right_arithmetic3A_50 = arith.constant 7 : i32
    %shift_right_arithmetic3A_51 = arith.shrsi %squeeze3A_47, %shift_right_arithmetic3A_50 : i32
    %mul3A_52 = arith.constant 128 : i32
    %mul3A_53 = arith.muli %shift_right_arithmetic3A_51, %mul3A_52 : i32
    %multiple_of3A_54 = tpu.assume_multiple %mul3A_53, 128 : i32
    %shift_right_arithmetic3A_55 = arith.constant 7 : i32
    %shift_right_arithmetic3A_56 = arith.shrsi %squeeze3A_49, %shift_right_arithmetic3A_55 : i32
    %mul3A_57 = arith.constant 128 : i32
    %mul3A_58 = arith.muli %shift_right_arithmetic3A_56, %mul3A_57 : i32
    %multiple_of3A_59 = tpu.assume_multiple %mul3A_58, 128 : i32
    %dma_start3A_60 = arith.constant 1 : i32
    %dma_start3A_61 = arith.constant 0 : i32
    %dma_start3A_62 = arith.constant 0 : i32
    %dma_start3A_63 = tpu.memref_slice %arg9[%dma_start3A_60, %dma_start3A_61, %dma_start3A_62] : memref<8x32x128xf32, #tpu.memory_space<vmem>> -> memref<1x32x128xf32, #tpu.memory_space<vmem>>
    %dma_start3A_64 = tpu.memref_squeeze %dma_start3A_63 : memref<1x32x128xf32, #tpu.memory_space<vmem>> -> memref<32x128xf32, #tpu.memory_space<vmem>>
    %dma_start3A_65 = arith.constant 0 : i32
    %dma_start3A_66 = tpu.memref_slice %arg4[%dma_start3A_65, %multiple_of3A_54] : memref<32x1000000xf32, #tpu.memory_space<hbm>> -> memref<32x128xf32, #tpu.memory_space<hbm>>
    %dma_start3A_67 = arith.constant 0 : i32
    %dma_start3A_68 = arith.constant 0 : i32
    %dma_start3A_69 = tpu.memref_slice %arg9[%dma_start3A_60, %dma_start3A_67, %dma_start3A_68] : memref<8x32x128xf32, #tpu.memory_space<vmem>> -> memref<1x32x128xf32, #tpu.memory_space<vmem>>
    %dma_start3A_70 = tpu.memref_squeeze %dma_start3A_69 : memref<1x32x128xf32, #tpu.memory_space<vmem>> -> memref<32x128xf32, #tpu.memory_space<vmem>>
    %dma_start3A_71 = arith.constant 0 : i32
    %dma_start3A_72 = tpu.memref_slice %arg4[%dma_start3A_71, %multiple_of3A_54] : memref<32x1000000xf32, #tpu.memory_space<hbm>> -> memref<32x128xf32, #tpu.memory_space<hbm>>
    tpu.enqueue_dma source(%dma_start3A_72 : memref<32x128xf32, #tpu.memory_space<hbm>>) target(%dma_start3A_70 : memref<32x128xf32, #tpu.memory_space<vmem>>) target_semaphore(%arg12 : memref<!tpu.dma_semaphore, #tpu.memory_space<semaphore_mem>>)
    %dma_start3A_73 = arith.constant 1 : i32
    %dma_start3A_74 = arith.constant 0 : i32
    %dma_start3A_75 = arith.constant 0 : i32
    %dma_start3A_76 = tpu.memref_slice %arg10[%dma_start3A_73, %dma_start3A_74, %dma_start3A_75] : memref<8x32x128xf32, #tpu.memory_space<vmem>> -> memref<1x32x128xf32, #tpu.memory_space<vmem>>
    %dma_start3A_77 = tpu.memref_squeeze %dma_start3A_76 : memref<1x32x128xf32, #tpu.memory_space<vmem>> -> memref<32x128xf32, #tpu.memory_space<vmem>>
    %dma_start3A_78 = arith.constant 0 : i32
    %dma_start3A_79 = tpu.memref_slice %arg5[%dma_start3A_78, %multiple_of3A_59] : memref<32x1000000xf32, #tpu.memory_space<hbm>> -> memref<32x128xf32, #tpu.memory_space<hbm>>
    %dma_start3A_80 = arith.constant 0 : i32
    %dma_start3A_81 = arith.constant 0 : i32
    %dma_start3A_82 = tpu.memref_slice %arg10[%dma_start3A_73, %dma_start3A_80, %dma_start3A_81] : memref<8x32x128xf32, #tpu.memory_space<vmem>> -> memref<1x32x128xf32, #tpu.memory_space<vmem>>
    %dma_start3A_83 = tpu.memref_squeeze %dma_start3A_82 : memref<1x32x128xf32, #tpu.memory_space<vmem>> -> memref<32x128xf32, #tpu.memory_space<vmem>>
    %dma_start3A_84 = arith.constant 0 : i32
    %dma_start3A_85 = tpu.memref_slice %arg5[%dma_start3A_84, %multiple_of3A_59] : memref<32x1000000xf32, #tpu.memory_space<hbm>> -> memref<32x128xf32, #tpu.memory_space<hbm>>
    tpu.enqueue_dma source(%dma_start3A_85 : memref<32x128xf32, #tpu.memory_space<hbm>>) target(%dma_start3A_83 : memref<32x128xf32, #tpu.memory_space<vmem>>) target_semaphore(%arg13 : memref<!tpu.dma_semaphore, #tpu.memory_space<semaphore_mem>>)
    %slice3A_86 = vector.extract_strided_slice %get3A_8 {offsets = [2], sizes = [1], strides = [1]} : vector<16xi32> to vector<1xi32>
    %squeeze3A_87 = vector.extract %slice3A_86[0] : i32 from vector<1xi32>
    %slice3A_88 = vector.extract_strided_slice %get3A_10 {offsets = [2], sizes = [1], strides = [1]} : vector<16xi32> to vector<1xi32>
    %squeeze3A_89 = vector.extract %slice3A_88[0] : i32 from vector<1xi32>
    %shift_right_arithmetic3A_90 = arith.constant 7 : i32
    %shift_right_arithmetic3A_91 = arith.shrsi %squeeze3A_87, %shift_right_arithmetic3A_90 : i32
    %mul3A_92 = arith.constant 128 : i32
    %mul3A_93 = arith.muli %shift_right_arithmetic3A_91, %mul3A_92 : i32
    %multiple_of3A_94 = tpu.assume_multiple %mul3A_93, 128 : i32
    %shift_right_arithmetic3A_95 = arith.constant 7 : i32
    %shift_right_arithmetic3A_96 = arith.shrsi %squeeze3A_89, %shift_right_arithmetic3A_95 : i32
    %mul3A_97 = arith.constant 128 : i32
    %mul3A_98 = arith.muli %shift_right_arithmetic3A_96, %mul3A_97 : i32
    %multiple_of3A_99 = tpu.assume_multiple %mul3A_98, 128 : i32
    %dma_start3A_100 = arith.constant 2 : i32
    %dma_start3A_101 = arith.constant 0 : i32
    %dma_start3A_102 = arith.constant 0 : i32
    %dma_start3A_103 = tpu.memref_slice %arg9[%dma_start3A_100, %dma_start3A_101, %dma_start3A_102] : memref<8x32x128xf32, #tpu.memory_space<vmem>> -> memref<1x32x128xf32, #tpu.memory_space<vmem>>
    %dma_start3A_104 = tpu.memref_squeeze %dma_start3A_103 : memref<1x32x128xf32, #tpu.memory_space<vmem>> -> memref<32x128xf32, #tpu.memory_space<vmem>>
    %dma_start3A_105 = arith.constant 0 : i32
    %dma_start3A_106 = tpu.memref_slice %arg4[%dma_start3A_105, %multiple_of3A_94] : memref<32x1000000xf32, #tpu.memory_space<hbm>> -> memref<32x128xf32, #tpu.memory_space<hbm>>
    %dma_start3A_107 = arith.constant 0 : i32
    %dma_start3A_108 = arith.constant 0 : i32
    %dma_start3A_109 = tpu.memref_slice %arg9[%dma_start3A_100, %dma_start3A_107, %dma_start3A_108] : memref<8x32x128xf32, #tpu.memory_space<vmem>> -> memref<1x32x128xf32, #tpu.memory_space<vmem>>
    %dma_start3A_110 = tpu.memref_squeeze %dma_start3A_109 : memref<1x32x128xf32, #tpu.memory_space<vmem>> -> memref<32x128xf32, #tpu.memory_space<vmem>>
    %dma_start3A_111 = arith.constant 0 : i32
    %dma_start3A_112 = tpu.memref_slice %arg4[%dma_start3A_111, %multiple_of3A_94] : memref<32x1000000xf32, #tpu.memory_space<hbm>> -> memref<32x128xf32, #tpu.memory_space<hbm>>
    tpu.enqueue_dma source(%dma_start3A_112 : memref<32x128xf32, #tpu.memory_space<hbm>>) target(%dma_start3A_110 : memref<32x128xf32, #tpu.memory_space<vmem>>) target_semaphore(%arg12 : memref<!tpu.dma_semaphore, #tpu.memory_space<semaphore_mem>>)
    %dma_start3A_113 = arith.constant 2 : i32
    %dma_start3A_114 = arith.constant 0 : i32
    %dma_start3A_115 = arith.constant 0 : i32
    %dma_start3A_116 = tpu.memref_slice %arg10[%dma_start3A_113, %dma_start3A_114, %dma_start3A_115] : memref<8x32x128xf32, #tpu.memory_space<vmem>> -> memref<1x32x128xf32, #tpu.memory_space<vmem>>
    %dma_start3A_117 = tpu.memref_squeeze %dma_start3A_116 : memref<1x32x128xf32, #tpu.memory_space<vmem>> -> memref<32x128xf32, #tpu.memory_space<vmem>>
    %dma_start3A_118 = arith.constant 0 : i32
    %dma_start3A_119 = tpu.memref_slice %arg5[%dma_start3A_118, %multiple_of3A_99] : memref<32x1000000xf32, #tpu.memory_space<hbm>> -> memref<32x128xf32, #tpu.memory_space<hbm>>
    %dma_start3A_120 = arith.constant 0 : i32
    %dma_start3A_121 = arith.constant 0 : i32
    %dma_start3A_122 = tpu.memref_slice %arg10[%dma_start3A_113, %dma_start3A_120, %dma_start3A_121] : memref<8x32x128xf32, #tpu.memory_space<vmem>> -> memref<1x32x128xf32, #tpu.memory_space<vmem>>
    %dma_start3A_123 = tpu.memref_squeeze %dma_start3A_122 : memref<1x32x128xf32, #tpu.memory_space<vmem>> -> memref<32x128xf32, #tpu.memory_space<vmem>>
    %dma_start3A_124 = arith.constant 0 : i32
    %dma_start3A_125 = tpu.memref_slice %arg5[%dma_start3A_124, %multiple_of3A_99] : memref<32x1000000xf32, #tpu.memory_space<hbm>> -> memref<32x128xf32, #tpu.memory_space<hbm>>
    tpu.enqueue_dma source(%dma_start3A_125 : memref<32x128xf32, #tpu.memory_space<hbm>>) target(%dma_start3A_123 : memref<32x128xf32, #tpu.memory_space<vmem>>) target_semaphore(%arg13 : memref<!tpu.dma_semaphore, #tpu.memory_space<semaphore_mem>>)
    %slice3A_126 = vector.extract_strided_slice %get3A_8 {offsets = [3], sizes = [1], strides = [1]} : vector<16xi32> to vector<1xi32>
    %squeeze3A_127 = vector.extract %slice3A_126[0] : i32 from vector<1xi32>
    %slice3A_128 = vector.extract_strided_slice %get3A_10 {offsets = [3], sizes = [1], strides = [1]} : vector<16xi32> to vector<1xi32>
    %squeeze3A_129 = vector.extract %slice3A_128[0] : i32 from vector<1xi32>
    %shift_right_arithmetic3A_130 = arith.constant 7 : i32
    %shift_right_arithmetic3A_131 = arith.shrsi %squeeze3A_127, %shift_right_arithmetic3A_130 : i32
    %mul3A_132 = arith.constant 128 : i32
    %mul3A_133 = arith.muli %shift_right_arithmetic3A_131, %mul3A_132 : i32
    %multiple_of3A_134 = tpu.assume_multiple %mul3A_133, 128 : i32
    %shift_right_arithmetic3A_135 = arith.constant 7 : i32
    %shift_right_arithmetic3A_136 = arith.shrsi %squeeze3A_129, %shift_right_arithmetic3A_135 : i32
    %mul3A_137 = arith.constant 128 : i32
    %mul3A_138 = arith.muli %shift_right_arithmetic3A_136, %mul3A_137 : i32
    %multiple_of3A_139 = tpu.assume_multiple %mul3A_138, 128 : i32
    %dma_start3A_140 = arith.constant 3 : i32
    %dma_start3A_141 = arith.constant 0 : i32
    %dma_start3A_142 = arith.constant 0 : i32
    %dma_start3A_143 = tpu.memref_slice %arg9[%dma_start3A_140, %dma_start3A_141, %dma_start3A_142] : memref<8x32x128xf32, #tpu.memory_space<vmem>> -> memref<1x32x128xf32, #tpu.memory_space<vmem>>
    %dma_start3A_144 = tpu.memref_squeeze %dma_start3A_143 : memref<1x32x128xf32, #tpu.memory_space<vmem>> -> memref<32x128xf32, #tpu.memory_space<vmem>>
    %dma_start3A_145 = arith.constant 0 : i32
    %dma_start3A_146 = tpu.memref_slice %arg4[%dma_start3A_145, %multiple_of3A_134] : memref<32x1000000xf32, #tpu.memory_space<hbm>> -> memref<32x128xf32, #tpu.memory_space<hbm>>
    %dma_start3A_147 = arith.constant 0 : i32
    %dma_start3A_148 = arith.constant 0 : i32
    %dma_start3A_149 = tpu.memref_slice %arg9[%dma_start3A_140, %dma_start3A_147, %dma_start3A_148] : memref<8x32x128xf32, #tpu.memory_space<vmem>> -> memref<1x32x128xf32, #tpu.memory_space<vmem>>
    %dma_start3A_150 = tpu.memref_squeeze %dma_start3A_149 : memref<1x32x128xf32, #tpu.memory_space<vmem>> -> memref<32x128xf32, #tpu.memory_space<vmem>>
    %dma_start3A_151 = arith.constant 0 : i32
    %dma_start3A_152 = tpu.memref_slice %arg4[%dma_start3A_151, %multiple_of3A_134] : memref<32x1000000xf32, #tpu.memory_space<hbm>> -> memref<32x128xf32, #tpu.memory_space<hbm>>
    tpu.enqueue_dma source(%dma_start3A_152 : memref<32x128xf32, #tpu.memory_space<hbm>>) target(%dma_start3A_150 : memref<32x128xf32, #tpu.memory_space<vmem>>) target_semaphore(%arg12 : memref<!tpu.dma_semaphore, #tpu.memory_space<semaphore_mem>>)
    %dma_start3A_153 = arith.constant 3 : i32
    %dma_start3A_154 = arith.constant 0 : i32
    %dma_start3A_155 = arith.constant 0 : i32
    %dma_start3A_156 = tpu.memref_slice %arg10[%dma_start3A_153, %dma_start3A_154, %dma_start3A_155] : memref<8x32x128xf32, #tpu.memory_space<vmem>> -> memref<1x32x128xf32, #tpu.memory_space<vmem>>
    %dma_start3A_157 = tpu.memref_squeeze %dma_start3A_156 : memref<1x32x128xf32, #tpu.memory_space<vmem>> -> memref<32x128xf32, #tpu.memory_space<vmem>>
    %dma_start3A_158 = arith.constant 0 : i32
    %dma_start3A_159 = tpu.memref_slice %arg5[%dma_start3A_158, %multiple_of3A_139] : memref<32x1000000xf32, #tpu.memory_space<hbm>> -> memref<32x128xf32, #tpu.memory_space<hbm>>
    %dma_start3A_160 = arith.constant 0 : i32
    %dma_start3A_161 = arith.constant 0 : i32
    %dma_start3A_162 = tpu.memref_slice %arg10[%dma_start3A_153, %dma_start3A_160, %dma_start3A_161] : memref<8x32x128xf32, #tpu.memory_space<vmem>> -> memref<1x32x128xf32, #tpu.memory_space<vmem>>
    %dma_start3A_163 = tpu.memref_squeeze %dma_start3A_162 : memref<1x32x128xf32, #tpu.memory_space<vmem>> -> memref<32x128xf32, #tpu.memory_space<vmem>>
    %dma_start3A_164 = arith.constant 0 : i32
    %dma_start3A_165 = tpu.memref_slice %arg5[%dma_start3A_164, %multiple_of3A_139] : memref<32x1000000xf32, #tpu.memory_space<hbm>> -> memref<32x128xf32, #tpu.memory_space<hbm>>
    tpu.enqueue_dma source(%dma_start3A_165 : memref<32x128xf32, #tpu.memory_space<hbm>>) target(%dma_start3A_163 : memref<32x128xf32, #tpu.memory_space<vmem>>) target_semaphore(%arg13 : memref<!tpu.dma_semaphore, #tpu.memory_space<semaphore_mem>>)
    %slice3A_166 = vector.extract_strided_slice %get3A_8 {offsets = [4], sizes = [1], strides = [1]} : vector<16xi32> to vector<1xi32>
    %squeeze3A_167 = vector.extract %slice3A_166[0] : i32 from vector<1xi32>
    %slice3A_168 = vector.extract_strided_slice %get3A_10 {offsets = [4], sizes = [1], strides = [1]} : vector<16xi32> to vector<1xi32>
    %squeeze3A_169 = vector.extract %slice3A_168[0] : i32 from vector<1xi32>
    %shift_right_arithmetic3A_170 = arith.constant 7 : i32
    %shift_right_arithmetic3A_171 = arith.shrsi %squeeze3A_167, %shift_right_arithmetic3A_170 : i32
    %mul3A_172 = arith.constant 128 : i32
    %mul3A_173 = arith.muli %shift_right_arithmetic3A_171, %mul3A_172 : i32
    %multiple_of3A_174 = tpu.assume_multiple %mul3A_173, 128 : i32
    %shift_right_arithmetic3A_175 = arith.constant 7 : i32
    %shift_right_arithmetic3A_176 = arith.shrsi %squeeze3A_169, %shift_right_arithmetic3A_175 : i32
    %mul3A_177 = arith.constant 128 : i32
    %mul3A_178 = arith.muli %shift_right_arithmetic3A_176, %mul3A_177 : i32
    %multiple_of3A_179 = tpu.assume_multiple %mul3A_178, 128 : i32
    %dma_start3A_180 = arith.constant 4 : i32
    %dma_start3A_181 = arith.constant 0 : i32
    %dma_start3A_182 = arith.constant 0 : i32
    %dma_start3A_183 = tpu.memref_slice %arg9[%dma_start3A_180, %dma_start3A_181, %dma_start3A_182] : memref<8x32x128xf32, #tpu.memory_space<vmem>> -> memref<1x32x128xf32, #tpu.memory_space<vmem>>
    %dma_start3A_184 = tpu.memref_squeeze %dma_start3A_183 : memref<1x32x128xf32, #tpu.memory_space<vmem>> -> memref<32x128xf32, #tpu.memory_space<vmem>>
    %dma_start3A_185 = arith.constant 0 : i32
    %dma_start3A_186 = tpu.memref_slice %arg4[%dma_start3A_185, %multiple_of3A_174] : memref<32x1000000xf32, #tpu.memory_space<hbm>> -> memref<32x128xf32, #tpu.memory_space<hbm>>
    %dma_start3A_187 = arith.constant 0 : i32
    %dma_start3A_188 = arith.constant 0 : i32
    %dma_start3A_189 = tpu.memref_slice %arg9[%dma_start3A_180, %dma_start3A_187, %dma_start3A_188] : memref<8x32x128xf32, #tpu.memory_space<vmem>> -> memref<1x32x128xf32, #tpu.memory_space<vmem>>
    %dma_start3A_190 = tpu.memref_squeeze %dma_start3A_189 : memref<1x32x128xf32, #tpu.memory_space<vmem>> -> memref<32x128xf32, #tpu.memory_space<vmem>>
    %dma_start3A_191 = arith.constant 0 : i32
    %dma_start3A_192 = tpu.memref_slice %arg4[%dma_start3A_191, %multiple_of3A_174] : memref<32x1000000xf32, #tpu.memory_space<hbm>> -> memref<32x128xf32, #tpu.memory_space<hbm>>
    tpu.enqueue_dma source(%dma_start3A_192 : memref<32x128xf32, #tpu.memory_space<hbm>>) target(%dma_start3A_190 : memref<32x128xf32, #tpu.memory_space<vmem>>) target_semaphore(%arg12 : memref<!tpu.dma_semaphore, #tpu.memory_space<semaphore_mem>>)
    %dma_start3A_193 = arith.constant 4 : i32
    %dma_start3A_194 = arith.constant 0 : i32
    %dma_start3A_195 = arith.constant 0 : i32
    %dma_start3A_196 = tpu.memref_slice %arg10[%dma_start3A_193, %dma_start3A_194, %dma_start3A_195] : memref<8x32x128xf32, #tpu.memory_space<vmem>> -> memref<1x32x128xf32, #tpu.memory_space<vmem>>
    %dma_start3A_197 = tpu.memref_squeeze %dma_start3A_196 : memref<1x32x128xf32, #tpu.memory_space<vmem>> -> memref<32x128xf32, #tpu.memory_space<vmem>>
    %dma_start3A_198 = arith.constant 0 : i32
    %dma_start3A_199 = tpu.memref_slice %arg5[%dma_start3A_198, %multiple_of3A_179] : memref<32x1000000xf32, #tpu.memory_space<hbm>> -> memref<32x128xf32, #tpu.memory_space<hbm>>
    %dma_start3A_200 = arith.constant 0 : i32
    %dma_start3A_201 = arith.constant 0 : i32
    %dma_start3A_202 = tpu.memref_slice %arg10[%dma_start3A_193, %dma_start3A_200, %dma_start3A_201] : memref<8x32x128xf32, #tpu.memory_space<vmem>> -> memref<1x32x128xf32, #tpu.memory_space<vmem>>
    %dma_start3A_203 = tpu.memref_squeeze %dma_start3A_202 : memref<1x32x128xf32, #tpu.memory_space<vmem>> -> memref<32x128xf32, #tpu.memory_space<vmem>>
    %dma_start3A_204 = arith.constant 0 : i32
    %dma_start3A_205 = tpu.memref_slice %arg5[%dma_start3A_204, %multiple_of3A_179] : memref<32x1000000xf32, #tpu.memory_space<hbm>> -> memref<32x128xf32, #tpu.memory_space<hbm>>
    tpu.enqueue_dma source(%dma_start3A_205 : memref<32x128xf32, #tpu.memory_space<hbm>>) target(%dma_start3A_203 : memref<32x128xf32, #tpu.memory_space<vmem>>) target_semaphore(%arg13 : memref<!tpu.dma_semaphore, #tpu.memory_space<semaphore_mem>>)
    %slice3A_206 = vector.extract_strided_slice %get3A_8 {offsets = [5], sizes = [1], strides = [1]} : vector<16xi32> to vector<1xi32>
    %squeeze3A_207 = vector.extract %slice3A_206[0] : i32 from vector<1xi32>
    %slice3A_208 = vector.extract_strided_slice %get3A_10 {offsets = [5], sizes = [1], strides = [1]} : vector<16xi32> to vector<1xi32>
    %squeeze3A_209 = vector.extract %slice3A_208[0] : i32 from vector<1xi32>
    %shift_right_arithmetic3A_210 = arith.constant 7 : i32
    %shift_right_arithmetic3A_211 = arith.shrsi %squeeze3A_207, %shift_right_arithmetic3A_210 : i32
    %mul3A_212 = arith.constant 128 : i32
    %mul3A_213 = arith.muli %shift_right_arithmetic3A_211, %mul3A_212 : i32
    %multiple_of3A_214 = tpu.assume_multiple %mul3A_213, 128 : i32
    %shift_right_arithmetic3A_215 = arith.constant 7 : i32
    %shift_right_arithmetic3A_216 = arith.shrsi %squeeze3A_209, %shift_right_arithmetic3A_215 : i32
    %mul3A_217 = arith.constant 128 : i32
    %mul3A_218 = arith.muli %shift_right_arithmetic3A_216, %mul3A_217 : i32
    %multiple_of3A_219 = tpu.assume_multiple %mul3A_218, 128 : i32
    %dma_start3A_220 = arith.constant 5 : i32
    %dma_start3A_221 = arith.constant 0 : i32
    %dma_start3A_222 = arith.constant 0 : i32
    %dma_start3A_223 = tpu.memref_slice %arg9[%dma_start3A_220, %dma_start3A_221, %dma_start3A_222] : memref<8x32x128xf32, #tpu.memory_space<vmem>> -> memref<1x32x128xf32, #tpu.memory_space<vmem>>
    %dma_start3A_224 = tpu.memref_squeeze %dma_start3A_223 : memref<1x32x128xf32, #tpu.memory_space<vmem>> -> memref<32x128xf32, #tpu.memory_space<vmem>>
    %dma_start3A_225 = arith.constant 0 : i32
    %dma_start3A_226 = tpu.memref_slice %arg4[%dma_start3A_225, %multiple_of3A_214] : memref<32x1000000xf32, #tpu.memory_space<hbm>> -> memref<32x128xf32, #tpu.memory_space<hbm>>
    %dma_start3A_227 = arith.constant 0 : i32
    %dma_start3A_228 = arith.constant 0 : i32
    %dma_start3A_229 = tpu.memref_slice %arg9[%dma_start3A_220, %dma_start3A_227, %dma_start3A_228] : memref<8x32x128xf32, #tpu.memory_space<vmem>> -> memref<1x32x128xf32, #tpu.memory_space<vmem>>
    %dma_start3A_230 = tpu.memref_squeeze %dma_start3A_229 : memref<1x32x128xf32, #tpu.memory_space<vmem>> -> memref<32x128xf32, #tpu.memory_space<vmem>>
    %dma_start3A_231 = arith.constant 0 : i32
    %dma_start3A_232 = tpu.memref_slice %arg4[%dma_start3A_231, %multiple_of3A_214] : memref<32x1000000xf32, #tpu.memory_space<hbm>> -> memref<32x128xf32, #tpu.memory_space<hbm>>
    tpu.enqueue_dma source(%dma_start3A_232 : memref<32x128xf32, #tpu.memory_space<hbm>>) target(%dma_start3A_230 : memref<32x128xf32, #tpu.memory_space<vmem>>) target_semaphore(%arg12 : memref<!tpu.dma_semaphore, #tpu.memory_space<semaphore_mem>>)
    %dma_start3A_233 = arith.constant 5 : i32
    %dma_start3A_234 = arith.constant 0 : i32
    %dma_start3A_235 = arith.constant 0 : i32
    %dma_start3A_236 = tpu.memref_slice %arg10[%dma_start3A_233, %dma_start3A_234, %dma_start3A_235] : memref<8x32x128xf32, #tpu.memory_space<vmem>> -> memref<1x32x128xf32, #tpu.memory_space<vmem>>
    %dma_start3A_237 = tpu.memref_squeeze %dma_start3A_236 : memref<1x32x128xf32, #tpu.memory_space<vmem>> -> memref<32x128xf32, #tpu.memory_space<vmem>>
    %dma_start3A_238 = arith.constant 0 : i32
    %dma_start3A_239 = tpu.memref_slice %arg5[%dma_start3A_238, %multiple_of3A_219] : memref<32x1000000xf32, #tpu.memory_space<hbm>> -> memref<32x128xf32, #tpu.memory_space<hbm>>
    %dma_start3A_240 = arith.constant 0 : i32
    %dma_start3A_241 = arith.constant 0 : i32
    %dma_start3A_242 = tpu.memref_slice %arg10[%dma_start3A_233, %dma_start3A_240, %dma_start3A_241] : memref<8x32x128xf32, #tpu.memory_space<vmem>> -> memref<1x32x128xf32, #tpu.memory_space<vmem>>
    %dma_start3A_243 = tpu.memref_squeeze %dma_start3A_242 : memref<1x32x128xf32, #tpu.memory_space<vmem>> -> memref<32x128xf32, #tpu.memory_space<vmem>>
    %dma_start3A_244 = arith.constant 0 : i32
    %dma_start3A_245 = tpu.memref_slice %arg5[%dma_start3A_244, %multiple_of3A_219] : memref<32x1000000xf32, #tpu.memory_space<hbm>> -> memref<32x128xf32, #tpu.memory_space<hbm>>
    tpu.enqueue_dma source(%dma_start3A_245 : memref<32x128xf32, #tpu.memory_space<hbm>>) target(%dma_start3A_243 : memref<32x128xf32, #tpu.memory_space<vmem>>) target_semaphore(%arg13 : memref<!tpu.dma_semaphore, #tpu.memory_space<semaphore_mem>>)
    %slice3A_246 = vector.extract_strided_slice %get3A_8 {offsets = [6], sizes = [1], strides = [1]} : vector<16xi32> to vector<1xi32>
    %squeeze3A_247 = vector.extract %slice3A_246[0] : i32 from vector<1xi32>
    %slice3A_248 = vector.extract_strided_slice %get3A_10 {offsets = [6], sizes = [1], strides = [1]} : vector<16xi32> to vector<1xi32>
    %squeeze3A_249 = vector.extract %slice3A_248[0] : i32 from vector<1xi32>
    %shift_right_arithmetic3A_250 = arith.constant 7 : i32
    %shift_right_arithmetic3A_251 = arith.shrsi %squeeze3A_247, %shift_right_arithmetic3A_250 : i32
    %mul3A_252 = arith.constant 128 : i32
    %mul3A_253 = arith.muli %shift_right_arithmetic3A_251, %mul3A_252 : i32
    %multiple_of3A_254 = tpu.assume_multiple %mul3A_253, 128 : i32
    %shift_right_arithmetic3A_255 = arith.constant 7 : i32
    %shift_right_arithmetic3A_256 = arith.shrsi %squeeze3A_249, %shift_right_arithmetic3A_255 : i32
    %mul3A_257 = arith.constant 128 : i32
    %mul3A_258 = arith.muli %shift_right_arithmetic3A_256, %mul3A_257 : i32
    %multiple_of3A_259 = tpu.assume_multiple %mul3A_258, 128 : i32
    %dma_start3A_260 = arith.constant 6 : i32
    %dma_start3A_261 = arith.constant 0 : i32
    %dma_start3A_262 = arith.constant 0 : i32
    %dma_start3A_263 = tpu.memref_slice %arg9[%dma_start3A_260, %dma_start3A_261, %dma_start3A_262] : memref<8x32x128xf32, #tpu.memory_space<vmem>> -> memref<1x32x128xf32, #tpu.memory_space<vmem>>
    %dma_start3A_264 = tpu.memref_squeeze %dma_start3A_263 : memref<1x32x128xf32, #tpu.memory_space<vmem>> -> memref<32x128xf32, #tpu.memory_space<vmem>>
    %dma_start3A_265 = arith.constant 0 : i32
    %dma_start3A_266 = tpu.memref_slice %arg4[%dma_start3A_265, %multiple_of3A_254] : memref<32x1000000xf32, #tpu.memory_space<hbm>> -> memref<32x128xf32, #tpu.memory_space<hbm>>
    %dma_start3A_267 = arith.constant 0 : i32
    %dma_start3A_268 = arith.constant 0 : i32
    %dma_start3A_269 = tpu.memref_slice %arg9[%dma_start3A_260, %dma_start3A_267, %dma_start3A_268] : memref<8x32x128xf32, #tpu.memory_space<vmem>> -> memref<1x32x128xf32, #tpu.memory_space<vmem>>
    %dma_start3A_270 = tpu.memref_squeeze %dma_start3A_269 : memref<1x32x128xf32, #tpu.memory_space<vmem>> -> memref<32x128xf32, #tpu.memory_space<vmem>>
    %dma_start3A_271 = arith.constant 0 : i32
    %dma_start3A_272 = tpu.memref_slice %arg4[%dma_start3A_271, %multiple_of3A_254] : memref<32x1000000xf32, #tpu.memory_space<hbm>> -> memref<32x128xf32, #tpu.memory_space<hbm>>
    tpu.enqueue_dma source(%dma_start3A_272 : memref<32x128xf32, #tpu.memory_space<hbm>>) target(%dma_start3A_270 : memref<32x128xf32, #tpu.memory_space<vmem>>) target_semaphore(%arg12 : memref<!tpu.dma_semaphore, #tpu.memory_space<semaphore_mem>>)
    %dma_start3A_273 = arith.constant 6 : i32
    %dma_start3A_274 = arith.constant 0 : i32
    %dma_start3A_275 = arith.constant 0 : i32
    %dma_start3A_276 = tpu.memref_slice %arg10[%dma_start3A_273, %dma_start3A_274, %dma_start3A_275] : memref<8x32x128xf32, #tpu.memory_space<vmem>> -> memref<1x32x128xf32, #tpu.memory_space<vmem>>
    %dma_start3A_277 = tpu.memref_squeeze %dma_start3A_276 : memref<1x32x128xf32, #tpu.memory_space<vmem>> -> memref<32x128xf32, #tpu.memory_space<vmem>>
    %dma_start3A_278 = arith.constant 0 : i32
    %dma_start3A_279 = tpu.memref_slice %arg5[%dma_start3A_278, %multiple_of3A_259] : memref<32x1000000xf32, #tpu.memory_space<hbm>> -> memref<32x128xf32, #tpu.memory_space<hbm>>
    %dma_start3A_280 = arith.constant 0 : i32
    %dma_start3A_281 = arith.constant 0 : i32
    %dma_start3A_282 = tpu.memref_slice %arg10[%dma_start3A_273, %dma_start3A_280, %dma_start3A_281] : memref<8x32x128xf32, #tpu.memory_space<vmem>> -> memref<1x32x128xf32, #tpu.memory_space<vmem>>
    %dma_start3A_283 = tpu.memref_squeeze %dma_start3A_282 : memref<1x32x128xf32, #tpu.memory_space<vmem>> -> memref<32x128xf32, #tpu.memory_space<vmem>>
    %dma_start3A_284 = arith.constant 0 : i32
    %dma_start3A_285 = tpu.memref_slice %arg5[%dma_start3A_284, %multiple_of3A_259] : memref<32x1000000xf32, #tpu.memory_space<hbm>> -> memref<32x128xf32, #tpu.memory_space<hbm>>
    tpu.enqueue_dma source(%dma_start3A_285 : memref<32x128xf32, #tpu.memory_space<hbm>>) target(%dma_start3A_283 : memref<32x128xf32, #tpu.memory_space<vmem>>) target_semaphore(%arg13 : memref<!tpu.dma_semaphore, #tpu.memory_space<semaphore_mem>>)
    %slice3A_286 = vector.extract_strided_slice %get3A_8 {offsets = [7], sizes = [1], strides = [1]} : vector<16xi32> to vector<1xi32>
    %squeeze3A_287 = vector.extract %slice3A_286[0] : i32 from vector<1xi32>
    %slice3A_288 = vector.extract_strided_slice %get3A_10 {offsets = [7], sizes = [1], strides = [1]} : vector<16xi32> to vector<1xi32>
    %squeeze3A_289 = vector.extract %slice3A_288[0] : i32 from vector<1xi32>
    %shift_right_arithmetic3A_290 = arith.constant 7 : i32
    %shift_right_arithmetic3A_291 = arith.shrsi %squeeze3A_287, %shift_right_arithmetic3A_290 : i32
    %mul3A_292 = arith.constant 128 : i32
    %mul3A_293 = arith.muli %shift_right_arithmetic3A_291, %mul3A_292 : i32
    %multiple_of3A_294 = tpu.assume_multiple %mul3A_293, 128 : i32
    %shift_right_arithmetic3A_295 = arith.constant 7 : i32
    %shift_right_arithmetic3A_296 = arith.shrsi %squeeze3A_289, %shift_right_arithmetic3A_295 : i32
    %mul3A_297 = arith.constant 128 : i32
    %mul3A_298 = arith.muli %shift_right_arithmetic3A_296, %mul3A_297 : i32
    %multiple_of3A_299 = tpu.assume_multiple %mul3A_298, 128 : i32
    %dma_start3A_300 = arith.constant 7 : i32
    %dma_start3A_301 = arith.constant 0 : i32
    %dma_start3A_302 = arith.constant 0 : i32
    %dma_start3A_303 = tpu.memref_slice %arg9[%dma_start3A_300, %dma_start3A_301, %dma_start3A_302] : memref<8x32x128xf32, #tpu.memory_space<vmem>> -> memref<1x32x128xf32, #tpu.memory_space<vmem>>
    %dma_start3A_304 = tpu.memref_squeeze %dma_start3A_303 : memref<1x32x128xf32, #tpu.memory_space<vmem>> -> memref<32x128xf32, #tpu.memory_space<vmem>>
    %dma_start3A_305 = arith.constant 0 : i32
    %dma_start3A_306 = tpu.memref_slice %arg4[%dma_start3A_305, %multiple_of3A_294] : memref<32x1000000xf32, #tpu.memory_space<hbm>> -> memref<32x128xf32, #tpu.memory_space<hbm>>
    %dma_start3A_307 = arith.constant 0 : i32
    %dma_start3A_308 = arith.constant 0 : i32
    %dma_start3A_309 = tpu.memref_slice %arg9[%dma_start3A_300, %dma_start3A_307, %dma_start3A_308] : memref<8x32x128xf32, #tpu.memory_space<vmem>> -> memref<1x32x128xf32, #tpu.memory_space<vmem>>
    %dma_start3A_310 = tpu.memref_squeeze %dma_start3A_309 : memref<1x32x128xf32, #tpu.memory_space<vmem>> -> memref<32x128xf32, #tpu.memory_space<vmem>>
    %dma_start3A_311 = arith.constant 0 : i32
    %dma_start3A_312 = tpu.memref_slice %arg4[%dma_start3A_311, %multiple_of3A_294] : memref<32x1000000xf32, #tpu.memory_space<hbm>> -> memref<32x128xf32, #tpu.memory_space<hbm>>
    tpu.enqueue_dma source(%dma_start3A_312 : memref<32x128xf32, #tpu.memory_space<hbm>>) target(%dma_start3A_310 : memref<32x128xf32, #tpu.memory_space<vmem>>) target_semaphore(%arg12 : memref<!tpu.dma_semaphore, #tpu.memory_space<semaphore_mem>>)
    %dma_start3A_313 = arith.constant 7 : i32
    %dma_start3A_314 = arith.constant 0 : i32
    %dma_start3A_315 = arith.constant 0 : i32
    %dma_start3A_316 = tpu.memref_slice %arg10[%dma_start3A_313, %dma_start3A_314, %dma_start3A_315] : memref<8x32x128xf32, #tpu.memory_space<vmem>> -> memref<1x32x128xf32, #tpu.memory_space<vmem>>
    %dma_start3A_317 = tpu.memref_squeeze %dma_start3A_316 : memref<1x32x128xf32, #tpu.memory_space<vmem>> -> memref<32x128xf32, #tpu.memory_space<vmem>>
    %dma_start3A_318 = arith.constant 0 : i32
    %dma_start3A_319 = tpu.memref_slice %arg5[%dma_start3A_318, %multiple_of3A_299] : memref<32x1000000xf32, #tpu.memory_space<hbm>> -> memref<32x128xf32, #tpu.memory_space<hbm>>
    %dma_start3A_320 = arith.constant 0 : i32
    %dma_start3A_321 = arith.constant 0 : i32
    %dma_start3A_322 = tpu.memref_slice %arg10[%dma_start3A_313, %dma_start3A_320, %dma_start3A_321] : memref<8x32x128xf32, #tpu.memory_space<vmem>> -> memref<1x32x128xf32, #tpu.memory_space<vmem>>
    %dma_start3A_323 = tpu.memref_squeeze %dma_start3A_322 : memref<1x32x128xf32, #tpu.memory_space<vmem>> -> memref<32x128xf32, #tpu.memory_space<vmem>>
    %dma_start3A_324 = arith.constant 0 : i32
    %dma_start3A_325 = tpu.memref_slice %arg5[%dma_start3A_324, %multiple_of3A_299] : memref<32x1000000xf32, #tpu.memory_space<hbm>> -> memref<32x128xf32, #tpu.memory_space<hbm>>
    tpu.enqueue_dma source(%dma_start3A_325 : memref<32x128xf32, #tpu.memory_space<hbm>>) target(%dma_start3A_323 : memref<32x128xf32, #tpu.memory_space<vmem>>) target_semaphore(%arg13 : memref<!tpu.dma_semaphore, #tpu.memory_space<semaphore_mem>>)
    %scan3A = arith.constant 0 : i32
    %scan3A_326 = arith.constant 0 : i32
    %scan3A_327 = arith.constant 31 : i32
    %scan3A_328 = arith.addi %scan3A_326, %scan3A_327 : i32
    %scan3A_329 = arith.constant 1 : i32
    %scan3A_330 = scf.for %scan3A_1835 = %scan3A_326 to %scan3A_328 step %scan3A_329 iter_args(%scan3A_1836 = %scan3A) -> (i32)  : i32 {
      %mul3A_1837 = arith.constant 16 : i32
      %mul3A_1838 = arith.muli %scan3A_1835, %mul3A_1837 : i32
      %mul3A_1839 = arith.constant 16 : i32
      %mul3A_1840 = arith.muli %scan3A_1835, %mul3A_1839 : i32
      %add3A_1841 = arith.constant 16 : i32
      %add3A_1842 = arith.addi %mul3A_1840, %add3A_1841 : i32
      %get3A_1843 = arith.index_cast %mul3A_1838 : i32 to index
      %get3A_1844 = tpu.vector_load %arg7[%get3A_1843] {strides = array<i32>} : memref<512xi32, #tpu.memory_space<vmem>>, vector<16xi32>,
      %get3A_1845 = arith.index_cast %mul3A_1838 : i32 to index
      %get3A_1846 = tpu.vector_load %arg8[%get3A_1845] {strides = array<i32>} : memref<512xi32, #tpu.memory_space<vmem>>, vector<16xi32>,
      %get3A_1847 = arith.index_cast %add3A_1842 : i32 to index
      %get3A_1848 = tpu.vector_load %arg7[%get3A_1847] {strides = array<i32>} : memref<512xi32, #tpu.memory_space<vmem>>, vector<16xi32>,
      %get3A_1849 = arith.index_cast %add3A_1842 : i32 to index
      %get3A_1850 = tpu.vector_load %arg8[%get3A_1849] {strides = array<i32>} : memref<512xi32, #tpu.memory_space<vmem>>, vector<16xi32>,
      %dma_wait3A_1851 = arith.constant 0 : i32
      %dma_wait3A_1852 = arith.constant 0 : i32
      %dma_wait3A_1853 = arith.constant 0 : i32
      %dma_wait3A_1854 = tpu.memref_slice %arg9[%dma_wait3A_1851, %dma_wait3A_1852, %dma_wait3A_1853] : memref<8x32x128xf32, #tpu.memory_space<vmem>> -> memref<1x32x128xf32, #tpu.memory_space<vmem>>
      %dma_wait3A_1855 = tpu.memref_squeeze %dma_wait3A_1854 : memref<1x32x128xf32, #tpu.memory_space<vmem>> -> memref<32x128xf32, #tpu.memory_space<vmem>>
      %dma_wait3A_1856 = arith.constant 0 : i32
      %dma_wait3A_1857 = arith.constant 0 : i32
      %dma_wait3A_1858 = tpu.memref_slice %arg4[%dma_wait3A_1856, %dma_wait3A_1857] : memref<32x1000000xf32, #tpu.memory_space<hbm>> -> memref<32x128xf32, #tpu.memory_space<hbm>>
      %dma_wait3A_1859 = arith.constant 0 : i32
      %dma_wait3A_1860 = arith.constant 0 : i32
      %dma_wait3A_1861 = tpu.memref_slice %arg9[%dma_wait3A_1851, %dma_wait3A_1859, %dma_wait3A_1860] : memref<8x32x128xf32, #tpu.memory_space<vmem>> -> memref<1x32x128xf32, #tpu.memory_space<vmem>>
      %dma_wait3A_1862 = tpu.memref_squeeze %dma_wait3A_1861 : memref<1x32x128xf32, #tpu.memory_space<vmem>> -> memref<32x128xf32, #tpu.memory_space<vmem>>
      %dma_wait3A_1863 = arith.constant 0 : i32
      %dma_wait3A_1864 = arith.constant 0 : i32
      %dma_wait3A_1865 = tpu.memref_slice %arg4[%dma_wait3A_1863, %dma_wait3A_1864] : memref<32x1000000xf32, #tpu.memory_space<hbm>> -> memref<32x128xf32, #tpu.memory_space<hbm>>
      tpu.wait_dma2 semaphore(%arg12 : memref<!tpu.dma_semaphore, #tpu.memory_space<semaphore_mem>>) src(%dma_wait3A_1865 : memref<32x128xf32, #tpu.memory_space<hbm>>) dst(%dma_wait3A_1862 : memref<32x128xf32, #tpu.memory_space<vmem>>)
      %dma_wait3A_1866 = arith.constant 0 : i32
      %dma_wait3A_1867 = arith.constant 0 : i32
      %dma_wait3A_1868 = arith.constant 0 : i32
      %dma_wait3A_1869 = tpu.memref_slice %arg10[%dma_wait3A_1866, %dma_wait3A_1867, %dma_wait3A_1868] : memref<8x32x128xf32, #tpu.memory_space<vmem>> -> memref<1x32x128xf32, #tpu.memory_space<vmem>>
      %dma_wait3A_1870 = tpu.memref_squeeze %dma_wait3A_1869 : memref<1x32x128xf32, #tpu.memory_space<vmem>> -> memref<32x128xf32, #tpu.memory_space<vmem>>
      %dma_wait3A_1871 = arith.constant 0 : i32
      %dma_wait3A_1872 = arith.constant 0 : i32
      %dma_wait3A_1873 = tpu.memref_slice %arg5[%dma_wait3A_1871, %dma_wait3A_1872] : memref<32x1000000xf32, #tpu.memory_space<hbm>> -> memref<32x128xf32, #tpu.memory_space<hbm>>
      %dma_wait3A_1874 = arith.constant 0 : i32
      %dma_wait3A_1875 = arith.constant 0 : i32
      %dma_wait3A_1876 = tpu.memref_slice %arg10[%dma_wait3A_1866, %dma_wait3A_1874, %dma_wait3A_1875] : memref<8x32x128xf32, #tpu.memory_space<vmem>> -> memref<1x32x128xf32, #tpu.memory_space<vmem>>
      %dma_wait3A_1877 = tpu.memref_squeeze %dma_wait3A_1876 : memref<1x32x128xf32, #tpu.memory_space<vmem>> -> memref<32x128xf32, #tpu.memory_space<vmem>>
      %dma_wait3A_1878 = arith.constant 0 : i32
      %dma_wait3A_1879 = arith.constant 0 : i32
      %dma_wait3A_1880 = tpu.memref_slice %arg5[%dma_wait3A_1878, %dma_wait3A_1879] : memref<32x1000000xf32, #tpu.memory_space<hbm>> -> memref<32x128xf32, #tpu.memory_space<hbm>>
      tpu.wait_dma2 semaphore(%arg13 : memref<!tpu.dma_semaphore, #tpu.memory_space<semaphore_mem>>) src(%dma_wait3A_1880 : memref<32x128xf32, #tpu.memory_space<hbm>>) dst(%dma_wait3A_1877 : memref<32x128xf32, #tpu.memory_space<vmem>>)
      %mul3A_1881 = arith.constant 16 : i32
      %mul3A_1882 = arith.muli %scan3A_1835, %mul3A_1881 : i32
      %add3A_1883 = arith.constant 0 : i32
      %add3A_1884 = arith.addi %mul3A_1882, %add3A_1883 : i32
      %slice3A_1885 = vector.extract_strided_slice %get3A_1844 {offsets = [0], sizes = [1], strides = [1]} : vector<16xi32> to vector<1xi32>
      %squeeze3A_1886 = vector.extract %slice3A_1885[0] : i32 from vector<1xi32>
      %slice3A_1887 = vector.extract_strided_slice %get3A_1846 {offsets = [0], sizes = [1], strides = [1]} : vector<16xi32> to vector<1xi32>
      %squeeze3A_1888 = vector.extract %slice3A_1887[0] : i32 from vector<1xi32>
      %and3A_1889 = arith.constant 127 : i32
      %and3A_1890 = arith.andi %squeeze3A_1886, %and3A_1889 : i32
      %broadcast_in_dim3A_1891 = vector.broadcast %and3A_1890 : i32 to vector<16xi32>
      %and3A_1892 = arith.constant 127 : i32
      %and3A_1893 = arith.andi %squeeze3A_1888, %and3A_1892 : i32
      %broadcast_in_dim3A_1894 = vector.broadcast %and3A_1893 : i32 to vector<16xi32>
      %gather3A_1895 = arith.constant 0 : i32
      %gather3A_1896 = arith.constant 0 : i32
      %gather3A_1897 = arith.constant 0 : i32
      %gather3A_1898 = tpu.memref_slice %arg9[%gather3A_1895, %gather3A_1896, %gather3A_1897] : memref<8x32x128xf32, #tpu.memory_space<vmem>> -> memref<1x32x128xf32, #tpu.memory_space<vmem>>
      %gather3A_1899 = tpu.memref_squeeze %gather3A_1898 : memref<1x32x128xf32, #tpu.memory_space<vmem>> -> memref<32x128xf32, #tpu.memory_space<vmem>>
      %gather3A_1900 = tpu.vector_load_idx %gather3A_1899[%iota3A, %broadcast_in_dim3A_1891] : memref<32x128xf32, #tpu.memory_space<vmem>>[vector<16xi32>, vector<16xi32>], vector<16xf32>,
      %gather3A_1901 = arith.constant 0 : i32
      %gather3A_1902 = arith.constant 0 : i32
      %gather3A_1903 = arith.constant 0 : i32
      %gather3A_1904 = tpu.memref_slice %arg9[%gather3A_1901, %gather3A_1902, %gather3A_1903] : memref<8x32x128xf32, #tpu.memory_space<vmem>> -> memref<1x32x128xf32, #tpu.memory_space<vmem>>
      %gather3A_1905 = tpu.memref_squeeze %gather3A_1904 : memref<1x32x128xf32, #tpu.memory_space<vmem>> -> memref<32x128xf32, #tpu.memory_space<vmem>>
      %gather3A_1906 = tpu.vector_load_idx %gather3A_1905[%add3A_5, %broadcast_in_dim3A_1891] : memref<32x128xf32, #tpu.memory_space<vmem>>[vector<16xi32>, vector<16xi32>], vector<16xf32>,
      %gather3A_1907 = arith.constant 0 : i32
      %gather3A_1908 = arith.constant 0 : i32
      %gather3A_1909 = arith.constant 0 : i32
      %gather3A_1910 = tpu.memref_slice %arg10[%gather3A_1907, %gather3A_1908, %gather3A_1909] : memref<8x32x128xf32, #tpu.memory_space<vmem>> -> memref<1x32x128xf32, #tpu.memory_space<vmem>>
      %gather3A_1911 = tpu.memref_squeeze %gather3A_1910 : memref<1x32x128xf32, #tpu.memory_space<vmem>> -> memref<32x128xf32, #tpu.memory_space<vmem>>
      %gather3A_1912 = tpu.vector_load_idx %gather3A_1911[%iota3A, %broadcast_in_dim3A_1894] : memref<32x128xf32, #tpu.memory_space<vmem>>[vector<16xi32>, vector<16xi32>], vector<16xf32>,
      %gather3A_1913 = arith.constant 0 : i32
      %gather3A_1914 = arith.constant 0 : i32
      %gather3A_1915 = arith.constant 0 : i32
      %gather3A_1916 = tpu.memref_slice %arg10[%gather3A_1913, %gather3A_1914, %gather3A_1915] : memref<8x32x128xf32, #tpu.memory_space<vmem>> -> memref<1x32x128xf32, #tpu.memory_space<vmem>>
      %gather3A_1917 = tpu.memref_squeeze %gather3A_1916 : memref<1x32x128xf32, #tpu.memory_space<vmem>> -> memref<32x128xf32, #tpu.memory_space<vmem>>
      %gather3A_1918 = tpu.vector_load_idx %gather3A_1917[%add3A_5, %broadcast_in_dim3A_1894] : memref<32x128xf32, #tpu.memory_space<vmem>>[vector<16xi32>, vector<16xi32>], vector<16xf32>,
      %mul3A_1919 = arith.mulf %gather3A_1900, %gather3A_1912 : vector<16xf32>
      %mul3A_1920 = arith.mulf %gather3A_1906, %gather3A_1918 : vector<16xf32>
      %add3A_1921 = arith.addf %mul3A_1919, %mul3A_1920 : vector<16xf32>
      %reduce_sum3A_1922 = arith.constant true
      %reduce_sum3A_1923 = vector.broadcast %reduce_sum3A_1922 : i1 to vector<16xi1>
      %reduce_sum3A_1924 = tpu.scan <sum>, %add3A_1921 masked %reduce_sum3A_1923 : vector<16xf32>, vector<16xi1> -> vector<16xf32>
      %reduce_sum3A_1925 = vector.extract %reduce_sum3A_1924[15] : f32 from vector<16xf32>
      %broadcast_in_dim3A_1926 = vector.broadcast %add3A_1884 : i32 to vector<16xi32>
      %broadcast_in_dim3A_1927 = vector.broadcast %reduce_sum3A_1925 : f32 to vector<16xf32>
      tpu.vector_store_idx %arg11[%broadcast_in_dim3A_1926], %broadcast_in_dim3A_1927 masked %eq3A_7 : memref<512xf32, #tpu.memory_space<vmem>>[vector<16xi32>], vector<16xf32>, vector<16xi1>
      %slice3A_1928 = vector.extract_strided_slice %get3A_1844 {offsets = [8], sizes = [1], strides = [1]} : vector<16xi32> to vector<1xi32>
      %squeeze3A_1929 = vector.extract %slice3A_1928[0] : i32 from vector<1xi32>
      %slice3A_1930 = vector.extract_strided_slice %get3A_1846 {offsets = [8], sizes = [1], strides = [1]} : vector<16xi32> to vector<1xi32>
      %squeeze3A_1931 = vector.extract %slice3A_1930[0] : i32 from vector<1xi32>
      %shift_right_arithmetic3A_1932 = arith.constant 7 : i32
      %shift_right_arithmetic3A_1933 = arith.shrsi %squeeze3A_1929, %shift_right_arithmetic3A_1932 : i32
      %mul3A_1934 = arith.constant 128 : i32
      %mul3A_1935 = arith.muli %shift_right_arithmetic3A_1933, %mul3A_1934 : i32
      %multiple_of3A_1936 = tpu.assume_multiple %mul3A_1935, 128 : i32
      %shift_right_arithmetic3A_1937 = arith.constant 7 : i32
      %shift_right_arithmetic3A_1938 = arith.shrsi %squeeze3A_1931, %shift_right_arithmetic3A_1937 : i32
      %mul3A_1939 = arith.constant 128 : i32
      %mul3A_1940 = arith.muli %shift_right_arithmetic3A_1938, %mul3A_1939 : i32
      %multiple_of3A_1941 = tpu.assume_multiple %mul3A_1940, 128 : i32
      %dma_start3A_1942 = arith.constant 0 : i32
      %dma_start3A_1943 = arith.constant 0 : i32
      %dma_start3A_1944 = arith.constant 0 : i32
      %dma_start3A_1945 = tpu.memref_slice %arg9[%dma_start3A_1942, %dma_start3A_1943, %dma_start3A_1944] : memref<8x32x128xf32, #tpu.memory_space<vmem>> -> memref<1x32x128xf32, #tpu.memory_space<vmem>>
      %dma_start3A_1946 = tpu.memref_squeeze %dma_start3A_1945 : memref<1x32x128xf32, #tpu.memory_space<vmem>> -> memref<32x128xf32, #tpu.memory_space<vmem>>
      %dma_start3A_1947 = arith.constant 0 : i32
      %dma_start3A_1948 = tpu.memref_slice %arg4[%dma_start3A_1947, %multiple_of3A_1936] : memref<32x1000000xf32, #tpu.memory_space<hbm>> -> memref<32x128xf32, #tpu.memory_space<hbm>>
      %dma_start3A_1949 = arith.constant 0 : i32
      %dma_start3A_1950 = arith.constant 0 : i32
      %dma_start3A_1951 = tpu.memref_slice %arg9[%dma_start3A_1942, %dma_start3A_1949, %dma_start3A_1950] : memref<8x32x128xf32, #tpu.memory_space<vmem>> -> memref<1x32x128xf32, #tpu.memory_space<vmem>>
      %dma_start3A_1952 = tpu.memref_squeeze %dma_start3A_1951 : memref<1x32x128xf32, #tpu.memory_space<vmem>> -> memref<32x128xf32, #tpu.memory_space<vmem>>
      %dma_start3A_1953 = arith.constant 0 : i32
      %dma_start3A_1954 = tpu.memref_slice %arg4[%dma_start3A_1953, %multiple_of3A_1936] : memref<32x1000000xf32, #tpu.memory_space<hbm>> -> memref<32x128xf32, #tpu.memory_space<hbm>>
      tpu.enqueue_dma source(%dma_start3A_1954 : memref<32x128xf32, #tpu.memory_space<hbm>>) target(%dma_start3A_1952 : memref<32x128xf32, #tpu.memory_space<vmem>>) target_semaphore(%arg12 : memref<!tpu.dma_semaphore, #tpu.memory_space<semaphore_mem>>)
      %dma_start3A_1955 = arith.constant 0 : i32
      %dma_start3A_1956 = arith.constant 0 : i32
      %dma_start3A_1957 = arith.constant 0 : i32
      %dma_start3A_1958 = tpu.memref_slice %arg10[%dma_start3A_1955, %dma_start3A_1956, %dma_start3A_1957] : memref<8x32x128xf32, #tpu.memory_space<vmem>> -> memref<1x32x128xf32, #tpu.memory_space<vmem>>
      %dma_start3A_1959 = tpu.memref_squeeze %dma_start3A_1958 : memref<1x32x128xf32, #tpu.memory_space<vmem>> -> memref<32x128xf32, #tpu.memory_space<vmem>>
      %dma_start3A_1960 = arith.constant 0 : i32
      %dma_start3A_1961 = tpu.memref_slice %arg5[%dma_start3A_1960, %multiple_of3A_1941] : memref<32x1000000xf32, #tpu.memory_space<hbm>> -> memref<32x128xf32, #tpu.memory_space<hbm>>
      %dma_start3A_1962 = arith.constant 0 : i32
      %dma_start3A_1963 = arith.constant 0 : i32
      %dma_start3A_1964 = tpu.memref_slice %arg10[%dma_start3A_1955, %dma_start3A_1962, %dma_start3A_1963] : memref<8x32x128xf32, #tpu.memory_space<vmem>> -> memref<1x32x128xf32, #tpu.memory_space<vmem>>
      %dma_start3A_1965 = tpu.memref_squeeze %dma_start3A_1964 : memref<1x32x128xf32, #tpu.memory_space<vmem>> -> memref<32x128xf32, #tpu.memory_space<vmem>>
      %dma_start3A_1966 = arith.constant 0 : i32
      %dma_start3A_1967 = tpu.memref_slice %arg5[%dma_start3A_1966, %multiple_of3A_1941] : memref<32x1000000xf32, #tpu.memory_space<hbm>> -> memref<32x128xf32, #tpu.memory_space<hbm>>
      tpu.enqueue_dma source(%dma_start3A_1967 : memref<32x128xf32, #tpu.memory_space<hbm>>) target(%dma_start3A_1965 : memref<32x128xf32, #tpu.memory_space<vmem>>) target_semaphore(%arg13 : memref<!tpu.dma_semaphore, #tpu.memory_space<semaphore_mem>>)
      %dma_wait3A_1968 = arith.constant 1 : i32
      %dma_wait3A_1969 = arith.constant 0 : i32
      %dma_wait3A_1970 = arith.constant 0 : i32
      %dma_wait3A_1971 = tpu.memref_slice %arg9[%dma_wait3A_1968, %dma_wait3A_1969, %dma_wait3A_1970] : memref<8x32x128xf32, #tpu.memory_space<vmem>> -> memref<1x32x128xf32, #tpu.memory_space<vmem>>
      %dma_wait3A_1972 = tpu.memref_squeeze %dma_wait3A_1971 : memref<1x32x128xf32, #tpu.memory_space<vmem>> -> memref<32x128xf32, #tpu.memory_space<vmem>>
      %dma_wait3A_1973 = arith.constant 0 : i32
      %dma_wait3A_1974 = arith.constant 0 : i32
      %dma_wait3A_1975 = tpu.memref_slice %arg4[%dma_wait3A_1973, %dma_wait3A_1974] : memref<32x1000000xf32, #tpu.memory_space<hbm>> -> memref<32x128xf32, #tpu.memory_space<hbm>>
      %dma_wait3A_1976 = arith.constant 0 : i32
      %dma_wait3A_1977 = arith.constant 0 : i32
      %dma_wait3A_1978 = tpu.memref_slice %arg9[%dma_wait3A_1968, %dma_wait3A_1976, %dma_wait3A_1977] : memref<8x32x128xf32, #tpu.memory_space<vmem>> -> memref<1x32x128xf32, #tpu.memory_space<vmem>>
      %dma_wait3A_1979 = tpu.memref_squeeze %dma_wait3A_1978 : memref<1x32x128xf32, #tpu.memory_space<vmem>> -> memref<32x128xf32, #tpu.memory_space<vmem>>
      %dma_wait3A_1980 = arith.constant 0 : i32
      %dma_wait3A_1981 = arith.constant 0 : i32
      %dma_wait3A_1982 = tpu.memref_slice %arg4[%dma_wait3A_1980, %dma_wait3A_1981] : memref<32x1000000xf32, #tpu.memory_space<hbm>> -> memref<32x128xf32, #tpu.memory_space<hbm>>
      tpu.wait_dma2 semaphore(%arg12 : memref<!tpu.dma_semaphore, #tpu.memory_space<semaphore_mem>>) src(%dma_wait3A_1982 : memref<32x128xf32, #tpu.memory_space<hbm>>) dst(%dma_wait3A_1979 : memref<32x128xf32, #tpu.memory_space<vmem>>)
      %dma_wait3A_1983 = arith.constant 1 : i32
      %dma_wait3A_1984 = arith.constant 0 : i32
      %dma_wait3A_1985 = arith.constant 0 : i32
      %dma_wait3A_1986 = tpu.memref_slice %arg10[%dma_wait3A_1983, %dma_wait3A_1984, %dma_wait3A_1985] : memref<8x32x128xf32, #tpu.memory_space<vmem>> -> memref<1x32x128xf32, #tpu.memory_space<vmem>>
      %dma_wait3A_1987 = tpu.memref_squeeze %dma_wait3A_1986 : memref<1x32x128xf32, #tpu.memory_space<vmem>> -> memref<32x128xf32, #tpu.memory_space<vmem>>
      %dma_wait3A_1988 = arith.constant 0 : i32
      %dma_wait3A_1989 = arith.constant 0 : i32
      %dma_wait3A_1990 = tpu.memref_slice %arg5[%dma_wait3A_1988, %dma_wait3A_1989] : memref<32x1000000xf32, #tpu.memory_space<hbm>> -> memref<32x128xf32, #tpu.memory_space<hbm>>
      %dma_wait3A_1991 = arith.constant 0 : i32
      %dma_wait3A_1992 = arith.constant 0 : i32
      %dma_wait3A_1993 = tpu.memref_slice %arg10[%dma_wait3A_1983, %dma_wait3A_1991, %dma_wait3A_1992] : memref<8x32x128xf32, #tpu.memory_space<vmem>> -> memref<1x32x128xf32, #tpu.memory_space<vmem>>
      %dma_wait3A_1994 = tpu.memref_squeeze %dma_wait3A_1993 : memref<1x32x128xf32, #tpu.memory_space<vmem>> -> memref<32x128xf32, #tpu.memory_space<vmem>>
      %dma_wait3A_1995 = arith.constant 0 : i32
      %dma_wait3A_1996 = arith.constant 0 : i32
      %dma_wait3A_1997 = tpu.memref_slice %arg5[%dma_wait3A_1995, %dma_wait3A_1996] : memref<32x1000000xf32, #tpu.memory_space<hbm>> -> memref<32x128xf32, #tpu.memory_space<hbm>>
      tpu.wait_dma2 semaphore(%arg13 : memref<!tpu.dma_semaphore, #tpu.memory_space<semaphore_mem>>) src(%dma_wait3A_1997 : memref<32x128xf32, #tpu.memory_space<hbm>>) dst(%dma_wait3A_1994 : memref<32x128xf32, #tpu.memory_space<vmem>>)
      %mul3A_1998 = arith.constant 16 : i32
      %mul3A_1999 = arith.muli %scan3A_1835, %mul3A_1998 : i32
      %add3A_2000 = arith.constant 1 : i32
      %add3A_2001 = arith.addi %mul3A_1999, %add3A_2000 : i32
      %slice3A_2002 = vector.extract_strided_slice %get3A_1844 {offsets = [1], sizes = [1], strides = [1]} : vector<16xi32> to vector<1xi32>
      %squeeze3A_2003 = vector.extract %slice3A_2002[0] : i32 from vector<1xi32>
      %slice3A_2004 = vector.extract_strided_slice %get3A_1846 {offsets = [1], sizes = [1], strides = [1]} : vector<16xi32> to vector<1xi32>
      %squeeze3A_2005 = vector.extract %slice3A_2004[0] : i32 from vector<1xi32>
      %and3A_2006 = arith.constant 127 : i32
      %and3A_2007 = arith.andi %squeeze3A_2003, %and3A_2006 : i32
      %broadcast_in_dim3A_2008 = vector.broadcast %and3A_2007 : i32 to vector<16xi32>
      %and3A_2009 = arith.constant 127 : i32
      %and3A_2010 = arith.andi %squeeze3A_2005, %and3A_2009 : i32
      %broadcast_in_dim3A_2011 = vector.broadcast %and3A_2010 : i32 to vector<16xi32>
      %gather3A_2012 = arith.constant 1 : i32
      %gather3A_2013 = arith.constant 0 : i32
      %gather3A_2014 = arith.constant 0 : i32
      %gather3A_2015 = tpu.memref_slice %arg9[%gather3A_2012, %gather3A_2013, %gather3A_2014] : memref<8x32x128xf32, #tpu.memory_space<vmem>> -> memref<1x32x128xf32, #tpu.memory_space<vmem>>
      %gather3A_2016 = tpu.memref_squeeze %gather3A_2015 : memref<1x32x128xf32, #tpu.memory_space<vmem>> -> memref<32x128xf32, #tpu.memory_space<vmem>>
      %gather3A_2017 = tpu.vector_load_idx %gather3A_2016[%iota3A, %broadcast_in_dim3A_2008] : memref<32x128xf32, #tpu.memory_space<vmem>>[vector<16xi32>, vector<16xi32>], vector<16xf32>,
      %gather3A_2018 = arith.constant 1 : i32
      %gather3A_2019 = arith.constant 0 : i32
      %gather3A_2020 = arith.constant 0 : i32
      %gather3A_2021 = tpu.memref_slice %arg9[%gather3A_2018, %gather3A_2019, %gather3A_2020] : memref<8x32x128xf32, #tpu.memory_space<vmem>> -> memref<1x32x128xf32, #tpu.memory_space<vmem>>
      %gather3A_2022 = tpu.memref_squeeze %gather3A_2021 : memref<1x32x128xf32, #tpu.memory_space<vmem>> -> memref<32x128xf32, #tpu.memory_space<vmem>>
      %gather3A_2023 = tpu.vector_load_idx %gather3A_2022[%add3A_5, %broadcast_in_dim3A_2008] : memref<32x128xf32, #tpu.memory_space<vmem>>[vector<16xi32>, vector<16xi32>], vector<16xf32>,
      %gather3A_2024 = arith.constant 1 : i32
      %gather3A_2025 = arith.constant 0 : i32
      %gather3A_2026 = arith.constant 0 : i32
      %gather3A_2027 = tpu.memref_slice %arg10[%gather3A_2024, %gather3A_2025, %gather3A_2026] : memref<8x32x128xf32, #tpu.memory_space<vmem>> -> memref<1x32x128xf32, #tpu.memory_space<vmem>>
      %gather3A_2028 = tpu.memref_squeeze %gather3A_2027 : memref<1x32x128xf32, #tpu.memory_space<vmem>> -> memref<32x128xf32, #tpu.memory_space<vmem>>
      %gather3A_2029 = tpu.vector_load_idx %gather3A_2028[%iota3A, %broadcast_in_dim3A_2011] : memref<32x128xf32, #tpu.memory_space<vmem>>[vector<16xi32>, vector<16xi32>], vector<16xf32>,
      %gather3A_2030 = arith.constant 1 : i32
      %gather3A_2031 = arith.constant 0 : i32
      %gather3A_2032 = arith.constant 0 : i32
      %gather3A_2033 = tpu.memref_slice %arg10[%gather3A_2030, %gather3A_2031, %gather3A_2032] : memref<8x32x128xf32, #tpu.memory_space<vmem>> -> memref<1x32x128xf32, #tpu.memory_space<vmem>>
      %gather3A_2034 = tpu.memref_squeeze %gather3A_2033 : memref<1x32x128xf32, #tpu.memory_space<vmem>> -> memref<32x128xf32, #tpu.memory_space<vmem>>
      %gather3A_2035 = tpu.vector_load_idx %gather3A_2034[%add3A_5, %broadcast_in_dim3A_2011] : memref<32x128xf32, #tpu.memory_space<vmem>>[vector<16xi32>, vector<16xi32>], vector<16xf32>,
      %mul3A_2036 = arith.mulf %gather3A_2017, %gather3A_2029 : vector<16xf32>
      %mul3A_2037 = arith.mulf %gather3A_2023, %gather3A_2035 : vector<16xf32>
      %add3A_2038 = arith.addf %mul3A_2036, %mul3A_2037 : vector<16xf32>
      %reduce_sum3A_2039 = arith.constant true
      %reduce_sum3A_2040 = vector.broadcast %reduce_sum3A_2039 : i1 to vector<16xi1>
      %reduce_sum3A_2041 = tpu.scan <sum>, %add3A_2038 masked %reduce_sum3A_2040 : vector<16xf32>, vector<16xi1> -> vector<16xf32>
      %reduce_sum3A_2042 = vector.extract %reduce_sum3A_2041[15] : f32 from vector<16xf32>
      %broadcast_in_dim3A_2043 = vector.broadcast %add3A_2001 : i32 to vector<16xi32>
      %broadcast_in_dim3A_2044 = vector.broadcast %reduce_sum3A_2042 : f32 to vector<16xf32>
      tpu.vector_store_idx %arg11[%broadcast_in_dim3A_2043], %broadcast_in_dim3A_2044 masked %eq3A_7 : memref<512xf32, #tpu.memory_space<vmem>>[vector<16xi32>], vector<16xf32>, vector<16xi1>
      %slice3A_2045 = vector.extract_strided_slice %get3A_1844 {offsets = [9], sizes = [1], strides = [1]} : vector<16xi32> to vector<1xi32>
      %squeeze3A_2046 = vector.extract %slice3A_2045[0] : i32 from vector<1xi32>
      %slice3A_2047 = vector.extract_strided_slice %get3A_1846 {offsets = [9], sizes = [1], strides = [1]} : vector<16xi32> to vector<1xi32>
      %squeeze3A_2048 = vector.extract %slice3A_2047[0] : i32 from vector<1xi32>
      %shift_right_arithmetic3A_2049 = arith.constant 7 : i32
      %shift_right_arithmetic3A_2050 = arith.shrsi %squeeze3A_2046, %shift_right_arithmetic3A_2049 : i32
      %mul3A_2051 = arith.constant 128 : i32
      %mul3A_2052 = arith.muli %shift_right_arithmetic3A_2050, %mul3A_2051 : i32
      %multiple_of3A_2053 = tpu.assume_multiple %mul3A_2052, 128 : i32
      %shift_right_arithmetic3A_2054 = arith.constant 7 : i32
      %shift_right_arithmetic3A_2055 = arith.shrsi %squeeze3A_2048, %shift_right_arithmetic3A_2054 : i32
      %mul3A_2056 = arith.constant 128 : i32
      %mul3A_2057 = arith.muli %shift_right_arithmetic3A_2055, %mul3A_2056 : i32
      %multiple_of3A_2058 = tpu.assume_multiple %mul3A_2057, 128 : i32
      %dma_start3A_2059 = arith.constant 1 : i32
      %dma_start3A_2060 = arith.constant 0 : i32
      %dma_start3A_2061 = arith.constant 0 : i32
      %dma_start3A_2062 = tpu.memref_slice %arg9[%dma_start3A_2059, %dma_start3A_2060, %dma_start3A_2061] : memref<8x32x128xf32, #tpu.memory_space<vmem>> -> memref<1x32x128xf32, #tpu.memory_space<vmem>>
      %dma_start3A_2063 = tpu.memref_squeeze %dma_start3A_2062 : memref<1x32x128xf32, #tpu.memory_space<vmem>> -> memref<32x128xf32, #tpu.memory_space<vmem>>
      %dma_start3A_2064 = arith.constant 0 : i32
      %dma_start3A_2065 = tpu.memref_slice %arg4[%dma_start3A_2064, %multiple_of3A_2053] : memref<32x1000000xf32, #tpu.memory_space<hbm>> -> memref<32x128xf32, #tpu.memory_space<hbm>>
      %dma_start3A_2066 = arith.constant 0 : i32
      %dma_start3A_2067 = arith.constant 0 : i32
      %dma_start3A_2068 = tpu.memref_slice %arg9[%dma_start3A_2059, %dma_start3A_2066, %dma_start3A_2067] : memref<8x32x128xf32, #tpu.memory_space<vmem>> -> memref<1x32x128xf32, #tpu.memory_space<vmem>>
      %dma_start3A_2069 = tpu.memref_squeeze %dma_start3A_2068 : memref<1x32x128xf32, #tpu.memory_space<vmem>> -> memref<32x128xf32, #tpu.memory_space<vmem>>
      %dma_start3A_2070 = arith.constant 0 : i32
      %dma_start3A_2071 = tpu.memref_slice %arg4[%dma_start3A_2070, %multiple_of3A_2053] : memref<32x1000000xf32, #tpu.memory_space<hbm>> -> memref<32x128xf32, #tpu.memory_space<hbm>>
      tpu.enqueue_dma source(%dma_start3A_2071 : memref<32x128xf32, #tpu.memory_space<hbm>>) target(%dma_start3A_2069 : memref<32x128xf32, #tpu.memory_space<vmem>>) target_semaphore(%arg12 : memref<!tpu.dma_semaphore, #tpu.memory_space<semaphore_mem>>)
      %dma_start3A_2072 = arith.constant 1 : i32
      %dma_start3A_2073 = arith.constant 0 : i32
      %dma_start3A_2074 = arith.constant 0 : i32
      %dma_start3A_2075 = tpu.memref_slice %arg10[%dma_start3A_2072, %dma_start3A_2073, %dma_start3A_2074] : memref<8x32x128xf32, #tpu.memory_space<vmem>> -> memref<1x32x128xf32, #tpu.memory_space<vmem>>
      %dma_start3A_2076 = tpu.memref_squeeze %dma_start3A_2075 : memref<1x32x128xf32, #tpu.memory_space<vmem>> -> memref<32x128xf32, #tpu.memory_space<vmem>>
      %dma_start3A_2077 = arith.constant 0 : i32
      %dma_start3A_2078 = tpu.memref_slice %arg5[%dma_start3A_2077, %multiple_of3A_2058] : memref<32x1000000xf32, #tpu.memory_space<hbm>> -> memref<32x128xf32, #tpu.memory_space<hbm>>
      %dma_start3A_2079 = arith.constant 0 : i32
      %dma_start3A_2080 = arith.constant 0 : i32
      %dma_start3A_2081 = tpu.memref_slice %arg10[%dma_start3A_2072, %dma_start3A_2079, %dma_start3A_2080] : memref<8x32x128xf32, #tpu.memory_space<vmem>> -> memref<1x32x128xf32, #tpu.memory_space<vmem>>
      %dma_start3A_2082 = tpu.memref_squeeze %dma_start3A_2081 : memref<1x32x128xf32, #tpu.memory_space<vmem>> -> memref<32x128xf32, #tpu.memory_space<vmem>>
      %dma_start3A_2083 = arith.constant 0 : i32
      %dma_start3A_2084 = tpu.memref_slice %arg5[%dma_start3A_2083, %multiple_of3A_2058] : memref<32x1000000xf32, #tpu.memory_space<hbm>> -> memref<32x128xf32, #tpu.memory_space<hbm>>
      tpu.enqueue_dma source(%dma_start3A_2084 : memref<32x128xf32, #tpu.memory_space<hbm>>) target(%dma_start3A_2082 : memref<32x128xf32, #tpu.memory_space<vmem>>) target_semaphore(%arg13 : memref<!tpu.dma_semaphore, #tpu.memory_space<semaphore_mem>>)
      %dma_wait3A_2085 = arith.constant 2 : i32
      %dma_wait3A_2086 = arith.constant 0 : i32
      %dma_wait3A_2087 = arith.constant 0 : i32
      %dma_wait3A_2088 = tpu.memref_slice %arg9[%dma_wait3A_2085, %dma_wait3A_2086, %dma_wait3A_2087] : memref<8x32x128xf32, #tpu.memory_space<vmem>> -> memref<1x32x128xf32, #tpu.memory_space<vmem>>
      %dma_wait3A_2089 = tpu.memref_squeeze %dma_wait3A_2088 : memref<1x32x128xf32, #tpu.memory_space<vmem>> -> memref<32x128xf32, #tpu.memory_space<vmem>>
      %dma_wait3A_2090 = arith.constant 0 : i32
      %dma_wait3A_2091 = arith.constant 0 : i32
      %dma_wait3A_2092 = tpu.memref_slice %arg4[%dma_wait3A_2090, %dma_wait3A_2091] : memref<32x1000000xf32, #tpu.memory_space<hbm>> -> memref<32x128xf32, #tpu.memory_space<hbm>>
      %dma_wait3A_2093 = arith.constant 0 : i32
      %dma_wait3A_2094 = arith.constant 0 : i32
      %dma_wait3A_2095 = tpu.memref_slice %arg9[%dma_wait3A_2085, %dma_wait3A_2093, %dma_wait3A_2094] : memref<8x32x128xf32, #tpu.memory_space<vmem>> -> memref<1x32x128xf32, #tpu.memory_space<vmem>>
      %dma_wait3A_2096 = tpu.memref_squeeze %dma_wait3A_2095 : memref<1x32x128xf32, #tpu.memory_space<vmem>> -> memref<32x128xf32, #tpu.memory_space<vmem>>
      %dma_wait3A_2097 = arith.constant 0 : i32
      %dma_wait3A_2098 = arith.constant 0 : i32
      %dma_wait3A_2099 = tpu.memref_slice %arg4[%dma_wait3A_2097, %dma_wait3A_2098] : memref<32x1000000xf32, #tpu.memory_space<hbm>> -> memref<32x128xf32, #tpu.memory_space<hbm>>
      tpu.wait_dma2 semaphore(%arg12 : memref<!tpu.dma_semaphore, #tpu.memory_space<semaphore_mem>>) src(%dma_wait3A_2099 : memref<32x128xf32, #tpu.memory_space<hbm>>) dst(%dma_wait3A_2096 : memref<32x128xf32, #tpu.memory_space<vmem>>)
      %dma_wait3A_2100 = arith.constant 2 : i32
      %dma_wait3A_2101 = arith.constant 0 : i32
      %dma_wait3A_2102 = arith.constant 0 : i32
      %dma_wait3A_2103 = tpu.memref_slice %arg10[%dma_wait3A_2100, %dma_wait3A_2101, %dma_wait3A_2102] : memref<8x32x128xf32, #tpu.memory_space<vmem>> -> memref<1x32x128xf32, #tpu.memory_space<vmem>>
      %dma_wait3A_2104 = tpu.memref_squeeze %dma_wait3A_2103 : memref<1x32x128xf32, #tpu.memory_space<vmem>> -> memref<32x128xf32, #tpu.memory_space<vmem>>
      %dma_wait3A_2105 = arith.constant 0 : i32
      %dma_wait3A_2106 = arith.constant 0 : i32
      %dma_wait3A_2107 = tpu.memref_slice %arg5[%dma_wait3A_2105, %dma_wait3A_2106] : memref<32x1000000xf32, #tpu.memory_space<hbm>> -> memref<32x128xf32, #tpu.memory_space<hbm>>
      %dma_wait3A_2108 = arith.constant 0 : i32
      %dma_wait3A_2109 = arith.constant 0 : i32
      %dma_wait3A_2110 = tpu.memref_slice %arg10[%dma_wait3A_2100, %dma_wait3A_2108, %dma_wait3A_2109] : memref<8x32x128xf32, #tpu.memory_space<vmem>> -> memref<1x32x128xf32, #tpu.memory_space<vmem>>
      %dma_wait3A_2111 = tpu.memref_squeeze %dma_wait3A_2110 : memref<1x32x128xf32, #tpu.memory_space<vmem>> -> memref<32x128xf32, #tpu.memory_space<vmem>>
      %dma_wait3A_2112 = arith.constant 0 : i32
      %dma_wait3A_2113 = arith.constant 0 : i32
      %dma_wait3A_2114 = tpu.memref_slice %arg5[%dma_wait3A_2112, %dma_wait3A_2113] : memref<32x1000000xf32, #tpu.memory_space<hbm>> -> memref<32x128xf32, #tpu.memory_space<hbm>>
      tpu.wait_dma2 semaphore(%arg13 : memref<!tpu.dma_semaphore, #tpu.memory_space<semaphore_mem>>) src(%dma_wait3A_2114 : memref<32x128xf32, #tpu.memory_space<hbm>>) dst(%dma_wait3A_2111 : memref<32x128xf32, #tpu.memory_space<vmem>>)
      %mul3A_2115 = arith.constant 16 : i32
      %mul3A_2116 = arith.muli %scan3A_1835, %mul3A_2115 : i32
      %add3A_2117 = arith.constant 2 : i32
      %add3A_2118 = arith.addi %mul3A_2116, %add3A_2117 : i32
      %slice3A_2119 = vector.extract_strided_slice %get3A_1844 {offsets = [2], sizes = [1], strides = [1]} : vector<16xi32> to vector<1xi32>
      %squeeze3A_2120 = vector.extract %slice3A_2119[0] : i32 from vector<1xi32>
      %slice3A_2121 = vector.extract_strided_slice %get3A_1846 {offsets = [2], sizes = [1], strides = [1]} : vector<16xi32> to vector<1xi32>
      %squeeze3A_2122 = vector.extract %slice3A_2121[0] : i32 from vector<1xi32>
      %and3A_2123 = arith.constant 127 : i32
      %and3A_2124 = arith.andi %squeeze3A_2120, %and3A_2123 : i32
      %broadcast_in_dim3A_2125 = vector.broadcast %and3A_2124 : i32 to vector<16xi32>
      %and3A_2126 = arith.constant 127 : i32
      %and3A_2127 = arith.andi %squeeze3A_2122, %and3A_2126 : i32
      %broadcast_in_dim3A_2128 = vector.broadcast %and3A_2127 : i32 to vector<16xi32>
      %gather3A_2129 = arith.constant 2 : i32
      %gather3A_2130 = arith.constant 0 : i32
      %gather3A_2131 = arith.constant 0 : i32
      %gather3A_2132 = tpu.memref_slice %arg9[%gather3A_2129, %gather3A_2130, %gather3A_2131] : memref<8x32x128xf32, #tpu.memory_space<vmem>> -> memref<1x32x128xf32, #tpu.memory_space<vmem>>
      %gather3A_2133 = tpu.memref_squeeze %gather3A_2132 : memref<1x32x128xf32, #tpu.memory_space<vmem>> -> memref<32x128xf32, #tpu.memory_space<vmem>>
      %gather3A_2134 = tpu.vector_load_idx %gather3A_2133[%iota3A, %broadcast_in_dim3A_2125] : memref<32x128xf32, #tpu.memory_space<vmem>>[vector<16xi32>, vector<16xi32>], vector<16xf32>,
      %gather3A_2135 = arith.constant 2 : i32
      %gather3A_2136 = arith.constant 0 : i32
      %gather3A_2137 = arith.constant 0 : i32
      %gather3A_2138 = tpu.memref_slice %arg9[%gather3A_2135, %gather3A_2136, %gather3A_2137] : memref<8x32x128xf32, #tpu.memory_space<vmem>> -> memref<1x32x128xf32, #tpu.memory_space<vmem>>
      %gather3A_2139 = tpu.memref_squeeze %gather3A_2138 : memref<1x32x128xf32, #tpu.memory_space<vmem>> -> memref<32x128xf32, #tpu.memory_space<vmem>>
      %gather3A_2140 = tpu.vector_load_idx %gather3A_2139[%add3A_5, %broadcast_in_dim3A_2125] : memref<32x128xf32, #tpu.memory_space<vmem>>[vector<16xi32>, vector<16xi32>], vector<16xf32>,
      %gather3A_2141 = arith.constant 2 : i32
      %gather3A_2142 = arith.constant 0 : i32
      %gather3A_2143 = arith.constant 0 : i32
      %gather3A_2144 = tpu.memref_slice %arg10[%gather3A_2141, %gather3A_2142, %gather3A_2143] : memref<8x32x128xf32, #tpu.memory_space<vmem>> -> memref<1x32x128xf32, #tpu.memory_space<vmem>>
      %gather3A_2145 = tpu.memref_squeeze %gather3A_2144 : memref<1x32x128xf32, #tpu.memory_space<vmem>> -> memref<32x128xf32, #tpu.memory_space<vmem>>
      %gather3A_2146 = tpu.vector_load_idx %gather3A_2145[%iota3A, %broadcast_in_dim3A_2128] : memref<32x128xf32, #tpu.memory_space<vmem>>[vector<16xi32>, vector<16xi32>], vector<16xf32>,
      %gather3A_2147 = arith.constant 2 : i32
      %gather3A_2148 = arith.constant 0 : i32
      %gather3A_2149 = arith.constant 0 : i32
      %gather3A_2150 = tpu.memref_slice %arg10[%gather3A_2147, %gather3A_2148, %gather3A_2149] : memref<8x32x128xf32, #tpu.memory_space<vmem>> -> memref<1x32x128xf32, #tpu.memory_space<vmem>>
      %gather3A_2151 = tpu.memref_squeeze %gather3A_2150 : memref<1x32x128xf32, #tpu.memory_space<vmem>> -> memref<32x128xf32, #tpu.memory_space<vmem>>
      %gather3A_2152 = tpu.vector_load_idx %gather3A_2151[%add3A_5, %broadcast_in_dim3A_2128] : memref<32x128xf32, #tpu.memory_space<vmem>>[vector<16xi32>, vector<16xi32>], vector<16xf32>,
      %mul3A_2153 = arith.mulf %gather3A_2134, %gather3A_2146 : vector<16xf32>
      %mul3A_2154 = arith.mulf %gather3A_2140, %gather3A_2152 : vector<16xf32>
      %add3A_2155 = arith.addf %mul3A_2153, %mul3A_2154 : vector<16xf32>
      %reduce_sum3A_2156 = arith.constant true
      %reduce_sum3A_2157 = vector.broadcast %reduce_sum3A_2156 : i1 to vector<16xi1>
      %reduce_sum3A_2158 = tpu.scan <sum>, %add3A_2155 masked %reduce_sum3A_2157 : vector<16xf32>, vector<16xi1> -> vector<16xf32>
      %reduce_sum3A_2159 = vector.extract %reduce_sum3A_2158[15] : f32 from vector<16xf32>
      %broadcast_in_dim3A_2160 = vector.broadcast %add3A_2118 : i32 to vector<16xi32>
      %broadcast_in_dim3A_2161 = vector.broadcast %reduce_sum3A_2159 : f32 to vector<16xf32>
      tpu.vector_store_idx %arg11[%broadcast_in_dim3A_2160], %broadcast_in_dim3A_2161 masked %eq3A_7 : memref<512xf32, #tpu.memory_space<vmem>>[vector<16xi32>], vector<16xf32>, vector<16xi1>
      %slice3A_2162 = vector.extract_strided_slice %get3A_1844 {offsets = [10], sizes = [1], strides = [1]} : vector<16xi32> to vector<1xi32>
      %squeeze3A_2163 = vector.extract %slice3A_2162[0] : i32 from vector<1xi32>
      %slice3A_2164 = vector.extract_strided_slice %get3A_1846 {offsets = [10], sizes = [1], strides = [1]} : vector<16xi32> to vector<1xi32>
      %squeeze3A_2165 = vector.extract %slice3A_2164[0] : i32 from vector<1xi32>
      %shift_right_arithmetic3A_2166 = arith.constant 7 : i32
      %shift_right_arithmetic3A_2167 = arith.shrsi %squeeze3A_2163, %shift_right_arithmetic3A_2166 : i32
      %mul3A_2168 = arith.constant 128 : i32
      %mul3A_2169 = arith.muli %shift_right_arithmetic3A_2167, %mul3A_2168 : i32
      %multiple_of3A_2170 = tpu.assume_multiple %mul3A_2169, 128 : i32
      %shift_right_arithmetic3A_2171 = arith.constant 7 : i32
      %shift_right_arithmetic3A_2172 = arith.shrsi %squeeze3A_2165, %shift_right_arithmetic3A_2171 : i32
      %mul3A_2173 = arith.constant 128 : i32
      %mul3A_2174 = arith.muli %shift_right_arithmetic3A_2172, %mul3A_2173 : i32
      %multiple_of3A_2175 = tpu.assume_multiple %mul3A_2174, 128 : i32
      %dma_start3A_2176 = arith.constant 2 : i32
      %dma_start3A_2177 = arith.constant 0 : i32
      %dma_start3A_2178 = arith.constant 0 : i32
      %dma_start3A_2179 = tpu.memref_slice %arg9[%dma_start3A_2176, %dma_start3A_2177, %dma_start3A_2178] : memref<8x32x128xf32, #tpu.memory_space<vmem>> -> memref<1x32x128xf32, #tpu.memory_space<vmem>>
      %dma_start3A_2180 = tpu.memref_squeeze %dma_start3A_2179 : memref<1x32x128xf32, #tpu.memory_space<vmem>> -> memref<32x128xf32, #tpu.memory_space<vmem>>
      %dma_start3A_2181 = arith.constant 0 : i32
      %dma_start3A_2182 = tpu.memref_slice %arg4[%dma_start3A_2181, %multiple_of3A_2170] : memref<32x1000000xf32, #tpu.memory_space<hbm>> -> memref<32x128xf32, #tpu.memory_space<hbm>>
      %dma_start3A_2183 = arith.constant 0 : i32
      %dma_start3A_2184 = arith.constant 0 : i32
      %dma_start3A_2185 = tpu.memref_slice %arg9[%dma_start3A_2176, %dma_start3A_2183, %dma_start3A_2184] : memref<8x32x128xf32, #tpu.memory_space<vmem>> -> memref<1x32x128xf32, #tpu.memory_space<vmem>>
      %dma_start3A_2186 = tpu.memref_squeeze %dma_start3A_2185 : memref<1x32x128xf32, #tpu.memory_space<vmem>> -> memref<32x128xf32, #tpu.memory_space<vmem>>
      %dma_start3A_2187 = arith.constant 0 : i32
      %dma_start3A_2188 = tpu.memref_slice %arg4[%dma_start3A_2187, %multiple_of3A_2170] : memref<32x1000000xf32, #tpu.memory_space<hbm>> -> memref<32x128xf32, #tpu.memory_space<hbm>>
      tpu.enqueue_dma source(%dma_start3A_2188 : memref<32x128xf32, #tpu.memory_space<hbm>>) target(%dma_start3A_2186 : memref<32x128xf32, #tpu.memory_space<vmem>>) target_semaphore(%arg12 : memref<!tpu.dma_semaphore, #tpu.memory_space<semaphore_mem>>)
      %dma_start3A_2189 = arith.constant 2 : i32
      %dma_start3A_2190 = arith.constant 0 : i32
      %dma_start3A_2191 = arith.constant 0 : i32
      %dma_start3A_2192 = tpu.memref_slice %arg10[%dma_start3A_2189, %dma_start3A_2190, %dma_start3A_2191] : memref<8x32x128xf32, #tpu.memory_space<vmem>> -> memref<1x32x128xf32, #tpu.memory_space<vmem>>
      %dma_start3A_2193 = tpu.memref_squeeze %dma_start3A_2192 : memref<1x32x128xf32, #tpu.memory_space<vmem>> -> memref<32x128xf32, #tpu.memory_space<vmem>>
      %dma_start3A_2194 = arith.constant 0 : i32
      %dma_start3A_2195 = tpu.memref_slice %arg5[%dma_start3A_2194, %multiple_of3A_2175] : memref<32x1000000xf32, #tpu.memory_space<hbm>> -> memref<32x128xf32, #tpu.memory_space<hbm>>
      %dma_start3A_2196 = arith.constant 0 : i32
      %dma_start3A_2197 = arith.constant 0 : i32
      %dma_start3A_2198 = tpu.memref_slice %arg10[%dma_start3A_2189, %dma_start3A_2196, %dma_start3A_2197] : memref<8x32x128xf32, #tpu.memory_space<vmem>> -> memref<1x32x128xf32, #tpu.memory_space<vmem>>
      %dma_start3A_2199 = tpu.memref_squeeze %dma_start3A_2198 : memref<1x32x128xf32, #tpu.memory_space<vmem>> -> memref<32x128xf32, #tpu.memory_space<vmem>>
      %dma_start3A_2200 = arith.constant 0 : i32
      %dma_start3A_2201 = tpu.memref_slice %arg5[%dma_start3A_2200, %multiple_of3A_2175] : memref<32x1000000xf32, #tpu.memory_space<hbm>> -> memref<32x128xf32, #tpu.memory_space<hbm>>
      tpu.enqueue_dma source(%dma_start3A_2201 : memref<32x128xf32, #tpu.memory_space<hbm>>) target(%dma_start3A_2199 : memref<32x128xf32, #tpu.memory_space<vmem>>) target_semaphore(%arg13 : memref<!tpu.dma_semaphore, #tpu.memory_space<semaphore_mem>>)
      %dma_wait3A_2202 = arith.constant 3 : i32
      %dma_wait3A_2203 = arith.constant 0 : i32
      %dma_wait3A_2204 = arith.constant 0 : i32
      %dma_wait3A_2205 = tpu.memref_slice %arg9[%dma_wait3A_2202, %dma_wait3A_2203, %dma_wait3A_2204] : memref<8x32x128xf32, #tpu.memory_space<vmem>> -> memref<1x32x128xf32, #tpu.memory_space<vmem>>
      %dma_wait3A_2206 = tpu.memref_squeeze %dma_wait3A_2205 : memref<1x32x128xf32, #tpu.memory_space<vmem>> -> memref<32x128xf32, #tpu.memory_space<vmem>>
      %dma_wait3A_2207 = arith.constant 0 : i32
      %dma_wait3A_2208 = arith.constant 0 : i32
      %dma_wait3A_2209 = tpu.memref_slice %arg4[%dma_wait3A_2207, %dma_wait3A_2208] : memref<32x1000000xf32, #tpu.memory_space<hbm>> -> memref<32x128xf32, #tpu.memory_space<hbm>>
      %dma_wait3A_2210 = arith.constant 0 : i32
      %dma_wait3A_2211 = arith.constant 0 : i32
      %dma_wait3A_2212 = tpu.memref_slice %arg9[%dma_wait3A_2202, %dma_wait3A_2210, %dma_wait3A_2211] : memref<8x32x128xf32, #tpu.memory_space<vmem>> -> memref<1x32x128xf32, #tpu.memory_space<vmem>>
      %dma_wait3A_2213 = tpu.memref_squeeze %dma_wait3A_2212 : memref<1x32x128xf32, #tpu.memory_space<vmem>> -> memref<32x128xf32, #tpu.memory_space<vmem>>
      %dma_wait3A_2214 = arith.constant 0 : i32
      %dma_wait3A_2215 = arith.constant 0 : i32
      %dma_wait3A_2216 = tpu.memref_slice %arg4[%dma_wait3A_2214, %dma_wait3A_2215] : memref<32x1000000xf32, #tpu.memory_space<hbm>> -> memref<32x128xf32, #tpu.memory_space<hbm>>
      tpu.wait_dma2 semaphore(%arg12 : memref<!tpu.dma_semaphore, #tpu.memory_space<semaphore_mem>>) src(%dma_wait3A_2216 : memref<32x128xf32, #tpu.memory_space<hbm>>) dst(%dma_wait3A_2213 : memref<32x128xf32, #tpu.memory_space<vmem>>)
      %dma_wait3A_2217 = arith.constant 3 : i32
      %dma_wait3A_2218 = arith.constant 0 : i32
      %dma_wait3A_2219 = arith.constant 0 : i32
      %dma_wait3A_2220 = tpu.memref_slice %arg10[%dma_wait3A_2217, %dma_wait3A_2218, %dma_wait3A_2219] : memref<8x32x128xf32, #tpu.memory_space<vmem>> -> memref<1x32x128xf32, #tpu.memory_space<vmem>>
      %dma_wait3A_2221 = tpu.memref_squeeze %dma_wait3A_2220 : memref<1x32x128xf32, #tpu.memory_space<vmem>> -> memref<32x128xf32, #tpu.memory_space<vmem>>
      %dma_wait3A_2222 = arith.constant 0 : i32
      %dma_wait3A_2223 = arith.constant 0 : i32
      %dma_wait3A_2224 = tpu.memref_slice %arg5[%dma_wait3A_2222, %dma_wait3A_2223] : memref<32x1000000xf32, #tpu.memory_space<hbm>> -> memref<32x128xf32, #tpu.memory_space<hbm>>
      %dma_wait3A_2225 = arith.constant 0 : i32
      %dma_wait3A_2226 = arith.constant 0 : i32
      %dma_wait3A_2227 = tpu.memref_slice %arg10[%dma_wait3A_2217, %dma_wait3A_2225, %dma_wait3A_2226] : memref<8x32x128xf32, #tpu.memory_space<vmem>> -> memref<1x32x128xf32, #tpu.memory_space<vmem>>
      %dma_wait3A_2228 = tpu.memref_squeeze %dma_wait3A_2227 : memref<1x32x128xf32, #tpu.memory_space<vmem>> -> memref<32x128xf32, #tpu.memory_space<vmem>>
      %dma_wait3A_2229 = arith.constant 0 : i32
      %dma_wait3A_2230 = arith.constant 0 : i32
      %dma_wait3A_2231 = tpu.memref_slice %arg5[%dma_wait3A_2229, %dma_wait3A_2230] : memref<32x1000000xf32, #tpu.memory_space<hbm>> -> memref<32x128xf32, #tpu.memory_space<hbm>>
      tpu.wait_dma2 semaphore(%arg13 : memref<!tpu.dma_semaphore, #tpu.memory_space<semaphore_mem>>) src(%dma_wait3A_2231 : memref<32x128xf32, #tpu.memory_space<hbm>>) dst(%dma_wait3A_2228 : memref<32x128xf32, #tpu.memory_space<vmem>>)
      %mul3A_2232 = arith.constant 16 : i32
      %mul3A_2233 = arith.muli %scan3A_1835, %mul3A_2232 : i32
      %add3A_2234 = arith.constant 3 : i32
      %add3A_2235 = arith.addi %mul3A_2233, %add3A_2234 : i32
      %slice3A_2236 = vector.extract_strided_slice %get3A_1844 {offsets = [3], sizes = [1], strides = [1]} : vector<16xi32> to vector<1xi32>
      %squeeze3A_2237 = vector.extract %slice3A_2236[0] : i32 from vector<1xi32>
      %slice3A_2238 = vector.extract_strided_slice %get3A_1846 {offsets = [3], sizes = [1], strides = [1]} : vector<16xi32> to vector<1xi32>
      %squeeze3A_2239 = vector.extract %slice3A_2238[0] : i32 from vector<1xi32>
      %and3A_2240 = arith.constant 127 : i32
      %and3A_2241 = arith.andi %squeeze3A_2237, %and3A_2240 : i32
      %broadcast_in_dim3A_2242 = vector.broadcast %and3A_2241 : i32 to vector<16xi32>
      %and3A_2243 = arith.constant 127 : i32
      %and3A_2244 = arith.andi %squeeze3A_2239, %and3A_2243 : i32
      %broadcast_in_dim3A_2245 = vector.broadcast %and3A_2244 : i32 to vector<16xi32>
      %gather3A_2246 = arith.constant 3 : i32
      %gather3A_2247 = arith.constant 0 : i32
      %gather3A_2248 = arith.constant 0 : i32
      %gather3A_2249 = tpu.memref_slice %arg9[%gather3A_2246, %gather3A_2247, %gather3A_2248] : memref<8x32x128xf32, #tpu.memory_space<vmem>> -> memref<1x32x128xf32, #tpu.memory_space<vmem>>
      %gather3A_2250 = tpu.memref_squeeze %gather3A_2249 : memref<1x32x128xf32, #tpu.memory_space<vmem>> -> memref<32x128xf32, #tpu.memory_space<vmem>>
      %gather3A_2251 = tpu.vector_load_idx %gather3A_2250[%iota3A, %broadcast_in_dim3A_2242] : memref<32x128xf32, #tpu.memory_space<vmem>>[vector<16xi32>, vector<16xi32>], vector<16xf32>,
      %gather3A_2252 = arith.constant 3 : i32
      %gather3A_2253 = arith.constant 0 : i32
      %gather3A_2254 = arith.constant 0 : i32
      %gather3A_2255 = tpu.memref_slice %arg9[%gather3A_2252, %gather3A_2253, %gather3A_2254] : memref<8x32x128xf32, #tpu.memory_space<vmem>> -> memref<1x32x128xf32, #tpu.memory_space<vmem>>
      %gather3A_2256 = tpu.memref_squeeze %gather3A_2255 : memref<1x32x128xf32, #tpu.memory_space<vmem>> -> memref<32x128xf32, #tpu.memory_space<vmem>>
      %gather3A_2257 = tpu.vector_load_idx %gather3A_2256[%add3A_5, %broadcast_in_dim3A_2242] : memref<32x128xf32, #tpu.memory_space<vmem>>[vector<16xi32>, vector<16xi32>], vector<16xf32>,
      %gather3A_2258 = arith.constant 3 : i32
      %gather3A_2259 = arith.constant 0 : i32
      %gather3A_2260 = arith.constant 0 : i32
      %gather3A_2261 = tpu.memref_slice %arg10[%gather3A_2258, %gather3A_2259, %gather3A_2260] : memref<8x32x128xf32, #tpu.memory_space<vmem>> -> memref<1x32x128xf32, #tpu.memory_space<vmem>>
      %gather3A_2262 = tpu.memref_squeeze %gather3A_2261 : memref<1x32x128xf32, #tpu.memory_space<vmem>> -> memref<32x128xf32, #tpu.memory_space<vmem>>
      %gather3A_2263 = tpu.vector_load_idx %gather3A_2262[%iota3A, %broadcast_in_dim3A_2245] : memref<32x128xf32, #tpu.memory_space<vmem>>[vector<16xi32>, vector<16xi32>], vector<16xf32>,
      %gather3A_2264 = arith.constant 3 : i32
      %gather3A_2265 = arith.constant 0 : i32
      %gather3A_2266 = arith.constant 0 : i32
      %gather3A_2267 = tpu.memref_slice %arg10[%gather3A_2264, %gather3A_2265, %gather3A_2266] : memref<8x32x128xf32, #tpu.memory_space<vmem>> -> memref<1x32x128xf32, #tpu.memory_space<vmem>>
      %gather3A_2268 = tpu.memref_squeeze %gather3A_2267 : memref<1x32x128xf32, #tpu.memory_space<vmem>> -> memref<32x128xf32, #tpu.memory_space<vmem>>
      %gather3A_2269 = tpu.vector_load_idx %gather3A_2268[%add3A_5, %broadcast_in_dim3A_2245] : memref<32x128xf32, #tpu.memory_space<vmem>>[vector<16xi32>, vector<16xi32>], vector<16xf32>,
      %mul3A_2270 = arith.mulf %gather3A_2251, %gather3A_2263 : vector<16xf32>
      %mul3A_2271 = arith.mulf %gather3A_2257, %gather3A_2269 : vector<16xf32>
      %add3A_2272 = arith.addf %mul3A_2270, %mul3A_2271 : vector<16xf32>
      %reduce_sum3A_2273 = arith.constant true
      %reduce_sum3A_2274 = vector.broadcast %reduce_sum3A_2273 : i1 to vector<16xi1>
      %reduce_sum3A_2275 = tpu.scan <sum>, %add3A_2272 masked %reduce_sum3A_2274 : vector<16xf32>, vector<16xi1> -> vector<16xf32>
      %reduce_sum3A_2276 = vector.extract %reduce_sum3A_2275[15] : f32 from vector<16xf32>
      %broadcast_in_dim3A_2277 = vector.broadcast %add3A_2235 : i32 to vector<16xi32>
      %broadcast_in_dim3A_2278 = vector.broadcast %reduce_sum3A_2276 : f32 to vector<16xf32>
      tpu.vector_store_idx %arg11[%broadcast_in_dim3A_2277], %broadcast_in_dim3A_2278 masked %eq3A_7 : memref<512xf32, #tpu.memory_space<vmem>>[vector<16xi32>], vector<16xf32>, vector<16xi1>
      %slice3A_2279 = vector.extract_strided_slice %get3A_1844 {offsets = [11], sizes = [1], strides = [1]} : vector<16xi32> to vector<1xi32>
      %squeeze3A_2280 = vector.extract %slice3A_2279[0] : i32 from vector<1xi32>
      %slice3A_2281 = vector.extract_strided_slice %get3A_1846 {offsets = [11], sizes = [1], strides = [1]} : vector<16xi32> to vector<1xi32>
      %squeeze3A_2282 = vector.extract %slice3A_2281[0] : i32 from vector<1xi32>
      %shift_right_arithmetic3A_2283 = arith.constant 7 : i32
      %shift_right_arithmetic3A_2284 = arith.shrsi %squeeze3A_2280, %shift_right_arithmetic3A_2283 : i32
      %mul3A_2285 = arith.constant 128 : i32
      %mul3A_2286 = arith.muli %shift_right_arithmetic3A_2284, %mul3A_2285 : i32
      %multiple_of3A_2287 = tpu.assume_multiple %mul3A_2286, 128 : i32
      %shift_right_arithmetic3A_2288 = arith.constant 7 : i32
      %shift_right_arithmetic3A_2289 = arith.shrsi %squeeze3A_2282, %shift_right_arithmetic3A_2288 : i32
      %mul3A_2290 = arith.constant 128 : i32
      %mul3A_2291 = arith.muli %shift_right_arithmetic3A_2289, %mul3A_2290 : i32
      %multiple_of3A_2292 = tpu.assume_multiple %mul3A_2291, 128 : i32
      %dma_start3A_2293 = arith.constant 3 : i32
      %dma_start3A_2294 = arith.constant 0 : i32
      %dma_start3A_2295 = arith.constant 0 : i32
      %dma_start3A_2296 = tpu.memref_slice %arg9[%dma_start3A_2293, %dma_start3A_2294, %dma_start3A_2295] : memref<8x32x128xf32, #tpu.memory_space<vmem>> -> memref<1x32x128xf32, #tpu.memory_space<vmem>>
      %dma_start3A_2297 = tpu.memref_squeeze %dma_start3A_2296 : memref<1x32x128xf32, #tpu.memory_space<vmem>> -> memref<32x128xf32, #tpu.memory_space<vmem>>
      %dma_start3A_2298 = arith.constant 0 : i32
      %dma_start3A_2299 = tpu.memref_slice %arg4[%dma_start3A_2298, %multiple_of3A_2287] : memref<32x1000000xf32, #tpu.memory_space<hbm>> -> memref<32x128xf32, #tpu.memory_space<hbm>>
      %dma_start3A_2300 = arith.constant 0 : i32
      %dma_start3A_2301 = arith.constant 0 : i32
      %dma_start3A_2302 = tpu.memref_slice %arg9[%dma_start3A_2293, %dma_start3A_2300, %dma_start3A_2301] : memref<8x32x128xf32, #tpu.memory_space<vmem>> -> memref<1x32x128xf32, #tpu.memory_space<vmem>>
      %dma_start3A_2303 = tpu.memref_squeeze %dma_start3A_2302 : memref<1x32x128xf32, #tpu.memory_space<vmem>> -> memref<32x128xf32, #tpu.memory_space<vmem>>
      %dma_start3A_2304 = arith.constant 0 : i32
      %dma_start3A_2305 = tpu.memref_slice %arg4[%dma_start3A_2304, %multiple_of3A_2287] : memref<32x1000000xf32, #tpu.memory_space<hbm>> -> memref<32x128xf32, #tpu.memory_space<hbm>>
      tpu.enqueue_dma source(%dma_start3A_2305 : memref<32x128xf32, #tpu.memory_space<hbm>>) target(%dma_start3A_2303 : memref<32x128xf32, #tpu.memory_space<vmem>>) target_semaphore(%arg12 : memref<!tpu.dma_semaphore, #tpu.memory_space<semaphore_mem>>)
      %dma_start3A_2306 = arith.constant 3 : i32
      %dma_start3A_2307 = arith.constant 0 : i32
      %dma_start3A_2308 = arith.constant 0 : i32
      %dma_start3A_2309 = tpu.memref_slice %arg10[%dma_start3A_2306, %dma_start3A_2307, %dma_start3A_2308] : memref<8x32x128xf32, #tpu.memory_space<vmem>> -> memref<1x32x128xf32, #tpu.memory_space<vmem>>
      %dma_start3A_2310 = tpu.memref_squeeze %dma_start3A_2309 : memref<1x32x128xf32, #tpu.memory_space<vmem>> -> memref<32x128xf32, #tpu.memory_space<vmem>>
      %dma_start3A_2311 = arith.constant 0 : i32
      %dma_start3A_2312 = tpu.memref_slice %arg5[%dma_start3A_2311, %multiple_of3A_2292] : memref<32x1000000xf32, #tpu.memory_space<hbm>> -> memref<32x128xf32, #tpu.memory_space<hbm>>
      %dma_start3A_2313 = arith.constant 0 : i32
      %dma_start3A_2314 = arith.constant 0 : i32
      %dma_start3A_2315 = tpu.memref_slice %arg10[%dma_start3A_2306, %dma_start3A_2313, %dma_start3A_2314] : memref<8x32x128xf32, #tpu.memory_space<vmem>> -> memref<1x32x128xf32, #tpu.memory_space<vmem>>
      %dma_start3A_2316 = tpu.memref_squeeze %dma_start3A_2315 : memref<1x32x128xf32, #tpu.memory_space<vmem>> -> memref<32x128xf32, #tpu.memory_space<vmem>>
      %dma_start3A_2317 = arith.constant 0 : i32
      %dma_start3A_2318 = tpu.memref_slice %arg5[%dma_start3A_2317, %multiple_of3A_2292] : memref<32x1000000xf32, #tpu.memory_space<hbm>> -> memref<32x128xf32, #tpu.memory_space<hbm>>
      tpu.enqueue_dma source(%dma_start3A_2318 : memref<32x128xf32, #tpu.memory_space<hbm>>) target(%dma_start3A_2316 : memref<32x128xf32, #tpu.memory_space<vmem>>) target_semaphore(%arg13 : memref<!tpu.dma_semaphore, #tpu.memory_space<semaphore_mem>>)
      %dma_wait3A_2319 = arith.constant 4 : i32
      %dma_wait3A_2320 = arith.constant 0 : i32
      %dma_wait3A_2321 = arith.constant 0 : i32
      %dma_wait3A_2322 = tpu.memref_slice %arg9[%dma_wait3A_2319, %dma_wait3A_2320, %dma_wait3A_2321] : memref<8x32x128xf32, #tpu.memory_space<vmem>> -> memref<1x32x128xf32, #tpu.memory_space<vmem>>
      %dma_wait3A_2323 = tpu.memref_squeeze %dma_wait3A_2322 : memref<1x32x128xf32, #tpu.memory_space<vmem>> -> memref<32x128xf32, #tpu.memory_space<vmem>>
      %dma_wait3A_2324 = arith.constant 0 : i32
      %dma_wait3A_2325 = arith.constant 0 : i32
      %dma_wait3A_2326 = tpu.memref_slice %arg4[%dma_wait3A_2324, %dma_wait3A_2325] : memref<32x1000000xf32, #tpu.memory_space<hbm>> -> memref<32x128xf32, #tpu.memory_space<hbm>>
      %dma_wait3A_2327 = arith.constant 0 : i32
      %dma_wait3A_2328 = arith.constant 0 : i32
      %dma_wait3A_2329 = tpu.memref_slice %arg9[%dma_wait3A_2319, %dma_wait3A_2327, %dma_wait3A_2328] : memref<8x32x128xf32, #tpu.memory_space<vmem>> -> memref<1x32x128xf32, #tpu.memory_space<vmem>>
      %dma_wait3A_2330 = tpu.memref_squeeze %dma_wait3A_2329 : memref<1x32x128xf32, #tpu.memory_space<vmem>> -> memref<32x128xf32, #tpu.memory_space<vmem>>
      %dma_wait3A_2331 = arith.constant 0 : i32
      %dma_wait3A_2332 = arith.constant 0 : i32
      %dma_wait3A_2333 = tpu.memref_slice %arg4[%dma_wait3A_2331, %dma_wait3A_2332] : memref<32x1000000xf32, #tpu.memory_space<hbm>> -> memref<32x128xf32, #tpu.memory_space<hbm>>
      tpu.wait_dma2 semaphore(%arg12 : memref<!tpu.dma_semaphore, #tpu.memory_space<semaphore_mem>>) src(%dma_wait3A_2333 : memref<32x128xf32, #tpu.memory_space<hbm>>) dst(%dma_wait3A_2330 : memref<32x128xf32, #tpu.memory_space<vmem>>)
      %dma_wait3A_2334 = arith.constant 4 : i32
      %dma_wait3A_2335 = arith.constant 0 : i32
      %dma_wait3A_2336 = arith.constant 0 : i32
      %dma_wait3A_2337 = tpu.memref_slice %arg10[%dma_wait3A_2334, %dma_wait3A_2335, %dma_wait3A_2336] : memref<8x32x128xf32, #tpu.memory_space<vmem>> -> memref<1x32x128xf32, #tpu.memory_space<vmem>>
      %dma_wait3A_2338 = tpu.memref_squeeze %dma_wait3A_2337 : memref<1x32x128xf32, #tpu.memory_space<vmem>> -> memref<32x128xf32, #tpu.memory_space<vmem>>
      %dma_wait3A_2339 = arith.constant 0 : i32
      %dma_wait3A_2340 = arith.constant 0 : i32
      %dma_wait3A_2341 = tpu.memref_slice %arg5[%dma_wait3A_2339, %dma_wait3A_2340] : memref<32x1000000xf32, #tpu.memory_space<hbm>> -> memref<32x128xf32, #tpu.memory_space<hbm>>
      %dma_wait3A_2342 = arith.constant 0 : i32
      %dma_wait3A_2343 = arith.constant 0 : i32
      %dma_wait3A_2344 = tpu.memref_slice %arg10[%dma_wait3A_2334, %dma_wait3A_2342, %dma_wait3A_2343] : memref<8x32x128xf32, #tpu.memory_space<vmem>> -> memref<1x32x128xf32, #tpu.memory_space<vmem>>
      %dma_wait3A_2345 = tpu.memref_squeeze %dma_wait3A_2344 : memref<1x32x128xf32, #tpu.memory_space<vmem>> -> memref<32x128xf32, #tpu.memory_space<vmem>>
      %dma_wait3A_2346 = arith.constant 0 : i32
      %dma_wait3A_2347 = arith.constant 0 : i32
      %dma_wait3A_2348 = tpu.memref_slice %arg5[%dma_wait3A_2346, %dma_wait3A_2347] : memref<32x1000000xf32, #tpu.memory_space<hbm>> -> memref<32x128xf32, #tpu.memory_space<hbm>>
      tpu.wait_dma2 semaphore(%arg13 : memref<!tpu.dma_semaphore, #tpu.memory_space<semaphore_mem>>) src(%dma_wait3A_2348 : memref<32x128xf32, #tpu.memory_space<hbm>>) dst(%dma_wait3A_2345 : memref<32x128xf32, #tpu.memory_space<vmem>>)
      %mul3A_2349 = arith.constant 16 : i32
      %mul3A_2350 = arith.muli %scan3A_1835, %mul3A_2349 : i32
      %add3A_2351 = arith.constant 4 : i32
      %add3A_2352 = arith.addi %mul3A_2350, %add3A_2351 : i32
      %slice3A_2353 = vector.extract_strided_slice %get3A_1844 {offsets = [4], sizes = [1], strides = [1]} : vector<16xi32> to vector<1xi32>
      %squeeze3A_2354 = vector.extract %slice3A_2353[0] : i32 from vector<1xi32>
      %slice3A_2355 = vector.extract_strided_slice %get3A_1846 {offsets = [4], sizes = [1], strides = [1]} : vector<16xi32> to vector<1xi32>
      %squeeze3A_2356 = vector.extract %slice3A_2355[0] : i32 from vector<1xi32>
      %and3A_2357 = arith.constant 127 : i32
      %and3A_2358 = arith.andi %squeeze3A_2354, %and3A_2357 : i32
      %broadcast_in_dim3A_2359 = vector.broadcast %and3A_2358 : i32 to vector<16xi32>
      %and3A_2360 = arith.constant 127 : i32
      %and3A_2361 = arith.andi %squeeze3A_2356, %and3A_2360 : i32
      %broadcast_in_dim3A_2362 = vector.broadcast %and3A_2361 : i32 to vector<16xi32>
      %gather3A_2363 = arith.constant 4 : i32
      %gather3A_2364 = arith.constant 0 : i32
      %gather3A_2365 = arith.constant 0 : i32
      %gather3A_2366 = tpu.memref_slice %arg9[%gather3A_2363, %gather3A_2364, %gather3A_2365] : memref<8x32x128xf32, #tpu.memory_space<vmem>> -> memref<1x32x128xf32, #tpu.memory_space<vmem>>
      %gather3A_2367 = tpu.memref_squeeze %gather3A_2366 : memref<1x32x128xf32, #tpu.memory_space<vmem>> -> memref<32x128xf32, #tpu.memory_space<vmem>>
      %gather3A_2368 = tpu.vector_load_idx %gather3A_2367[%iota3A, %broadcast_in_dim3A_2359] : memref<32x128xf32, #tpu.memory_space<vmem>>[vector<16xi32>, vector<16xi32>], vector<16xf32>,
      %gather3A_2369 = arith.constant 4 : i32
      %gather3A_2370 = arith.constant 0 : i32
      %gather3A_2371 = arith.constant 0 : i32
      %gather3A_2372 = tpu.memref_slice %arg9[%gather3A_2369, %gather3A_2370, %gather3A_2371] : memref<8x32x128xf32, #tpu.memory_space<vmem>> -> memref<1x32x128xf32, #tpu.memory_space<vmem>>
      %gather3A_2373 = tpu.memref_squeeze %gather3A_2372 : memref<1x32x128xf32, #tpu.memory_space<vmem>> -> memref<32x128xf32, #tpu.memory_space<vmem>>
      %gather3A_2374 = tpu.vector_load_idx %gather3A_2373[%add3A_5, %broadcast_in_dim3A_2359] : memref<32x128xf32, #tpu.memory_space<vmem>>[vector<16xi32>, vector<16xi32>], vector<16xf32>,
      %gather3A_2375 = arith.constant 4 : i32
      %gather3A_2376 = arith.constant 0 : i32
      %gather3A_2377 = arith.constant 0 : i32
      %gather3A_2378 = tpu.memref_slice %arg10[%gather3A_2375, %gather3A_2376, %gather3A_2377] : memref<8x32x128xf32, #tpu.memory_space<vmem>> -> memref<1x32x128xf32, #tpu.memory_space<vmem>>
      %gather3A_2379 = tpu.memref_squeeze %gather3A_2378 : memref<1x32x128xf32, #tpu.memory_space<vmem>> -> memref<32x128xf32, #tpu.memory_space<vmem>>
      %gather3A_2380 = tpu.vector_load_idx %gather3A_2379[%iota3A, %broadcast_in_dim3A_2362] : memref<32x128xf32, #tpu.memory_space<vmem>>[vector<16xi32>, vector<16xi32>], vector<16xf32>,
      %gather3A_2381 = arith.constant 4 : i32
      %gather3A_2382 = arith.constant 0 : i32
      %gather3A_2383 = arith.constant 0 : i32
      %gather3A_2384 = tpu.memref_slice %arg10[%gather3A_2381, %gather3A_2382, %gather3A_2383] : memref<8x32x128xf32, #tpu.memory_space<vmem>> -> memref<1x32x128xf32, #tpu.memory_space<vmem>>
      %gather3A_2385 = tpu.memref_squeeze %gather3A_2384 : memref<1x32x128xf32, #tpu.memory_space<vmem>> -> memref<32x128xf32, #tpu.memory_space<vmem>>
      %gather3A_2386 = tpu.vector_load_idx %gather3A_2385[%add3A_5, %broadcast_in_dim3A_2362] : memref<32x128xf32, #tpu.memory_space<vmem>>[vector<16xi32>, vector<16xi32>], vector<16xf32>,
      %mul3A_2387 = arith.mulf %gather3A_2368, %gather3A_2380 : vector<16xf32>
      %mul3A_2388 = arith.mulf %gather3A_2374, %gather3A_2386 : vector<16xf32>
      %add3A_2389 = arith.addf %mul3A_2387, %mul3A_2388 : vector<16xf32>
      %reduce_sum3A_2390 = arith.constant true
      %reduce_sum3A_2391 = vector.broadcast %reduce_sum3A_2390 : i1 to vector<16xi1>
      %reduce_sum3A_2392 = tpu.scan <sum>, %add3A_2389 masked %reduce_sum3A_2391 : vector<16xf32>, vector<16xi1> -> vector<16xf32>
      %reduce_sum3A_2393 = vector.extract %reduce_sum3A_2392[15] : f32 from vector<16xf32>
      %broadcast_in_dim3A_2394 = vector.broadcast %add3A_2352 : i32 to vector<16xi32>
      %broadcast_in_dim3A_2395 = vector.broadcast %reduce_sum3A_2393 : f32 to vector<16xf32>
      tpu.vector_store_idx %arg11[%broadcast_in_dim3A_2394], %broadcast_in_dim3A_2395 masked %eq3A_7 : memref<512xf32, #tpu.memory_space<vmem>>[vector<16xi32>], vector<16xf32>, vector<16xi1>
      %slice3A_2396 = vector.extract_strided_slice %get3A_1844 {offsets = [12], sizes = [1], strides = [1]} : vector<16xi32> to vector<1xi32>
      %squeeze3A_2397 = vector.extract %slice3A_2396[0] : i32 from vector<1xi32>
      %slice3A_2398 = vector.extract_strided_slice %get3A_1846 {offsets = [12], sizes = [1], strides = [1]} : vector<16xi32> to vector<1xi32>
      %squeeze3A_2399 = vector.extract %slice3A_2398[0] : i32 from vector<1xi32>
      %shift_right_arithmetic3A_2400 = arith.constant 7 : i32
      %shift_right_arithmetic3A_2401 = arith.shrsi %squeeze3A_2397, %shift_right_arithmetic3A_2400 : i32
      %mul3A_2402 = arith.constant 128 : i32
      %mul3A_2403 = arith.muli %shift_right_arithmetic3A_2401, %mul3A_2402 : i32
      %multiple_of3A_2404 = tpu.assume_multiple %mul3A_2403, 128 : i32
      %shift_right_arithmetic3A_2405 = arith.constant 7 : i32
      %shift_right_arithmetic3A_2406 = arith.shrsi %squeeze3A_2399, %shift_right_arithmetic3A_2405 : i32
      %mul3A_2407 = arith.constant 128 : i32
      %mul3A_2408 = arith.muli %shift_right_arithmetic3A_2406, %mul3A_2407 : i32
      %multiple_of3A_2409 = tpu.assume_multiple %mul3A_2408, 128 : i32
      %dma_start3A_2410 = arith.constant 4 : i32
      %dma_start3A_2411 = arith.constant 0 : i32
      %dma_start3A_2412 = arith.constant 0 : i32
      %dma_start3A_2413 = tpu.memref_slice %arg9[%dma_start3A_2410, %dma_start3A_2411, %dma_start3A_2412] : memref<8x32x128xf32, #tpu.memory_space<vmem>> -> memref<1x32x128xf32, #tpu.memory_space<vmem>>
      %dma_start3A_2414 = tpu.memref_squeeze %dma_start3A_2413 : memref<1x32x128xf32, #tpu.memory_space<vmem>> -> memref<32x128xf32, #tpu.memory_space<vmem>>
      %dma_start3A_2415 = arith.constant 0 : i32
      %dma_start3A_2416 = tpu.memref_slice %arg4[%dma_start3A_2415, %multiple_of3A_2404] : memref<32x1000000xf32, #tpu.memory_space<hbm>> -> memref<32x128xf32, #tpu.memory_space<hbm>>
      %dma_start3A_2417 = arith.constant 0 : i32
      %dma_start3A_2418 = arith.constant 0 : i32
      %dma_start3A_2419 = tpu.memref_slice %arg9[%dma_start3A_2410, %dma_start3A_2417, %dma_start3A_2418] : memref<8x32x128xf32, #tpu.memory_space<vmem>> -> memref<1x32x128xf32, #tpu.memory_space<vmem>>
      %dma_start3A_2420 = tpu.memref_squeeze %dma_start3A_2419 : memref<1x32x128xf32, #tpu.memory_space<vmem>> -> memref<32x128xf32, #tpu.memory_space<vmem>>
      %dma_start3A_2421 = arith.constant 0 : i32
      %dma_start3A_2422 = tpu.memref_slice %arg4[%dma_start3A_2421, %multiple_of3A_2404] : memref<32x1000000xf32, #tpu.memory_space<hbm>> -> memref<32x128xf32, #tpu.memory_space<hbm>>
      tpu.enqueue_dma source(%dma_start3A_2422 : memref<32x128xf32, #tpu.memory_space<hbm>>) target(%dma_start3A_2420 : memref<32x128xf32, #tpu.memory_space<vmem>>) target_semaphore(%arg12 : memref<!tpu.dma_semaphore, #tpu.memory_space<semaphore_mem>>)
      %dma_start3A_2423 = arith.constant 4 : i32
      %dma_start3A_2424 = arith.constant 0 : i32
      %dma_start3A_2425 = arith.constant 0 : i32
      %dma_start3A_2426 = tpu.memref_slice %arg10[%dma_start3A_2423, %dma_start3A_2424, %dma_start3A_2425] : memref<8x32x128xf32, #tpu.memory_space<vmem>> -> memref<1x32x128xf32, #tpu.memory_space<vmem>>
      %dma_start3A_2427 = tpu.memref_squeeze %dma_start3A_2426 : memref<1x32x128xf32, #tpu.memory_space<vmem>> -> memref<32x128xf32, #tpu.memory_space<vmem>>
      %dma_start3A_2428 = arith.constant 0 : i32
      %dma_start3A_2429 = tpu.memref_slice %arg5[%dma_start3A_2428, %multiple_of3A_2409] : memref<32x1000000xf32, #tpu.memory_space<hbm>> -> memref<32x128xf32, #tpu.memory_space<hbm>>
      %dma_start3A_2430 = arith.constant 0 : i32
      %dma_start3A_2431 = arith.constant 0 : i32
      %dma_start3A_2432 = tpu.memref_slice %arg10[%dma_start3A_2423, %dma_start3A_2430, %dma_start3A_2431] : memref<8x32x128xf32, #tpu.memory_space<vmem>> -> memref<1x32x128xf32, #tpu.memory_space<vmem>>
      %dma_start3A_2433 = tpu.memref_squeeze %dma_start3A_2432 : memref<1x32x128xf32, #tpu.memory_space<vmem>> -> memref<32x128xf32, #tpu.memory_space<vmem>>
      %dma_start3A_2434 = arith.constant 0 : i32
      %dma_start3A_2435 = tpu.memref_slice %arg5[%dma_start3A_2434, %multiple_of3A_2409] : memref<32x1000000xf32, #tpu.memory_space<hbm>> -> memref<32x128xf32, #tpu.memory_space<hbm>>
      tpu.enqueue_dma source(%dma_start3A_2435 : memref<32x128xf32, #tpu.memory_space<hbm>>) target(%dma_start3A_2433 : memref<32x128xf32, #tpu.memory_space<vmem>>) target_semaphore(%arg13 : memref<!tpu.dma_semaphore, #tpu.memory_space<semaphore_mem>>)
      %dma_wait3A_2436 = arith.constant 5 : i32
      %dma_wait3A_2437 = arith.constant 0 : i32
      %dma_wait3A_2438 = arith.constant 0 : i32
      %dma_wait3A_2439 = tpu.memref_slice %arg9[%dma_wait3A_2436, %dma_wait3A_2437, %dma_wait3A_2438] : memref<8x32x128xf32, #tpu.memory_space<vmem>> -> memref<1x32x128xf32, #tpu.memory_space<vmem>>
      %dma_wait3A_2440 = tpu.memref_squeeze %dma_wait3A_2439 : memref<1x32x128xf32, #tpu.memory_space<vmem>> -> memref<32x128xf32, #tpu.memory_space<vmem>>
      %dma_wait3A_2441 = arith.constant 0 : i32
      %dma_wait3A_2442 = arith.constant 0 : i32
      %dma_wait3A_2443 = tpu.memref_slice %arg4[%dma_wait3A_2441, %dma_wait3A_2442] : memref<32x1000000xf32, #tpu.memory_space<hbm>> -> memref<32x128xf32, #tpu.memory_space<hbm>>
      %dma_wait3A_2444 = arith.constant 0 : i32
      %dma_wait3A_2445 = arith.constant 0 : i32
      %dma_wait3A_2446 = tpu.memref_slice %arg9[%dma_wait3A_2436, %dma_wait3A_2444, %dma_wait3A_2445] : memref<8x32x128xf32, #tpu.memory_space<vmem>> -> memref<1x32x128xf32, #tpu.memory_space<vmem>>
      %dma_wait3A_2447 = tpu.memref_squeeze %dma_wait3A_2446 : memref<1x32x128xf32, #tpu.memory_space<vmem>> -> memref<32x128xf32, #tpu.memory_space<vmem>>
      %dma_wait3A_2448 = arith.constant 0 : i32
      %dma_wait3A_2449 = arith.constant 0 : i32
      %dma_wait3A_2450 = tpu.memref_slice %arg4[%dma_wait3A_2448, %dma_wait3A_2449] : memref<32x1000000xf32, #tpu.memory_space<hbm>> -> memref<32x128xf32, #tpu.memory_space<hbm>>
      tpu.wait_dma2 semaphore(%arg12 : memref<!tpu.dma_semaphore, #tpu.memory_space<semaphore_mem>>) src(%dma_wait3A_2450 : memref<32x128xf32, #tpu.memory_space<hbm>>) dst(%dma_wait3A_2447 : memref<32x128xf32, #tpu.memory_space<vmem>>)
      %dma_wait3A_2451 = arith.constant 5 : i32
      %dma_wait3A_2452 = arith.constant 0 : i32
      %dma_wait3A_2453 = arith.constant 0 : i32
      %dma_wait3A_2454 = tpu.memref_slice %arg10[%dma_wait3A_2451, %dma_wait3A_2452, %dma_wait3A_2453] : memref<8x32x128xf32, #tpu.memory_space<vmem>> -> memref<1x32x128xf32, #tpu.memory_space<vmem>>
      %dma_wait3A_2455 = tpu.memref_squeeze %dma_wait3A_2454 : memref<1x32x128xf32, #tpu.memory_space<vmem>> -> memref<32x128xf32, #tpu.memory_space<vmem>>
      %dma_wait3A_2456 = arith.constant 0 : i32
      %dma_wait3A_2457 = arith.constant 0 : i32
      %dma_wait3A_2458 = tpu.memref_slice %arg5[%dma_wait3A_2456, %dma_wait3A_2457] : memref<32x1000000xf32, #tpu.memory_space<hbm>> -> memref<32x128xf32, #tpu.memory_space<hbm>>
      %dma_wait3A_2459 = arith.constant 0 : i32
      %dma_wait3A_2460 = arith.constant 0 : i32
      %dma_wait3A_2461 = tpu.memref_slice %arg10[%dma_wait3A_2451, %dma_wait3A_2459, %dma_wait3A_2460] : memref<8x32x128xf32, #tpu.memory_space<vmem>> -> memref<1x32x128xf32, #tpu.memory_space<vmem>>
      %dma_wait3A_2462 = tpu.memref_squeeze %dma_wait3A_2461 : memref<1x32x128xf32, #tpu.memory_space<vmem>> -> memref<32x128xf32, #tpu.memory_space<vmem>>
      %dma_wait3A_2463 = arith.constant 0 : i32
      %dma_wait3A_2464 = arith.constant 0 : i32
      %dma_wait3A_2465 = tpu.memref_slice %arg5[%dma_wait3A_2463, %dma_wait3A_2464] : memref<32x1000000xf32, #tpu.memory_space<hbm>> -> memref<32x128xf32, #tpu.memory_space<hbm>>
      tpu.wait_dma2 semaphore(%arg13 : memref<!tpu.dma_semaphore, #tpu.memory_space<semaphore_mem>>) src(%dma_wait3A_2465 : memref<32x128xf32, #tpu.memory_space<hbm>>) dst(%dma_wait3A_2462 : memref<32x128xf32, #tpu.memory_space<vmem>>)
      %mul3A_2466 = arith.constant 16 : i32
      %mul3A_2467 = arith.muli %scan3A_1835, %mul3A_2466 : i32
      %add3A_2468 = arith.constant 5 : i32
      %add3A_2469 = arith.addi %mul3A_2467, %add3A_2468 : i32
      %slice3A_2470 = vector.extract_strided_slice %get3A_1844 {offsets = [5], sizes = [1], strides = [1]} : vector<16xi32> to vector<1xi32>
      %squeeze3A_2471 = vector.extract %slice3A_2470[0] : i32 from vector<1xi32>
      %slice3A_2472 = vector.extract_strided_slice %get3A_1846 {offsets = [5], sizes = [1], strides = [1]} : vector<16xi32> to vector<1xi32>
      %squeeze3A_2473 = vector.extract %slice3A_2472[0] : i32 from vector<1xi32>
      %and3A_2474 = arith.constant 127 : i32
      %and3A_2475 = arith.andi %squeeze3A_2471, %and3A_2474 : i32
      %broadcast_in_dim3A_2476 = vector.broadcast %and3A_2475 : i32 to vector<16xi32>
      %and3A_2477 = arith.constant 127 : i32
      %and3A_2478 = arith.andi %squeeze3A_2473, %and3A_2477 : i32
      %broadcast_in_dim3A_2479 = vector.broadcast %and3A_2478 : i32 to vector<16xi32>
      %gather3A_2480 = arith.constant 5 : i32
      %gather3A_2481 = arith.constant 0 : i32
      %gather3A_2482 = arith.constant 0 : i32
      %gather3A_2483 = tpu.memref_slice %arg9[%gather3A_2480, %gather3A_2481, %gather3A_2482] : memref<8x32x128xf32, #tpu.memory_space<vmem>> -> memref<1x32x128xf32, #tpu.memory_space<vmem>>
      %gather3A_2484 = tpu.memref_squeeze %gather3A_2483 : memref<1x32x128xf32, #tpu.memory_space<vmem>> -> memref<32x128xf32, #tpu.memory_space<vmem>>
      %gather3A_2485 = tpu.vector_load_idx %gather3A_2484[%iota3A, %broadcast_in_dim3A_2476] : memref<32x128xf32, #tpu.memory_space<vmem>>[vector<16xi32>, vector<16xi32>], vector<16xf32>,
      %gather3A_2486 = arith.constant 5 : i32
      %gather3A_2487 = arith.constant 0 : i32
      %gather3A_2488 = arith.constant 0 : i32
      %gather3A_2489 = tpu.memref_slice %arg9[%gather3A_2486, %gather3A_2487, %gather3A_2488] : memref<8x32x128xf32, #tpu.memory_space<vmem>> -> memref<1x32x128xf32, #tpu.memory_space<vmem>>
      %gather3A_2490 = tpu.memref_squeeze %gather3A_2489 : memref<1x32x128xf32, #tpu.memory_space<vmem>> -> memref<32x128xf32, #tpu.memory_space<vmem>>
      %gather3A_2491 = tpu.vector_load_idx %gather3A_2490[%add3A_5, %broadcast_in_dim3A_2476] : memref<32x128xf32, #tpu.memory_space<vmem>>[vector<16xi32>, vector<16xi32>], vector<16xf32>,
      %gather3A_2492 = arith.constant 5 : i32
      %gather3A_2493 = arith.constant 0 : i32
      %gather3A_2494 = arith.constant 0 : i32
      %gather3A_2495 = tpu.memref_slice %arg10[%gather3A_2492, %gather3A_2493, %gather3A_2494] : memref<8x32x128xf32, #tpu.memory_space<vmem>> -> memref<1x32x128xf32, #tpu.memory_space<vmem>>
      %gather3A_2496 = tpu.memref_squeeze %gather3A_2495 : memref<1x32x128xf32, #tpu.memory_space<vmem>> -> memref<32x128xf32, #tpu.memory_space<vmem>>
      %gather3A_2497 = tpu.vector_load_idx %gather3A_2496[%iota3A, %broadcast_in_dim3A_2479] : memref<32x128xf32, #tpu.memory_space<vmem>>[vector<16xi32>, vector<16xi32>], vector<16xf32>,
      %gather3A_2498 = arith.constant 5 : i32
      %gather3A_2499 = arith.constant 0 : i32
      %gather3A_2500 = arith.constant 0 : i32
      %gather3A_2501 = tpu.memref_slice %arg10[%gather3A_2498, %gather3A_2499, %gather3A_2500] : memref<8x32x128xf32, #tpu.memory_space<vmem>> -> memref<1x32x128xf32, #tpu.memory_space<vmem>>
      %gather3A_2502 = tpu.memref_squeeze %gather3A_2501 : memref<1x32x128xf32, #tpu.memory_space<vmem>> -> memref<32x128xf32, #tpu.memory_space<vmem>>
      %gather3A_2503 = tpu.vector_load_idx %gather3A_2502[%add3A_5, %broadcast_in_dim3A_2479] : memref<32x128xf32, #tpu.memory_space<vmem>>[vector<16xi32>, vector<16xi32>], vector<16xf32>,
      %mul3A_2504 = arith.mulf %gather3A_2485, %gather3A_2497 : vector<16xf32>
      %mul3A_2505 = arith.mulf %gather3A_2491, %gather3A_2503 : vector<16xf32>
      %add3A_2506 = arith.addf %mul3A_2504, %mul3A_2505 : vector<16xf32>
      %reduce_sum3A_2507 = arith.constant true
      %reduce_sum3A_2508 = vector.broadcast %reduce_sum3A_2507 : i1 to vector<16xi1>
      %reduce_sum3A_2509 = tpu.scan <sum>, %add3A_2506 masked %reduce_sum3A_2508 : vector<16xf32>, vector<16xi1> -> vector<16xf32>
      %reduce_sum3A_2510 = vector.extract %reduce_sum3A_2509[15] : f32 from vector<16xf32>
      %broadcast_in_dim3A_2511 = vector.broadcast %add3A_2469 : i32 to vector<16xi32>
      %broadcast_in_dim3A_2512 = vector.broadcast %reduce_sum3A_2510 : f32 to vector<16xf32>
      tpu.vector_store_idx %arg11[%broadcast_in_dim3A_2511], %broadcast_in_dim3A_2512 masked %eq3A_7 : memref<512xf32, #tpu.memory_space<vmem>>[vector<16xi32>], vector<16xf32>, vector<16xi1>
      %slice3A_2513 = vector.extract_strided_slice %get3A_1844 {offsets = [13], sizes = [1], strides = [1]} : vector<16xi32> to vector<1xi32>
      %squeeze3A_2514 = vector.extract %slice3A_2513[0] : i32 from vector<1xi32>
      %slice3A_2515 = vector.extract_strided_slice %get3A_1846 {offsets = [13], sizes = [1], strides = [1]} : vector<16xi32> to vector<1xi32>
      %squeeze3A_2516 = vector.extract %slice3A_2515[0] : i32 from vector<1xi32>
      %shift_right_arithmetic3A_2517 = arith.constant 7 : i32
      %shift_right_arithmetic3A_2518 = arith.shrsi %squeeze3A_2514, %shift_right_arithmetic3A_2517 : i32
      %mul3A_2519 = arith.constant 128 : i32
      %mul3A_2520 = arith.muli %shift_right_arithmetic3A_2518, %mul3A_2519 : i32
      %multiple_of3A_2521 = tpu.assume_multiple %mul3A_2520, 128 : i32
      %shift_right_arithmetic3A_2522 = arith.constant 7 : i32
      %shift_right_arithmetic3A_2523 = arith.shrsi %squeeze3A_2516, %shift_right_arithmetic3A_2522 : i32
      %mul3A_2524 = arith.constant 128 : i32
      %mul3A_2525 = arith.muli %shift_right_arithmetic3A_2523, %mul3A_2524 : i32
      %multiple_of3A_2526 = tpu.assume_multiple %mul3A_2525, 128 : i32
      %dma_start3A_2527 = arith.constant 5 : i32
      %dma_start3A_2528 = arith.constant 0 : i32
      %dma_start3A_2529 = arith.constant 0 : i32
      %dma_start3A_2530 = tpu.memref_slice %arg9[%dma_start3A_2527, %dma_start3A_2528, %dma_start3A_2529] : memref<8x32x128xf32, #tpu.memory_space<vmem>> -> memref<1x32x128xf32, #tpu.memory_space<vmem>>
      %dma_start3A_2531 = tpu.memref_squeeze %dma_start3A_2530 : memref<1x32x128xf32, #tpu.memory_space<vmem>> -> memref<32x128xf32, #tpu.memory_space<vmem>>
      %dma_start3A_2532 = arith.constant 0 : i32
      %dma_start3A_2533 = tpu.memref_slice %arg4[%dma_start3A_2532, %multiple_of3A_2521] : memref<32x1000000xf32, #tpu.memory_space<hbm>> -> memref<32x128xf32, #tpu.memory_space<hbm>>
      %dma_start3A_2534 = arith.constant 0 : i32
      %dma_start3A_2535 = arith.constant 0 : i32
      %dma_start3A_2536 = tpu.memref_slice %arg9[%dma_start3A_2527, %dma_start3A_2534, %dma_start3A_2535] : memref<8x32x128xf32, #tpu.memory_space<vmem>> -> memref<1x32x128xf32, #tpu.memory_space<vmem>>
      %dma_start3A_2537 = tpu.memref_squeeze %dma_start3A_2536 : memref<1x32x128xf32, #tpu.memory_space<vmem>> -> memref<32x128xf32, #tpu.memory_space<vmem>>
      %dma_start3A_2538 = arith.constant 0 : i32
      %dma_start3A_2539 = tpu.memref_slice %arg4[%dma_start3A_2538, %multiple_of3A_2521] : memref<32x1000000xf32, #tpu.memory_space<hbm>> -> memref<32x128xf32, #tpu.memory_space<hbm>>
      tpu.enqueue_dma source(%dma_start3A_2539 : memref<32x128xf32, #tpu.memory_space<hbm>>) target(%dma_start3A_2537 : memref<32x128xf32, #tpu.memory_space<vmem>>) target_semaphore(%arg12 : memref<!tpu.dma_semaphore, #tpu.memory_space<semaphore_mem>>)
      %dma_start3A_2540 = arith.constant 5 : i32
      %dma_start3A_2541 = arith.constant 0 : i32
      %dma_start3A_2542 = arith.constant 0 : i32
      %dma_start3A_2543 = tpu.memref_slice %arg10[%dma_start3A_2540, %dma_start3A_2541, %dma_start3A_2542] : memref<8x32x128xf32, #tpu.memory_space<vmem>> -> memref<1x32x128xf32, #tpu.memory_space<vmem>>
      %dma_start3A_2544 = tpu.memref_squeeze %dma_start3A_2543 : memref<1x32x128xf32, #tpu.memory_space<vmem>> -> memref<32x128xf32, #tpu.memory_space<vmem>>
      %dma_start3A_2545 = arith.constant 0 : i32
      %dma_start3A_2546 = tpu.memref_slice %arg5[%dma_start3A_2545, %multiple_of3A_2526] : memref<32x1000000xf32, #tpu.memory_space<hbm>> -> memref<32x128xf32, #tpu.memory_space<hbm>>
      %dma_start3A_2547 = arith.constant 0 : i32
      %dma_start3A_2548 = arith.constant 0 : i32
      %dma_start3A_2549 = tpu.memref_slice %arg10[%dma_start3A_2540, %dma_start3A_2547, %dma_start3A_2548] : memref<8x32x128xf32, #tpu.memory_space<vmem>> -> memref<1x32x128xf32, #tpu.memory_space<vmem>>
      %dma_start3A_2550 = tpu.memref_squeeze %dma_start3A_2549 : memref<1x32x128xf32, #tpu.memory_space<vmem>> -> memref<32x128xf32, #tpu.memory_space<vmem>>
      %dma_start3A_2551 = arith.constant 0 : i32
      %dma_start3A_2552 = tpu.memref_slice %arg5[%dma_start3A_2551, %multiple_of3A_2526] : memref<32x1000000xf32, #tpu.memory_space<hbm>> -> memref<32x128xf32, #tpu.memory_space<hbm>>
      tpu.enqueue_dma source(%dma_start3A_2552 : memref<32x128xf32, #tpu.memory_space<hbm>>) target(%dma_start3A_2550 : memref<32x128xf32, #tpu.memory_space<vmem>>) target_semaphore(%arg13 : memref<!tpu.dma_semaphore, #tpu.memory_space<semaphore_mem>>)
      %dma_wait3A_2553 = arith.constant 6 : i32
      %dma_wait3A_2554 = arith.constant 0 : i32
      %dma_wait3A_2555 = arith.constant 0 : i32
      %dma_wait3A_2556 = tpu.memref_slice %arg9[%dma_wait3A_2553, %dma_wait3A_2554, %dma_wait3A_2555] : memref<8x32x128xf32, #tpu.memory_space<vmem>> -> memref<1x32x128xf32, #tpu.memory_space<vmem>>
      %dma_wait3A_2557 = tpu.memref_squeeze %dma_wait3A_2556 : memref<1x32x128xf32, #tpu.memory_space<vmem>> -> memref<32x128xf32, #tpu.memory_space<vmem>>
      %dma_wait3A_2558 = arith.constant 0 : i32
      %dma_wait3A_2559 = arith.constant 0 : i32
      %dma_wait3A_2560 = tpu.memref_slice %arg4[%dma_wait3A_2558, %dma_wait3A_2559] : memref<32x1000000xf32, #tpu.memory_space<hbm>> -> memref<32x128xf32, #tpu.memory_space<hbm>>
      %dma_wait3A_2561 = arith.constant 0 : i32
      %dma_wait3A_2562 = arith.constant 0 : i32
      %dma_wait3A_2563 = tpu.memref_slice %arg9[%dma_wait3A_2553, %dma_wait3A_2561, %dma_wait3A_2562] : memref<8x32x128xf32, #tpu.memory_space<vmem>> -> memref<1x32x128xf32, #tpu.memory_space<vmem>>
      %dma_wait3A_2564 = tpu.memref_squeeze %dma_wait3A_2563 : memref<1x32x128xf32, #tpu.memory_space<vmem>> -> memref<32x128xf32, #tpu.memory_space<vmem>>
      %dma_wait3A_2565 = arith.constant 0 : i32
      %dma_wait3A_2566 = arith.constant 0 : i32
      %dma_wait3A_2567 = tpu.memref_slice %arg4[%dma_wait3A_2565, %dma_wait3A_2566] : memref<32x1000000xf32, #tpu.memory_space<hbm>> -> memref<32x128xf32, #tpu.memory_space<hbm>>
      tpu.wait_dma2 semaphore(%arg12 : memref<!tpu.dma_semaphore, #tpu.memory_space<semaphore_mem>>) src(%dma_wait3A_2567 : memref<32x128xf32, #tpu.memory_space<hbm>>) dst(%dma_wait3A_2564 : memref<32x128xf32, #tpu.memory_space<vmem>>)
      %dma_wait3A_2568 = arith.constant 6 : i32
      %dma_wait3A_2569 = arith.constant 0 : i32
      %dma_wait3A_2570 = arith.constant 0 : i32
      %dma_wait3A_2571 = tpu.memref_slice %arg10[%dma_wait3A_2568, %dma_wait3A_2569, %dma_wait3A_2570] : memref<8x32x128xf32, #tpu.memory_space<vmem>> -> memref<1x32x128xf32, #tpu.memory_space<vmem>>
      %dma_wait3A_2572 = tpu.memref_squeeze %dma_wait3A_2571 : memref<1x32x128xf32, #tpu.memory_space<vmem>> -> memref<32x128xf32, #tpu.memory_space<vmem>>
      %dma_wait3A_2573 = arith.constant 0 : i32
      %dma_wait3A_2574 = arith.constant 0 : i32
      %dma_wait3A_2575 = tpu.memref_slice %arg5[%dma_wait3A_2573, %dma_wait3A_2574] : memref<32x1000000xf32, #tpu.memory_space<hbm>> -> memref<32x128xf32, #tpu.memory_space<hbm>>
      %dma_wait3A_2576 = arith.constant 0 : i32
      %dma_wait3A_2577 = arith.constant 0 : i32
      %dma_wait3A_2578 = tpu.memref_slice %arg10[%dma_wait3A_2568, %dma_wait3A_2576, %dma_wait3A_2577] : memref<8x32x128xf32, #tpu.memory_space<vmem>> -> memref<1x32x128xf32, #tpu.memory_space<vmem>>
      %dma_wait3A_2579 = tpu.memref_squeeze %dma_wait3A_2578 : memref<1x32x128xf32, #tpu.memory_space<vmem>> -> memref<32x128xf32, #tpu.memory_space<vmem>>
      %dma_wait3A_2580 = arith.constant 0 : i32
      %dma_wait3A_2581 = arith.constant 0 : i32
      %dma_wait3A_2582 = tpu.memref_slice %arg5[%dma_wait3A_2580, %dma_wait3A_2581] : memref<32x1000000xf32, #tpu.memory_space<hbm>> -> memref<32x128xf32, #tpu.memory_space<hbm>>
      tpu.wait_dma2 semaphore(%arg13 : memref<!tpu.dma_semaphore, #tpu.memory_space<semaphore_mem>>) src(%dma_wait3A_2582 : memref<32x128xf32, #tpu.memory_space<hbm>>) dst(%dma_wait3A_2579 : memref<32x128xf32, #tpu.memory_space<vmem>>)
      %mul3A_2583 = arith.constant 16 : i32
      %mul3A_2584 = arith.muli %scan3A_1835, %mul3A_2583 : i32
      %add3A_2585 = arith.constant 6 : i32
      %add3A_2586 = arith.addi %mul3A_2584, %add3A_2585 : i32
      %slice3A_2587 = vector.extract_strided_slice %get3A_1844 {offsets = [6], sizes = [1], strides = [1]} : vector<16xi32> to vector<1xi32>
      %squeeze3A_2588 = vector.extract %slice3A_2587[0] : i32 from vector<1xi32>
      %slice3A_2589 = vector.extract_strided_slice %get3A_1846 {offsets = [6], sizes = [1], strides = [1]} : vector<16xi32> to vector<1xi32>
      %squeeze3A_2590 = vector.extract %slice3A_2589[0] : i32 from vector<1xi32>
      %and3A_2591 = arith.constant 127 : i32
      %and3A_2592 = arith.andi %squeeze3A_2588, %and3A_2591 : i32
      %broadcast_in_dim3A_2593 = vector.broadcast %and3A_2592 : i32 to vector<16xi32>
      %and3A_2594 = arith.constant 127 : i32
      %and3A_2595 = arith.andi %squeeze3A_2590, %and3A_2594 : i32
      %broadcast_in_dim3A_2596 = vector.broadcast %and3A_2595 : i32 to vector<16xi32>
      %gather3A_2597 = arith.constant 6 : i32
      %gather3A_2598 = arith.constant 0 : i32
      %gather3A_2599 = arith.constant 0 : i32
      %gather3A_2600 = tpu.memref_slice %arg9[%gather3A_2597, %gather3A_2598, %gather3A_2599] : memref<8x32x128xf32, #tpu.memory_space<vmem>> -> memref<1x32x128xf32, #tpu.memory_space<vmem>>
      %gather3A_2601 = tpu.memref_squeeze %gather3A_2600 : memref<1x32x128xf32, #tpu.memory_space<vmem>> -> memref<32x128xf32, #tpu.memory_space<vmem>>
      %gather3A_2602 = tpu.vector_load_idx %gather3A_2601[%iota3A, %broadcast_in_dim3A_2593] : memref<32x128xf32, #tpu.memory_space<vmem>>[vector<16xi32>, vector<16xi32>], vector<16xf32>,
      %gather3A_2603 = arith.constant 6 : i32
      %gather3A_2604 = arith.constant 0 : i32
      %gather3A_2605 = arith.constant 0 : i32
      %gather3A_2606 = tpu.memref_slice %arg9[%gather3A_2603, %gather3A_2604, %gather3A_2605] : memref<8x32x128xf32, #tpu.memory_space<vmem>> -> memref<1x32x128xf32, #tpu.memory_space<vmem>>
      %gather3A_2607 = tpu.memref_squeeze %gather3A_2606 : memref<1x32x128xf32, #tpu.memory_space<vmem>> -> memref<32x128xf32, #tpu.memory_space<vmem>>
      %gather3A_2608 = tpu.vector_load_idx %gather3A_2607[%add3A_5, %broadcast_in_dim3A_2593] : memref<32x128xf32, #tpu.memory_space<vmem>>[vector<16xi32>, vector<16xi32>], vector<16xf32>,
      %gather3A_2609 = arith.constant 6 : i32
      %gather3A_2610 = arith.constant 0 : i32
      %gather3A_2611 = arith.constant 0 : i32
      %gather3A_2612 = tpu.memref_slice %arg10[%gather3A_2609, %gather3A_2610, %gather3A_2611] : memref<8x32x128xf32, #tpu.memory_space<vmem>> -> memref<1x32x128xf32, #tpu.memory_space<vmem>>
      %gather3A_2613 = tpu.memref_squeeze %gather3A_2612 : memref<1x32x128xf32, #tpu.memory_space<vmem>> -> memref<32x128xf32, #tpu.memory_space<vmem>>
      %gather3A_2614 = tpu.vector_load_idx %gather3A_2613[%iota3A, %broadcast_in_dim3A_2596] : memref<32x128xf32, #tpu.memory_space<vmem>>[vector<16xi32>, vector<16xi32>], vector<16xf32>,
      %gather3A_2615 = arith.constant 6 : i32
      %gather3A_2616 = arith.constant 0 : i32
      %gather3A_2617 = arith.constant 0 : i32
      %gather3A_2618 = tpu.memref_slice %arg10[%gather3A_2615, %gather3A_2616, %gather3A_2617] : memref<8x32x128xf32, #tpu.memory_space<vmem>> -> memref<1x32x128xf32, #tpu.memory_space<vmem>>
      %gather3A_2619 = tpu.memref_squeeze %gather3A_2618 : memref<1x32x128xf32, #tpu.memory_space<vmem>> -> memref<32x128xf32, #tpu.memory_space<vmem>>
      %gather3A_2620 = tpu.vector_load_idx %gather3A_2619[%add3A_5, %broadcast_in_dim3A_2596] : memref<32x128xf32, #tpu.memory_space<vmem>>[vector<16xi32>, vector<16xi32>], vector<16xf32>,
      %mul3A_2621 = arith.mulf %gather3A_2602, %gather3A_2614 : vector<16xf32>
      %mul3A_2622 = arith.mulf %gather3A_2608, %gather3A_2620 : vector<16xf32>
      %add3A_2623 = arith.addf %mul3A_2621, %mul3A_2622 : vector<16xf32>
      %reduce_sum3A_2624 = arith.constant true
      %reduce_sum3A_2625 = vector.broadcast %reduce_sum3A_2624 : i1 to vector<16xi1>
      %reduce_sum3A_2626 = tpu.scan <sum>, %add3A_2623 masked %reduce_sum3A_2625 : vector<16xf32>, vector<16xi1> -> vector<16xf32>
      %reduce_sum3A_2627 = vector.extract %reduce_sum3A_2626[15] : f32 from vector<16xf32>
      %broadcast_in_dim3A_2628 = vector.broadcast %add3A_2586 : i32 to vector<16xi32>
      %broadcast_in_dim3A_2629 = vector.broadcast %reduce_sum3A_2627 : f32 to vector<16xf32>
      tpu.vector_store_idx %arg11[%broadcast_in_dim3A_2628], %broadcast_in_dim3A_2629 masked %eq3A_7 : memref<512xf32, #tpu.memory_space<vmem>>[vector<16xi32>], vector<16xf32>, vector<16xi1>
      %slice3A_2630 = vector.extract_strided_slice %get3A_1844 {offsets = [14], sizes = [1], strides = [1]} : vector<16xi32> to vector<1xi32>
      %squeeze3A_2631 = vector.extract %slice3A_2630[0] : i32 from vector<1xi32>
      %slice3A_2632 = vector.extract_strided_slice %get3A_1846 {offsets = [14], sizes = [1], strides = [1]} : vector<16xi32> to vector<1xi32>
      %squeeze3A_2633 = vector.extract %slice3A_2632[0] : i32 from vector<1xi32>
      %shift_right_arithmetic3A_2634 = arith.constant 7 : i32
      %shift_right_arithmetic3A_2635 = arith.shrsi %squeeze3A_2631, %shift_right_arithmetic3A_2634 : i32
      %mul3A_2636 = arith.constant 128 : i32
      %mul3A_2637 = arith.muli %shift_right_arithmetic3A_2635, %mul3A_2636 : i32
      %multiple_of3A_2638 = tpu.assume_multiple %mul3A_2637, 128 : i32
      %shift_right_arithmetic3A_2639 = arith.constant 7 : i32
      %shift_right_arithmetic3A_2640 = arith.shrsi %squeeze3A_2633, %shift_right_arithmetic3A_2639 : i32
      %mul3A_2641 = arith.constant 128 : i32
      %mul3A_2642 = arith.muli %shift_right_arithmetic3A_2640, %mul3A_2641 : i32
      %multiple_of3A_2643 = tpu.assume_multiple %mul3A_2642, 128 : i32
      %dma_start3A_2644 = arith.constant 6 : i32
      %dma_start3A_2645 = arith.constant 0 : i32
      %dma_start3A_2646 = arith.constant 0 : i32
      %dma_start3A_2647 = tpu.memref_slice %arg9[%dma_start3A_2644, %dma_start3A_2645, %dma_start3A_2646] : memref<8x32x128xf32, #tpu.memory_space<vmem>> -> memref<1x32x128xf32, #tpu.memory_space<vmem>>
      %dma_start3A_2648 = tpu.memref_squeeze %dma_start3A_2647 : memref<1x32x128xf32, #tpu.memory_space<vmem>> -> memref<32x128xf32, #tpu.memory_space<vmem>>
      %dma_start3A_2649 = arith.constant 0 : i32
      %dma_start3A_2650 = tpu.memref_slice %arg4[%dma_start3A_2649, %multiple_of3A_2638] : memref<32x1000000xf32, #tpu.memory_space<hbm>> -> memref<32x128xf32, #tpu.memory_space<hbm>>
      %dma_start3A_2651 = arith.constant 0 : i32
      %dma_start3A_2652 = arith.constant 0 : i32
      %dma_start3A_2653 = tpu.memref_slice %arg9[%dma_start3A_2644, %dma_start3A_2651, %dma_start3A_2652] : memref<8x32x128xf32, #tpu.memory_space<vmem>> -> memref<1x32x128xf32, #tpu.memory_space<vmem>>
      %dma_start3A_2654 = tpu.memref_squeeze %dma_start3A_2653 : memref<1x32x128xf32, #tpu.memory_space<vmem>> -> memref<32x128xf32, #tpu.memory_space<vmem>>
      %dma_start3A_2655 = arith.constant 0 : i32
      %dma_start3A_2656 = tpu.memref_slice %arg4[%dma_start3A_2655, %multiple_of3A_2638] : memref<32x1000000xf32, #tpu.memory_space<hbm>> -> memref<32x128xf32, #tpu.memory_space<hbm>>
      tpu.enqueue_dma source(%dma_start3A_2656 : memref<32x128xf32, #tpu.memory_space<hbm>>) target(%dma_start3A_2654 : memref<32x128xf32, #tpu.memory_space<vmem>>) target_semaphore(%arg12 : memref<!tpu.dma_semaphore, #tpu.memory_space<semaphore_mem>>)
      %dma_start3A_2657 = arith.constant 6 : i32
      %dma_start3A_2658 = arith.constant 0 : i32
      %dma_start3A_2659 = arith.constant 0 : i32
      %dma_start3A_2660 = tpu.memref_slice %arg10[%dma_start3A_2657, %dma_start3A_2658, %dma_start3A_2659] : memref<8x32x128xf32, #tpu.memory_space<vmem>> -> memref<1x32x128xf32, #tpu.memory_space<vmem>>
      %dma_start3A_2661 = tpu.memref_squeeze %dma_start3A_2660 : memref<1x32x128xf32, #tpu.memory_space<vmem>> -> memref<32x128xf32, #tpu.memory_space<vmem>>
      %dma_start3A_2662 = arith.constant 0 : i32
      %dma_start3A_2663 = tpu.memref_slice %arg5[%dma_start3A_2662, %multiple_of3A_2643] : memref<32x1000000xf32, #tpu.memory_space<hbm>> -> memref<32x128xf32, #tpu.memory_space<hbm>>
      %dma_start3A_2664 = arith.constant 0 : i32
      %dma_start3A_2665 = arith.constant 0 : i32
      %dma_start3A_2666 = tpu.memref_slice %arg10[%dma_start3A_2657, %dma_start3A_2664, %dma_start3A_2665] : memref<8x32x128xf32, #tpu.memory_space<vmem>> -> memref<1x32x128xf32, #tpu.memory_space<vmem>>
      %dma_start3A_2667 = tpu.memref_squeeze %dma_start3A_2666 : memref<1x32x128xf32, #tpu.memory_space<vmem>> -> memref<32x128xf32, #tpu.memory_space<vmem>>
      %dma_start3A_2668 = arith.constant 0 : i32
      %dma_start3A_2669 = tpu.memref_slice %arg5[%dma_start3A_2668, %multiple_of3A_2643] : memref<32x1000000xf32, #tpu.memory_space<hbm>> -> memref<32x128xf32, #tpu.memory_space<hbm>>
      tpu.enqueue_dma source(%dma_start3A_2669 : memref<32x128xf32, #tpu.memory_space<hbm>>) target(%dma_start3A_2667 : memref<32x128xf32, #tpu.memory_space<vmem>>) target_semaphore(%arg13 : memref<!tpu.dma_semaphore, #tpu.memory_space<semaphore_mem>>)
      %dma_wait3A_2670 = arith.constant 7 : i32
      %dma_wait3A_2671 = arith.constant 0 : i32
      %dma_wait3A_2672 = arith.constant 0 : i32
      %dma_wait3A_2673 = tpu.memref_slice %arg9[%dma_wait3A_2670, %dma_wait3A_2671, %dma_wait3A_2672] : memref<8x32x128xf32, #tpu.memory_space<vmem>> -> memref<1x32x128xf32, #tpu.memory_space<vmem>>
      %dma_wait3A_2674 = tpu.memref_squeeze %dma_wait3A_2673 : memref<1x32x128xf32, #tpu.memory_space<vmem>> -> memref<32x128xf32, #tpu.memory_space<vmem>>
      %dma_wait3A_2675 = arith.constant 0 : i32
      %dma_wait3A_2676 = arith.constant 0 : i32
      %dma_wait3A_2677 = tpu.memref_slice %arg4[%dma_wait3A_2675, %dma_wait3A_2676] : memref<32x1000000xf32, #tpu.memory_space<hbm>> -> memref<32x128xf32, #tpu.memory_space<hbm>>
      %dma_wait3A_2678 = arith.constant 0 : i32
      %dma_wait3A_2679 = arith.constant 0 : i32
      %dma_wait3A_2680 = tpu.memref_slice %arg9[%dma_wait3A_2670, %dma_wait3A_2678, %dma_wait3A_2679] : memref<8x32x128xf32, #tpu.memory_space<vmem>> -> memref<1x32x128xf32, #tpu.memory_space<vmem>>
      %dma_wait3A_2681 = tpu.memref_squeeze %dma_wait3A_2680 : memref<1x32x128xf32, #tpu.memory_space<vmem>> -> memref<32x128xf32, #tpu.memory_space<vmem>>
      %dma_wait3A_2682 = arith.constant 0 : i32
      %dma_wait3A_2683 = arith.constant 0 : i32
      %dma_wait3A_2684 = tpu.memref_slice %arg4[%dma_wait3A_2682, %dma_wait3A_2683] : memref<32x1000000xf32, #tpu.memory_space<hbm>> -> memref<32x128xf32, #tpu.memory_space<hbm>>
      tpu.wait_dma2 semaphore(%arg12 : memref<!tpu.dma_semaphore, #tpu.memory_space<semaphore_mem>>) src(%dma_wait3A_2684 : memref<32x128xf32, #tpu.memory_space<hbm>>) dst(%dma_wait3A_2681 : memref<32x128xf32, #tpu.memory_space<vmem>>)
      %dma_wait3A_2685 = arith.constant 7 : i32
      %dma_wait3A_2686 = arith.constant 0 : i32
      %dma_wait3A_2687 = arith.constant 0 : i32
      %dma_wait3A_2688 = tpu.memref_slice %arg10[%dma_wait3A_2685, %dma_wait3A_2686, %dma_wait3A_2687] : memref<8x32x128xf32, #tpu.memory_space<vmem>> -> memref<1x32x128xf32, #tpu.memory_space<vmem>>
      %dma_wait3A_2689 = tpu.memref_squeeze %dma_wait3A_2688 : memref<1x32x128xf32, #tpu.memory_space<vmem>> -> memref<32x128xf32, #tpu.memory_space<vmem>>
      %dma_wait3A_2690 = arith.constant 0 : i32
      %dma_wait3A_2691 = arith.constant 0 : i32
      %dma_wait3A_2692 = tpu.memref_slice %arg5[%dma_wait3A_2690, %dma_wait3A_2691] : memref<32x1000000xf32, #tpu.memory_space<hbm>> -> memref<32x128xf32, #tpu.memory_space<hbm>>
      %dma_wait3A_2693 = arith.constant 0 : i32
      %dma_wait3A_2694 = arith.constant 0 : i32
      %dma_wait3A_2695 = tpu.memref_slice %arg10[%dma_wait3A_2685, %dma_wait3A_2693, %dma_wait3A_2694] : memref<8x32x128xf32, #tpu.memory_space<vmem>> -> memref<1x32x128xf32, #tpu.memory_space<vmem>>
      %dma_wait3A_2696 = tpu.memref_squeeze %dma_wait3A_2695 : memref<1x32x128xf32, #tpu.memory_space<vmem>> -> memref<32x128xf32, #tpu.memory_space<vmem>>
      %dma_wait3A_2697 = arith.constant 0 : i32
      %dma_wait3A_2698 = arith.constant 0 : i32
      %dma_wait3A_2699 = tpu.memref_slice %arg5[%dma_wait3A_2697, %dma_wait3A_2698] : memref<32x1000000xf32, #tpu.memory_space<hbm>> -> memref<32x128xf32, #tpu.memory_space<hbm>>
      tpu.wait_dma2 semaphore(%arg13 : memref<!tpu.dma_semaphore, #tpu.memory_space<semaphore_mem>>) src(%dma_wait3A_2699 : memref<32x128xf32, #tpu.memory_space<hbm>>) dst(%dma_wait3A_2696 : memref<32x128xf32, #tpu.memory_space<vmem>>)
      %mul3A_2700 = arith.constant 16 : i32
      %mul3A_2701 = arith.muli %scan3A_1835, %mul3A_2700 : i32
      %add3A_2702 = arith.constant 7 : i32
      %add3A_2703 = arith.addi %mul3A_2701, %add3A_2702 : i32
      %slice3A_2704 = vector.extract_strided_slice %get3A_1844 {offsets = [7], sizes = [1], strides = [1]} : vector<16xi32> to vector<1xi32>
      %squeeze3A_2705 = vector.extract %slice3A_2704[0] : i32 from vector<1xi32>
      %slice3A_2706 = vector.extract_strided_slice %get3A_1846 {offsets = [7], sizes = [1], strides = [1]} : vector<16xi32> to vector<1xi32>
      %squeeze3A_2707 = vector.extract %slice3A_2706[0] : i32 from vector<1xi32>
      %and3A_2708 = arith.constant 127 : i32
      %and3A_2709 = arith.andi %squeeze3A_2705, %and3A_2708 : i32
      %broadcast_in_dim3A_2710 = vector.broadcast %and3A_2709 : i32 to vector<16xi32>
      %and3A_2711 = arith.constant 127 : i32
      %and3A_2712 = arith.andi %squeeze3A_2707, %and3A_2711 : i32
      %broadcast_in_dim3A_2713 = vector.broadcast %and3A_2712 : i32 to vector<16xi32>
      %gather3A_2714 = arith.constant 7 : i32
      %gather3A_2715 = arith.constant 0 : i32
      %gather3A_2716 = arith.constant 0 : i32
      %gather3A_2717 = tpu.memref_slice %arg9[%gather3A_2714, %gather3A_2715, %gather3A_2716] : memref<8x32x128xf32, #tpu.memory_space<vmem>> -> memref<1x32x128xf32, #tpu.memory_space<vmem>>
      %gather3A_2718 = tpu.memref_squeeze %gather3A_2717 : memref<1x32x128xf32, #tpu.memory_space<vmem>> -> memref<32x128xf32, #tpu.memory_space<vmem>>
      %gather3A_2719 = tpu.vector_load_idx %gather3A_2718[%iota3A, %broadcast_in_dim3A_2710] : memref<32x128xf32, #tpu.memory_space<vmem>>[vector<16xi32>, vector<16xi32>], vector<16xf32>,
      %gather3A_2720 = arith.constant 7 : i32
      %gather3A_2721 = arith.constant 0 : i32
      %gather3A_2722 = arith.constant 0 : i32
      %gather3A_2723 = tpu.memref_slice %arg9[%gather3A_2720, %gather3A_2721, %gather3A_2722] : memref<8x32x128xf32, #tpu.memory_space<vmem>> -> memref<1x32x128xf32, #tpu.memory_space<vmem>>
      %gather3A_2724 = tpu.memref_squeeze %gather3A_2723 : memref<1x32x128xf32, #tpu.memory_space<vmem>> -> memref<32x128xf32, #tpu.memory_space<vmem>>
      %gather3A_2725 = tpu.vector_load_idx %gather3A_2724[%add3A_5, %broadcast_in_dim3A_2710] : memref<32x128xf32, #tpu.memory_space<vmem>>[vector<16xi32>, vector<16xi32>], vector<16xf32>,
      %gather3A_2726 = arith.constant 7 : i32
      %gather3A_2727 = arith.constant 0 : i32
      %gather3A_2728 = arith.constant 0 : i32
      %gather3A_2729 = tpu.memref_slice %arg10[%gather3A_2726, %gather3A_2727, %gather3A_2728] : memref<8x32x128xf32, #tpu.memory_space<vmem>> -> memref<1x32x128xf32, #tpu.memory_space<vmem>>
      %gather3A_2730 = tpu.memref_squeeze %gather3A_2729 : memref<1x32x128xf32, #tpu.memory_space<vmem>> -> memref<32x128xf32, #tpu.memory_space<vmem>>
      %gather3A_2731 = tpu.vector_load_idx %gather3A_2730[%iota3A, %broadcast_in_dim3A_2713] : memref<32x128xf32, #tpu.memory_space<vmem>>[vector<16xi32>, vector<16xi32>], vector<16xf32>,
      %gather3A_2732 = arith.constant 7 : i32
      %gather3A_2733 = arith.constant 0 : i32
      %gather3A_2734 = arith.constant 0 : i32
      %gather3A_2735 = tpu.memref_slice %arg10[%gather3A_2732, %gather3A_2733, %gather3A_2734] : memref<8x32x128xf32, #tpu.memory_space<vmem>> -> memref<1x32x128xf32, #tpu.memory_space<vmem>>
      %gather3A_2736 = tpu.memref_squeeze %gather3A_2735 : memref<1x32x128xf32, #tpu.memory_space<vmem>> -> memref<32x128xf32, #tpu.memory_space<vmem>>
      %gather3A_2737 = tpu.vector_load_idx %gather3A_2736[%add3A_5, %broadcast_in_dim3A_2713] : memref<32x128xf32, #tpu.memory_space<vmem>>[vector<16xi32>, vector<16xi32>], vector<16xf32>,
      %mul3A_2738 = arith.mulf %gather3A_2719, %gather3A_2731 : vector<16xf32>
      %mul3A_2739 = arith.mulf %gather3A_2725, %gather3A_2737 : vector<16xf32>
      %add3A_2740 = arith.addf %mul3A_2738, %mul3A_2739 : vector<16xf32>
      %reduce_sum3A_2741 = arith.constant true
      %reduce_sum3A_2742 = vector.broadcast %reduce_sum3A_2741 : i1 to vector<16xi1>
      %reduce_sum3A_2743 = tpu.scan <sum>, %add3A_2740 masked %reduce_sum3A_2742 : vector<16xf32>, vector<16xi1> -> vector<16xf32>
      %reduce_sum3A_2744 = vector.extract %reduce_sum3A_2743[15] : f32 from vector<16xf32>
      %broadcast_in_dim3A_2745 = vector.broadcast %add3A_2703 : i32 to vector<16xi32>
      %broadcast_in_dim3A_2746 = vector.broadcast %reduce_sum3A_2744 : f32 to vector<16xf32>
      tpu.vector_store_idx %arg11[%broadcast_in_dim3A_2745], %broadcast_in_dim3A_2746 masked %eq3A_7 : memref<512xf32, #tpu.memory_space<vmem>>[vector<16xi32>], vector<16xf32>, vector<16xi1>
      %slice3A_2747 = vector.extract_strided_slice %get3A_1844 {offsets = [15], sizes = [1], strides = [1]} : vector<16xi32> to vector<1xi32>
      %squeeze3A_2748 = vector.extract %slice3A_2747[0] : i32 from vector<1xi32>
      %slice3A_2749 = vector.extract_strided_slice %get3A_1846 {offsets = [15], sizes = [1], strides = [1]} : vector<16xi32> to vector<1xi32>
      %squeeze3A_2750 = vector.extract %slice3A_2749[0] : i32 from vector<1xi32>
      %shift_right_arithmetic3A_2751 = arith.constant 7 : i32
      %shift_right_arithmetic3A_2752 = arith.shrsi %squeeze3A_2748, %shift_right_arithmetic3A_2751 : i32
      %mul3A_2753 = arith.constant 128 : i32
      %mul3A_2754 = arith.muli %shift_right_arithmetic3A_2752, %mul3A_2753 : i32
      %multiple_of3A_2755 = tpu.assume_multiple %mul3A_2754, 128 : i32
      %shift_right_arithmetic3A_2756 = arith.constant 7 : i32
      %shift_right_arithmetic3A_2757 = arith.shrsi %squeeze3A_2750, %shift_right_arithmetic3A_2756 : i32
      %mul3A_2758 = arith.constant 128 : i32
      %mul3A_2759 = arith.muli %shift_right_arithmetic3A_2757, %mul3A_2758 : i32
      %multiple_of3A_2760 = tpu.assume_multiple %mul3A_2759, 128 : i32
      %dma_start3A_2761 = arith.constant 7 : i32
      %dma_start3A_2762 = arith.constant 0 : i32
      %dma_start3A_2763 = arith.constant 0 : i32
      %dma_start3A_2764 = tpu.memref_slice %arg9[%dma_start3A_2761, %dma_start3A_2762, %dma_start3A_2763] : memref<8x32x128xf32, #tpu.memory_space<vmem>> -> memref<1x32x128xf32, #tpu.memory_space<vmem>>
      %dma_start3A_2765 = tpu.memref_squeeze %dma_start3A_2764 : memref<1x32x128xf32, #tpu.memory_space<vmem>> -> memref<32x128xf32, #tpu.memory_space<vmem>>
      %dma_start3A_2766 = arith.constant 0 : i32
      %dma_start3A_2767 = tpu.memref_slice %arg4[%dma_start3A_2766, %multiple_of3A_2755] : memref<32x1000000xf32, #tpu.memory_space<hbm>> -> memref<32x128xf32, #tpu.memory_space<hbm>>
      %dma_start3A_2768 = arith.constant 0 : i32
      %dma_start3A_2769 = arith.constant 0 : i32
      %dma_start3A_2770 = tpu.memref_slice %arg9[%dma_start3A_2761, %dma_start3A_2768, %dma_start3A_2769] : memref<8x32x128xf32, #tpu.memory_space<vmem>> -> memref<1x32x128xf32, #tpu.memory_space<vmem>>
      %dma_start3A_2771 = tpu.memref_squeeze %dma_start3A_2770 : memref<1x32x128xf32, #tpu.memory_space<vmem>> -> memref<32x128xf32, #tpu.memory_space<vmem>>
      %dma_start3A_2772 = arith.constant 0 : i32
      %dma_start3A_2773 = tpu.memref_slice %arg4[%dma_start3A_2772, %multiple_of3A_2755] : memref<32x1000000xf32, #tpu.memory_space<hbm>> -> memref<32x128xf32, #tpu.memory_space<hbm>>
      tpu.enqueue_dma source(%dma_start3A_2773 : memref<32x128xf32, #tpu.memory_space<hbm>>) target(%dma_start3A_2771 : memref<32x128xf32, #tpu.memory_space<vmem>>) target_semaphore(%arg12 : memref<!tpu.dma_semaphore, #tpu.memory_space<semaphore_mem>>)
      %dma_start3A_2774 = arith.constant 7 : i32
      %dma_start3A_2775 = arith.constant 0 : i32
      %dma_start3A_2776 = arith.constant 0 : i32
      %dma_start3A_2777 = tpu.memref_slice %arg10[%dma_start3A_2774, %dma_start3A_2775, %dma_start3A_2776] : memref<8x32x128xf32, #tpu.memory_space<vmem>> -> memref<1x32x128xf32, #tpu.memory_space<vmem>>
      %dma_start3A_2778 = tpu.memref_squeeze %dma_start3A_2777 : memref<1x32x128xf32, #tpu.memory_space<vmem>> -> memref<32x128xf32, #tpu.memory_space<vmem>>
      %dma_start3A_2779 = arith.constant 0 : i32
      %dma_start3A_2780 = tpu.memref_slice %arg5[%dma_start3A_2779, %multiple_of3A_2760] : memref<32x1000000xf32, #tpu.memory_space<hbm>> -> memref<32x128xf32, #tpu.memory_space<hbm>>
      %dma_start3A_2781 = arith.constant 0 : i32
      %dma_start3A_2782 = arith.constant 0 : i32
      %dma_start3A_2783 = tpu.memref_slice %arg10[%dma_start3A_2774, %dma_start3A_2781, %dma_start3A_2782] : memref<8x32x128xf32, #tpu.memory_space<vmem>> -> memref<1x32x128xf32, #tpu.memory_space<vmem>>
      %dma_start3A_2784 = tpu.memref_squeeze %dma_start3A_2783 : memref<1x32x128xf32, #tpu.memory_space<vmem>> -> memref<32x128xf32, #tpu.memory_space<vmem>>
      %dma_start3A_2785 = arith.constant 0 : i32
      %dma_start3A_2786 = tpu.memref_slice %arg5[%dma_start3A_2785, %multiple_of3A_2760] : memref<32x1000000xf32, #tpu.memory_space<hbm>> -> memref<32x128xf32, #tpu.memory_space<hbm>>
      tpu.enqueue_dma source(%dma_start3A_2786 : memref<32x128xf32, #tpu.memory_space<hbm>>) target(%dma_start3A_2784 : memref<32x128xf32, #tpu.memory_space<vmem>>) target_semaphore(%arg13 : memref<!tpu.dma_semaphore, #tpu.memory_space<semaphore_mem>>)
      %dma_wait3A_2787 = arith.constant 0 : i32
      %dma_wait3A_2788 = arith.constant 0 : i32
      %dma_wait3A_2789 = arith.constant 0 : i32
      %dma_wait3A_2790 = tpu.memref_slice %arg9[%dma_wait3A_2787, %dma_wait3A_2788, %dma_wait3A_2789] : memref<8x32x128xf32, #tpu.memory_space<vmem>> -> memref<1x32x128xf32, #tpu.memory_space<vmem>>
      %dma_wait3A_2791 = tpu.memref_squeeze %dma_wait3A_2790 : memref<1x32x128xf32, #tpu.memory_space<vmem>> -> memref<32x128xf32, #tpu.memory_space<vmem>>
      %dma_wait3A_2792 = arith.constant 0 : i32
      %dma_wait3A_2793 = arith.constant 0 : i32
      %dma_wait3A_2794 = tpu.memref_slice %arg4[%dma_wait3A_2792, %dma_wait3A_2793] : memref<32x1000000xf32, #tpu.memory_space<hbm>> -> memref<32x128xf32, #tpu.memory_space<hbm>>
      %dma_wait3A_2795 = arith.constant 0 : i32
      %dma_wait3A_2796 = arith.constant 0 : i32
      %dma_wait3A_2797 = tpu.memref_slice %arg9[%dma_wait3A_2787, %dma_wait3A_2795, %dma_wait3A_2796] : memref<8x32x128xf32, #tpu.memory_space<vmem>> -> memref<1x32x128xf32, #tpu.memory_space<vmem>>
      %dma_wait3A_2798 = tpu.memref_squeeze %dma_wait3A_2797 : memref<1x32x128xf32, #tpu.memory_space<vmem>> -> memref<32x128xf32, #tpu.memory_space<vmem>>
      %dma_wait3A_2799 = arith.constant 0 : i32
      %dma_wait3A_2800 = arith.constant 0 : i32
      %dma_wait3A_2801 = tpu.memref_slice %arg4[%dma_wait3A_2799, %dma_wait3A_2800] : memref<32x1000000xf32, #tpu.memory_space<hbm>> -> memref<32x128xf32, #tpu.memory_space<hbm>>
      tpu.wait_dma2 semaphore(%arg12 : memref<!tpu.dma_semaphore, #tpu.memory_space<semaphore_mem>>) src(%dma_wait3A_2801 : memref<32x128xf32, #tpu.memory_space<hbm>>) dst(%dma_wait3A_2798 : memref<32x128xf32, #tpu.memory_space<vmem>>)
      %dma_wait3A_2802 = arith.constant 0 : i32
      %dma_wait3A_2803 = arith.constant 0 : i32
      %dma_wait3A_2804 = arith.constant 0 : i32
      %dma_wait3A_2805 = tpu.memref_slice %arg10[%dma_wait3A_2802, %dma_wait3A_2803, %dma_wait3A_2804] : memref<8x32x128xf32, #tpu.memory_space<vmem>> -> memref<1x32x128xf32, #tpu.memory_space<vmem>>
      %dma_wait3A_2806 = tpu.memref_squeeze %dma_wait3A_2805 : memref<1x32x128xf32, #tpu.memory_space<vmem>> -> memref<32x128xf32, #tpu.memory_space<vmem>>
      %dma_wait3A_2807 = arith.constant 0 : i32
      %dma_wait3A_2808 = arith.constant 0 : i32
      %dma_wait3A_2809 = tpu.memref_slice %arg5[%dma_wait3A_2807, %dma_wait3A_2808] : memref<32x1000000xf32, #tpu.memory_space<hbm>> -> memref<32x128xf32, #tpu.memory_space<hbm>>
      %dma_wait3A_2810 = arith.constant 0 : i32
      %dma_wait3A_2811 = arith.constant 0 : i32
      %dma_wait3A_2812 = tpu.memref_slice %arg10[%dma_wait3A_2802, %dma_wait3A_2810, %dma_wait3A_2811] : memref<8x32x128xf32, #tpu.memory_space<vmem>> -> memref<1x32x128xf32, #tpu.memory_space<vmem>>
      %dma_wait3A_2813 = tpu.memref_squeeze %dma_wait3A_2812 : memref<1x32x128xf32, #tpu.memory_space<vmem>> -> memref<32x128xf32, #tpu.memory_space<vmem>>
      %dma_wait3A_2814 = arith.constant 0 : i32
      %dma_wait3A_2815 = arith.constant 0 : i32
      %dma_wait3A_2816 = tpu.memref_slice %arg5[%dma_wait3A_2814, %dma_wait3A_2815] : memref<32x1000000xf32, #tpu.memory_space<hbm>> -> memref<32x128xf32, #tpu.memory_space<hbm>>
      tpu.wait_dma2 semaphore(%arg13 : memref<!tpu.dma_semaphore, #tpu.memory_space<semaphore_mem>>) src(%dma_wait3A_2816 : memref<32x128xf32, #tpu.memory_space<hbm>>) dst(%dma_wait3A_2813 : memref<32x128xf32, #tpu.memory_space<vmem>>)
      %mul3A_2817 = arith.constant 16 : i32
      %mul3A_2818 = arith.muli %scan3A_1835, %mul3A_2817 : i32
      %add3A_2819 = arith.constant 8 : i32
      %add3A_2820 = arith.addi %mul3A_2818, %add3A_2819 : i32
      %slice3A_2821 = vector.extract_strided_slice %get3A_1844 {offsets = [8], sizes = [1], strides = [1]} : vector<16xi32> to vector<1xi32>
      %squeeze3A_2822 = vector.extract %slice3A_2821[0] : i32 from vector<1xi32>
      %slice3A_2823 = vector.extract_strided_slice %get3A_1846 {offsets = [8], sizes = [1], strides = [1]} : vector<16xi32> to vector<1xi32>
      %squeeze3A_2824 = vector.extract %slice3A_2823[0] : i32 from vector<1xi32>
      %and3A_2825 = arith.constant 127 : i32
      %and3A_2826 = arith.andi %squeeze3A_2822, %and3A_2825 : i32
      %broadcast_in_dim3A_2827 = vector.broadcast %and3A_2826 : i32 to vector<16xi32>
      %and3A_2828 = arith.constant 127 : i32
      %and3A_2829 = arith.andi %squeeze3A_2824, %and3A_2828 : i32
      %broadcast_in_dim3A_2830 = vector.broadcast %and3A_2829 : i32 to vector<16xi32>
      %gather3A_2831 = arith.constant 0 : i32
      %gather3A_2832 = arith.constant 0 : i32
      %gather3A_2833 = arith.constant 0 : i32
      %gather3A_2834 = tpu.memref_slice %arg9[%gather3A_2831, %gather3A_2832, %gather3A_2833] : memref<8x32x128xf32, #tpu.memory_space<vmem>> -> memref<1x32x128xf32, #tpu.memory_space<vmem>>
      %gather3A_2835 = tpu.memref_squeeze %gather3A_2834 : memref<1x32x128xf32, #tpu.memory_space<vmem>> -> memref<32x128xf32, #tpu.memory_space<vmem>>
      %gather3A_2836 = tpu.vector_load_idx %gather3A_2835[%iota3A, %broadcast_in_dim3A_2827] : memref<32x128xf32, #tpu.memory_space<vmem>>[vector<16xi32>, vector<16xi32>], vector<16xf32>,
      %gather3A_2837 = arith.constant 0 : i32
      %gather3A_2838 = arith.constant 0 : i32
      %gather3A_2839 = arith.constant 0 : i32
      %gather3A_2840 = tpu.memref_slice %arg9[%gather3A_2837, %gather3A_2838, %gather3A_2839] : memref<8x32x128xf32, #tpu.memory_space<vmem>> -> memref<1x32x128xf32, #tpu.memory_space<vmem>>
      %gather3A_2841 = tpu.memref_squeeze %gather3A_2840 : memref<1x32x128xf32, #tpu.memory_space<vmem>> -> memref<32x128xf32, #tpu.memory_space<vmem>>
      %gather3A_2842 = tpu.vector_load_idx %gather3A_2841[%add3A_5, %broadcast_in_dim3A_2827] : memref<32x128xf32, #tpu.memory_space<vmem>>[vector<16xi32>, vector<16xi32>], vector<16xf32>,
      %gather3A_2843 = arith.constant 0 : i32
      %gather3A_2844 = arith.constant 0 : i32
      %gather3A_2845 = arith.constant 0 : i32
      %gather3A_2846 = tpu.memref_slice %arg10[%gather3A_2843, %gather3A_2844, %gather3A_2845] : memref<8x32x128xf32, #tpu.memory_space<vmem>> -> memref<1x32x128xf32, #tpu.memory_space<vmem>>
      %gather3A_2847 = tpu.memref_squeeze %gather3A_2846 : memref<1x32x128xf32, #tpu.memory_space<vmem>> -> memref<32x128xf32, #tpu.memory_space<vmem>>
      %gather3A_2848 = tpu.vector_load_idx %gather3A_2847[%iota3A, %broadcast_in_dim3A_2830] : memref<32x128xf32, #tpu.memory_space<vmem>>[vector<16xi32>, vector<16xi32>], vector<16xf32>,
      %gather3A_2849 = arith.constant 0 : i32
      %gather3A_2850 = arith.constant 0 : i32
      %gather3A_2851 = arith.constant 0 : i32
      %gather3A_2852 = tpu.memref_slice %arg10[%gather3A_2849, %gather3A_2850, %gather3A_2851] : memref<8x32x128xf32, #tpu.memory_space<vmem>> -> memref<1x32x128xf32, #tpu.memory_space<vmem>>
      %gather3A_2853 = tpu.memref_squeeze %gather3A_2852 : memref<1x32x128xf32, #tpu.memory_space<vmem>> -> memref<32x128xf32, #tpu.memory_space<vmem>>
      %gather3A_2854 = tpu.vector_load_idx %gather3A_2853[%add3A_5, %broadcast_in_dim3A_2830] : memref<32x128xf32, #tpu.memory_space<vmem>>[vector<16xi32>, vector<16xi32>], vector<16xf32>,
      %mul3A_2855 = arith.mulf %gather3A_2836, %gather3A_2848 : vector<16xf32>
      %mul3A_2856 = arith.mulf %gather3A_2842, %gather3A_2854 : vector<16xf32>
      %add3A_2857 = arith.addf %mul3A_2855, %mul3A_2856 : vector<16xf32>
      %reduce_sum3A_2858 = arith.constant true
      %reduce_sum3A_2859 = vector.broadcast %reduce_sum3A_2858 : i1 to vector<16xi1>
      %reduce_sum3A_2860 = tpu.scan <sum>, %add3A_2857 masked %reduce_sum3A_2859 : vector<16xf32>, vector<16xi1> -> vector<16xf32>
      %reduce_sum3A_2861 = vector.extract %reduce_sum3A_2860[15] : f32 from vector<16xf32>
      %broadcast_in_dim3A_2862 = vector.broadcast %add3A_2820 : i32 to vector<16xi32>
      %broadcast_in_dim3A_2863 = vector.broadcast %reduce_sum3A_2861 : f32 to vector<16xf32>
      tpu.vector_store_idx %arg11[%broadcast_in_dim3A_2862], %broadcast_in_dim3A_2863 masked %eq3A_7 : memref<512xf32, #tpu.memory_space<vmem>>[vector<16xi32>], vector<16xf32>, vector<16xi1>
      %slice3A_2864 = vector.extract_strided_slice %get3A_1848 {offsets = [0], sizes = [1], strides = [1]} : vector<16xi32> to vector<1xi32>
      %squeeze3A_2865 = vector.extract %slice3A_2864[0] : i32 from vector<1xi32>
      %slice3A_2866 = vector.extract_strided_slice %get3A_1850 {offsets = [0], sizes = [1], strides = [1]} : vector<16xi32> to vector<1xi32>
      %squeeze3A_2867 = vector.extract %slice3A_2866[0] : i32 from vector<1xi32>
      %shift_right_arithmetic3A_2868 = arith.constant 7 : i32
      %shift_right_arithmetic3A_2869 = arith.shrsi %squeeze3A_2865, %shift_right_arithmetic3A_2868 : i32
      %mul3A_2870 = arith.constant 128 : i32
      %mul3A_2871 = arith.muli %shift_right_arithmetic3A_2869, %mul3A_2870 : i32
      %multiple_of3A_2872 = tpu.assume_multiple %mul3A_2871, 128 : i32
      %shift_right_arithmetic3A_2873 = arith.constant 7 : i32
      %shift_right_arithmetic3A_2874 = arith.shrsi %squeeze3A_2867, %shift_right_arithmetic3A_2873 : i32
      %mul3A_2875 = arith.constant 128 : i32
      %mul3A_2876 = arith.muli %shift_right_arithmetic3A_2874, %mul3A_2875 : i32
      %multiple_of3A_2877 = tpu.assume_multiple %mul3A_2876, 128 : i32
      %dma_start3A_2878 = arith.constant 0 : i32
      %dma_start3A_2879 = arith.constant 0 : i32
      %dma_start3A_2880 = arith.constant 0 : i32
      %dma_start3A_2881 = tpu.memref_slice %arg9[%dma_start3A_2878, %dma_start3A_2879, %dma_start3A_2880] : memref<8x32x128xf32, #tpu.memory_space<vmem>> -> memref<1x32x128xf32, #tpu.memory_space<vmem>>
      %dma_start3A_2882 = tpu.memref_squeeze %dma_start3A_2881 : memref<1x32x128xf32, #tpu.memory_space<vmem>> -> memref<32x128xf32, #tpu.memory_space<vmem>>
      %dma_start3A_2883 = arith.constant 0 : i32
      %dma_start3A_2884 = tpu.memref_slice %arg4[%dma_start3A_2883, %multiple_of3A_2872] : memref<32x1000000xf32, #tpu.memory_space<hbm>> -> memref<32x128xf32, #tpu.memory_space<hbm>>
      %dma_start3A_2885 = arith.constant 0 : i32
      %dma_start3A_2886 = arith.constant 0 : i32
      %dma_start3A_2887 = tpu.memref_slice %arg9[%dma_start3A_2878, %dma_start3A_2885, %dma_start3A_2886] : memref<8x32x128xf32, #tpu.memory_space<vmem>> -> memref<1x32x128xf32, #tpu.memory_space<vmem>>
      %dma_start3A_2888 = tpu.memref_squeeze %dma_start3A_2887 : memref<1x32x128xf32, #tpu.memory_space<vmem>> -> memref<32x128xf32, #tpu.memory_space<vmem>>
      %dma_start3A_2889 = arith.constant 0 : i32
      %dma_start3A_2890 = tpu.memref_slice %arg4[%dma_start3A_2889, %multiple_of3A_2872] : memref<32x1000000xf32, #tpu.memory_space<hbm>> -> memref<32x128xf32, #tpu.memory_space<hbm>>
      tpu.enqueue_dma source(%dma_start3A_2890 : memref<32x128xf32, #tpu.memory_space<hbm>>) target(%dma_start3A_2888 : memref<32x128xf32, #tpu.memory_space<vmem>>) target_semaphore(%arg12 : memref<!tpu.dma_semaphore, #tpu.memory_space<semaphore_mem>>)
      %dma_start3A_2891 = arith.constant 0 : i32
      %dma_start3A_2892 = arith.constant 0 : i32
      %dma_start3A_2893 = arith.constant 0 : i32
      %dma_start3A_2894 = tpu.memref_slice %arg10[%dma_start3A_2891, %dma_start3A_2892, %dma_start3A_2893] : memref<8x32x128xf32, #tpu.memory_space<vmem>> -> memref<1x32x128xf32, #tpu.memory_space<vmem>>
      %dma_start3A_2895 = tpu.memref_squeeze %dma_start3A_2894 : memref<1x32x128xf32, #tpu.memory_space<vmem>> -> memref<32x128xf32, #tpu.memory_space<vmem>>
      %dma_start3A_2896 = arith.constant 0 : i32
      %dma_start3A_2897 = tpu.memref_slice %arg5[%dma_start3A_2896, %multiple_of3A_2877] : memref<32x1000000xf32, #tpu.memory_space<hbm>> -> memref<32x128xf32, #tpu.memory_space<hbm>>
      %dma_start3A_2898 = arith.constant 0 : i32
      %dma_start3A_2899 = arith.constant 0 : i32
      %dma_start3A_2900 = tpu.memref_slice %arg10[%dma_start3A_2891, %dma_start3A_2898, %dma_start3A_2899] : memref<8x32x128xf32, #tpu.memory_space<vmem>> -> memref<1x32x128xf32, #tpu.memory_space<vmem>>
      %dma_start3A_2901 = tpu.memref_squeeze %dma_start3A_2900 : memref<1x32x128xf32, #tpu.memory_space<vmem>> -> memref<32x128xf32, #tpu.memory_space<vmem>>
      %dma_start3A_2902 = arith.constant 0 : i32
      %dma_start3A_2903 = tpu.memref_slice %arg5[%dma_start3A_2902, %multiple_of3A_2877] : memref<32x1000000xf32, #tpu.memory_space<hbm>> -> memref<32x128xf32, #tpu.memory_space<hbm>>
      tpu.enqueue_dma source(%dma_start3A_2903 : memref<32x128xf32, #tpu.memory_space<hbm>>) target(%dma_start3A_2901 : memref<32x128xf32, #tpu.memory_space<vmem>>) target_semaphore(%arg13 : memref<!tpu.dma_semaphore, #tpu.memory_space<semaphore_mem>>)
      %dma_wait3A_2904 = arith.constant 1 : i32
      %dma_wait3A_2905 = arith.constant 0 : i32
      %dma_wait3A_2906 = arith.constant 0 : i32
      %dma_wait3A_2907 = tpu.memref_slice %arg9[%dma_wait3A_2904, %dma_wait3A_2905, %dma_wait3A_2906] : memref<8x32x128xf32, #tpu.memory_space<vmem>> -> memref<1x32x128xf32, #tpu.memory_space<vmem>>
      %dma_wait3A_2908 = tpu.memref_squeeze %dma_wait3A_2907 : memref<1x32x128xf32, #tpu.memory_space<vmem>> -> memref<32x128xf32, #tpu.memory_space<vmem>>
      %dma_wait3A_2909 = arith.constant 0 : i32
      %dma_wait3A_2910 = arith.constant 0 : i32
      %dma_wait3A_2911 = tpu.memref_slice %arg4[%dma_wait3A_2909, %dma_wait3A_2910] : memref<32x1000000xf32, #tpu.memory_space<hbm>> -> memref<32x128xf32, #tpu.memory_space<hbm>>
      %dma_wait3A_2912 = arith.constant 0 : i32
      %dma_wait3A_2913 = arith.constant 0 : i32
      %dma_wait3A_2914 = tpu.memref_slice %arg9[%dma_wait3A_2904, %dma_wait3A_2912, %dma_wait3A_2913] : memref<8x32x128xf32, #tpu.memory_space<vmem>> -> memref<1x32x128xf32, #tpu.memory_space<vmem>>
      %dma_wait3A_2915 = tpu.memref_squeeze %dma_wait3A_2914 : memref<1x32x128xf32, #tpu.memory_space<vmem>> -> memref<32x128xf32, #tpu.memory_space<vmem>>
      %dma_wait3A_2916 = arith.constant 0 : i32
      %dma_wait3A_2917 = arith.constant 0 : i32
      %dma_wait3A_2918 = tpu.memref_slice %arg4[%dma_wait3A_2916, %dma_wait3A_2917] : memref<32x1000000xf32, #tpu.memory_space<hbm>> -> memref<32x128xf32, #tpu.memory_space<hbm>>
      tpu.wait_dma2 semaphore(%arg12 : memref<!tpu.dma_semaphore, #tpu.memory_space<semaphore_mem>>) src(%dma_wait3A_2918 : memref<32x128xf32, #tpu.memory_space<hbm>>) dst(%dma_wait3A_2915 : memref<32x128xf32, #tpu.memory_space<vmem>>)
      %dma_wait3A_2919 = arith.constant 1 : i32
      %dma_wait3A_2920 = arith.constant 0 : i32
      %dma_wait3A_2921 = arith.constant 0 : i32
      %dma_wait3A_2922 = tpu.memref_slice %arg10[%dma_wait3A_2919, %dma_wait3A_2920, %dma_wait3A_2921] : memref<8x32x128xf32, #tpu.memory_space<vmem>> -> memref<1x32x128xf32, #tpu.memory_space<vmem>>
      %dma_wait3A_2923 = tpu.memref_squeeze %dma_wait3A_2922 : memref<1x32x128xf32, #tpu.memory_space<vmem>> -> memref<32x128xf32, #tpu.memory_space<vmem>>
      %dma_wait3A_2924 = arith.constant 0 : i32
      %dma_wait3A_2925 = arith.constant 0 : i32
      %dma_wait3A_2926 = tpu.memref_slice %arg5[%dma_wait3A_2924, %dma_wait3A_2925] : memref<32x1000000xf32, #tpu.memory_space<hbm>> -> memref<32x128xf32, #tpu.memory_space<hbm>>
      %dma_wait3A_2927 = arith.constant 0 : i32
      %dma_wait3A_2928 = arith.constant 0 : i32
      %dma_wait3A_2929 = tpu.memref_slice %arg10[%dma_wait3A_2919, %dma_wait3A_2927, %dma_wait3A_2928] : memref<8x32x128xf32, #tpu.memory_space<vmem>> -> memref<1x32x128xf32, #tpu.memory_space<vmem>>
      %dma_wait3A_2930 = tpu.memref_squeeze %dma_wait3A_2929 : memref<1x32x128xf32, #tpu.memory_space<vmem>> -> memref<32x128xf32, #tpu.memory_space<vmem>>
      %dma_wait3A_2931 = arith.constant 0 : i32
      %dma_wait3A_2932 = arith.constant 0 : i32
      %dma_wait3A_2933 = tpu.memref_slice %arg5[%dma_wait3A_2931, %dma_wait3A_2932] : memref<32x1000000xf32, #tpu.memory_space<hbm>> -> memref<32x128xf32, #tpu.memory_space<hbm>>
      tpu.wait_dma2 semaphore(%arg13 : memref<!tpu.dma_semaphore, #tpu.memory_space<semaphore_mem>>) src(%dma_wait3A_2933 : memref<32x128xf32, #tpu.memory_space<hbm>>) dst(%dma_wait3A_2930 : memref<32x128xf32, #tpu.memory_space<vmem>>)
      %mul3A_2934 = arith.constant 16 : i32
      %mul3A_2935 = arith.muli %scan3A_1835, %mul3A_2934 : i32
      %add3A_2936 = arith.constant 9 : i32
      %add3A_2937 = arith.addi %mul3A_2935, %add3A_2936 : i32
      %slice3A_2938 = vector.extract_strided_slice %get3A_1844 {offsets = [9], sizes = [1], strides = [1]} : vector<16xi32> to vector<1xi32>
      %squeeze3A_2939 = vector.extract %slice3A_2938[0] : i32 from vector<1xi32>
      %slice3A_2940 = vector.extract_strided_slice %get3A_1846 {offsets = [9], sizes = [1], strides = [1]} : vector<16xi32> to vector<1xi32>
      %squeeze3A_2941 = vector.extract %slice3A_2940[0] : i32 from vector<1xi32>
      %and3A_2942 = arith.constant 127 : i32
      %and3A_2943 = arith.andi %squeeze3A_2939, %and3A_2942 : i32
      %broadcast_in_dim3A_2944 = vector.broadcast %and3A_2943 : i32 to vector<16xi32>
      %and3A_2945 = arith.constant 127 : i32
      %and3A_2946 = arith.andi %squeeze3A_2941, %and3A_2945 : i32
      %broadcast_in_dim3A_2947 = vector.broadcast %and3A_2946 : i32 to vector<16xi32>
      %gather3A_2948 = arith.constant 1 : i32
      %gather3A_2949 = arith.constant 0 : i32
      %gather3A_2950 = arith.constant 0 : i32
      %gather3A_2951 = tpu.memref_slice %arg9[%gather3A_2948, %gather3A_2949, %gather3A_2950] : memref<8x32x128xf32, #tpu.memory_space<vmem>> -> memref<1x32x128xf32, #tpu.memory_space<vmem>>
      %gather3A_2952 = tpu.memref_squeeze %gather3A_2951 : memref<1x32x128xf32, #tpu.memory_space<vmem>> -> memref<32x128xf32, #tpu.memory_space<vmem>>
      %gather3A_2953 = tpu.vector_load_idx %gather3A_2952[%iota3A, %broadcast_in_dim3A_2944] : memref<32x128xf32, #tpu.memory_space<vmem>>[vector<16xi32>, vector<16xi32>], vector<16xf32>,
      %gather3A_2954 = arith.constant 1 : i32
      %gather3A_2955 = arith.constant 0 : i32
      %gather3A_2956 = arith.constant 0 : i32
      %gather3A_2957 = tpu.memref_slice %arg9[%gather3A_2954, %gather3A_2955, %gather3A_2956] : memref<8x32x128xf32, #tpu.memory_space<vmem>> -> memref<1x32x128xf32, #tpu.memory_space<vmem>>
      %gather3A_2958 = tpu.memref_squeeze %gather3A_2957 : memref<1x32x128xf32, #tpu.memory_space<vmem>> -> memref<32x128xf32, #tpu.memory_space<vmem>>
      %gather3A_2959 = tpu.vector_load_idx %gather3A_2958[%add3A_5, %broadcast_in_dim3A_2944] : memref<32x128xf32, #tpu.memory_space<vmem>>[vector<16xi32>, vector<16xi32>], vector<16xf32>,
      %gather3A_2960 = arith.constant 1 : i32
      %gather3A_2961 = arith.constant 0 : i32
      %gather3A_2962 = arith.constant 0 : i32
      %gather3A_2963 = tpu.memref_slice %arg10[%gather3A_2960, %gather3A_2961, %gather3A_2962] : memref<8x32x128xf32, #tpu.memory_space<vmem>> -> memref<1x32x128xf32, #tpu.memory_space<vmem>>
      %gather3A_2964 = tpu.memref_squeeze %gather3A_2963 : memref<1x32x128xf32, #tpu.memory_space<vmem>> -> memref<32x128xf32, #tpu.memory_space<vmem>>
      %gather3A_2965 = tpu.vector_load_idx %gather3A_2964[%iota3A, %broadcast_in_dim3A_2947] : memref<32x128xf32, #tpu.memory_space<vmem>>[vector<16xi32>, vector<16xi32>], vector<16xf32>,
      %gather3A_2966 = arith.constant 1 : i32
      %gather3A_2967 = arith.constant 0 : i32
      %gather3A_2968 = arith.constant 0 : i32
      %gather3A_2969 = tpu.memref_slice %arg10[%gather3A_2966, %gather3A_2967, %gather3A_2968] : memref<8x32x128xf32, #tpu.memory_space<vmem>> -> memref<1x32x128xf32, #tpu.memory_space<vmem>>
      %gather3A_2970 = tpu.memref_squeeze %gather3A_2969 : memref<1x32x128xf32, #tpu.memory_space<vmem>> -> memref<32x128xf32, #tpu.memory_space<vmem>>
      %gather3A_2971 = tpu.vector_load_idx %gather3A_2970[%add3A_5, %broadcast_in_dim3A_2947] : memref<32x128xf32, #tpu.memory_space<vmem>>[vector<16xi32>, vector<16xi32>], vector<16xf32>,
      %mul3A_2972 = arith.mulf %gather3A_2953, %gather3A_2965 : vector<16xf32>
      %mul3A_2973 = arith.mulf %gather3A_2959, %gather3A_2971 : vector<16xf32>
      %add3A_2974 = arith.addf %mul3A_2972, %mul3A_2973 : vector<16xf32>
      %reduce_sum3A_2975 = arith.constant true
      %reduce_sum3A_2976 = vector.broadcast %reduce_sum3A_2975 : i1 to vector<16xi1>
      %reduce_sum3A_2977 = tpu.scan <sum>, %add3A_2974 masked %reduce_sum3A_2976 : vector<16xf32>, vector<16xi1> -> vector<16xf32>
      %reduce_sum3A_2978 = vector.extract %reduce_sum3A_2977[15] : f32 from vector<16xf32>
      %broadcast_in_dim3A_2979 = vector.broadcast %add3A_2937 : i32 to vector<16xi32>
      %broadcast_in_dim3A_2980 = vector.broadcast %reduce_sum3A_2978 : f32 to vector<16xf32>
      tpu.vector_store_idx %arg11[%broadcast_in_dim3A_2979], %broadcast_in_dim3A_2980 masked %eq3A_7 : memref<512xf32, #tpu.memory_space<vmem>>[vector<16xi32>], vector<16xf32>, vector<16xi1>
      %slice3A_2981 = vector.extract_strided_slice %get3A_1848 {offsets = [1], sizes = [1], strides = [1]} : vector<16xi32> to vector<1xi32>
      %squeeze3A_2982 = vector.extract %slice3A_2981[0] : i32 from vector<1xi32>
      %slice3A_2983 = vector.extract_strided_slice %get3A_1850 {offsets = [1], sizes = [1], strides = [1]} : vector<16xi32> to vector<1xi32>
      %squeeze3A_2984 = vector.extract %slice3A_2983[0] : i32 from vector<1xi32>
      %shift_right_arithmetic3A_2985 = arith.constant 7 : i32
      %shift_right_arithmetic3A_2986 = arith.shrsi %squeeze3A_2982, %shift_right_arithmetic3A_2985 : i32
      %mul3A_2987 = arith.constant 128 : i32
      %mul3A_2988 = arith.muli %shift_right_arithmetic3A_2986, %mul3A_2987 : i32
      %multiple_of3A_2989 = tpu.assume_multiple %mul3A_2988, 128 : i32
      %shift_right_arithmetic3A_2990 = arith.constant 7 : i32
      %shift_right_arithmetic3A_2991 = arith.shrsi %squeeze3A_2984, %shift_right_arithmetic3A_2990 : i32
      %mul3A_2992 = arith.constant 128 : i32
      %mul3A_2993 = arith.muli %shift_right_arithmetic3A_2991, %mul3A_2992 : i32
      %multiple_of3A_2994 = tpu.assume_multiple %mul3A_2993, 128 : i32
      %dma_start3A_2995 = arith.constant 1 : i32
      %dma_start3A_2996 = arith.constant 0 : i32
      %dma_start3A_2997 = arith.constant 0 : i32
      %dma_start3A_2998 = tpu.memref_slice %arg9[%dma_start3A_2995, %dma_start3A_2996, %dma_start3A_2997] : memref<8x32x128xf32, #tpu.memory_space<vmem>> -> memref<1x32x128xf32, #tpu.memory_space<vmem>>
      %dma_start3A_2999 = tpu.memref_squeeze %dma_start3A_2998 : memref<1x32x128xf32, #tpu.memory_space<vmem>> -> memref<32x128xf32, #tpu.memory_space<vmem>>
      %dma_start3A_3000 = arith.constant 0 : i32
      %dma_start3A_3001 = tpu.memref_slice %arg4[%dma_start3A_3000, %multiple_of3A_2989] : memref<32x1000000xf32, #tpu.memory_space<hbm>> -> memref<32x128xf32, #tpu.memory_space<hbm>>
      %dma_start3A_3002 = arith.constant 0 : i32
      %dma_start3A_3003 = arith.constant 0 : i32
      %dma_start3A_3004 = tpu.memref_slice %arg9[%dma_start3A_2995, %dma_start3A_3002, %dma_start3A_3003] : memref<8x32x128xf32, #tpu.memory_space<vmem>> -> memref<1x32x128xf32, #tpu.memory_space<vmem>>
      %dma_start3A_3005 = tpu.memref_squeeze %dma_start3A_3004 : memref<1x32x128xf32, #tpu.memory_space<vmem>> -> memref<32x128xf32, #tpu.memory_space<vmem>>
      %dma_start3A_3006 = arith.constant 0 : i32
      %dma_start3A_3007 = tpu.memref_slice %arg4[%dma_start3A_3006, %multiple_of3A_2989] : memref<32x1000000xf32, #tpu.memory_space<hbm>> -> memref<32x128xf32, #tpu.memory_space<hbm>>
      tpu.enqueue_dma source(%dma_start3A_3007 : memref<32x128xf32, #tpu.memory_space<hbm>>) target(%dma_start3A_3005 : memref<32x128xf32, #tpu.memory_space<vmem>>) target_semaphore(%arg12 : memref<!tpu.dma_semaphore, #tpu.memory_space<semaphore_mem>>)
      %dma_start3A_3008 = arith.constant 1 : i32
      %dma_start3A_3009 = arith.constant 0 : i32
      %dma_start3A_3010 = arith.constant 0 : i32
      %dma_start3A_3011 = tpu.memref_slice %arg10[%dma_start3A_3008, %dma_start3A_3009, %dma_start3A_3010] : memref<8x32x128xf32, #tpu.memory_space<vmem>> -> memref<1x32x128xf32, #tpu.memory_space<vmem>>
      %dma_start3A_3012 = tpu.memref_squeeze %dma_start3A_3011 : memref<1x32x128xf32, #tpu.memory_space<vmem>> -> memref<32x128xf32, #tpu.memory_space<vmem>>
      %dma_start3A_3013 = arith.constant 0 : i32
      %dma_start3A_3014 = tpu.memref_slice %arg5[%dma_start3A_3013, %multiple_of3A_2994] : memref<32x1000000xf32, #tpu.memory_space<hbm>> -> memref<32x128xf32, #tpu.memory_space<hbm>>
      %dma_start3A_3015 = arith.constant 0 : i32
      %dma_start3A_3016 = arith.constant 0 : i32
      %dma_start3A_3017 = tpu.memref_slice %arg10[%dma_start3A_3008, %dma_start3A_3015, %dma_start3A_3016] : memref<8x32x128xf32, #tpu.memory_space<vmem>> -> memref<1x32x128xf32, #tpu.memory_space<vmem>>
      %dma_start3A_3018 = tpu.memref_squeeze %dma_start3A_3017 : memref<1x32x128xf32, #tpu.memory_space<vmem>> -> memref<32x128xf32, #tpu.memory_space<vmem>>
      %dma_start3A_3019 = arith.constant 0 : i32
      %dma_start3A_3020 = tpu.memref_slice %arg5[%dma_start3A_3019, %multiple_of3A_2994] : memref<32x1000000xf32, #tpu.memory_space<hbm>> -> memref<32x128xf32, #tpu.memory_space<hbm>>
      tpu.enqueue_dma source(%dma_start3A_3020 : memref<32x128xf32, #tpu.memory_space<hbm>>) target(%dma_start3A_3018 : memref<32x128xf32, #tpu.memory_space<vmem>>) target_semaphore(%arg13 : memref<!tpu.dma_semaphore, #tpu.memory_space<semaphore_mem>>)
      %dma_wait3A_3021 = arith.constant 2 : i32
      %dma_wait3A_3022 = arith.constant 0 : i32
      %dma_wait3A_3023 = arith.constant 0 : i32
      %dma_wait3A_3024 = tpu.memref_slice %arg9[%dma_wait3A_3021, %dma_wait3A_3022, %dma_wait3A_3023] : memref<8x32x128xf32, #tpu.memory_space<vmem>> -> memref<1x32x128xf32, #tpu.memory_space<vmem>>
      %dma_wait3A_3025 = tpu.memref_squeeze %dma_wait3A_3024 : memref<1x32x128xf32, #tpu.memory_space<vmem>> -> memref<32x128xf32, #tpu.memory_space<vmem>>
      %dma_wait3A_3026 = arith.constant 0 : i32
      %dma_wait3A_3027 = arith.constant 0 : i32
      %dma_wait3A_3028 = tpu.memref_slice %arg4[%dma_wait3A_3026, %dma_wait3A_3027] : memref<32x1000000xf32, #tpu.memory_space<hbm>> -> memref<32x128xf32, #tpu.memory_space<hbm>>
      %dma_wait3A_3029 = arith.constant 0 : i32
      %dma_wait3A_3030 = arith.constant 0 : i32
      %dma_wait3A_3031 = tpu.memref_slice %arg9[%dma_wait3A_3021, %dma_wait3A_3029, %dma_wait3A_3030] : memref<8x32x128xf32, #tpu.memory_space<vmem>> -> memref<1x32x128xf32, #tpu.memory_space<vmem>>
      %dma_wait3A_3032 = tpu.memref_squeeze %dma_wait3A_3031 : memref<1x32x128xf32, #tpu.memory_space<vmem>> -> memref<32x128xf32, #tpu.memory_space<vmem>>
      %dma_wait3A_3033 = arith.constant 0 : i32
      %dma_wait3A_3034 = arith.constant 0 : i32
      %dma_wait3A_3035 = tpu.memref_slice %arg4[%dma_wait3A_3033, %dma_wait3A_3034] : memref<32x1000000xf32, #tpu.memory_space<hbm>> -> memref<32x128xf32, #tpu.memory_space<hbm>>
      tpu.wait_dma2 semaphore(%arg12 : memref<!tpu.dma_semaphore, #tpu.memory_space<semaphore_mem>>) src(%dma_wait3A_3035 : memref<32x128xf32, #tpu.memory_space<hbm>>) dst(%dma_wait3A_3032 : memref<32x128xf32, #tpu.memory_space<vmem>>)
      %dma_wait3A_3036 = arith.constant 2 : i32
      %dma_wait3A_3037 = arith.constant 0 : i32
      %dma_wait3A_3038 = arith.constant 0 : i32
      %dma_wait3A_3039 = tpu.memref_slice %arg10[%dma_wait3A_3036, %dma_wait3A_3037, %dma_wait3A_3038] : memref<8x32x128xf32, #tpu.memory_space<vmem>> -> memref<1x32x128xf32, #tpu.memory_space<vmem>>
      %dma_wait3A_3040 = tpu.memref_squeeze %dma_wait3A_3039 : memref<1x32x128xf32, #tpu.memory_space<vmem>> -> memref<32x128xf32, #tpu.memory_space<vmem>>
      %dma_wait3A_3041 = arith.constant 0 : i32
      %dma_wait3A_3042 = arith.constant 0 : i32
      %dma_wait3A_3043 = tpu.memref_slice %arg5[%dma_wait3A_3041, %dma_wait3A_3042] : memref<32x1000000xf32, #tpu.memory_space<hbm>> -> memref<32x128xf32, #tpu.memory_space<hbm>>
      %dma_wait3A_3044 = arith.constant 0 : i32
      %dma_wait3A_3045 = arith.constant 0 : i32
      %dma_wait3A_3046 = tpu.memref_slice %arg10[%dma_wait3A_3036, %dma_wait3A_3044, %dma_wait3A_3045] : memref<8x32x128xf32, #tpu.memory_space<vmem>> -> memref<1x32x128xf32, #tpu.memory_space<vmem>>
      %dma_wait3A_3047 = tpu.memref_squeeze %dma_wait3A_3046 : memref<1x32x128xf32, #tpu.memory_space<vmem>> -> memref<32x128xf32, #tpu.memory_space<vmem>>
      %dma_wait3A_3048 = arith.constant 0 : i32
      %dma_wait3A_3049 = arith.constant 0 : i32
      %dma_wait3A_3050 = tpu.memref_slice %arg5[%dma_wait3A_3048, %dma_wait3A_3049] : memref<32x1000000xf32, #tpu.memory_space<hbm>> -> memref<32x128xf32, #tpu.memory_space<hbm>>
      tpu.wait_dma2 semaphore(%arg13 : memref<!tpu.dma_semaphore, #tpu.memory_space<semaphore_mem>>) src(%dma_wait3A_3050 : memref<32x128xf32, #tpu.memory_space<hbm>>) dst(%dma_wait3A_3047 : memref<32x128xf32, #tpu.memory_space<vmem>>)
      %mul3A_3051 = arith.constant 16 : i32
      %mul3A_3052 = arith.muli %scan3A_1835, %mul3A_3051 : i32
      %add3A_3053 = arith.constant 10 : i32
      %add3A_3054 = arith.addi %mul3A_3052, %add3A_3053 : i32
      %slice3A_3055 = vector.extract_strided_slice %get3A_1844 {offsets = [10], sizes = [1], strides = [1]} : vector<16xi32> to vector<1xi32>
      %squeeze3A_3056 = vector.extract %slice3A_3055[0] : i32 from vector<1xi32>
      %slice3A_3057 = vector.extract_strided_slice %get3A_1846 {offsets = [10], sizes = [1], strides = [1]} : vector<16xi32> to vector<1xi32>
      %squeeze3A_3058 = vector.extract %slice3A_3057[0] : i32 from vector<1xi32>
      %and3A_3059 = arith.constant 127 : i32
      %and3A_3060 = arith.andi %squeeze3A_3056, %and3A_3059 : i32
      %broadcast_in_dim3A_3061 = vector.broadcast %and3A_3060 : i32 to vector<16xi32>
      %and3A_3062 = arith.constant 127 : i32
      %and3A_3063 = arith.andi %squeeze3A_3058, %and3A_3062 : i32
      %broadcast_in_dim3A_3064 = vector.broadcast %and3A_3063 : i32 to vector<16xi32>
      %gather3A_3065 = arith.constant 2 : i32
      %gather3A_3066 = arith.constant 0 : i32
      %gather3A_3067 = arith.constant 0 : i32
      %gather3A_3068 = tpu.memref_slice %arg9[%gather3A_3065, %gather3A_3066, %gather3A_3067] : memref<8x32x128xf32, #tpu.memory_space<vmem>> -> memref<1x32x128xf32, #tpu.memory_space<vmem>>
      %gather3A_3069 = tpu.memref_squeeze %gather3A_3068 : memref<1x32x128xf32, #tpu.memory_space<vmem>> -> memref<32x128xf32, #tpu.memory_space<vmem>>
      %gather3A_3070 = tpu.vector_load_idx %gather3A_3069[%iota3A, %broadcast_in_dim3A_3061] : memref<32x128xf32, #tpu.memory_space<vmem>>[vector<16xi32>, vector<16xi32>], vector<16xf32>,
      %gather3A_3071 = arith.constant 2 : i32
      %gather3A_3072 = arith.constant 0 : i32
      %gather3A_3073 = arith.constant 0 : i32
      %gather3A_3074 = tpu.memref_slice %arg9[%gather3A_3071, %gather3A_3072, %gather3A_3073] : memref<8x32x128xf32, #tpu.memory_space<vmem>> -> memref<1x32x128xf32, #tpu.memory_space<vmem>>
      %gather3A_3075 = tpu.memref_squeeze %gather3A_3074 : memref<1x32x128xf32, #tpu.memory_space<vmem>> -> memref<32x128xf32, #tpu.memory_space<vmem>>
      %gather3A_3076 = tpu.vector_load_idx %gather3A_3075[%add3A_5, %broadcast_in_dim3A_3061] : memref<32x128xf32, #tpu.memory_space<vmem>>[vector<16xi32>, vector<16xi32>], vector<16xf32>,
      %gather3A_3077 = arith.constant 2 : i32
      %gather3A_3078 = arith.constant 0 : i32
      %gather3A_3079 = arith.constant 0 : i32
      %gather3A_3080 = tpu.memref_slice %arg10[%gather3A_3077, %gather3A_3078, %gather3A_3079] : memref<8x32x128xf32, #tpu.memory_space<vmem>> -> memref<1x32x128xf32, #tpu.memory_space<vmem>>
      %gather3A_3081 = tpu.memref_squeeze %gather3A_3080 : memref<1x32x128xf32, #tpu.memory_space<vmem>> -> memref<32x128xf32, #tpu.memory_space<vmem>>
      %gather3A_3082 = tpu.vector_load_idx %gather3A_3081[%iota3A, %broadcast_in_dim3A_3064] : memref<32x128xf32, #tpu.memory_space<vmem>>[vector<16xi32>, vector<16xi32>], vector<16xf32>,
      %gather3A_3083 = arith.constant 2 : i32
      %gather3A_3084 = arith.constant 0 : i32
      %gather3A_3085 = arith.constant 0 : i32
      %gather3A_3086 = tpu.memref_slice %arg10[%gather3A_3083, %gather3A_3084, %gather3A_3085] : memref<8x32x128xf32, #tpu.memory_space<vmem>> -> memref<1x32x128xf32, #tpu.memory_space<vmem>>
      %gather3A_3087 = tpu.memref_squeeze %gather3A_3086 : memref<1x32x128xf32, #tpu.memory_space<vmem>> -> memref<32x128xf32, #tpu.memory_space<vmem>>
      %gather3A_3088 = tpu.vector_load_idx %gather3A_3087[%add3A_5, %broadcast_in_dim3A_3064] : memref<32x128xf32, #tpu.memory_space<vmem>>[vector<16xi32>, vector<16xi32>], vector<16xf32>,
      %mul3A_3089 = arith.mulf %gather3A_3070, %gather3A_3082 : vector<16xf32>
      %mul3A_3090 = arith.mulf %gather3A_3076, %gather3A_3088 : vector<16xf32>
      %add3A_3091 = arith.addf %mul3A_3089, %mul3A_3090 : vector<16xf32>
      %reduce_sum3A_3092 = arith.constant true
      %reduce_sum3A_3093 = vector.broadcast %reduce_sum3A_3092 : i1 to vector<16xi1>
      %reduce_sum3A_3094 = tpu.scan <sum>, %add3A_3091 masked %reduce_sum3A_3093 : vector<16xf32>, vector<16xi1> -> vector<16xf32>
      %reduce_sum3A_3095 = vector.extract %reduce_sum3A_3094[15] : f32 from vector<16xf32>
      %broadcast_in_dim3A_3096 = vector.broadcast %add3A_3054 : i32 to vector<16xi32>
      %broadcast_in_dim3A_3097 = vector.broadcast %reduce_sum3A_3095 : f32 to vector<16xf32>
      tpu.vector_store_idx %arg11[%broadcast_in_dim3A_3096], %broadcast_in_dim3A_3097 masked %eq3A_7 : memref<512xf32, #tpu.memory_space<vmem>>[vector<16xi32>], vector<16xf32>, vector<16xi1>
      %slice3A_3098 = vector.extract_strided_slice %get3A_1848 {offsets = [2], sizes = [1], strides = [1]} : vector<16xi32> to vector<1xi32>
      %squeeze3A_3099 = vector.extract %slice3A_3098[0] : i32 from vector<1xi32>
      %slice3A_3100 = vector.extract_strided_slice %get3A_1850 {offsets = [2], sizes = [1], strides = [1]} : vector<16xi32> to vector<1xi32>
      %squeeze3A_3101 = vector.extract %slice3A_3100[0] : i32 from vector<1xi32>
      %shift_right_arithmetic3A_3102 = arith.constant 7 : i32
      %shift_right_arithmetic3A_3103 = arith.shrsi %squeeze3A_3099, %shift_right_arithmetic3A_3102 : i32
      %mul3A_3104 = arith.constant 128 : i32
      %mul3A_3105 = arith.muli %shift_right_arithmetic3A_3103, %mul3A_3104 : i32
      %multiple_of3A_3106 = tpu.assume_multiple %mul3A_3105, 128 : i32
      %shift_right_arithmetic3A_3107 = arith.constant 7 : i32
      %shift_right_arithmetic3A_3108 = arith.shrsi %squeeze3A_3101, %shift_right_arithmetic3A_3107 : i32
      %mul3A_3109 = arith.constant 128 : i32
      %mul3A_3110 = arith.muli %shift_right_arithmetic3A_3108, %mul3A_3109 : i32
      %multiple_of3A_3111 = tpu.assume_multiple %mul3A_3110, 128 : i32
      %dma_start3A_3112 = arith.constant 2 : i32
      %dma_start3A_3113 = arith.constant 0 : i32
      %dma_start3A_3114 = arith.constant 0 : i32
      %dma_start3A_3115 = tpu.memref_slice %arg9[%dma_start3A_3112, %dma_start3A_3113, %dma_start3A_3114] : memref<8x32x128xf32, #tpu.memory_space<vmem>> -> memref<1x32x128xf32, #tpu.memory_space<vmem>>
      %dma_start3A_3116 = tpu.memref_squeeze %dma_start3A_3115 : memref<1x32x128xf32, #tpu.memory_space<vmem>> -> memref<32x128xf32, #tpu.memory_space<vmem>>
      %dma_start3A_3117 = arith.constant 0 : i32
      %dma_start3A_3118 = tpu.memref_slice %arg4[%dma_start3A_3117, %multiple_of3A_3106] : memref<32x1000000xf32, #tpu.memory_space<hbm>> -> memref<32x128xf32, #tpu.memory_space<hbm>>
      %dma_start3A_3119 = arith.constant 0 : i32
      %dma_start3A_3120 = arith.constant 0 : i32
      %dma_start3A_3121 = tpu.memref_slice %arg9[%dma_start3A_3112, %dma_start3A_3119, %dma_start3A_3120] : memref<8x32x128xf32, #tpu.memory_space<vmem>> -> memref<1x32x128xf32, #tpu.memory_space<vmem>>
      %dma_start3A_3122 = tpu.memref_squeeze %dma_start3A_3121 : memref<1x32x128xf32, #tpu.memory_space<vmem>> -> memref<32x128xf32, #tpu.memory_space<vmem>>
      %dma_start3A_3123 = arith.constant 0 : i32
      %dma_start3A_3124 = tpu.memref_slice %arg4[%dma_start3A_3123, %multiple_of3A_3106] : memref<32x1000000xf32, #tpu.memory_space<hbm>> -> memref<32x128xf32, #tpu.memory_space<hbm>>
      tpu.enqueue_dma source(%dma_start3A_3124 : memref<32x128xf32, #tpu.memory_space<hbm>>) target(%dma_start3A_3122 : memref<32x128xf32, #tpu.memory_space<vmem>>) target_semaphore(%arg12 : memref<!tpu.dma_semaphore, #tpu.memory_space<semaphore_mem>>)
      %dma_start3A_3125 = arith.constant 2 : i32
      %dma_start3A_3126 = arith.constant 0 : i32
      %dma_start3A_3127 = arith.constant 0 : i32
      %dma_start3A_3128 = tpu.memref_slice %arg10[%dma_start3A_3125, %dma_start3A_3126, %dma_start3A_3127] : memref<8x32x128xf32, #tpu.memory_space<vmem>> -> memref<1x32x128xf32, #tpu.memory_space<vmem>>
      %dma_start3A_3129 = tpu.memref_squeeze %dma_start3A_3128 : memref<1x32x128xf32, #tpu.memory_space<vmem>> -> memref<32x128xf32, #tpu.memory_space<vmem>>
      %dma_start3A_3130 = arith.constant 0 : i32
      %dma_start3A_3131 = tpu.memref_slice %arg5[%dma_start3A_3130, %multiple_of3A_3111] : memref<32x1000000xf32, #tpu.memory_space<hbm>> -> memref<32x128xf32, #tpu.memory_space<hbm>>
      %dma_start3A_3132 = arith.constant 0 : i32
      %dma_start3A_3133 = arith.constant 0 : i32
      %dma_start3A_3134 = tpu.memref_slice %arg10[%dma_start3A_3125, %dma_start3A_3132, %dma_start3A_3133] : memref<8x32x128xf32, #tpu.memory_space<vmem>> -> memref<1x32x128xf32, #tpu.memory_space<vmem>>
      %dma_start3A_3135 = tpu.memref_squeeze %dma_start3A_3134 : memref<1x32x128xf32, #tpu.memory_space<vmem>> -> memref<32x128xf32, #tpu.memory_space<vmem>>
      %dma_start3A_3136 = arith.constant 0 : i32
      %dma_start3A_3137 = tpu.memref_slice %arg5[%dma_start3A_3136, %multiple_of3A_3111] : memref<32x1000000xf32, #tpu.memory_space<hbm>> -> memref<32x128xf32, #tpu.memory_space<hbm>>
      tpu.enqueue_dma source(%dma_start3A_3137 : memref<32x128xf32, #tpu.memory_space<hbm>>) target(%dma_start3A_3135 : memref<32x128xf32, #tpu.memory_space<vmem>>) target_semaphore(%arg13 : memref<!tpu.dma_semaphore, #tpu.memory_space<semaphore_mem>>)
      %dma_wait3A_3138 = arith.constant 3 : i32
      %dma_wait3A_3139 = arith.constant 0 : i32
      %dma_wait3A_3140 = arith.constant 0 : i32
      %dma_wait3A_3141 = tpu.memref_slice %arg9[%dma_wait3A_3138, %dma_wait3A_3139, %dma_wait3A_3140] : memref<8x32x128xf32, #tpu.memory_space<vmem>> -> memref<1x32x128xf32, #tpu.memory_space<vmem>>
      %dma_wait3A_3142 = tpu.memref_squeeze %dma_wait3A_3141 : memref<1x32x128xf32, #tpu.memory_space<vmem>> -> memref<32x128xf32, #tpu.memory_space<vmem>>
      %dma_wait3A_3143 = arith.constant 0 : i32
      %dma_wait3A_3144 = arith.constant 0 : i32
      %dma_wait3A_3145 = tpu.memref_slice %arg4[%dma_wait3A_3143, %dma_wait3A_3144] : memref<32x1000000xf32, #tpu.memory_space<hbm>> -> memref<32x128xf32, #tpu.memory_space<hbm>>
      %dma_wait3A_3146 = arith.constant 0 : i32
      %dma_wait3A_3147 = arith.constant 0 : i32
      %dma_wait3A_3148 = tpu.memref_slice %arg9[%dma_wait3A_3138, %dma_wait3A_3146, %dma_wait3A_3147] : memref<8x32x128xf32, #tpu.memory_space<vmem>> -> memref<1x32x128xf32, #tpu.memory_space<vmem>>
      %dma_wait3A_3149 = tpu.memref_squeeze %dma_wait3A_3148 : memref<1x32x128xf32, #tpu.memory_space<vmem>> -> memref<32x128xf32, #tpu.memory_space<vmem>>
      %dma_wait3A_3150 = arith.constant 0 : i32
      %dma_wait3A_3151 = arith.constant 0 : i32
      %dma_wait3A_3152 = tpu.memref_slice %arg4[%dma_wait3A_3150, %dma_wait3A_3151] : memref<32x1000000xf32, #tpu.memory_space<hbm>> -> memref<32x128xf32, #tpu.memory_space<hbm>>
      tpu.wait_dma2 semaphore(%arg12 : memref<!tpu.dma_semaphore, #tpu.memory_space<semaphore_mem>>) src(%dma_wait3A_3152 : memref<32x128xf32, #tpu.memory_space<hbm>>) dst(%dma_wait3A_3149 : memref<32x128xf32, #tpu.memory_space<vmem>>)
      %dma_wait3A_3153 = arith.constant 3 : i32
      %dma_wait3A_3154 = arith.constant 0 : i32
      %dma_wait3A_3155 = arith.constant 0 : i32
      %dma_wait3A_3156 = tpu.memref_slice %arg10[%dma_wait3A_3153, %dma_wait3A_3154, %dma_wait3A_3155] : memref<8x32x128xf32, #tpu.memory_space<vmem>> -> memref<1x32x128xf32, #tpu.memory_space<vmem>>
      %dma_wait3A_3157 = tpu.memref_squeeze %dma_wait3A_3156 : memref<1x32x128xf32, #tpu.memory_space<vmem>> -> memref<32x128xf32, #tpu.memory_space<vmem>>
      %dma_wait3A_3158 = arith.constant 0 : i32
      %dma_wait3A_3159 = arith.constant 0 : i32
      %dma_wait3A_3160 = tpu.memref_slice %arg5[%dma_wait3A_3158, %dma_wait3A_3159] : memref<32x1000000xf32, #tpu.memory_space<hbm>> -> memref<32x128xf32, #tpu.memory_space<hbm>>
      %dma_wait3A_3161 = arith.constant 0 : i32
      %dma_wait3A_3162 = arith.constant 0 : i32
      %dma_wait3A_3163 = tpu.memref_slice %arg10[%dma_wait3A_3153, %dma_wait3A_3161, %dma_wait3A_3162] : memref<8x32x128xf32, #tpu.memory_space<vmem>> -> memref<1x32x128xf32, #tpu.memory_space<vmem>>
      %dma_wait3A_3164 = tpu.memref_squeeze %dma_wait3A_3163 : memref<1x32x128xf32, #tpu.memory_space<vmem>> -> memref<32x128xf32, #tpu.memory_space<vmem>>
      %dma_wait3A_3165 = arith.constant 0 : i32
      %dma_wait3A_3166 = arith.constant 0 : i32
      %dma_wait3A_3167 = tpu.memref_slice %arg5[%dma_wait3A_3165, %dma_wait3A_3166] : memref<32x1000000xf32, #tpu.memory_space<hbm>> -> memref<32x128xf32, #tpu.memory_space<hbm>>
      tpu.wait_dma2 semaphore(%arg13 : memref<!tpu.dma_semaphore, #tpu.memory_space<semaphore_mem>>) src(%dma_wait3A_3167 : memref<32x128xf32, #tpu.memory_space<hbm>>) dst(%dma_wait3A_3164 : memref<32x128xf32, #tpu.memory_space<vmem>>)
      %mul3A_3168 = arith.constant 16 : i32
      %mul3A_3169 = arith.muli %scan3A_1835, %mul3A_3168 : i32
      %add3A_3170 = arith.constant 11 : i32
      %add3A_3171 = arith.addi %mul3A_3169, %add3A_3170 : i32
      %slice3A_3172 = vector.extract_strided_slice %get3A_1844 {offsets = [11], sizes = [1], strides = [1]} : vector<16xi32> to vector<1xi32>
      %squeeze3A_3173 = vector.extract %slice3A_3172[0] : i32 from vector<1xi32>
      %slice3A_3174 = vector.extract_strided_slice %get3A_1846 {offsets = [11], sizes = [1], strides = [1]} : vector<16xi32> to vector<1xi32>
      %squeeze3A_3175 = vector.extract %slice3A_3174[0] : i32 from vector<1xi32>
      %and3A_3176 = arith.constant 127 : i32
      %and3A_3177 = arith.andi %squeeze3A_3173, %and3A_3176 : i32
      %broadcast_in_dim3A_3178 = vector.broadcast %and3A_3177 : i32 to vector<16xi32>
      %and3A_3179 = arith.constant 127 : i32
      %and3A_3180 = arith.andi %squeeze3A_3175, %and3A_3179 : i32
      %broadcast_in_dim3A_3181 = vector.broadcast %and3A_3180 : i32 to vector<16xi32>
      %gather3A_3182 = arith.constant 3 : i32
      %gather3A_3183 = arith.constant 0 : i32
      %gather3A_3184 = arith.constant 0 : i32
      %gather3A_3185 = tpu.memref_slice %arg9[%gather3A_3182, %gather3A_3183, %gather3A_3184] : memref<8x32x128xf32, #tpu.memory_space<vmem>> -> memref<1x32x128xf32, #tpu.memory_space<vmem>>
      %gather3A_3186 = tpu.memref_squeeze %gather3A_3185 : memref<1x32x128xf32, #tpu.memory_space<vmem>> -> memref<32x128xf32, #tpu.memory_space<vmem>>
      %gather3A_3187 = tpu.vector_load_idx %gather3A_3186[%iota3A, %broadcast_in_dim3A_3178] : memref<32x128xf32, #tpu.memory_space<vmem>>[vector<16xi32>, vector<16xi32>], vector<16xf32>,
      %gather3A_3188 = arith.constant 3 : i32
      %gather3A_3189 = arith.constant 0 : i32
      %gather3A_3190 = arith.constant 0 : i32
      %gather3A_3191 = tpu.memref_slice %arg9[%gather3A_3188, %gather3A_3189, %gather3A_3190] : memref<8x32x128xf32, #tpu.memory_space<vmem>> -> memref<1x32x128xf32, #tpu.memory_space<vmem>>
      %gather3A_3192 = tpu.memref_squeeze %gather3A_3191 : memref<1x32x128xf32, #tpu.memory_space<vmem>> -> memref<32x128xf32, #tpu.memory_space<vmem>>
      %gather3A_3193 = tpu.vector_load_idx %gather3A_3192[%add3A_5, %broadcast_in_dim3A_3178] : memref<32x128xf32, #tpu.memory_space<vmem>>[vector<16xi32>, vector<16xi32>], vector<16xf32>,
      %gather3A_3194 = arith.constant 3 : i32
      %gather3A_3195 = arith.constant 0 : i32
      %gather3A_3196 = arith.constant 0 : i32
      %gather3A_3197 = tpu.memref_slice %arg10[%gather3A_3194, %gather3A_3195, %gather3A_3196] : memref<8x32x128xf32, #tpu.memory_space<vmem>> -> memref<1x32x128xf32, #tpu.memory_space<vmem>>
      %gather3A_3198 = tpu.memref_squeeze %gather3A_3197 : memref<1x32x128xf32, #tpu.memory_space<vmem>> -> memref<32x128xf32, #tpu.memory_space<vmem>>
      %gather3A_3199 = tpu.vector_load_idx %gather3A_3198[%iota3A, %broadcast_in_dim3A_3181] : memref<32x128xf32, #tpu.memory_space<vmem>>[vector<16xi32>, vector<16xi32>], vector<16xf32>,
      %gather3A_3200 = arith.constant 3 : i32
      %gather3A_3201 = arith.constant 0 : i32
      %gather3A_3202 = arith.constant 0 : i32
      %gather3A_3203 = tpu.memref_slice %arg10[%gather3A_3200, %gather3A_3201, %gather3A_3202] : memref<8x32x128xf32, #tpu.memory_space<vmem>> -> memref<1x32x128xf32, #tpu.memory_space<vmem>>
      %gather3A_3204 = tpu.memref_squeeze %gather3A_3203 : memref<1x32x128xf32, #tpu.memory_space<vmem>> -> memref<32x128xf32, #tpu.memory_space<vmem>>
      %gather3A_3205 = tpu.vector_load_idx %gather3A_3204[%add3A_5, %broadcast_in_dim3A_3181] : memref<32x128xf32, #tpu.memory_space<vmem>>[vector<16xi32>, vector<16xi32>], vector<16xf32>,
      %mul3A_3206 = arith.mulf %gather3A_3187, %gather3A_3199 : vector<16xf32>
      %mul3A_3207 = arith.mulf %gather3A_3193, %gather3A_3205 : vector<16xf32>
      %add3A_3208 = arith.addf %mul3A_3206, %mul3A_3207 : vector<16xf32>
      %reduce_sum3A_3209 = arith.constant true
      %reduce_sum3A_3210 = vector.broadcast %reduce_sum3A_3209 : i1 to vector<16xi1>
      %reduce_sum3A_3211 = tpu.scan <sum>, %add3A_3208 masked %reduce_sum3A_3210 : vector<16xf32>, vector<16xi1> -> vector<16xf32>
      %reduce_sum3A_3212 = vector.extract %reduce_sum3A_3211[15] : f32 from vector<16xf32>
      %broadcast_in_dim3A_3213 = vector.broadcast %add3A_3171 : i32 to vector<16xi32>
      %broadcast_in_dim3A_3214 = vector.broadcast %reduce_sum3A_3212 : f32 to vector<16xf32>
      tpu.vector_store_idx %arg11[%broadcast_in_dim3A_3213], %broadcast_in_dim3A_3214 masked %eq3A_7 : memref<512xf32, #tpu.memory_space<vmem>>[vector<16xi32>], vector<16xf32>, vector<16xi1>
      %slice3A_3215 = vector.extract_strided_slice %get3A_1848 {offsets = [3], sizes = [1], strides = [1]} : vector<16xi32> to vector<1xi32>
      %squeeze3A_3216 = vector.extract %slice3A_3215[0] : i32 from vector<1xi32>
      %slice3A_3217 = vector.extract_strided_slice %get3A_1850 {offsets = [3], sizes = [1], strides = [1]} : vector<16xi32> to vector<1xi32>
      %squeeze3A_3218 = vector.extract %slice3A_3217[0] : i32 from vector<1xi32>
      %shift_right_arithmetic3A_3219 = arith.constant 7 : i32
      %shift_right_arithmetic3A_3220 = arith.shrsi %squeeze3A_3216, %shift_right_arithmetic3A_3219 : i32
      %mul3A_3221 = arith.constant 128 : i32
      %mul3A_3222 = arith.muli %shift_right_arithmetic3A_3220, %mul3A_3221 : i32
      %multiple_of3A_3223 = tpu.assume_multiple %mul3A_3222, 128 : i32
      %shift_right_arithmetic3A_3224 = arith.constant 7 : i32
      %shift_right_arithmetic3A_3225 = arith.shrsi %squeeze3A_3218, %shift_right_arithmetic3A_3224 : i32
      %mul3A_3226 = arith.constant 128 : i32
      %mul3A_3227 = arith.muli %shift_right_arithmetic3A_3225, %mul3A_3226 : i32
      %multiple_of3A_3228 = tpu.assume_multiple %mul3A_3227, 128 : i32
      %dma_start3A_3229 = arith.constant 3 : i32
      %dma_start3A_3230 = arith.constant 0 : i32
      %dma_start3A_3231 = arith.constant 0 : i32
      %dma_start3A_3232 = tpu.memref_slice %arg9[%dma_start3A_3229, %dma_start3A_3230, %dma_start3A_3231] : memref<8x32x128xf32, #tpu.memory_space<vmem>> -> memref<1x32x128xf32, #tpu.memory_space<vmem>>
      %dma_start3A_3233 = tpu.memref_squeeze %dma_start3A_3232 : memref<1x32x128xf32, #tpu.memory_space<vmem>> -> memref<32x128xf32, #tpu.memory_space<vmem>>
      %dma_start3A_3234 = arith.constant 0 : i32
      %dma_start3A_3235 = tpu.memref_slice %arg4[%dma_start3A_3234, %multiple_of3A_3223] : memref<32x1000000xf32, #tpu.memory_space<hbm>> -> memref<32x128xf32, #tpu.memory_space<hbm>>
      %dma_start3A_3236 = arith.constant 0 : i32
      %dma_start3A_3237 = arith.constant 0 : i32
      %dma_start3A_3238 = tpu.memref_slice %arg9[%dma_start3A_3229, %dma_start3A_3236, %dma_start3A_3237] : memref<8x32x128xf32, #tpu.memory_space<vmem>> -> memref<1x32x128xf32, #tpu.memory_space<vmem>>
      %dma_start3A_3239 = tpu.memref_squeeze %dma_start3A_3238 : memref<1x32x128xf32, #tpu.memory_space<vmem>> -> memref<32x128xf32, #tpu.memory_space<vmem>>
      %dma_start3A_3240 = arith.constant 0 : i32
      %dma_start3A_3241 = tpu.memref_slice %arg4[%dma_start3A_3240, %multiple_of3A_3223] : memref<32x1000000xf32, #tpu.memory_space<hbm>> -> memref<32x128xf32, #tpu.memory_space<hbm>>
      tpu.enqueue_dma source(%dma_start3A_3241 : memref<32x128xf32, #tpu.memory_space<hbm>>) target(%dma_start3A_3239 : memref<32x128xf32, #tpu.memory_space<vmem>>) target_semaphore(%arg12 : memref<!tpu.dma_semaphore, #tpu.memory_space<semaphore_mem>>)
      %dma_start3A_3242 = arith.constant 3 : i32
      %dma_start3A_3243 = arith.constant 0 : i32
      %dma_start3A_3244 = arith.constant 0 : i32
      %dma_start3A_3245 = tpu.memref_slice %arg10[%dma_start3A_3242, %dma_start3A_3243, %dma_start3A_3244] : memref<8x32x128xf32, #tpu.memory_space<vmem>> -> memref<1x32x128xf32, #tpu.memory_space<vmem>>
      %dma_start3A_3246 = tpu.memref_squeeze %dma_start3A_3245 : memref<1x32x128xf32, #tpu.memory_space<vmem>> -> memref<32x128xf32, #tpu.memory_space<vmem>>
      %dma_start3A_3247 = arith.constant 0 : i32
      %dma_start3A_3248 = tpu.memref_slice %arg5[%dma_start3A_3247, %multiple_of3A_3228] : memref<32x1000000xf32, #tpu.memory_space<hbm>> -> memref<32x128xf32, #tpu.memory_space<hbm>>
      %dma_start3A_3249 = arith.constant 0 : i32
      %dma_start3A_3250 = arith.constant 0 : i32
      %dma_start3A_3251 = tpu.memref_slice %arg10[%dma_start3A_3242, %dma_start3A_3249, %dma_start3A_3250] : memref<8x32x128xf32, #tpu.memory_space<vmem>> -> memref<1x32x128xf32, #tpu.memory_space<vmem>>
      %dma_start3A_3252 = tpu.memref_squeeze %dma_start3A_3251 : memref<1x32x128xf32, #tpu.memory_space<vmem>> -> memref<32x128xf32, #tpu.memory_space<vmem>>
      %dma_start3A_3253 = arith.constant 0 : i32
      %dma_start3A_3254 = tpu.memref_slice %arg5[%dma_start3A_3253, %multiple_of3A_3228] : memref<32x1000000xf32, #tpu.memory_space<hbm>> -> memref<32x128xf32, #tpu.memory_space<hbm>>
      tpu.enqueue_dma source(%dma_start3A_3254 : memref<32x128xf32, #tpu.memory_space<hbm>>) target(%dma_start3A_3252 : memref<32x128xf32, #tpu.memory_space<vmem>>) target_semaphore(%arg13 : memref<!tpu.dma_semaphore, #tpu.memory_space<semaphore_mem>>)
      %dma_wait3A_3255 = arith.constant 4 : i32
      %dma_wait3A_3256 = arith.constant 0 : i32
      %dma_wait3A_3257 = arith.constant 0 : i32
      %dma_wait3A_3258 = tpu.memref_slice %arg9[%dma_wait3A_3255, %dma_wait3A_3256, %dma_wait3A_3257] : memref<8x32x128xf32, #tpu.memory_space<vmem>> -> memref<1x32x128xf32, #tpu.memory_space<vmem>>
      %dma_wait3A_3259 = tpu.memref_squeeze %dma_wait3A_3258 : memref<1x32x128xf32, #tpu.memory_space<vmem>> -> memref<32x128xf32, #tpu.memory_space<vmem>>
      %dma_wait3A_3260 = arith.constant 0 : i32
      %dma_wait3A_3261 = arith.constant 0 : i32
      %dma_wait3A_3262 = tpu.memref_slice %arg4[%dma_wait3A_3260, %dma_wait3A_3261] : memref<32x1000000xf32, #tpu.memory_space<hbm>> -> memref<32x128xf32, #tpu.memory_space<hbm>>
      %dma_wait3A_3263 = arith.constant 0 : i32
      %dma_wait3A_3264 = arith.constant 0 : i32
      %dma_wait3A_3265 = tpu.memref_slice %arg9[%dma_wait3A_3255, %dma_wait3A_3263, %dma_wait3A_3264] : memref<8x32x128xf32, #tpu.memory_space<vmem>> -> memref<1x32x128xf32, #tpu.memory_space<vmem>>
      %dma_wait3A_3266 = tpu.memref_squeeze %dma_wait3A_3265 : memref<1x32x128xf32, #tpu.memory_space<vmem>> -> memref<32x128xf32, #tpu.memory_space<vmem>>
      %dma_wait3A_3267 = arith.constant 0 : i32
      %dma_wait3A_3268 = arith.constant 0 : i32
      %dma_wait3A_3269 = tpu.memref_slice %arg4[%dma_wait3A_3267, %dma_wait3A_3268] : memref<32x1000000xf32, #tpu.memory_space<hbm>> -> memref<32x128xf32, #tpu.memory_space<hbm>>
      tpu.wait_dma2 semaphore(%arg12 : memref<!tpu.dma_semaphore, #tpu.memory_space<semaphore_mem>>) src(%dma_wait3A_3269 : memref<32x128xf32, #tpu.memory_space<hbm>>) dst(%dma_wait3A_3266 : memref<32x128xf32, #tpu.memory_space<vmem>>)
      %dma_wait3A_3270 = arith.constant 4 : i32
      %dma_wait3A_3271 = arith.constant 0 : i32
      %dma_wait3A_3272 = arith.constant 0 : i32
      %dma_wait3A_3273 = tpu.memref_slice %arg10[%dma_wait3A_3270, %dma_wait3A_3271, %dma_wait3A_3272] : memref<8x32x128xf32, #tpu.memory_space<vmem>> -> memref<1x32x128xf32, #tpu.memory_space<vmem>>
      %dma_wait3A_3274 = tpu.memref_squeeze %dma_wait3A_3273 : memref<1x32x128xf32, #tpu.memory_space<vmem>> -> memref<32x128xf32, #tpu.memory_space<vmem>>
      %dma_wait3A_3275 = arith.constant 0 : i32
      %dma_wait3A_3276 = arith.constant 0 : i32
      %dma_wait3A_3277 = tpu.memref_slice %arg5[%dma_wait3A_3275, %dma_wait3A_3276] : memref<32x1000000xf32, #tpu.memory_space<hbm>> -> memref<32x128xf32, #tpu.memory_space<hbm>>
      %dma_wait3A_3278 = arith.constant 0 : i32
      %dma_wait3A_3279 = arith.constant 0 : i32
      %dma_wait3A_3280 = tpu.memref_slice %arg10[%dma_wait3A_3270, %dma_wait3A_3278, %dma_wait3A_3279] : memref<8x32x128xf32, #tpu.memory_space<vmem>> -> memref<1x32x128xf32, #tpu.memory_space<vmem>>
      %dma_wait3A_3281 = tpu.memref_squeeze %dma_wait3A_3280 : memref<1x32x128xf32, #tpu.memory_space<vmem>> -> memref<32x128xf32, #tpu.memory_space<vmem>>
      %dma_wait3A_3282 = arith.constant 0 : i32
      %dma_wait3A_3283 = arith.constant 0 : i32
      %dma_wait3A_3284 = tpu.memref_slice %arg5[%dma_wait3A_3282, %dma_wait3A_3283] : memref<32x1000000xf32, #tpu.memory_space<hbm>> -> memref<32x128xf32, #tpu.memory_space<hbm>>
      tpu.wait_dma2 semaphore(%arg13 : memref<!tpu.dma_semaphore, #tpu.memory_space<semaphore_mem>>) src(%dma_wait3A_3284 : memref<32x128xf32, #tpu.memory_space<hbm>>) dst(%dma_wait3A_3281 : memref<32x128xf32, #tpu.memory_space<vmem>>)
      %mul3A_3285 = arith.constant 16 : i32
      %mul3A_3286 = arith.muli %scan3A_1835, %mul3A_3285 : i32
      %add3A_3287 = arith.constant 12 : i32
      %add3A_3288 = arith.addi %mul3A_3286, %add3A_3287 : i32
      %slice3A_3289 = vector.extract_strided_slice %get3A_1844 {offsets = [12], sizes = [1], strides = [1]} : vector<16xi32> to vector<1xi32>
      %squeeze3A_3290 = vector.extract %slice3A_3289[0] : i32 from vector<1xi32>
      %slice3A_3291 = vector.extract_strided_slice %get3A_1846 {offsets = [12], sizes = [1], strides = [1]} : vector<16xi32> to vector<1xi32>
      %squeeze3A_3292 = vector.extract %slice3A_3291[0] : i32 from vector<1xi32>
      %and3A_3293 = arith.constant 127 : i32
      %and3A_3294 = arith.andi %squeeze3A_3290, %and3A_3293 : i32
      %broadcast_in_dim3A_3295 = vector.broadcast %and3A_3294 : i32 to vector<16xi32>
      %and3A_3296 = arith.constant 127 : i32
      %and3A_3297 = arith.andi %squeeze3A_3292, %and3A_3296 : i32
      %broadcast_in_dim3A_3298 = vector.broadcast %and3A_3297 : i32 to vector<16xi32>
      %gather3A_3299 = arith.constant 4 : i32
      %gather3A_3300 = arith.constant 0 : i32
      %gather3A_3301 = arith.constant 0 : i32
      %gather3A_3302 = tpu.memref_slice %arg9[%gather3A_3299, %gather3A_3300, %gather3A_3301] : memref<8x32x128xf32, #tpu.memory_space<vmem>> -> memref<1x32x128xf32, #tpu.memory_space<vmem>>
      %gather3A_3303 = tpu.memref_squeeze %gather3A_3302 : memref<1x32x128xf32, #tpu.memory_space<vmem>> -> memref<32x128xf32, #tpu.memory_space<vmem>>
      %gather3A_3304 = tpu.vector_load_idx %gather3A_3303[%iota3A, %broadcast_in_dim3A_3295] : memref<32x128xf32, #tpu.memory_space<vmem>>[vector<16xi32>, vector<16xi32>], vector<16xf32>,
      %gather3A_3305 = arith.constant 4 : i32
      %gather3A_3306 = arith.constant 0 : i32
      %gather3A_3307 = arith.constant 0 : i32
      %gather3A_3308 = tpu.memref_slice %arg9[%gather3A_3305, %gather3A_3306, %gather3A_3307] : memref<8x32x128xf32, #tpu.memory_space<vmem>> -> memref<1x32x128xf32, #tpu.memory_space<vmem>>
      %gather3A_3309 = tpu.memref_squeeze %gather3A_3308 : memref<1x32x128xf32, #tpu.memory_space<vmem>> -> memref<32x128xf32, #tpu.memory_space<vmem>>
      %gather3A_3310 = tpu.vector_load_idx %gather3A_3309[%add3A_5, %broadcast_in_dim3A_3295] : memref<32x128xf32, #tpu.memory_space<vmem>>[vector<16xi32>, vector<16xi32>], vector<16xf32>,
      %gather3A_3311 = arith.constant 4 : i32
      %gather3A_3312 = arith.constant 0 : i32
      %gather3A_3313 = arith.constant 0 : i32
      %gather3A_3314 = tpu.memref_slice %arg10[%gather3A_3311, %gather3A_3312, %gather3A_3313] : memref<8x32x128xf32, #tpu.memory_space<vmem>> -> memref<1x32x128xf32, #tpu.memory_space<vmem>>
      %gather3A_3315 = tpu.memref_squeeze %gather3A_3314 : memref<1x32x128xf32, #tpu.memory_space<vmem>> -> memref<32x128xf32, #tpu.memory_space<vmem>>
      %gather3A_3316 = tpu.vector_load_idx %gather3A_3315[%iota3A, %broadcast_in_dim3A_3298] : memref<32x128xf32, #tpu.memory_space<vmem>>[vector<16xi32>, vector<16xi32>], vector<16xf32>,
      %gather3A_3317 = arith.constant 4 : i32
      %gather3A_3318 = arith.constant 0 : i32
      %gather3A_3319 = arith.constant 0 : i32
      %gather3A_3320 = tpu.memref_slice %arg10[%gather3A_3317, %gather3A_3318, %gather3A_3319] : memref<8x32x128xf32, #tpu.memory_space<vmem>> -> memref<1x32x128xf32, #tpu.memory_space<vmem>>
      %gather3A_3321 = tpu.memref_squeeze %gather3A_3320 : memref<1x32x128xf32, #tpu.memory_space<vmem>> -> memref<32x128xf32, #tpu.memory_space<vmem>>
      %gather3A_3322 = tpu.vector_load_idx %gather3A_3321[%add3A_5, %broadcast_in_dim3A_3298] : memref<32x128xf32, #tpu.memory_space<vmem>>[vector<16xi32>, vector<16xi32>], vector<16xf32>,
      %mul3A_3323 = arith.mulf %gather3A_3304, %gather3A_3316 : vector<16xf32>
      %mul3A_3324 = arith.mulf %gather3A_3310, %gather3A_3322 : vector<16xf32>
      %add3A_3325 = arith.addf %mul3A_3323, %mul3A_3324 : vector<16xf32>
      %reduce_sum3A_3326 = arith.constant true
      %reduce_sum3A_3327 = vector.broadcast %reduce_sum3A_3326 : i1 to vector<16xi1>
      %reduce_sum3A_3328 = tpu.scan <sum>, %add3A_3325 masked %reduce_sum3A_3327 : vector<16xf32>, vector<16xi1> -> vector<16xf32>
      %reduce_sum3A_3329 = vector.extract %reduce_sum3A_3328[15] : f32 from vector<16xf32>
      %broadcast_in_dim3A_3330 = vector.broadcast %add3A_3288 : i32 to vector<16xi32>
      %broadcast_in_dim3A_3331 = vector.broadcast %reduce_sum3A_3329 : f32 to vector<16xf32>
      tpu.vector_store_idx %arg11[%broadcast_in_dim3A_3330], %broadcast_in_dim3A_3331 masked %eq3A_7 : memref<512xf32, #tpu.memory_space<vmem>>[vector<16xi32>], vector<16xf32>, vector<16xi1>
      %slice3A_3332 = vector.extract_strided_slice %get3A_1848 {offsets = [4], sizes = [1], strides = [1]} : vector<16xi32> to vector<1xi32>
      %squeeze3A_3333 = vector.extract %slice3A_3332[0] : i32 from vector<1xi32>
      %slice3A_3334 = vector.extract_strided_slice %get3A_1850 {offsets = [4], sizes = [1], strides = [1]} : vector<16xi32> to vector<1xi32>
      %squeeze3A_3335 = vector.extract %slice3A_3334[0] : i32 from vector<1xi32>
      %shift_right_arithmetic3A_3336 = arith.constant 7 : i32
      %shift_right_arithmetic3A_3337 = arith.shrsi %squeeze3A_3333, %shift_right_arithmetic3A_3336 : i32
      %mul3A_3338 = arith.constant 128 : i32
      %mul3A_3339 = arith.muli %shift_right_arithmetic3A_3337, %mul3A_3338 : i32
      %multiple_of3A_3340 = tpu.assume_multiple %mul3A_3339, 128 : i32
      %shift_right_arithmetic3A_3341 = arith.constant 7 : i32
      %shift_right_arithmetic3A_3342 = arith.shrsi %squeeze3A_3335, %shift_right_arithmetic3A_3341 : i32
      %mul3A_3343 = arith.constant 128 : i32
      %mul3A_3344 = arith.muli %shift_right_arithmetic3A_3342, %mul3A_3343 : i32
      %multiple_of3A_3345 = tpu.assume_multiple %mul3A_3344, 128 : i32
      %dma_start3A_3346 = arith.constant 4 : i32
      %dma_start3A_3347 = arith.constant 0 : i32
      %dma_start3A_3348 = arith.constant 0 : i32
      %dma_start3A_3349 = tpu.memref_slice %arg9[%dma_start3A_3346, %dma_start3A_3347, %dma_start3A_3348] : memref<8x32x128xf32, #tpu.memory_space<vmem>> -> memref<1x32x128xf32, #tpu.memory_space<vmem>>
      %dma_start3A_3350 = tpu.memref_squeeze %dma_start3A_3349 : memref<1x32x128xf32, #tpu.memory_space<vmem>> -> memref<32x128xf32, #tpu.memory_space<vmem>>
      %dma_start3A_3351 = arith.constant 0 : i32
      %dma_start3A_3352 = tpu.memref_slice %arg4[%dma_start3A_3351, %multiple_of3A_3340] : memref<32x1000000xf32, #tpu.memory_space<hbm>> -> memref<32x128xf32, #tpu.memory_space<hbm>>
      %dma_start3A_3353 = arith.constant 0 : i32
      %dma_start3A_3354 = arith.constant 0 : i32
      %dma_start3A_3355 = tpu.memref_slice %arg9[%dma_start3A_3346, %dma_start3A_3353, %dma_start3A_3354] : memref<8x32x128xf32, #tpu.memory_space<vmem>> -> memref<1x32x128xf32, #tpu.memory_space<vmem>>
      %dma_start3A_3356 = tpu.memref_squeeze %dma_start3A_3355 : memref<1x32x128xf32, #tpu.memory_space<vmem>> -> memref<32x128xf32, #tpu.memory_space<vmem>>
      %dma_start3A_3357 = arith.constant 0 : i32
      %dma_start3A_3358 = tpu.memref_slice %arg4[%dma_start3A_3357, %multiple_of3A_3340] : memref<32x1000000xf32, #tpu.memory_space<hbm>> -> memref<32x128xf32, #tpu.memory_space<hbm>>
      tpu.enqueue_dma source(%dma_start3A_3358 : memref<32x128xf32, #tpu.memory_space<hbm>>) target(%dma_start3A_3356 : memref<32x128xf32, #tpu.memory_space<vmem>>) target_semaphore(%arg12 : memref<!tpu.dma_semaphore, #tpu.memory_space<semaphore_mem>>)
      %dma_start3A_3359 = arith.constant 4 : i32
      %dma_start3A_3360 = arith.constant 0 : i32
      %dma_start3A_3361 = arith.constant 0 : i32
      %dma_start3A_3362 = tpu.memref_slice %arg10[%dma_start3A_3359, %dma_start3A_3360, %dma_start3A_3361] : memref<8x32x128xf32, #tpu.memory_space<vmem>> -> memref<1x32x128xf32, #tpu.memory_space<vmem>>
      %dma_start3A_3363 = tpu.memref_squeeze %dma_start3A_3362 : memref<1x32x128xf32, #tpu.memory_space<vmem>> -> memref<32x128xf32, #tpu.memory_space<vmem>>
      %dma_start3A_3364 = arith.constant 0 : i32
      %dma_start3A_3365 = tpu.memref_slice %arg5[%dma_start3A_3364, %multiple_of3A_3345] : memref<32x1000000xf32, #tpu.memory_space<hbm>> -> memref<32x128xf32, #tpu.memory_space<hbm>>
      %dma_start3A_3366 = arith.constant 0 : i32
      %dma_start3A_3367 = arith.constant 0 : i32
      %dma_start3A_3368 = tpu.memref_slice %arg10[%dma_start3A_3359, %dma_start3A_3366, %dma_start3A_3367] : memref<8x32x128xf32, #tpu.memory_space<vmem>> -> memref<1x32x128xf32, #tpu.memory_space<vmem>>
      %dma_start3A_3369 = tpu.memref_squeeze %dma_start3A_3368 : memref<1x32x128xf32, #tpu.memory_space<vmem>> -> memref<32x128xf32, #tpu.memory_space<vmem>>
      %dma_start3A_3370 = arith.constant 0 : i32
      %dma_start3A_3371 = tpu.memref_slice %arg5[%dma_start3A_3370, %multiple_of3A_3345] : memref<32x1000000xf32, #tpu.memory_space<hbm>> -> memref<32x128xf32, #tpu.memory_space<hbm>>
      tpu.enqueue_dma source(%dma_start3A_3371 : memref<32x128xf32, #tpu.memory_space<hbm>>) target(%dma_start3A_3369 : memref<32x128xf32, #tpu.memory_space<vmem>>) target_semaphore(%arg13 : memref<!tpu.dma_semaphore, #tpu.memory_space<semaphore_mem>>)
      %dma_wait3A_3372 = arith.constant 5 : i32
      %dma_wait3A_3373 = arith.constant 0 : i32
      %dma_wait3A_3374 = arith.constant 0 : i32
      %dma_wait3A_3375 = tpu.memref_slice %arg9[%dma_wait3A_3372, %dma_wait3A_3373, %dma_wait3A_3374] : memref<8x32x128xf32, #tpu.memory_space<vmem>> -> memref<1x32x128xf32, #tpu.memory_space<vmem>>
      %dma_wait3A_3376 = tpu.memref_squeeze %dma_wait3A_3375 : memref<1x32x128xf32, #tpu.memory_space<vmem>> -> memref<32x128xf32, #tpu.memory_space<vmem>>
      %dma_wait3A_3377 = arith.constant 0 : i32
      %dma_wait3A_3378 = arith.constant 0 : i32
      %dma_wait3A_3379 = tpu.memref_slice %arg4[%dma_wait3A_3377, %dma_wait3A_3378] : memref<32x1000000xf32, #tpu.memory_space<hbm>> -> memref<32x128xf32, #tpu.memory_space<hbm>>
      %dma_wait3A_3380 = arith.constant 0 : i32
      %dma_wait3A_3381 = arith.constant 0 : i32
      %dma_wait3A_3382 = tpu.memref_slice %arg9[%dma_wait3A_3372, %dma_wait3A_3380, %dma_wait3A_3381] : memref<8x32x128xf32, #tpu.memory_space<vmem>> -> memref<1x32x128xf32, #tpu.memory_space<vmem>>
      %dma_wait3A_3383 = tpu.memref_squeeze %dma_wait3A_3382 : memref<1x32x128xf32, #tpu.memory_space<vmem>> -> memref<32x128xf32, #tpu.memory_space<vmem>>
      %dma_wait3A_3384 = arith.constant 0 : i32
      %dma_wait3A_3385 = arith.constant 0 : i32
      %dma_wait3A_3386 = tpu.memref_slice %arg4[%dma_wait3A_3384, %dma_wait3A_3385] : memref<32x1000000xf32, #tpu.memory_space<hbm>> -> memref<32x128xf32, #tpu.memory_space<hbm>>
      tpu.wait_dma2 semaphore(%arg12 : memref<!tpu.dma_semaphore, #tpu.memory_space<semaphore_mem>>) src(%dma_wait3A_3386 : memref<32x128xf32, #tpu.memory_space<hbm>>) dst(%dma_wait3A_3383 : memref<32x128xf32, #tpu.memory_space<vmem>>)
      %dma_wait3A_3387 = arith.constant 5 : i32
      %dma_wait3A_3388 = arith.constant 0 : i32
      %dma_wait3A_3389 = arith.constant 0 : i32
      %dma_wait3A_3390 = tpu.memref_slice %arg10[%dma_wait3A_3387, %dma_wait3A_3388, %dma_wait3A_3389] : memref<8x32x128xf32, #tpu.memory_space<vmem>> -> memref<1x32x128xf32, #tpu.memory_space<vmem>>
      %dma_wait3A_3391 = tpu.memref_squeeze %dma_wait3A_3390 : memref<1x32x128xf32, #tpu.memory_space<vmem>> -> memref<32x128xf32, #tpu.memory_space<vmem>>
      %dma_wait3A_3392 = arith.constant 0 : i32
      %dma_wait3A_3393 = arith.constant 0 : i32
      %dma_wait3A_3394 = tpu.memref_slice %arg5[%dma_wait3A_3392, %dma_wait3A_3393] : memref<32x1000000xf32, #tpu.memory_space<hbm>> -> memref<32x128xf32, #tpu.memory_space<hbm>>
      %dma_wait3A_3395 = arith.constant 0 : i32
      %dma_wait3A_3396 = arith.constant 0 : i32
      %dma_wait3A_3397 = tpu.memref_slice %arg10[%dma_wait3A_3387, %dma_wait3A_3395, %dma_wait3A_3396] : memref<8x32x128xf32, #tpu.memory_space<vmem>> -> memref<1x32x128xf32, #tpu.memory_space<vmem>>
      %dma_wait3A_3398 = tpu.memref_squeeze %dma_wait3A_3397 : memref<1x32x128xf32, #tpu.memory_space<vmem>> -> memref<32x128xf32, #tpu.memory_space<vmem>>
      %dma_wait3A_3399 = arith.constant 0 : i32
      %dma_wait3A_3400 = arith.constant 0 : i32
      %dma_wait3A_3401 = tpu.memref_slice %arg5[%dma_wait3A_3399, %dma_wait3A_3400] : memref<32x1000000xf32, #tpu.memory_space<hbm>> -> memref<32x128xf32, #tpu.memory_space<hbm>>
      tpu.wait_dma2 semaphore(%arg13 : memref<!tpu.dma_semaphore, #tpu.memory_space<semaphore_mem>>) src(%dma_wait3A_3401 : memref<32x128xf32, #tpu.memory_space<hbm>>) dst(%dma_wait3A_3398 : memref<32x128xf32, #tpu.memory_space<vmem>>)
      %mul3A_3402 = arith.constant 16 : i32
      %mul3A_3403 = arith.muli %scan3A_1835, %mul3A_3402 : i32
      %add3A_3404 = arith.constant 13 : i32
      %add3A_3405 = arith.addi %mul3A_3403, %add3A_3404 : i32
      %slice3A_3406 = vector.extract_strided_slice %get3A_1844 {offsets = [13], sizes = [1], strides = [1]} : vector<16xi32> to vector<1xi32>
      %squeeze3A_3407 = vector.extract %slice3A_3406[0] : i32 from vector<1xi32>
      %slice3A_3408 = vector.extract_strided_slice %get3A_1846 {offsets = [13], sizes = [1], strides = [1]} : vector<16xi32> to vector<1xi32>
      %squeeze3A_3409 = vector.extract %slice3A_3408[0] : i32 from vector<1xi32>
      %and3A_3410 = arith.constant 127 : i32
      %and3A_3411 = arith.andi %squeeze3A_3407, %and3A_3410 : i32
      %broadcast_in_dim3A_3412 = vector.broadcast %and3A_3411 : i32 to vector<16xi32>
      %and3A_3413 = arith.constant 127 : i32
      %and3A_3414 = arith.andi %squeeze3A_3409, %and3A_3413 : i32
      %broadcast_in_dim3A_3415 = vector.broadcast %and3A_3414 : i32 to vector<16xi32>
      %gather3A_3416 = arith.constant 5 : i32
      %gather3A_3417 = arith.constant 0 : i32
      %gather3A_3418 = arith.constant 0 : i32
      %gather3A_3419 = tpu.memref_slice %arg9[%gather3A_3416, %gather3A_3417, %gather3A_3418] : memref<8x32x128xf32, #tpu.memory_space<vmem>> -> memref<1x32x128xf32, #tpu.memory_space<vmem>>
      %gather3A_3420 = tpu.memref_squeeze %gather3A_3419 : memref<1x32x128xf32, #tpu.memory_space<vmem>> -> memref<32x128xf32, #tpu.memory_space<vmem>>
      %gather3A_3421 = tpu.vector_load_idx %gather3A_3420[%iota3A, %broadcast_in_dim3A_3412] : memref<32x128xf32, #tpu.memory_space<vmem>>[vector<16xi32>, vector<16xi32>], vector<16xf32>,
      %gather3A_3422 = arith.constant 5 : i32
      %gather3A_3423 = arith.constant 0 : i32
      %gather3A_3424 = arith.constant 0 : i32
      %gather3A_3425 = tpu.memref_slice %arg9[%gather3A_3422, %gather3A_3423, %gather3A_3424] : memref<8x32x128xf32, #tpu.memory_space<vmem>> -> memref<1x32x128xf32, #tpu.memory_space<vmem>>
      %gather3A_3426 = tpu.memref_squeeze %gather3A_3425 : memref<1x32x128xf32, #tpu.memory_space<vmem>> -> memref<32x128xf32, #tpu.memory_space<vmem>>
      %gather3A_3427 = tpu.vector_load_idx %gather3A_3426[%add3A_5, %broadcast_in_dim3A_3412] : memref<32x128xf32, #tpu.memory_space<vmem>>[vector<16xi32>, vector<16xi32>], vector<16xf32>,
      %gather3A_3428 = arith.constant 5 : i32
      %gather3A_3429 = arith.constant 0 : i32
      %gather3A_3430 = arith.constant 0 : i32
      %gather3A_3431 = tpu.memref_slice %arg10[%gather3A_3428, %gather3A_3429, %gather3A_3430] : memref<8x32x128xf32, #tpu.memory_space<vmem>> -> memref<1x32x128xf32, #tpu.memory_space<vmem>>
      %gather3A_3432 = tpu.memref_squeeze %gather3A_3431 : memref<1x32x128xf32, #tpu.memory_space<vmem>> -> memref<32x128xf32, #tpu.memory_space<vmem>>
      %gather3A_3433 = tpu.vector_load_idx %gather3A_3432[%iota3A, %broadcast_in_dim3A_3415] : memref<32x128xf32, #tpu.memory_space<vmem>>[vector<16xi32>, vector<16xi32>], vector<16xf32>,
      %gather3A_3434 = arith.constant 5 : i32
      %gather3A_3435 = arith.constant 0 : i32
      %gather3A_3436 = arith.constant 0 : i32
      %gather3A_3437 = tpu.memref_slice %arg10[%gather3A_3434, %gather3A_3435, %gather3A_3436] : memref<8x32x128xf32, #tpu.memory_space<vmem>> -> memref<1x32x128xf32, #tpu.memory_space<vmem>>
      %gather3A_3438 = tpu.memref_squeeze %gather3A_3437 : memref<1x32x128xf32, #tpu.memory_space<vmem>> -> memref<32x128xf32, #tpu.memory_space<vmem>>
      %gather3A_3439 = tpu.vector_load_idx %gather3A_3438[%add3A_5, %broadcast_in_dim3A_3415] : memref<32x128xf32, #tpu.memory_space<vmem>>[vector<16xi32>, vector<16xi32>], vector<16xf32>,
      %mul3A_3440 = arith.mulf %gather3A_3421, %gather3A_3433 : vector<16xf32>
      %mul3A_3441 = arith.mulf %gather3A_3427, %gather3A_3439 : vector<16xf32>
      %add3A_3442 = arith.addf %mul3A_3440, %mul3A_3441 : vector<16xf32>
      %reduce_sum3A_3443 = arith.constant true
      %reduce_sum3A_3444 = vector.broadcast %reduce_sum3A_3443 : i1 to vector<16xi1>
      %reduce_sum3A_3445 = tpu.scan <sum>, %add3A_3442 masked %reduce_sum3A_3444 : vector<16xf32>, vector<16xi1> -> vector<16xf32>
      %reduce_sum3A_3446 = vector.extract %reduce_sum3A_3445[15] : f32 from vector<16xf32>
      %broadcast_in_dim3A_3447 = vector.broadcast %add3A_3405 : i32 to vector<16xi32>
      %broadcast_in_dim3A_3448 = vector.broadcast %reduce_sum3A_3446 : f32 to vector<16xf32>
      tpu.vector_store_idx %arg11[%broadcast_in_dim3A_3447], %broadcast_in_dim3A_3448 masked %eq3A_7 : memref<512xf32, #tpu.memory_space<vmem>>[vector<16xi32>], vector<16xf32>, vector<16xi1>
      %slice3A_3449 = vector.extract_strided_slice %get3A_1848 {offsets = [5], sizes = [1], strides = [1]} : vector<16xi32> to vector<1xi32>
      %squeeze3A_3450 = vector.extract %slice3A_3449[0] : i32 from vector<1xi32>
      %slice3A_3451 = vector.extract_strided_slice %get3A_1850 {offsets = [5], sizes = [1], strides = [1]} : vector<16xi32> to vector<1xi32>
      %squeeze3A_3452 = vector.extract %slice3A_3451[0] : i32 from vector<1xi32>
      %shift_right_arithmetic3A_3453 = arith.constant 7 : i32
      %shift_right_arithmetic3A_3454 = arith.shrsi %squeeze3A_3450, %shift_right_arithmetic3A_3453 : i32
      %mul3A_3455 = arith.constant 128 : i32
      %mul3A_3456 = arith.muli %shift_right_arithmetic3A_3454, %mul3A_3455 : i32
      %multiple_of3A_3457 = tpu.assume_multiple %mul3A_3456, 128 : i32
      %shift_right_arithmetic3A_3458 = arith.constant 7 : i32
      %shift_right_arithmetic3A_3459 = arith.shrsi %squeeze3A_3452, %shift_right_arithmetic3A_3458 : i32
      %mul3A_3460 = arith.constant 128 : i32
      %mul3A_3461 = arith.muli %shift_right_arithmetic3A_3459, %mul3A_3460 : i32
      %multiple_of3A_3462 = tpu.assume_multiple %mul3A_3461, 128 : i32
      %dma_start3A_3463 = arith.constant 5 : i32
      %dma_start3A_3464 = arith.constant 0 : i32
      %dma_start3A_3465 = arith.constant 0 : i32
      %dma_start3A_3466 = tpu.memref_slice %arg9[%dma_start3A_3463, %dma_start3A_3464, %dma_start3A_3465] : memref<8x32x128xf32, #tpu.memory_space<vmem>> -> memref<1x32x128xf32, #tpu.memory_space<vmem>>
      %dma_start3A_3467 = tpu.memref_squeeze %dma_start3A_3466 : memref<1x32x128xf32, #tpu.memory_space<vmem>> -> memref<32x128xf32, #tpu.memory_space<vmem>>
      %dma_start3A_3468 = arith.constant 0 : i32
      %dma_start3A_3469 = tpu.memref_slice %arg4[%dma_start3A_3468, %multiple_of3A_3457] : memref<32x1000000xf32, #tpu.memory_space<hbm>> -> memref<32x128xf32, #tpu.memory_space<hbm>>
      %dma_start3A_3470 = arith.constant 0 : i32
      %dma_start3A_3471 = arith.constant 0 : i32
      %dma_start3A_3472 = tpu.memref_slice %arg9[%dma_start3A_3463, %dma_start3A_3470, %dma_start3A_3471] : memref<8x32x128xf32, #tpu.memory_space<vmem>> -> memref<1x32x128xf32, #tpu.memory_space<vmem>>
      %dma_start3A_3473 = tpu.memref_squeeze %dma_start3A_3472 : memref<1x32x128xf32, #tpu.memory_space<vmem>> -> memref<32x128xf32, #tpu.memory_space<vmem>>
      %dma_start3A_3474 = arith.constant 0 : i32
      %dma_start3A_3475 = tpu.memref_slice %arg4[%dma_start3A_3474, %multiple_of3A_3457] : memref<32x1000000xf32, #tpu.memory_space<hbm>> -> memref<32x128xf32, #tpu.memory_space<hbm>>
      tpu.enqueue_dma source(%dma_start3A_3475 : memref<32x128xf32, #tpu.memory_space<hbm>>) target(%dma_start3A_3473 : memref<32x128xf32, #tpu.memory_space<vmem>>) target_semaphore(%arg12 : memref<!tpu.dma_semaphore, #tpu.memory_space<semaphore_mem>>)
      %dma_start3A_3476 = arith.constant 5 : i32
      %dma_start3A_3477 = arith.constant 0 : i32
      %dma_start3A_3478 = arith.constant 0 : i32
      %dma_start3A_3479 = tpu.memref_slice %arg10[%dma_start3A_3476, %dma_start3A_3477, %dma_start3A_3478] : memref<8x32x128xf32, #tpu.memory_space<vmem>> -> memref<1x32x128xf32, #tpu.memory_space<vmem>>
      %dma_start3A_3480 = tpu.memref_squeeze %dma_start3A_3479 : memref<1x32x128xf32, #tpu.memory_space<vmem>> -> memref<32x128xf32, #tpu.memory_space<vmem>>
      %dma_start3A_3481 = arith.constant 0 : i32
      %dma_start3A_3482 = tpu.memref_slice %arg5[%dma_start3A_3481, %multiple_of3A_3462] : memref<32x1000000xf32, #tpu.memory_space<hbm>> -> memref<32x128xf32, #tpu.memory_space<hbm>>
      %dma_start3A_3483 = arith.constant 0 : i32
      %dma_start3A_3484 = arith.constant 0 : i32
      %dma_start3A_3485 = tpu.memref_slice %arg10[%dma_start3A_3476, %dma_start3A_3483, %dma_start3A_3484] : memref<8x32x128xf32, #tpu.memory_space<vmem>> -> memref<1x32x128xf32, #tpu.memory_space<vmem>>
      %dma_start3A_3486 = tpu.memref_squeeze %dma_start3A_3485 : memref<1x32x128xf32, #tpu.memory_space<vmem>> -> memref<32x128xf32, #tpu.memory_space<vmem>>
      %dma_start3A_3487 = arith.constant 0 : i32
      %dma_start3A_3488 = tpu.memref_slice %arg5[%dma_start3A_3487, %multiple_of3A_3462] : memref<32x1000000xf32, #tpu.memory_space<hbm>> -> memref<32x128xf32, #tpu.memory_space<hbm>>
      tpu.enqueue_dma source(%dma_start3A_3488 : memref<32x128xf32, #tpu.memory_space<hbm>>) target(%dma_start3A_3486 : memref<32x128xf32, #tpu.memory_space<vmem>>) target_semaphore(%arg13 : memref<!tpu.dma_semaphore, #tpu.memory_space<semaphore_mem>>)
      %dma_wait3A_3489 = arith.constant 6 : i32
      %dma_wait3A_3490 = arith.constant 0 : i32
      %dma_wait3A_3491 = arith.constant 0 : i32
      %dma_wait3A_3492 = tpu.memref_slice %arg9[%dma_wait3A_3489, %dma_wait3A_3490, %dma_wait3A_3491] : memref<8x32x128xf32, #tpu.memory_space<vmem>> -> memref<1x32x128xf32, #tpu.memory_space<vmem>>
      %dma_wait3A_3493 = tpu.memref_squeeze %dma_wait3A_3492 : memref<1x32x128xf32, #tpu.memory_space<vmem>> -> memref<32x128xf32, #tpu.memory_space<vmem>>
      %dma_wait3A_3494 = arith.constant 0 : i32
      %dma_wait3A_3495 = arith.constant 0 : i32
      %dma_wait3A_3496 = tpu.memref_slice %arg4[%dma_wait3A_3494, %dma_wait3A_3495] : memref<32x1000000xf32, #tpu.memory_space<hbm>> -> memref<32x128xf32, #tpu.memory_space<hbm>>
      %dma_wait3A_3497 = arith.constant 0 : i32
      %dma_wait3A_3498 = arith.constant 0 : i32
      %dma_wait3A_3499 = tpu.memref_slice %arg9[%dma_wait3A_3489, %dma_wait3A_3497, %dma_wait3A_3498] : memref<8x32x128xf32, #tpu.memory_space<vmem>> -> memref<1x32x128xf32, #tpu.memory_space<vmem>>
      %dma_wait3A_3500 = tpu.memref_squeeze %dma_wait3A_3499 : memref<1x32x128xf32, #tpu.memory_space<vmem>> -> memref<32x128xf32, #tpu.memory_space<vmem>>
      %dma_wait3A_3501 = arith.constant 0 : i32
      %dma_wait3A_3502 = arith.constant 0 : i32
      %dma_wait3A_3503 = tpu.memref_slice %arg4[%dma_wait3A_3501, %dma_wait3A_3502] : memref<32x1000000xf32, #tpu.memory_space<hbm>> -> memref<32x128xf32, #tpu.memory_space<hbm>>
      tpu.wait_dma2 semaphore(%arg12 : memref<!tpu.dma_semaphore, #tpu.memory_space<semaphore_mem>>) src(%dma_wait3A_3503 : memref<32x128xf32, #tpu.memory_space<hbm>>) dst(%dma_wait3A_3500 : memref<32x128xf32, #tpu.memory_space<vmem>>)
      %dma_wait3A_3504 = arith.constant 6 : i32
      %dma_wait3A_3505 = arith.constant 0 : i32
      %dma_wait3A_3506 = arith.constant 0 : i32
      %dma_wait3A_3507 = tpu.memref_slice %arg10[%dma_wait3A_3504, %dma_wait3A_3505, %dma_wait3A_3506] : memref<8x32x128xf32, #tpu.memory_space<vmem>> -> memref<1x32x128xf32, #tpu.memory_space<vmem>>
      %dma_wait3A_3508 = tpu.memref_squeeze %dma_wait3A_3507 : memref<1x32x128xf32, #tpu.memory_space<vmem>> -> memref<32x128xf32, #tpu.memory_space<vmem>>
      %dma_wait3A_3509 = arith.constant 0 : i32
      %dma_wait3A_3510 = arith.constant 0 : i32
      %dma_wait3A_3511 = tpu.memref_slice %arg5[%dma_wait3A_3509, %dma_wait3A_3510] : memref<32x1000000xf32, #tpu.memory_space<hbm>> -> memref<32x128xf32, #tpu.memory_space<hbm>>
      %dma_wait3A_3512 = arith.constant 0 : i32
      %dma_wait3A_3513 = arith.constant 0 : i32
      %dma_wait3A_3514 = tpu.memref_slice %arg10[%dma_wait3A_3504, %dma_wait3A_3512, %dma_wait3A_3513] : memref<8x32x128xf32, #tpu.memory_space<vmem>> -> memref<1x32x128xf32, #tpu.memory_space<vmem>>
      %dma_wait3A_3515 = tpu.memref_squeeze %dma_wait3A_3514 : memref<1x32x128xf32, #tpu.memory_space<vmem>> -> memref<32x128xf32, #tpu.memory_space<vmem>>
      %dma_wait3A_3516 = arith.constant 0 : i32
      %dma_wait3A_3517 = arith.constant 0 : i32
      %dma_wait3A_3518 = tpu.memref_slice %arg5[%dma_wait3A_3516, %dma_wait3A_3517] : memref<32x1000000xf32, #tpu.memory_space<hbm>> -> memref<32x128xf32, #tpu.memory_space<hbm>>
      tpu.wait_dma2 semaphore(%arg13 : memref<!tpu.dma_semaphore, #tpu.memory_space<semaphore_mem>>) src(%dma_wait3A_3518 : memref<32x128xf32, #tpu.memory_space<hbm>>) dst(%dma_wait3A_3515 : memref<32x128xf32, #tpu.memory_space<vmem>>)
      %mul3A_3519 = arith.constant 16 : i32
      %mul3A_3520 = arith.muli %scan3A_1835, %mul3A_3519 : i32
      %add3A_3521 = arith.constant 14 : i32
      %add3A_3522 = arith.addi %mul3A_3520, %add3A_3521 : i32
      %slice3A_3523 = vector.extract_strided_slice %get3A_1844 {offsets = [14], sizes = [1], strides = [1]} : vector<16xi32> to vector<1xi32>
      %squeeze3A_3524 = vector.extract %slice3A_3523[0] : i32 from vector<1xi32>
      %slice3A_3525 = vector.extract_strided_slice %get3A_1846 {offsets = [14], sizes = [1], strides = [1]} : vector<16xi32> to vector<1xi32>
      %squeeze3A_3526 = vector.extract %slice3A_3525[0] : i32 from vector<1xi32>
      %and3A_3527 = arith.constant 127 : i32
      %and3A_3528 = arith.andi %squeeze3A_3524, %and3A_3527 : i32
      %broadcast_in_dim3A_3529 = vector.broadcast %and3A_3528 : i32 to vector<16xi32>
      %and3A_3530 = arith.constant 127 : i32
      %and3A_3531 = arith.andi %squeeze3A_3526, %and3A_3530 : i32
      %broadcast_in_dim3A_3532 = vector.broadcast %and3A_3531 : i32 to vector<16xi32>
      %gather3A_3533 = arith.constant 6 : i32
      %gather3A_3534 = arith.constant 0 : i32
      %gather3A_3535 = arith.constant 0 : i32
      %gather3A_3536 = tpu.memref_slice %arg9[%gather3A_3533, %gather3A_3534, %gather3A_3535] : memref<8x32x128xf32, #tpu.memory_space<vmem>> -> memref<1x32x128xf32, #tpu.memory_space<vmem>>
      %gather3A_3537 = tpu.memref_squeeze %gather3A_3536 : memref<1x32x128xf32, #tpu.memory_space<vmem>> -> memref<32x128xf32, #tpu.memory_space<vmem>>
      %gather3A_3538 = tpu.vector_load_idx %gather3A_3537[%iota3A, %broadcast_in_dim3A_3529] : memref<32x128xf32, #tpu.memory_space<vmem>>[vector<16xi32>, vector<16xi32>], vector<16xf32>,
      %gather3A_3539 = arith.constant 6 : i32
      %gather3A_3540 = arith.constant 0 : i32
      %gather3A_3541 = arith.constant 0 : i32
      %gather3A_3542 = tpu.memref_slice %arg9[%gather3A_3539, %gather3A_3540, %gather3A_3541] : memref<8x32x128xf32, #tpu.memory_space<vmem>> -> memref<1x32x128xf32, #tpu.memory_space<vmem>>
      %gather3A_3543 = tpu.memref_squeeze %gather3A_3542 : memref<1x32x128xf32, #tpu.memory_space<vmem>> -> memref<32x128xf32, #tpu.memory_space<vmem>>
      %gather3A_3544 = tpu.vector_load_idx %gather3A_3543[%add3A_5, %broadcast_in_dim3A_3529] : memref<32x128xf32, #tpu.memory_space<vmem>>[vector<16xi32>, vector<16xi32>], vector<16xf32>,
      %gather3A_3545 = arith.constant 6 : i32
      %gather3A_3546 = arith.constant 0 : i32
      %gather3A_3547 = arith.constant 0 : i32
      %gather3A_3548 = tpu.memref_slice %arg10[%gather3A_3545, %gather3A_3546, %gather3A_3547] : memref<8x32x128xf32, #tpu.memory_space<vmem>> -> memref<1x32x128xf32, #tpu.memory_space<vmem>>
      %gather3A_3549 = tpu.memref_squeeze %gather3A_3548 : memref<1x32x128xf32, #tpu.memory_space<vmem>> -> memref<32x128xf32, #tpu.memory_space<vmem>>
      %gather3A_3550 = tpu.vector_load_idx %gather3A_3549[%iota3A, %broadcast_in_dim3A_3532] : memref<32x128xf32, #tpu.memory_space<vmem>>[vector<16xi32>, vector<16xi32>], vector<16xf32>,
      %gather3A_3551 = arith.constant 6 : i32
      %gather3A_3552 = arith.constant 0 : i32
      %gather3A_3553 = arith.constant 0 : i32
      %gather3A_3554 = tpu.memref_slice %arg10[%gather3A_3551, %gather3A_3552, %gather3A_3553] : memref<8x32x128xf32, #tpu.memory_space<vmem>> -> memref<1x32x128xf32, #tpu.memory_space<vmem>>
      %gather3A_3555 = tpu.memref_squeeze %gather3A_3554 : memref<1x32x128xf32, #tpu.memory_space<vmem>> -> memref<32x128xf32, #tpu.memory_space<vmem>>
      %gather3A_3556 = tpu.vector_load_idx %gather3A_3555[%add3A_5, %broadcast_in_dim3A_3532] : memref<32x128xf32, #tpu.memory_space<vmem>>[vector<16xi32>, vector<16xi32>], vector<16xf32>,
      %mul3A_3557 = arith.mulf %gather3A_3538, %gather3A_3550 : vector<16xf32>
      %mul3A_3558 = arith.mulf %gather3A_3544, %gather3A_3556 : vector<16xf32>
      %add3A_3559 = arith.addf %mul3A_3557, %mul3A_3558 : vector<16xf32>
      %reduce_sum3A_3560 = arith.constant true
      %reduce_sum3A_3561 = vector.broadcast %reduce_sum3A_3560 : i1 to vector<16xi1>
      %reduce_sum3A_3562 = tpu.scan <sum>, %add3A_3559 masked %reduce_sum3A_3561 : vector<16xf32>, vector<16xi1> -> vector<16xf32>
      %reduce_sum3A_3563 = vector.extract %reduce_sum3A_3562[15] : f32 from vector<16xf32>
      %broadcast_in_dim3A_3564 = vector.broadcast %add3A_3522 : i32 to vector<16xi32>
      %broadcast_in_dim3A_3565 = vector.broadcast %reduce_sum3A_3563 : f32 to vector<16xf32>
      tpu.vector_store_idx %arg11[%broadcast_in_dim3A_3564], %broadcast_in_dim3A_3565 masked %eq3A_7 : memref<512xf32, #tpu.memory_space<vmem>>[vector<16xi32>], vector<16xf32>, vector<16xi1>
      %slice3A_3566 = vector.extract_strided_slice %get3A_1848 {offsets = [6], sizes = [1], strides = [1]} : vector<16xi32> to vector<1xi32>
      %squeeze3A_3567 = vector.extract %slice3A_3566[0] : i32 from vector<1xi32>
      %slice3A_3568 = vector.extract_strided_slice %get3A_1850 {offsets = [6], sizes = [1], strides = [1]} : vector<16xi32> to vector<1xi32>
      %squeeze3A_3569 = vector.extract %slice3A_3568[0] : i32 from vector<1xi32>
      %shift_right_arithmetic3A_3570 = arith.constant 7 : i32
      %shift_right_arithmetic3A_3571 = arith.shrsi %squeeze3A_3567, %shift_right_arithmetic3A_3570 : i32
      %mul3A_3572 = arith.constant 128 : i32
      %mul3A_3573 = arith.muli %shift_right_arithmetic3A_3571, %mul3A_3572 : i32
      %multiple_of3A_3574 = tpu.assume_multiple %mul3A_3573, 128 : i32
      %shift_right_arithmetic3A_3575 = arith.constant 7 : i32
      %shift_right_arithmetic3A_3576 = arith.shrsi %squeeze3A_3569, %shift_right_arithmetic3A_3575 : i32
      %mul3A_3577 = arith.constant 128 : i32
      %mul3A_3578 = arith.muli %shift_right_arithmetic3A_3576, %mul3A_3577 : i32
      %multiple_of3A_3579 = tpu.assume_multiple %mul3A_3578, 128 : i32
      %dma_start3A_3580 = arith.constant 6 : i32
      %dma_start3A_3581 = arith.constant 0 : i32
      %dma_start3A_3582 = arith.constant 0 : i32
      %dma_start3A_3583 = tpu.memref_slice %arg9[%dma_start3A_3580, %dma_start3A_3581, %dma_start3A_3582] : memref<8x32x128xf32, #tpu.memory_space<vmem>> -> memref<1x32x128xf32, #tpu.memory_space<vmem>>
      %dma_start3A_3584 = tpu.memref_squeeze %dma_start3A_3583 : memref<1x32x128xf32, #tpu.memory_space<vmem>> -> memref<32x128xf32, #tpu.memory_space<vmem>>
      %dma_start3A_3585 = arith.constant 0 : i32
      %dma_start3A_3586 = tpu.memref_slice %arg4[%dma_start3A_3585, %multiple_of3A_3574] : memref<32x1000000xf32, #tpu.memory_space<hbm>> -> memref<32x128xf32, #tpu.memory_space<hbm>>
      %dma_start3A_3587 = arith.constant 0 : i32
      %dma_start3A_3588 = arith.constant 0 : i32
      %dma_start3A_3589 = tpu.memref_slice %arg9[%dma_start3A_3580, %dma_start3A_3587, %dma_start3A_3588] : memref<8x32x128xf32, #tpu.memory_space<vmem>> -> memref<1x32x128xf32, #tpu.memory_space<vmem>>
      %dma_start3A_3590 = tpu.memref_squeeze %dma_start3A_3589 : memref<1x32x128xf32, #tpu.memory_space<vmem>> -> memref<32x128xf32, #tpu.memory_space<vmem>>
      %dma_start3A_3591 = arith.constant 0 : i32
      %dma_start3A_3592 = tpu.memref_slice %arg4[%dma_start3A_3591, %multiple_of3A_3574] : memref<32x1000000xf32, #tpu.memory_space<hbm>> -> memref<32x128xf32, #tpu.memory_space<hbm>>
      tpu.enqueue_dma source(%dma_start3A_3592 : memref<32x128xf32, #tpu.memory_space<hbm>>) target(%dma_start3A_3590 : memref<32x128xf32, #tpu.memory_space<vmem>>) target_semaphore(%arg12 : memref<!tpu.dma_semaphore, #tpu.memory_space<semaphore_mem>>)
      %dma_start3A_3593 = arith.constant 6 : i32
      %dma_start3A_3594 = arith.constant 0 : i32
      %dma_start3A_3595 = arith.constant 0 : i32
      %dma_start3A_3596 = tpu.memref_slice %arg10[%dma_start3A_3593, %dma_start3A_3594, %dma_start3A_3595] : memref<8x32x128xf32, #tpu.memory_space<vmem>> -> memref<1x32x128xf32, #tpu.memory_space<vmem>>
      %dma_start3A_3597 = tpu.memref_squeeze %dma_start3A_3596 : memref<1x32x128xf32, #tpu.memory_space<vmem>> -> memref<32x128xf32, #tpu.memory_space<vmem>>
      %dma_start3A_3598 = arith.constant 0 : i32
      %dma_start3A_3599 = tpu.memref_slice %arg5[%dma_start3A_3598, %multiple_of3A_3579] : memref<32x1000000xf32, #tpu.memory_space<hbm>> -> memref<32x128xf32, #tpu.memory_space<hbm>>
      %dma_start3A_3600 = arith.constant 0 : i32
      %dma_start3A_3601 = arith.constant 0 : i32
      %dma_start3A_3602 = tpu.memref_slice %arg10[%dma_start3A_3593, %dma_start3A_3600, %dma_start3A_3601] : memref<8x32x128xf32, #tpu.memory_space<vmem>> -> memref<1x32x128xf32, #tpu.memory_space<vmem>>
      %dma_start3A_3603 = tpu.memref_squeeze %dma_start3A_3602 : memref<1x32x128xf32, #tpu.memory_space<vmem>> -> memref<32x128xf32, #tpu.memory_space<vmem>>
      %dma_start3A_3604 = arith.constant 0 : i32
      %dma_start3A_3605 = tpu.memref_slice %arg5[%dma_start3A_3604, %multiple_of3A_3579] : memref<32x1000000xf32, #tpu.memory_space<hbm>> -> memref<32x128xf32, #tpu.memory_space<hbm>>
      tpu.enqueue_dma source(%dma_start3A_3605 : memref<32x128xf32, #tpu.memory_space<hbm>>) target(%dma_start3A_3603 : memref<32x128xf32, #tpu.memory_space<vmem>>) target_semaphore(%arg13 : memref<!tpu.dma_semaphore, #tpu.memory_space<semaphore_mem>>)
      %dma_wait3A_3606 = arith.constant 7 : i32
      %dma_wait3A_3607 = arith.constant 0 : i32
      %dma_wait3A_3608 = arith.constant 0 : i32
      %dma_wait3A_3609 = tpu.memref_slice %arg9[%dma_wait3A_3606, %dma_wait3A_3607, %dma_wait3A_3608] : memref<8x32x128xf32, #tpu.memory_space<vmem>> -> memref<1x32x128xf32, #tpu.memory_space<vmem>>
      %dma_wait3A_3610 = tpu.memref_squeeze %dma_wait3A_3609 : memref<1x32x128xf32, #tpu.memory_space<vmem>> -> memref<32x128xf32, #tpu.memory_space<vmem>>
      %dma_wait3A_3611 = arith.constant 0 : i32
      %dma_wait3A_3612 = arith.constant 0 : i32
      %dma_wait3A_3613 = tpu.memref_slice %arg4[%dma_wait3A_3611, %dma_wait3A_3612] : memref<32x1000000xf32, #tpu.memory_space<hbm>> -> memref<32x128xf32, #tpu.memory_space<hbm>>
      %dma_wait3A_3614 = arith.constant 0 : i32
      %dma_wait3A_3615 = arith.constant 0 : i32
      %dma_wait3A_3616 = tpu.memref_slice %arg9[%dma_wait3A_3606, %dma_wait3A_3614, %dma_wait3A_3615] : memref<8x32x128xf32, #tpu.memory_space<vmem>> -> memref<1x32x128xf32, #tpu.memory_space<vmem>>
      %dma_wait3A_3617 = tpu.memref_squeeze %dma_wait3A_3616 : memref<1x32x128xf32, #tpu.memory_space<vmem>> -> memref<32x128xf32, #tpu.memory_space<vmem>>
      %dma_wait3A_3618 = arith.constant 0 : i32
      %dma_wait3A_3619 = arith.constant 0 : i32
      %dma_wait3A_3620 = tpu.memref_slice %arg4[%dma_wait3A_3618, %dma_wait3A_3619] : memref<32x1000000xf32, #tpu.memory_space<hbm>> -> memref<32x128xf32, #tpu.memory_space<hbm>>
      tpu.wait_dma2 semaphore(%arg12 : memref<!tpu.dma_semaphore, #tpu.memory_space<semaphore_mem>>) src(%dma_wait3A_3620 : memref<32x128xf32, #tpu.memory_space<hbm>>) dst(%dma_wait3A_3617 : memref<32x128xf32, #tpu.memory_space<vmem>>)
      %dma_wait3A_3621 = arith.constant 7 : i32
      %dma_wait3A_3622 = arith.constant 0 : i32
      %dma_wait3A_3623 = arith.constant 0 : i32
      %dma_wait3A_3624 = tpu.memref_slice %arg10[%dma_wait3A_3621, %dma_wait3A_3622, %dma_wait3A_3623] : memref<8x32x128xf32, #tpu.memory_space<vmem>> -> memref<1x32x128xf32, #tpu.memory_space<vmem>>
      %dma_wait3A_3625 = tpu.memref_squeeze %dma_wait3A_3624 : memref<1x32x128xf32, #tpu.memory_space<vmem>> -> memref<32x128xf32, #tpu.memory_space<vmem>>
      %dma_wait3A_3626 = arith.constant 0 : i32
      %dma_wait3A_3627 = arith.constant 0 : i32
      %dma_wait3A_3628 = tpu.memref_slice %arg5[%dma_wait3A_3626, %dma_wait3A_3627] : memref<32x1000000xf32, #tpu.memory_space<hbm>> -> memref<32x128xf32, #tpu.memory_space<hbm>>
      %dma_wait3A_3629 = arith.constant 0 : i32
      %dma_wait3A_3630 = arith.constant 0 : i32
      %dma_wait3A_3631 = tpu.memref_slice %arg10[%dma_wait3A_3621, %dma_wait3A_3629, %dma_wait3A_3630] : memref<8x32x128xf32, #tpu.memory_space<vmem>> -> memref<1x32x128xf32, #tpu.memory_space<vmem>>
      %dma_wait3A_3632 = tpu.memref_squeeze %dma_wait3A_3631 : memref<1x32x128xf32, #tpu.memory_space<vmem>> -> memref<32x128xf32, #tpu.memory_space<vmem>>
      %dma_wait3A_3633 = arith.constant 0 : i32
      %dma_wait3A_3634 = arith.constant 0 : i32
      %dma_wait3A_3635 = tpu.memref_slice %arg5[%dma_wait3A_3633, %dma_wait3A_3634] : memref<32x1000000xf32, #tpu.memory_space<hbm>> -> memref<32x128xf32, #tpu.memory_space<hbm>>
      tpu.wait_dma2 semaphore(%arg13 : memref<!tpu.dma_semaphore, #tpu.memory_space<semaphore_mem>>) src(%dma_wait3A_3635 : memref<32x128xf32, #tpu.memory_space<hbm>>) dst(%dma_wait3A_3632 : memref<32x128xf32, #tpu.memory_space<vmem>>)
      %mul3A_3636 = arith.constant 16 : i32
      %mul3A_3637 = arith.muli %scan3A_1835, %mul3A_3636 : i32
      %add3A_3638 = arith.constant 15 : i32
      %add3A_3639 = arith.addi %mul3A_3637, %add3A_3638 : i32
      %slice3A_3640 = vector.extract_strided_slice %get3A_1844 {offsets = [15], sizes = [1], strides = [1]} : vector<16xi32> to vector<1xi32>
      %squeeze3A_3641 = vector.extract %slice3A_3640[0] : i32 from vector<1xi32>
      %slice3A_3642 = vector.extract_strided_slice %get3A_1846 {offsets = [15], sizes = [1], strides = [1]} : vector<16xi32> to vector<1xi32>
      %squeeze3A_3643 = vector.extract %slice3A_3642[0] : i32 from vector<1xi32>
      %and3A_3644 = arith.constant 127 : i32
      %and3A_3645 = arith.andi %squeeze3A_3641, %and3A_3644 : i32
      %broadcast_in_dim3A_3646 = vector.broadcast %and3A_3645 : i32 to vector<16xi32>
      %and3A_3647 = arith.constant 127 : i32
      %and3A_3648 = arith.andi %squeeze3A_3643, %and3A_3647 : i32
      %broadcast_in_dim3A_3649 = vector.broadcast %and3A_3648 : i32 to vector<16xi32>
      %gather3A_3650 = arith.constant 7 : i32
      %gather3A_3651 = arith.constant 0 : i32
      %gather3A_3652 = arith.constant 0 : i32
      %gather3A_3653 = tpu.memref_slice %arg9[%gather3A_3650, %gather3A_3651, %gather3A_3652] : memref<8x32x128xf32, #tpu.memory_space<vmem>> -> memref<1x32x128xf32, #tpu.memory_space<vmem>>
      %gather3A_3654 = tpu.memref_squeeze %gather3A_3653 : memref<1x32x128xf32, #tpu.memory_space<vmem>> -> memref<32x128xf32, #tpu.memory_space<vmem>>
      %gather3A_3655 = tpu.vector_load_idx %gather3A_3654[%iota3A, %broadcast_in_dim3A_3646] : memref<32x128xf32, #tpu.memory_space<vmem>>[vector<16xi32>, vector<16xi32>], vector<16xf32>,
      %gather3A_3656 = arith.constant 7 : i32
      %gather3A_3657 = arith.constant 0 : i32
      %gather3A_3658 = arith.constant 0 : i32
      %gather3A_3659 = tpu.memref_slice %arg9[%gather3A_3656, %gather3A_3657, %gather3A_3658] : memref<8x32x128xf32, #tpu.memory_space<vmem>> -> memref<1x32x128xf32, #tpu.memory_space<vmem>>
      %gather3A_3660 = tpu.memref_squeeze %gather3A_3659 : memref<1x32x128xf32, #tpu.memory_space<vmem>> -> memref<32x128xf32, #tpu.memory_space<vmem>>
      %gather3A_3661 = tpu.vector_load_idx %gather3A_3660[%add3A_5, %broadcast_in_dim3A_3646] : memref<32x128xf32, #tpu.memory_space<vmem>>[vector<16xi32>, vector<16xi32>], vector<16xf32>,
      %gather3A_3662 = arith.constant 7 : i32
      %gather3A_3663 = arith.constant 0 : i32
      %gather3A_3664 = arith.constant 0 : i32
      %gather3A_3665 = tpu.memref_slice %arg10[%gather3A_3662, %gather3A_3663, %gather3A_3664] : memref<8x32x128xf32, #tpu.memory_space<vmem>> -> memref<1x32x128xf32, #tpu.memory_space<vmem>>
      %gather3A_3666 = tpu.memref_squeeze %gather3A_3665 : memref<1x32x128xf32, #tpu.memory_space<vmem>> -> memref<32x128xf32, #tpu.memory_space<vmem>>
      %gather3A_3667 = tpu.vector_load_idx %gather3A_3666[%iota3A, %broadcast_in_dim3A_3649] : memref<32x128xf32, #tpu.memory_space<vmem>>[vector<16xi32>, vector<16xi32>], vector<16xf32>,
      %gather3A_3668 = arith.constant 7 : i32
      %gather3A_3669 = arith.constant 0 : i32
      %gather3A_3670 = arith.constant 0 : i32
      %gather3A_3671 = tpu.memref_slice %arg10[%gather3A_3668, %gather3A_3669, %gather3A_3670] : memref<8x32x128xf32, #tpu.memory_space<vmem>> -> memref<1x32x128xf32, #tpu.memory_space<vmem>>
      %gather3A_3672 = tpu.memref_squeeze %gather3A_3671 : memref<1x32x128xf32, #tpu.memory_space<vmem>> -> memref<32x128xf32, #tpu.memory_space<vmem>>
      %gather3A_3673 = tpu.vector_load_idx %gather3A_3672[%add3A_5, %broadcast_in_dim3A_3649] : memref<32x128xf32, #tpu.memory_space<vmem>>[vector<16xi32>, vector<16xi32>], vector<16xf32>,
      %mul3A_3674 = arith.mulf %gather3A_3655, %gather3A_3667 : vector<16xf32>
      %mul3A_3675 = arith.mulf %gather3A_3661, %gather3A_3673 : vector<16xf32>
      %add3A_3676 = arith.addf %mul3A_3674, %mul3A_3675 : vector<16xf32>
      %reduce_sum3A_3677 = arith.constant true
      %reduce_sum3A_3678 = vector.broadcast %reduce_sum3A_3677 : i1 to vector<16xi1>
      %reduce_sum3A_3679 = tpu.scan <sum>, %add3A_3676 masked %reduce_sum3A_3678 : vector<16xf32>, vector<16xi1> -> vector<16xf32>
      %reduce_sum3A_3680 = vector.extract %reduce_sum3A_3679[15] : f32 from vector<16xf32>
      %broadcast_in_dim3A_3681 = vector.broadcast %add3A_3639 : i32 to vector<16xi32>
      %broadcast_in_dim3A_3682 = vector.broadcast %reduce_sum3A_3680 : f32 to vector<16xf32>
      tpu.vector_store_idx %arg11[%broadcast_in_dim3A_3681], %broadcast_in_dim3A_3682 masked %eq3A_7 : memref<512xf32, #tpu.memory_space<vmem>>[vector<16xi32>], vector<16xf32>, vector<16xi1>
      %slice3A_3683 = vector.extract_strided_slice %get3A_1848 {offsets = [7], sizes = [1], strides = [1]} : vector<16xi32> to vector<1xi32>
      %squeeze3A_3684 = vector.extract %slice3A_3683[0] : i32 from vector<1xi32>
      %slice3A_3685 = vector.extract_strided_slice %get3A_1850 {offsets = [7], sizes = [1], strides = [1]} : vector<16xi32> to vector<1xi32>
      %squeeze3A_3686 = vector.extract %slice3A_3685[0] : i32 from vector<1xi32>
      %shift_right_arithmetic3A_3687 = arith.constant 7 : i32
      %shift_right_arithmetic3A_3688 = arith.shrsi %squeeze3A_3684, %shift_right_arithmetic3A_3687 : i32
      %mul3A_3689 = arith.constant 128 : i32
      %mul3A_3690 = arith.muli %shift_right_arithmetic3A_3688, %mul3A_3689 : i32
      %multiple_of3A_3691 = tpu.assume_multiple %mul3A_3690, 128 : i32
      %shift_right_arithmetic3A_3692 = arith.constant 7 : i32
      %shift_right_arithmetic3A_3693 = arith.shrsi %squeeze3A_3686, %shift_right_arithmetic3A_3692 : i32
      %mul3A_3694 = arith.constant 128 : i32
      %mul3A_3695 = arith.muli %shift_right_arithmetic3A_3693, %mul3A_3694 : i32
      %multiple_of3A_3696 = tpu.assume_multiple %mul3A_3695, 128 : i32
      %dma_start3A_3697 = arith.constant 7 : i32
      %dma_start3A_3698 = arith.constant 0 : i32
      %dma_start3A_3699 = arith.constant 0 : i32
      %dma_start3A_3700 = tpu.memref_slice %arg9[%dma_start3A_3697, %dma_start3A_3698, %dma_start3A_3699] : memref<8x32x128xf32, #tpu.memory_space<vmem>> -> memref<1x32x128xf32, #tpu.memory_space<vmem>>
      %dma_start3A_3701 = tpu.memref_squeeze %dma_start3A_3700 : memref<1x32x128xf32, #tpu.memory_space<vmem>> -> memref<32x128xf32, #tpu.memory_space<vmem>>
      %dma_start3A_3702 = arith.constant 0 : i32
      %dma_start3A_3703 = tpu.memref_slice %arg4[%dma_start3A_3702, %multiple_of3A_3691] : memref<32x1000000xf32, #tpu.memory_space<hbm>> -> memref<32x128xf32, #tpu.memory_space<hbm>>
      %dma_start3A_3704 = arith.constant 0 : i32
      %dma_start3A_3705 = arith.constant 0 : i32
      %dma_start3A_3706 = tpu.memref_slice %arg9[%dma_start3A_3697, %dma_start3A_3704, %dma_start3A_3705] : memref<8x32x128xf32, #tpu.memory_space<vmem>> -> memref<1x32x128xf32, #tpu.memory_space<vmem>>
      %dma_start3A_3707 = tpu.memref_squeeze %dma_start3A_3706 : memref<1x32x128xf32, #tpu.memory_space<vmem>> -> memref<32x128xf32, #tpu.memory_space<vmem>>
      %dma_start3A_3708 = arith.constant 0 : i32
      %dma_start3A_3709 = tpu.memref_slice %arg4[%dma_start3A_3708, %multiple_of3A_3691] : memref<32x1000000xf32, #tpu.memory_space<hbm>> -> memref<32x128xf32, #tpu.memory_space<hbm>>
      tpu.enqueue_dma source(%dma_start3A_3709 : memref<32x128xf32, #tpu.memory_space<hbm>>) target(%dma_start3A_3707 : memref<32x128xf32, #tpu.memory_space<vmem>>) target_semaphore(%arg12 : memref<!tpu.dma_semaphore, #tpu.memory_space<semaphore_mem>>)
      %dma_start3A_3710 = arith.constant 7 : i32
      %dma_start3A_3711 = arith.constant 0 : i32
      %dma_start3A_3712 = arith.constant 0 : i32
      %dma_start3A_3713 = tpu.memref_slice %arg10[%dma_start3A_3710, %dma_start3A_3711, %dma_start3A_3712] : memref<8x32x128xf32, #tpu.memory_space<vmem>> -> memref<1x32x128xf32, #tpu.memory_space<vmem>>
      %dma_start3A_3714 = tpu.memref_squeeze %dma_start3A_3713 : memref<1x32x128xf32, #tpu.memory_space<vmem>> -> memref<32x128xf32, #tpu.memory_space<vmem>>
      %dma_start3A_3715 = arith.constant 0 : i32
      %dma_start3A_3716 = tpu.memref_slice %arg5[%dma_start3A_3715, %multiple_of3A_3696] : memref<32x1000000xf32, #tpu.memory_space<hbm>> -> memref<32x128xf32, #tpu.memory_space<hbm>>
      %dma_start3A_3717 = arith.constant 0 : i32
      %dma_start3A_3718 = arith.constant 0 : i32
      %dma_start3A_3719 = tpu.memref_slice %arg10[%dma_start3A_3710, %dma_start3A_3717, %dma_start3A_3718] : memref<8x32x128xf32, #tpu.memory_space<vmem>> -> memref<1x32x128xf32, #tpu.memory_space<vmem>>
      %dma_start3A_3720 = tpu.memref_squeeze %dma_start3A_3719 : memref<1x32x128xf32, #tpu.memory_space<vmem>> -> memref<32x128xf32, #tpu.memory_space<vmem>>
      %dma_start3A_3721 = arith.constant 0 : i32
      %dma_start3A_3722 = tpu.memref_slice %arg5[%dma_start3A_3721, %multiple_of3A_3696] : memref<32x1000000xf32, #tpu.memory_space<hbm>> -> memref<32x128xf32, #tpu.memory_space<hbm>>
      tpu.enqueue_dma source(%dma_start3A_3722 : memref<32x128xf32, #tpu.memory_space<hbm>>) target(%dma_start3A_3720 : memref<32x128xf32, #tpu.memory_space<vmem>>) target_semaphore(%arg13 : memref<!tpu.dma_semaphore, #tpu.memory_space<semaphore_mem>>)
      %scan3A_3723 = arith.constant 0 : i32
      scf.yield %scan3A_3723 : i32
    }
    %scan3A_331 = arith.constant 31 : i32
    %get3A_332 = arith.constant 496 : index
    %get3A_333 = tpu.vector_load %arg7[%get3A_332] {strides = array<i32>} : memref<512xi32, #tpu.memory_space<vmem>>, vector<16xi32>,
    %get3A_334 = arith.constant 496 : index
    %get3A_335 = tpu.vector_load %arg8[%get3A_334] {strides = array<i32>} : memref<512xi32, #tpu.memory_space<vmem>>, vector<16xi32>,
    %dma_wait3A = arith.constant 0 : i32
    %dma_wait3A_336 = arith.constant 0 : i32
    %dma_wait3A_337 = arith.constant 0 : i32
    %dma_wait3A_338 = tpu.memref_slice %arg9[%dma_wait3A, %dma_wait3A_336, %dma_wait3A_337] : memref<8x32x128xf32, #tpu.memory_space<vmem>> -> memref<1x32x128xf32, #tpu.memory_space<vmem>>
    %dma_wait3A_339 = tpu.memref_squeeze %dma_wait3A_338 : memref<1x32x128xf32, #tpu.memory_space<vmem>> -> memref<32x128xf32, #tpu.memory_space<vmem>>
    %dma_wait3A_340 = arith.constant 0 : i32
    %dma_wait3A_341 = arith.constant 0 : i32
    %dma_wait3A_342 = tpu.memref_slice %arg4[%dma_wait3A_340, %dma_wait3A_341] : memref<32x1000000xf32, #tpu.memory_space<hbm>> -> memref<32x128xf32, #tpu.memory_space<hbm>>
    %dma_wait3A_343 = arith.constant 0 : i32
    %dma_wait3A_344 = arith.constant 0 : i32
    %dma_wait3A_345 = tpu.memref_slice %arg9[%dma_wait3A, %dma_wait3A_343, %dma_wait3A_344] : memref<8x32x128xf32, #tpu.memory_space<vmem>> -> memref<1x32x128xf32, #tpu.memory_space<vmem>>
    %dma_wait3A_346 = tpu.memref_squeeze %dma_wait3A_345 : memref<1x32x128xf32, #tpu.memory_space<vmem>> -> memref<32x128xf32, #tpu.memory_space<vmem>>
    %dma_wait3A_347 = arith.constant 0 : i32
    %dma_wait3A_348 = arith.constant 0 : i32
    %dma_wait3A_349 = tpu.memref_slice %arg4[%dma_wait3A_347, %dma_wait3A_348] : memref<32x1000000xf32, #tpu.memory_space<hbm>> -> memref<32x128xf32, #tpu.memory_space<hbm>>
    tpu.wait_dma2 semaphore(%arg12 : memref<!tpu.dma_semaphore, #tpu.memory_space<semaphore_mem>>) src(%dma_wait3A_349 : memref<32x128xf32, #tpu.memory_space<hbm>>) dst(%dma_wait3A_346 : memref<32x128xf32, #tpu.memory_space<vmem>>)
    %dma_wait3A_350 = arith.constant 0 : i32
    %dma_wait3A_351 = arith.constant 0 : i32
    %dma_wait3A_352 = arith.constant 0 : i32
    %dma_wait3A_353 = tpu.memref_slice %arg10[%dma_wait3A_350, %dma_wait3A_351, %dma_wait3A_352] : memref<8x32x128xf32, #tpu.memory_space<vmem>> -> memref<1x32x128xf32, #tpu.memory_space<vmem>>
    %dma_wait3A_354 = tpu.memref_squeeze %dma_wait3A_353 : memref<1x32x128xf32, #tpu.memory_space<vmem>> -> memref<32x128xf32, #tpu.memory_space<vmem>>
    %dma_wait3A_355 = arith.constant 0 : i32
    %dma_wait3A_356 = arith.constant 0 : i32
    %dma_wait3A_357 = tpu.memref_slice %arg5[%dma_wait3A_355, %dma_wait3A_356] : memref<32x1000000xf32, #tpu.memory_space<hbm>> -> memref<32x128xf32, #tpu.memory_space<hbm>>
    %dma_wait3A_358 = arith.constant 0 : i32
    %dma_wait3A_359 = arith.constant 0 : i32
    %dma_wait3A_360 = tpu.memref_slice %arg10[%dma_wait3A_350, %dma_wait3A_358, %dma_wait3A_359] : memref<8x32x128xf32, #tpu.memory_space<vmem>> -> memref<1x32x128xf32, #tpu.memory_space<vmem>>
    %dma_wait3A_361 = tpu.memref_squeeze %dma_wait3A_360 : memref<1x32x128xf32, #tpu.memory_space<vmem>> -> memref<32x128xf32, #tpu.memory_space<vmem>>
    %dma_wait3A_362 = arith.constant 0 : i32
    %dma_wait3A_363 = arith.constant 0 : i32
    %dma_wait3A_364 = tpu.memref_slice %arg5[%dma_wait3A_362, %dma_wait3A_363] : memref<32x1000000xf32, #tpu.memory_space<hbm>> -> memref<32x128xf32, #tpu.memory_space<hbm>>
    tpu.wait_dma2 semaphore(%arg13 : memref<!tpu.dma_semaphore, #tpu.memory_space<semaphore_mem>>) src(%dma_wait3A_364 : memref<32x128xf32, #tpu.memory_space<hbm>>) dst(%dma_wait3A_361 : memref<32x128xf32, #tpu.memory_space<vmem>>)
    %slice3A_365 = vector.extract_strided_slice %get3A_333 {offsets = [0], sizes = [1], strides = [1]} : vector<16xi32> to vector<1xi32>
    %squeeze3A_366 = vector.extract %slice3A_365[0] : i32 from vector<1xi32>
    %slice3A_367 = vector.extract_strided_slice %get3A_335 {offsets = [0], sizes = [1], strides = [1]} : vector<16xi32> to vector<1xi32>
    %squeeze3A_368 = vector.extract %slice3A_367[0] : i32 from vector<1xi32>
    %and3A = arith.constant 127 : i32
    %and3A_369 = arith.andi %squeeze3A_366, %and3A : i32
    %broadcast_in_dim3A = vector.broadcast %and3A_369 : i32 to vector<16xi32>
    %and3A_370 = arith.constant 127 : i32
    %and3A_371 = arith.andi %squeeze3A_368, %and3A_370 : i32
    %broadcast_in_dim3A_372 = vector.broadcast %and3A_371 : i32 to vector<16xi32>
    %gather3A = arith.constant 0 : i32
    %gather3A_373 = arith.constant 0 : i32
    %gather3A_374 = arith.constant 0 : i32
    %gather3A_375 = tpu.memref_slice %arg9[%gather3A, %gather3A_373, %gather3A_374] : memref<8x32x128xf32, #tpu.memory_space<vmem>> -> memref<1x32x128xf32, #tpu.memory_space<vmem>>
    %gather3A_376 = tpu.memref_squeeze %gather3A_375 : memref<1x32x128xf32, #tpu.memory_space<vmem>> -> memref<32x128xf32, #tpu.memory_space<vmem>>
    %gather3A_377 = tpu.vector_load_idx %gather3A_376[%iota3A, %broadcast_in_dim3A] : memref<32x128xf32, #tpu.memory_space<vmem>>[vector<16xi32>, vector<16xi32>], vector<16xf32>,
    %gather3A_378 = arith.constant 0 : i32
    %gather3A_379 = arith.constant 0 : i32
    %gather3A_380 = arith.constant 0 : i32
    %gather3A_381 = tpu.memref_slice %arg9[%gather3A_378, %gather3A_379, %gather3A_380] : memref<8x32x128xf32, #tpu.memory_space<vmem>> -> memref<1x32x128xf32, #tpu.memory_space<vmem>>
    %gather3A_382 = tpu.memref_squeeze %gather3A_381 : memref<1x32x128xf32, #tpu.memory_space<vmem>> -> memref<32x128xf32, #tpu.memory_space<vmem>>
    %gather3A_383 = tpu.vector_load_idx %gather3A_382[%add3A_5, %broadcast_in_dim3A] : memref<32x128xf32, #tpu.memory_space<vmem>>[vector<16xi32>, vector<16xi32>], vector<16xf32>,
    %gather3A_384 = arith.constant 0 : i32
    %gather3A_385 = arith.constant 0 : i32
    %gather3A_386 = arith.constant 0 : i32
    %gather3A_387 = tpu.memref_slice %arg10[%gather3A_384, %gather3A_385, %gather3A_386] : memref<8x32x128xf32, #tpu.memory_space<vmem>> -> memref<1x32x128xf32, #tpu.memory_space<vmem>>
    %gather3A_388 = tpu.memref_squeeze %gather3A_387 : memref<1x32x128xf32, #tpu.memory_space<vmem>> -> memref<32x128xf32, #tpu.memory_space<vmem>>
    %gather3A_389 = tpu.vector_load_idx %gather3A_388[%iota3A, %broadcast_in_dim3A_372] : memref<32x128xf32, #tpu.memory_space<vmem>>[vector<16xi32>, vector<16xi32>], vector<16xf32>,
    %gather3A_390 = arith.constant 0 : i32
    %gather3A_391 = arith.constant 0 : i32
    %gather3A_392 = arith.constant 0 : i32
    %gather3A_393 = tpu.memref_slice %arg10[%gather3A_390, %gather3A_391, %gather3A_392] : memref<8x32x128xf32, #tpu.memory_space<vmem>> -> memref<1x32x128xf32, #tpu.memory_space<vmem>>
    %gather3A_394 = tpu.memref_squeeze %gather3A_393 : memref<1x32x128xf32, #tpu.memory_space<vmem>> -> memref<32x128xf32, #tpu.memory_space<vmem>>
    %gather3A_395 = tpu.vector_load_idx %gather3A_394[%add3A_5, %broadcast_in_dim3A_372] : memref<32x128xf32, #tpu.memory_space<vmem>>[vector<16xi32>, vector<16xi32>], vector<16xf32>,
    %mul3A_396 = arith.mulf %gather3A_377, %gather3A_389 : vector<16xf32>
    %mul3A_397 = arith.mulf %gather3A_383, %gather3A_395 : vector<16xf32>
    %add3A_398 = arith.addf %mul3A_396, %mul3A_397 : vector<16xf32>
    %reduce_sum3A = arith.constant true
    %reduce_sum3A_399 = vector.broadcast %reduce_sum3A : i1 to vector<16xi1>
    %reduce_sum3A_400 = tpu.scan <sum>, %add3A_398 masked %reduce_sum3A_399 : vector<16xf32>, vector<16xi1> -> vector<16xf32>
    %reduce_sum3A_401 = vector.extract %reduce_sum3A_400[15] : f32 from vector<16xf32>
    %broadcast_in_dim3A_402 = arith.constant 496 : i32
    %broadcast_in_dim3A_403 = vector.broadcast %broadcast_in_dim3A_402 : i32 to vector<16xi32>
    %broadcast_in_dim3A_404 = vector.broadcast %reduce_sum3A_401 : f32 to vector<16xf32>
    tpu.vector_store_idx %arg11[%broadcast_in_dim3A_403], %broadcast_in_dim3A_404 masked %eq3A_7 : memref<512xf32, #tpu.memory_space<vmem>>[vector<16xi32>], vector<16xf32>, vector<16xi1>
    %slice3A_405 = vector.extract_strided_slice %get3A_333 {offsets = [8], sizes = [1], strides = [1]} : vector<16xi32> to vector<1xi32>
    %squeeze3A_406 = vector.extract %slice3A_405[0] : i32 from vector<1xi32>
    %slice3A_407 = vector.extract_strided_slice %get3A_335 {offsets = [8], sizes = [1], strides = [1]} : vector<16xi32> to vector<1xi32>
    %squeeze3A_408 = vector.extract %slice3A_407[0] : i32 from vector<1xi32>
    %shift_right_arithmetic3A_409 = arith.constant 7 : i32
    %shift_right_arithmetic3A_410 = arith.shrsi %squeeze3A_406, %shift_right_arithmetic3A_409 : i32
    %mul3A_411 = arith.constant 128 : i32
    %mul3A_412 = arith.muli %shift_right_arithmetic3A_410, %mul3A_411 : i32
    %multiple_of3A_413 = tpu.assume_multiple %mul3A_412, 128 : i32
    %shift_right_arithmetic3A_414 = arith.constant 7 : i32
    %shift_right_arithmetic3A_415 = arith.shrsi %squeeze3A_408, %shift_right_arithmetic3A_414 : i32
    %mul3A_416 = arith.constant 128 : i32
    %mul3A_417 = arith.muli %shift_right_arithmetic3A_415, %mul3A_416 : i32
    %multiple_of3A_418 = tpu.assume_multiple %mul3A_417, 128 : i32
    %dma_start3A_419 = arith.constant 0 : i32
    %dma_start3A_420 = arith.constant 0 : i32
    %dma_start3A_421 = arith.constant 0 : i32
    %dma_start3A_422 = tpu.memref_slice %arg9[%dma_start3A_419, %dma_start3A_420, %dma_start3A_421] : memref<8x32x128xf32, #tpu.memory_space<vmem>> -> memref<1x32x128xf32, #tpu.memory_space<vmem>>
    %dma_start3A_423 = tpu.memref_squeeze %dma_start3A_422 : memref<1x32x128xf32, #tpu.memory_space<vmem>> -> memref<32x128xf32, #tpu.memory_space<vmem>>
    %dma_start3A_424 = arith.constant 0 : i32
    %dma_start3A_425 = tpu.memref_slice %arg4[%dma_start3A_424, %multiple_of3A_413] : memref<32x1000000xf32, #tpu.memory_space<hbm>> -> memref<32x128xf32, #tpu.memory_space<hbm>>
    %dma_start3A_426 = arith.constant 0 : i32
    %dma_start3A_427 = arith.constant 0 : i32
    %dma_start3A_428 = tpu.memref_slice %arg9[%dma_start3A_419, %dma_start3A_426, %dma_start3A_427] : memref<8x32x128xf32, #tpu.memory_space<vmem>> -> memref<1x32x128xf32, #tpu.memory_space<vmem>>
    %dma_start3A_429 = tpu.memref_squeeze %dma_start3A_428 : memref<1x32x128xf32, #tpu.memory_space<vmem>> -> memref<32x128xf32, #tpu.memory_space<vmem>>
    %dma_start3A_430 = arith.constant 0 : i32
    %dma_start3A_431 = tpu.memref_slice %arg4[%dma_start3A_430, %multiple_of3A_413] : memref<32x1000000xf32, #tpu.memory_space<hbm>> -> memref<32x128xf32, #tpu.memory_space<hbm>>
    tpu.enqueue_dma source(%dma_start3A_431 : memref<32x128xf32, #tpu.memory_space<hbm>>) target(%dma_start3A_429 : memref<32x128xf32, #tpu.memory_space<vmem>>) target_semaphore(%arg12 : memref<!tpu.dma_semaphore, #tpu.memory_space<semaphore_mem>>)
    %dma_start3A_432 = arith.constant 0 : i32
    %dma_start3A_433 = arith.constant 0 : i32
    %dma_start3A_434 = arith.constant 0 : i32
    %dma_start3A_435 = tpu.memref_slice %arg10[%dma_start3A_432, %dma_start3A_433, %dma_start3A_434] : memref<8x32x128xf32, #tpu.memory_space<vmem>> -> memref<1x32x128xf32, #tpu.memory_space<vmem>>
    %dma_start3A_436 = tpu.memref_squeeze %dma_start3A_435 : memref<1x32x128xf32, #tpu.memory_space<vmem>> -> memref<32x128xf32, #tpu.memory_space<vmem>>
    %dma_start3A_437 = arith.constant 0 : i32
    %dma_start3A_438 = tpu.memref_slice %arg5[%dma_start3A_437, %multiple_of3A_418] : memref<32x1000000xf32, #tpu.memory_space<hbm>> -> memref<32x128xf32, #tpu.memory_space<hbm>>
    %dma_start3A_439 = arith.constant 0 : i32
    %dma_start3A_440 = arith.constant 0 : i32
    %dma_start3A_441 = tpu.memref_slice %arg10[%dma_start3A_432, %dma_start3A_439, %dma_start3A_440] : memref<8x32x128xf32, #tpu.memory_space<vmem>> -> memref<1x32x128xf32, #tpu.memory_space<vmem>>
    %dma_start3A_442 = tpu.memref_squeeze %dma_start3A_441 : memref<1x32x128xf32, #tpu.memory_space<vmem>> -> memref<32x128xf32, #tpu.memory_space<vmem>>
    %dma_start3A_443 = arith.constant 0 : i32
    %dma_start3A_444 = tpu.memref_slice %arg5[%dma_start3A_443, %multiple_of3A_418] : memref<32x1000000xf32, #tpu.memory_space<hbm>> -> memref<32x128xf32, #tpu.memory_space<hbm>>
    tpu.enqueue_dma source(%dma_start3A_444 : memref<32x128xf32, #tpu.memory_space<hbm>>) target(%dma_start3A_442 : memref<32x128xf32, #tpu.memory_space<vmem>>) target_semaphore(%arg13 : memref<!tpu.dma_semaphore, #tpu.memory_space<semaphore_mem>>)
    %dma_wait3A_445 = arith.constant 1 : i32
    %dma_wait3A_446 = arith.constant 0 : i32
    %dma_wait3A_447 = arith.constant 0 : i32
    %dma_wait3A_448 = tpu.memref_slice %arg9[%dma_wait3A_445, %dma_wait3A_446, %dma_wait3A_447] : memref<8x32x128xf32, #tpu.memory_space<vmem>> -> memref<1x32x128xf32, #tpu.memory_space<vmem>>
    %dma_wait3A_449 = tpu.memref_squeeze %dma_wait3A_448 : memref<1x32x128xf32, #tpu.memory_space<vmem>> -> memref<32x128xf32, #tpu.memory_space<vmem>>
    %dma_wait3A_450 = arith.constant 0 : i32
    %dma_wait3A_451 = arith.constant 0 : i32
    %dma_wait3A_452 = tpu.memref_slice %arg4[%dma_wait3A_450, %dma_wait3A_451] : memref<32x1000000xf32, #tpu.memory_space<hbm>> -> memref<32x128xf32, #tpu.memory_space<hbm>>
    %dma_wait3A_453 = arith.constant 0 : i32
    %dma_wait3A_454 = arith.constant 0 : i32
    %dma_wait3A_455 = tpu.memref_slice %arg9[%dma_wait3A_445, %dma_wait3A_453, %dma_wait3A_454] : memref<8x32x128xf32, #tpu.memory_space<vmem>> -> memref<1x32x128xf32, #tpu.memory_space<vmem>>
    %dma_wait3A_456 = tpu.memref_squeeze %dma_wait3A_455 : memref<1x32x128xf32, #tpu.memory_space<vmem>> -> memref<32x128xf32, #tpu.memory_space<vmem>>
    %dma_wait3A_457 = arith.constant 0 : i32
    %dma_wait3A_458 = arith.constant 0 : i32
    %dma_wait3A_459 = tpu.memref_slice %arg4[%dma_wait3A_457, %dma_wait3A_458] : memref<32x1000000xf32, #tpu.memory_space<hbm>> -> memref<32x128xf32, #tpu.memory_space<hbm>>
    tpu.wait_dma2 semaphore(%arg12 : memref<!tpu.dma_semaphore, #tpu.memory_space<semaphore_mem>>) src(%dma_wait3A_459 : memref<32x128xf32, #tpu.memory_space<hbm>>) dst(%dma_wait3A_456 : memref<32x128xf32, #tpu.memory_space<vmem>>)
    %dma_wait3A_460 = arith.constant 1 : i32
    %dma_wait3A_461 = arith.constant 0 : i32
    %dma_wait3A_462 = arith.constant 0 : i32
    %dma_wait3A_463 = tpu.memref_slice %arg10[%dma_wait3A_460, %dma_wait3A_461, %dma_wait3A_462] : memref<8x32x128xf32, #tpu.memory_space<vmem>> -> memref<1x32x128xf32, #tpu.memory_space<vmem>>
    %dma_wait3A_464 = tpu.memref_squeeze %dma_wait3A_463 : memref<1x32x128xf32, #tpu.memory_space<vmem>> -> memref<32x128xf32, #tpu.memory_space<vmem>>
    %dma_wait3A_465 = arith.constant 0 : i32
    %dma_wait3A_466 = arith.constant 0 : i32
    %dma_wait3A_467 = tpu.memref_slice %arg5[%dma_wait3A_465, %dma_wait3A_466] : memref<32x1000000xf32, #tpu.memory_space<hbm>> -> memref<32x128xf32, #tpu.memory_space<hbm>>
    %dma_wait3A_468 = arith.constant 0 : i32
    %dma_wait3A_469 = arith.constant 0 : i32
    %dma_wait3A_470 = tpu.memref_slice %arg10[%dma_wait3A_460, %dma_wait3A_468, %dma_wait3A_469] : memref<8x32x128xf32, #tpu.memory_space<vmem>> -> memref<1x32x128xf32, #tpu.memory_space<vmem>>
    %dma_wait3A_471 = tpu.memref_squeeze %dma_wait3A_470 : memref<1x32x128xf32, #tpu.memory_space<vmem>> -> memref<32x128xf32, #tpu.memory_space<vmem>>
    %dma_wait3A_472 = arith.constant 0 : i32
    %dma_wait3A_473 = arith.constant 0 : i32
    %dma_wait3A_474 = tpu.memref_slice %arg5[%dma_wait3A_472, %dma_wait3A_473] : memref<32x1000000xf32, #tpu.memory_space<hbm>> -> memref<32x128xf32, #tpu.memory_space<hbm>>
    tpu.wait_dma2 semaphore(%arg13 : memref<!tpu.dma_semaphore, #tpu.memory_space<semaphore_mem>>) src(%dma_wait3A_474 : memref<32x128xf32, #tpu.memory_space<hbm>>) dst(%dma_wait3A_471 : memref<32x128xf32, #tpu.memory_space<vmem>>)
    %slice3A_475 = vector.extract_strided_slice %get3A_333 {offsets = [1], sizes = [1], strides = [1]} : vector<16xi32> to vector<1xi32>
    %squeeze3A_476 = vector.extract %slice3A_475[0] : i32 from vector<1xi32>
    %slice3A_477 = vector.extract_strided_slice %get3A_335 {offsets = [1], sizes = [1], strides = [1]} : vector<16xi32> to vector<1xi32>
    %squeeze3A_478 = vector.extract %slice3A_477[0] : i32 from vector<1xi32>
    %and3A_479 = arith.constant 127 : i32
    %and3A_480 = arith.andi %squeeze3A_476, %and3A_479 : i32
    %broadcast_in_dim3A_481 = vector.broadcast %and3A_480 : i32 to vector<16xi32>
    %and3A_482 = arith.constant 127 : i32
    %and3A_483 = arith.andi %squeeze3A_478, %and3A_482 : i32
    %broadcast_in_dim3A_484 = vector.broadcast %and3A_483 : i32 to vector<16xi32>
    %gather3A_485 = arith.constant 1 : i32
    %gather3A_486 = arith.constant 0 : i32
    %gather3A_487 = arith.constant 0 : i32
    %gather3A_488 = tpu.memref_slice %arg9[%gather3A_485, %gather3A_486, %gather3A_487] : memref<8x32x128xf32, #tpu.memory_space<vmem>> -> memref<1x32x128xf32, #tpu.memory_space<vmem>>
    %gather3A_489 = tpu.memref_squeeze %gather3A_488 : memref<1x32x128xf32, #tpu.memory_space<vmem>> -> memref<32x128xf32, #tpu.memory_space<vmem>>
    %gather3A_490 = tpu.vector_load_idx %gather3A_489[%iota3A, %broadcast_in_dim3A_481] : memref<32x128xf32, #tpu.memory_space<vmem>>[vector<16xi32>, vector<16xi32>], vector<16xf32>,
    %gather3A_491 = arith.constant 1 : i32
    %gather3A_492 = arith.constant 0 : i32
    %gather3A_493 = arith.constant 0 : i32
    %gather3A_494 = tpu.memref_slice %arg9[%gather3A_491, %gather3A_492, %gather3A_493] : memref<8x32x128xf32, #tpu.memory_space<vmem>> -> memref<1x32x128xf32, #tpu.memory_space<vmem>>
    %gather3A_495 = tpu.memref_squeeze %gather3A_494 : memref<1x32x128xf32, #tpu.memory_space<vmem>> -> memref<32x128xf32, #tpu.memory_space<vmem>>
    %gather3A_496 = tpu.vector_load_idx %gather3A_495[%add3A_5, %broadcast_in_dim3A_481] : memref<32x128xf32, #tpu.memory_space<vmem>>[vector<16xi32>, vector<16xi32>], vector<16xf32>,
    %gather3A_497 = arith.constant 1 : i32
    %gather3A_498 = arith.constant 0 : i32
    %gather3A_499 = arith.constant 0 : i32
    %gather3A_500 = tpu.memref_slice %arg10[%gather3A_497, %gather3A_498, %gather3A_499] : memref<8x32x128xf32, #tpu.memory_space<vmem>> -> memref<1x32x128xf32, #tpu.memory_space<vmem>>
    %gather3A_501 = tpu.memref_squeeze %gather3A_500 : memref<1x32x128xf32, #tpu.memory_space<vmem>> -> memref<32x128xf32, #tpu.memory_space<vmem>>
    %gather3A_502 = tpu.vector_load_idx %gather3A_501[%iota3A, %broadcast_in_dim3A_484] : memref<32x128xf32, #tpu.memory_space<vmem>>[vector<16xi32>, vector<16xi32>], vector<16xf32>,
    %gather3A_503 = arith.constant 1 : i32
    %gather3A_504 = arith.constant 0 : i32
    %gather3A_505 = arith.constant 0 : i32
    %gather3A_506 = tpu.memref_slice %arg10[%gather3A_503, %gather3A_504, %gather3A_505] : memref<8x32x128xf32, #tpu.memory_space<vmem>> -> memref<1x32x128xf32, #tpu.memory_space<vmem>>
    %gather3A_507 = tpu.memref_squeeze %gather3A_506 : memref<1x32x128xf32, #tpu.memory_space<vmem>> -> memref<32x128xf32, #tpu.memory_space<vmem>>
    %gather3A_508 = tpu.vector_load_idx %gather3A_507[%add3A_5, %broadcast_in_dim3A_484] : memref<32x128xf32, #tpu.memory_space<vmem>>[vector<16xi32>, vector<16xi32>], vector<16xf32>,
    %mul3A_509 = arith.mulf %gather3A_490, %gather3A_502 : vector<16xf32>
    %mul3A_510 = arith.mulf %gather3A_496, %gather3A_508 : vector<16xf32>
    %add3A_511 = arith.addf %mul3A_509, %mul3A_510 : vector<16xf32>
    %reduce_sum3A_512 = arith.constant true
    %reduce_sum3A_513 = vector.broadcast %reduce_sum3A_512 : i1 to vector<16xi1>
    %reduce_sum3A_514 = tpu.scan <sum>, %add3A_511 masked %reduce_sum3A_513 : vector<16xf32>, vector<16xi1> -> vector<16xf32>
    %reduce_sum3A_515 = vector.extract %reduce_sum3A_514[15] : f32 from vector<16xf32>
    %broadcast_in_dim3A_516 = arith.constant 497 : i32
    %broadcast_in_dim3A_517 = vector.broadcast %broadcast_in_dim3A_516 : i32 to vector<16xi32>
    %broadcast_in_dim3A_518 = vector.broadcast %reduce_sum3A_515 : f32 to vector<16xf32>
    tpu.vector_store_idx %arg11[%broadcast_in_dim3A_517], %broadcast_in_dim3A_518 masked %eq3A_7 : memref<512xf32, #tpu.memory_space<vmem>>[vector<16xi32>], vector<16xf32>, vector<16xi1>
    %slice3A_519 = vector.extract_strided_slice %get3A_333 {offsets = [9], sizes = [1], strides = [1]} : vector<16xi32> to vector<1xi32>
    %squeeze3A_520 = vector.extract %slice3A_519[0] : i32 from vector<1xi32>
    %slice3A_521 = vector.extract_strided_slice %get3A_335 {offsets = [9], sizes = [1], strides = [1]} : vector<16xi32> to vector<1xi32>
    %squeeze3A_522 = vector.extract %slice3A_521[0] : i32 from vector<1xi32>
    %shift_right_arithmetic3A_523 = arith.constant 7 : i32
    %shift_right_arithmetic3A_524 = arith.shrsi %squeeze3A_520, %shift_right_arithmetic3A_523 : i32
    %mul3A_525 = arith.constant 128 : i32
    %mul3A_526 = arith.muli %shift_right_arithmetic3A_524, %mul3A_525 : i32
    %multiple_of3A_527 = tpu.assume_multiple %mul3A_526, 128 : i32
    %shift_right_arithmetic3A_528 = arith.constant 7 : i32
    %shift_right_arithmetic3A_529 = arith.shrsi %squeeze3A_522, %shift_right_arithmetic3A_528 : i32
    %mul3A_530 = arith.constant 128 : i32
    %mul3A_531 = arith.muli %shift_right_arithmetic3A_529, %mul3A_530 : i32
    %multiple_of3A_532 = tpu.assume_multiple %mul3A_531, 128 : i32
    %dma_start3A_533 = arith.constant 1 : i32
    %dma_start3A_534 = arith.constant 0 : i32
    %dma_start3A_535 = arith.constant 0 : i32
    %dma_start3A_536 = tpu.memref_slice %arg9[%dma_start3A_533, %dma_start3A_534, %dma_start3A_535] : memref<8x32x128xf32, #tpu.memory_space<vmem>> -> memref<1x32x128xf32, #tpu.memory_space<vmem>>
    %dma_start3A_537 = tpu.memref_squeeze %dma_start3A_536 : memref<1x32x128xf32, #tpu.memory_space<vmem>> -> memref<32x128xf32, #tpu.memory_space<vmem>>
    %dma_start3A_538 = arith.constant 0 : i32
    %dma_start3A_539 = tpu.memref_slice %arg4[%dma_start3A_538, %multiple_of3A_527] : memref<32x1000000xf32, #tpu.memory_space<hbm>> -> memref<32x128xf32, #tpu.memory_space<hbm>>
    %dma_start3A_540 = arith.constant 0 : i32
    %dma_start3A_541 = arith.constant 0 : i32
    %dma_start3A_542 = tpu.memref_slice %arg9[%dma_start3A_533, %dma_start3A_540, %dma_start3A_541] : memref<8x32x128xf32, #tpu.memory_space<vmem>> -> memref<1x32x128xf32, #tpu.memory_space<vmem>>
    %dma_start3A_543 = tpu.memref_squeeze %dma_start3A_542 : memref<1x32x128xf32, #tpu.memory_space<vmem>> -> memref<32x128xf32, #tpu.memory_space<vmem>>
    %dma_start3A_544 = arith.constant 0 : i32
    %dma_start3A_545 = tpu.memref_slice %arg4[%dma_start3A_544, %multiple_of3A_527] : memref<32x1000000xf32, #tpu.memory_space<hbm>> -> memref<32x128xf32, #tpu.memory_space<hbm>>
    tpu.enqueue_dma source(%dma_start3A_545 : memref<32x128xf32, #tpu.memory_space<hbm>>) target(%dma_start3A_543 : memref<32x128xf32, #tpu.memory_space<vmem>>) target_semaphore(%arg12 : memref<!tpu.dma_semaphore, #tpu.memory_space<semaphore_mem>>)
    %dma_start3A_546 = arith.constant 1 : i32
    %dma_start3A_547 = arith.constant 0 : i32
    %dma_start3A_548 = arith.constant 0 : i32
    %dma_start3A_549 = tpu.memref_slice %arg10[%dma_start3A_546, %dma_start3A_547, %dma_start3A_548] : memref<8x32x128xf32, #tpu.memory_space<vmem>> -> memref<1x32x128xf32, #tpu.memory_space<vmem>>
    %dma_start3A_550 = tpu.memref_squeeze %dma_start3A_549 : memref<1x32x128xf32, #tpu.memory_space<vmem>> -> memref<32x128xf32, #tpu.memory_space<vmem>>
    %dma_start3A_551 = arith.constant 0 : i32
    %dma_start3A_552 = tpu.memref_slice %arg5[%dma_start3A_551, %multiple_of3A_532] : memref<32x1000000xf32, #tpu.memory_space<hbm>> -> memref<32x128xf32, #tpu.memory_space<hbm>>
    %dma_start3A_553 = arith.constant 0 : i32
    %dma_start3A_554 = arith.constant 0 : i32
    %dma_start3A_555 = tpu.memref_slice %arg10[%dma_start3A_546, %dma_start3A_553, %dma_start3A_554] : memref<8x32x128xf32, #tpu.memory_space<vmem>> -> memref<1x32x128xf32, #tpu.memory_space<vmem>>
    %dma_start3A_556 = tpu.memref_squeeze %dma_start3A_555 : memref<1x32x128xf32, #tpu.memory_space<vmem>> -> memref<32x128xf32, #tpu.memory_space<vmem>>
    %dma_start3A_557 = arith.constant 0 : i32
    %dma_start3A_558 = tpu.memref_slice %arg5[%dma_start3A_557, %multiple_of3A_532] : memref<32x1000000xf32, #tpu.memory_space<hbm>> -> memref<32x128xf32, #tpu.memory_space<hbm>>
    tpu.enqueue_dma source(%dma_start3A_558 : memref<32x128xf32, #tpu.memory_space<hbm>>) target(%dma_start3A_556 : memref<32x128xf32, #tpu.memory_space<vmem>>) target_semaphore(%arg13 : memref<!tpu.dma_semaphore, #tpu.memory_space<semaphore_mem>>)
    %dma_wait3A_559 = arith.constant 2 : i32
    %dma_wait3A_560 = arith.constant 0 : i32
    %dma_wait3A_561 = arith.constant 0 : i32
    %dma_wait3A_562 = tpu.memref_slice %arg9[%dma_wait3A_559, %dma_wait3A_560, %dma_wait3A_561] : memref<8x32x128xf32, #tpu.memory_space<vmem>> -> memref<1x32x128xf32, #tpu.memory_space<vmem>>
    %dma_wait3A_563 = tpu.memref_squeeze %dma_wait3A_562 : memref<1x32x128xf32, #tpu.memory_space<vmem>> -> memref<32x128xf32, #tpu.memory_space<vmem>>
    %dma_wait3A_564 = arith.constant 0 : i32
    %dma_wait3A_565 = arith.constant 0 : i32
    %dma_wait3A_566 = tpu.memref_slice %arg4[%dma_wait3A_564, %dma_wait3A_565] : memref<32x1000000xf32, #tpu.memory_space<hbm>> -> memref<32x128xf32, #tpu.memory_space<hbm>>
    %dma_wait3A_567 = arith.constant 0 : i32
    %dma_wait3A_568 = arith.constant 0 : i32
    %dma_wait3A_569 = tpu.memref_slice %arg9[%dma_wait3A_559, %dma_wait3A_567, %dma_wait3A_568] : memref<8x32x128xf32, #tpu.memory_space<vmem>> -> memref<1x32x128xf32, #tpu.memory_space<vmem>>
    %dma_wait3A_570 = tpu.memref_squeeze %dma_wait3A_569 : memref<1x32x128xf32, #tpu.memory_space<vmem>> -> memref<32x128xf32, #tpu.memory_space<vmem>>
    %dma_wait3A_571 = arith.constant 0 : i32
    %dma_wait3A_572 = arith.constant 0 : i32
    %dma_wait3A_573 = tpu.memref_slice %arg4[%dma_wait3A_571, %dma_wait3A_572] : memref<32x1000000xf32, #tpu.memory_space<hbm>> -> memref<32x128xf32, #tpu.memory_space<hbm>>
    tpu.wait_dma2 semaphore(%arg12 : memref<!tpu.dma_semaphore, #tpu.memory_space<semaphore_mem>>) src(%dma_wait3A_573 : memref<32x128xf32, #tpu.memory_space<hbm>>) dst(%dma_wait3A_570 : memref<32x128xf32, #tpu.memory_space<vmem>>)
    %dma_wait3A_574 = arith.constant 2 : i32
    %dma_wait3A_575 = arith.constant 0 : i32
    %dma_wait3A_576 = arith.constant 0 : i32
    %dma_wait3A_577 = tpu.memref_slice %arg10[%dma_wait3A_574, %dma_wait3A_575, %dma_wait3A_576] : memref<8x32x128xf32, #tpu.memory_space<vmem>> -> memref<1x32x128xf32, #tpu.memory_space<vmem>>
    %dma_wait3A_578 = tpu.memref_squeeze %dma_wait3A_577 : memref<1x32x128xf32, #tpu.memory_space<vmem>> -> memref<32x128xf32, #tpu.memory_space<vmem>>
    %dma_wait3A_579 = arith.constant 0 : i32
    %dma_wait3A_580 = arith.constant 0 : i32
    %dma_wait3A_581 = tpu.memref_slice %arg5[%dma_wait3A_579, %dma_wait3A_580] : memref<32x1000000xf32, #tpu.memory_space<hbm>> -> memref<32x128xf32, #tpu.memory_space<hbm>>
    %dma_wait3A_582 = arith.constant 0 : i32
    %dma_wait3A_583 = arith.constant 0 : i32
    %dma_wait3A_584 = tpu.memref_slice %arg10[%dma_wait3A_574, %dma_wait3A_582, %dma_wait3A_583] : memref<8x32x128xf32, #tpu.memory_space<vmem>> -> memref<1x32x128xf32, #tpu.memory_space<vmem>>
    %dma_wait3A_585 = tpu.memref_squeeze %dma_wait3A_584 : memref<1x32x128xf32, #tpu.memory_space<vmem>> -> memref<32x128xf32, #tpu.memory_space<vmem>>
    %dma_wait3A_586 = arith.constant 0 : i32
    %dma_wait3A_587 = arith.constant 0 : i32
    %dma_wait3A_588 = tpu.memref_slice %arg5[%dma_wait3A_586, %dma_wait3A_587] : memref<32x1000000xf32, #tpu.memory_space<hbm>> -> memref<32x128xf32, #tpu.memory_space<hbm>>
    tpu.wait_dma2 semaphore(%arg13 : memref<!tpu.dma_semaphore, #tpu.memory_space<semaphore_mem>>) src(%dma_wait3A_588 : memref<32x128xf32, #tpu.memory_space<hbm>>) dst(%dma_wait3A_585 : memref<32x128xf32, #tpu.memory_space<vmem>>)
    %slice3A_589 = vector.extract_strided_slice %get3A_333 {offsets = [2], sizes = [1], strides = [1]} : vector<16xi32> to vector<1xi32>
    %squeeze3A_590 = vector.extract %slice3A_589[0] : i32 from vector<1xi32>
    %slice3A_591 = vector.extract_strided_slice %get3A_335 {offsets = [2], sizes = [1], strides = [1]} : vector<16xi32> to vector<1xi32>
    %squeeze3A_592 = vector.extract %slice3A_591[0] : i32 from vector<1xi32>
    %and3A_593 = arith.constant 127 : i32
    %and3A_594 = arith.andi %squeeze3A_590, %and3A_593 : i32
    %broadcast_in_dim3A_595 = vector.broadcast %and3A_594 : i32 to vector<16xi32>
    %and3A_596 = arith.constant 127 : i32
    %and3A_597 = arith.andi %squeeze3A_592, %and3A_596 : i32
    %broadcast_in_dim3A_598 = vector.broadcast %and3A_597 : i32 to vector<16xi32>
    %gather3A_599 = arith.constant 2 : i32
    %gather3A_600 = arith.constant 0 : i32
    %gather3A_601 = arith.constant 0 : i32
    %gather3A_602 = tpu.memref_slice %arg9[%gather3A_599, %gather3A_600, %gather3A_601] : memref<8x32x128xf32, #tpu.memory_space<vmem>> -> memref<1x32x128xf32, #tpu.memory_space<vmem>>
    %gather3A_603 = tpu.memref_squeeze %gather3A_602 : memref<1x32x128xf32, #tpu.memory_space<vmem>> -> memref<32x128xf32, #tpu.memory_space<vmem>>
    %gather3A_604 = tpu.vector_load_idx %gather3A_603[%iota3A, %broadcast_in_dim3A_595] : memref<32x128xf32, #tpu.memory_space<vmem>>[vector<16xi32>, vector<16xi32>], vector<16xf32>,
    %gather3A_605 = arith.constant 2 : i32
    %gather3A_606 = arith.constant 0 : i32
    %gather3A_607 = arith.constant 0 : i32
    %gather3A_608 = tpu.memref_slice %arg9[%gather3A_605, %gather3A_606, %gather3A_607] : memref<8x32x128xf32, #tpu.memory_space<vmem>> -> memref<1x32x128xf32, #tpu.memory_space<vmem>>
    %gather3A_609 = tpu.memref_squeeze %gather3A_608 : memref<1x32x128xf32, #tpu.memory_space<vmem>> -> memref<32x128xf32, #tpu.memory_space<vmem>>
    %gather3A_610 = tpu.vector_load_idx %gather3A_609[%add3A_5, %broadcast_in_dim3A_595] : memref<32x128xf32, #tpu.memory_space<vmem>>[vector<16xi32>, vector<16xi32>], vector<16xf32>,
    %gather3A_611 = arith.constant 2 : i32
    %gather3A_612 = arith.constant 0 : i32
    %gather3A_613 = arith.constant 0 : i32
    %gather3A_614 = tpu.memref_slice %arg10[%gather3A_611, %gather3A_612, %gather3A_613] : memref<8x32x128xf32, #tpu.memory_space<vmem>> -> memref<1x32x128xf32, #tpu.memory_space<vmem>>
    %gather3A_615 = tpu.memref_squeeze %gather3A_614 : memref<1x32x128xf32, #tpu.memory_space<vmem>> -> memref<32x128xf32, #tpu.memory_space<vmem>>
    %gather3A_616 = tpu.vector_load_idx %gather3A_615[%iota3A, %broadcast_in_dim3A_598] : memref<32x128xf32, #tpu.memory_space<vmem>>[vector<16xi32>, vector<16xi32>], vector<16xf32>,
    %gather3A_617 = arith.constant 2 : i32
    %gather3A_618 = arith.constant 0 : i32
    %gather3A_619 = arith.constant 0 : i32
    %gather3A_620 = tpu.memref_slice %arg10[%gather3A_617, %gather3A_618, %gather3A_619] : memref<8x32x128xf32, #tpu.memory_space<vmem>> -> memref<1x32x128xf32, #tpu.memory_space<vmem>>
    %gather3A_621 = tpu.memref_squeeze %gather3A_620 : memref<1x32x128xf32, #tpu.memory_space<vmem>> -> memref<32x128xf32, #tpu.memory_space<vmem>>
    %gather3A_622 = tpu.vector_load_idx %gather3A_621[%add3A_5, %broadcast_in_dim3A_598] : memref<32x128xf32, #tpu.memory_space<vmem>>[vector<16xi32>, vector<16xi32>], vector<16xf32>,
    %mul3A_623 = arith.mulf %gather3A_604, %gather3A_616 : vector<16xf32>
    %mul3A_624 = arith.mulf %gather3A_610, %gather3A_622 : vector<16xf32>
    %add3A_625 = arith.addf %mul3A_623, %mul3A_624 : vector<16xf32>
    %reduce_sum3A_626 = arith.constant true
    %reduce_sum3A_627 = vector.broadcast %reduce_sum3A_626 : i1 to vector<16xi1>
    %reduce_sum3A_628 = tpu.scan <sum>, %add3A_625 masked %reduce_sum3A_627 : vector<16xf32>, vector<16xi1> -> vector<16xf32>
    %reduce_sum3A_629 = vector.extract %reduce_sum3A_628[15] : f32 from vector<16xf32>
    %broadcast_in_dim3A_630 = arith.constant 498 : i32
    %broadcast_in_dim3A_631 = vector.broadcast %broadcast_in_dim3A_630 : i32 to vector<16xi32>
    %broadcast_in_dim3A_632 = vector.broadcast %reduce_sum3A_629 : f32 to vector<16xf32>
    tpu.vector_store_idx %arg11[%broadcast_in_dim3A_631], %broadcast_in_dim3A_632 masked %eq3A_7 : memref<512xf32, #tpu.memory_space<vmem>>[vector<16xi32>], vector<16xf32>, vector<16xi1>
    %slice3A_633 = vector.extract_strided_slice %get3A_333 {offsets = [10], sizes = [1], strides = [1]} : vector<16xi32> to vector<1xi32>
    %squeeze3A_634 = vector.extract %slice3A_633[0] : i32 from vector<1xi32>
    %slice3A_635 = vector.extract_strided_slice %get3A_335 {offsets = [10], sizes = [1], strides = [1]} : vector<16xi32> to vector<1xi32>
    %squeeze3A_636 = vector.extract %slice3A_635[0] : i32 from vector<1xi32>
    %shift_right_arithmetic3A_637 = arith.constant 7 : i32
    %shift_right_arithmetic3A_638 = arith.shrsi %squeeze3A_634, %shift_right_arithmetic3A_637 : i32
    %mul3A_639 = arith.constant 128 : i32
    %mul3A_640 = arith.muli %shift_right_arithmetic3A_638, %mul3A_639 : i32
    %multiple_of3A_641 = tpu.assume_multiple %mul3A_640, 128 : i32
    %shift_right_arithmetic3A_642 = arith.constant 7 : i32
    %shift_right_arithmetic3A_643 = arith.shrsi %squeeze3A_636, %shift_right_arithmetic3A_642 : i32
    %mul3A_644 = arith.constant 128 : i32
    %mul3A_645 = arith.muli %shift_right_arithmetic3A_643, %mul3A_644 : i32
    %multiple_of3A_646 = tpu.assume_multiple %mul3A_645, 128 : i32
    %dma_start3A_647 = arith.constant 2 : i32
    %dma_start3A_648 = arith.constant 0 : i32
    %dma_start3A_649 = arith.constant 0 : i32
    %dma_start3A_650 = tpu.memref_slice %arg9[%dma_start3A_647, %dma_start3A_648, %dma_start3A_649] : memref<8x32x128xf32, #tpu.memory_space<vmem>> -> memref<1x32x128xf32, #tpu.memory_space<vmem>>
    %dma_start3A_651 = tpu.memref_squeeze %dma_start3A_650 : memref<1x32x128xf32, #tpu.memory_space<vmem>> -> memref<32x128xf32, #tpu.memory_space<vmem>>
    %dma_start3A_652 = arith.constant 0 : i32
    %dma_start3A_653 = tpu.memref_slice %arg4[%dma_start3A_652, %multiple_of3A_641] : memref<32x1000000xf32, #tpu.memory_space<hbm>> -> memref<32x128xf32, #tpu.memory_space<hbm>>
    %dma_start3A_654 = arith.constant 0 : i32
    %dma_start3A_655 = arith.constant 0 : i32
    %dma_start3A_656 = tpu.memref_slice %arg9[%dma_start3A_647, %dma_start3A_654, %dma_start3A_655] : memref<8x32x128xf32, #tpu.memory_space<vmem>> -> memref<1x32x128xf32, #tpu.memory_space<vmem>>
    %dma_start3A_657 = tpu.memref_squeeze %dma_start3A_656 : memref<1x32x128xf32, #tpu.memory_space<vmem>> -> memref<32x128xf32, #tpu.memory_space<vmem>>
    %dma_start3A_658 = arith.constant 0 : i32
    %dma_start3A_659 = tpu.memref_slice %arg4[%dma_start3A_658, %multiple_of3A_641] : memref<32x1000000xf32, #tpu.memory_space<hbm>> -> memref<32x128xf32, #tpu.memory_space<hbm>>
    tpu.enqueue_dma source(%dma_start3A_659 : memref<32x128xf32, #tpu.memory_space<hbm>>) target(%dma_start3A_657 : memref<32x128xf32, #tpu.memory_space<vmem>>) target_semaphore(%arg12 : memref<!tpu.dma_semaphore, #tpu.memory_space<semaphore_mem>>)
    %dma_start3A_660 = arith.constant 2 : i32
    %dma_start3A_661 = arith.constant 0 : i32
    %dma_start3A_662 = arith.constant 0 : i32
    %dma_start3A_663 = tpu.memref_slice %arg10[%dma_start3A_660, %dma_start3A_661, %dma_start3A_662] : memref<8x32x128xf32, #tpu.memory_space<vmem>> -> memref<1x32x128xf32, #tpu.memory_space<vmem>>
    %dma_start3A_664 = tpu.memref_squeeze %dma_start3A_663 : memref<1x32x128xf32, #tpu.memory_space<vmem>> -> memref<32x128xf32, #tpu.memory_space<vmem>>
    %dma_start3A_665 = arith.constant 0 : i32
    %dma_start3A_666 = tpu.memref_slice %arg5[%dma_start3A_665, %multiple_of3A_646] : memref<32x1000000xf32, #tpu.memory_space<hbm>> -> memref<32x128xf32, #tpu.memory_space<hbm>>
    %dma_start3A_667 = arith.constant 0 : i32
    %dma_start3A_668 = arith.constant 0 : i32
    %dma_start3A_669 = tpu.memref_slice %arg10[%dma_start3A_660, %dma_start3A_667, %dma_start3A_668] : memref<8x32x128xf32, #tpu.memory_space<vmem>> -> memref<1x32x128xf32, #tpu.memory_space<vmem>>
    %dma_start3A_670 = tpu.memref_squeeze %dma_start3A_669 : memref<1x32x128xf32, #tpu.memory_space<vmem>> -> memref<32x128xf32, #tpu.memory_space<vmem>>
    %dma_start3A_671 = arith.constant 0 : i32
    %dma_start3A_672 = tpu.memref_slice %arg5[%dma_start3A_671, %multiple_of3A_646] : memref<32x1000000xf32, #tpu.memory_space<hbm>> -> memref<32x128xf32, #tpu.memory_space<hbm>>
    tpu.enqueue_dma source(%dma_start3A_672 : memref<32x128xf32, #tpu.memory_space<hbm>>) target(%dma_start3A_670 : memref<32x128xf32, #tpu.memory_space<vmem>>) target_semaphore(%arg13 : memref<!tpu.dma_semaphore, #tpu.memory_space<semaphore_mem>>)
    %dma_wait3A_673 = arith.constant 3 : i32
    %dma_wait3A_674 = arith.constant 0 : i32
    %dma_wait3A_675 = arith.constant 0 : i32
    %dma_wait3A_676 = tpu.memref_slice %arg9[%dma_wait3A_673, %dma_wait3A_674, %dma_wait3A_675] : memref<8x32x128xf32, #tpu.memory_space<vmem>> -> memref<1x32x128xf32, #tpu.memory_space<vmem>>
    %dma_wait3A_677 = tpu.memref_squeeze %dma_wait3A_676 : memref<1x32x128xf32, #tpu.memory_space<vmem>> -> memref<32x128xf32, #tpu.memory_space<vmem>>
    %dma_wait3A_678 = arith.constant 0 : i32
    %dma_wait3A_679 = arith.constant 0 : i32
    %dma_wait3A_680 = tpu.memref_slice %arg4[%dma_wait3A_678, %dma_wait3A_679] : memref<32x1000000xf32, #tpu.memory_space<hbm>> -> memref<32x128xf32, #tpu.memory_space<hbm>>
    %dma_wait3A_681 = arith.constant 0 : i32
    %dma_wait3A_682 = arith.constant 0 : i32
    %dma_wait3A_683 = tpu.memref_slice %arg9[%dma_wait3A_673, %dma_wait3A_681, %dma_wait3A_682] : memref<8x32x128xf32, #tpu.memory_space<vmem>> -> memref<1x32x128xf32, #tpu.memory_space<vmem>>
    %dma_wait3A_684 = tpu.memref_squeeze %dma_wait3A_683 : memref<1x32x128xf32, #tpu.memory_space<vmem>> -> memref<32x128xf32, #tpu.memory_space<vmem>>
    %dma_wait3A_685 = arith.constant 0 : i32
    %dma_wait3A_686 = arith.constant 0 : i32
    %dma_wait3A_687 = tpu.memref_slice %arg4[%dma_wait3A_685, %dma_wait3A_686] : memref<32x1000000xf32, #tpu.memory_space<hbm>> -> memref<32x128xf32, #tpu.memory_space<hbm>>
    tpu.wait_dma2 semaphore(%arg12 : memref<!tpu.dma_semaphore, #tpu.memory_space<semaphore_mem>>) src(%dma_wait3A_687 : memref<32x128xf32, #tpu.memory_space<hbm>>) dst(%dma_wait3A_684 : memref<32x128xf32, #tpu.memory_space<vmem>>)
    %dma_wait3A_688 = arith.constant 3 : i32
    %dma_wait3A_689 = arith.constant 0 : i32
    %dma_wait3A_690 = arith.constant 0 : i32
    %dma_wait3A_691 = tpu.memref_slice %arg10[%dma_wait3A_688, %dma_wait3A_689, %dma_wait3A_690] : memref<8x32x128xf32, #tpu.memory_space<vmem>> -> memref<1x32x128xf32, #tpu.memory_space<vmem>>
    %dma_wait3A_692 = tpu.memref_squeeze %dma_wait3A_691 : memref<1x32x128xf32, #tpu.memory_space<vmem>> -> memref<32x128xf32, #tpu.memory_space<vmem>>
    %dma_wait3A_693 = arith.constant 0 : i32
    %dma_wait3A_694 = arith.constant 0 : i32
    %dma_wait3A_695 = tpu.memref_slice %arg5[%dma_wait3A_693, %dma_wait3A_694] : memref<32x1000000xf32, #tpu.memory_space<hbm>> -> memref<32x128xf32, #tpu.memory_space<hbm>>
    %dma_wait3A_696 = arith.constant 0 : i32
    %dma_wait3A_697 = arith.constant 0 : i32
    %dma_wait3A_698 = tpu.memref_slice %arg10[%dma_wait3A_688, %dma_wait3A_696, %dma_wait3A_697] : memref<8x32x128xf32, #tpu.memory_space<vmem>> -> memref<1x32x128xf32, #tpu.memory_space<vmem>>
    %dma_wait3A_699 = tpu.memref_squeeze %dma_wait3A_698 : memref<1x32x128xf32, #tpu.memory_space<vmem>> -> memref<32x128xf32, #tpu.memory_space<vmem>>
    %dma_wait3A_700 = arith.constant 0 : i32
    %dma_wait3A_701 = arith.constant 0 : i32
    %dma_wait3A_702 = tpu.memref_slice %arg5[%dma_wait3A_700, %dma_wait3A_701] : memref<32x1000000xf32, #tpu.memory_space<hbm>> -> memref<32x128xf32, #tpu.memory_space<hbm>>
    tpu.wait_dma2 semaphore(%arg13 : memref<!tpu.dma_semaphore, #tpu.memory_space<semaphore_mem>>) src(%dma_wait3A_702 : memref<32x128xf32, #tpu.memory_space<hbm>>) dst(%dma_wait3A_699 : memref<32x128xf32, #tpu.memory_space<vmem>>)
    %slice3A_703 = vector.extract_strided_slice %get3A_333 {offsets = [3], sizes = [1], strides = [1]} : vector<16xi32> to vector<1xi32>
    %squeeze3A_704 = vector.extract %slice3A_703[0] : i32 from vector<1xi32>
    %slice3A_705 = vector.extract_strided_slice %get3A_335 {offsets = [3], sizes = [1], strides = [1]} : vector<16xi32> to vector<1xi32>
    %squeeze3A_706 = vector.extract %slice3A_705[0] : i32 from vector<1xi32>
    %and3A_707 = arith.constant 127 : i32
    %and3A_708 = arith.andi %squeeze3A_704, %and3A_707 : i32
    %broadcast_in_dim3A_709 = vector.broadcast %and3A_708 : i32 to vector<16xi32>
    %and3A_710 = arith.constant 127 : i32
    %and3A_711 = arith.andi %squeeze3A_706, %and3A_710 : i32
    %broadcast_in_dim3A_712 = vector.broadcast %and3A_711 : i32 to vector<16xi32>
    %gather3A_713 = arith.constant 3 : i32
    %gather3A_714 = arith.constant 0 : i32
    %gather3A_715 = arith.constant 0 : i32
    %gather3A_716 = tpu.memref_slice %arg9[%gather3A_713, %gather3A_714, %gather3A_715] : memref<8x32x128xf32, #tpu.memory_space<vmem>> -> memref<1x32x128xf32, #tpu.memory_space<vmem>>
    %gather3A_717 = tpu.memref_squeeze %gather3A_716 : memref<1x32x128xf32, #tpu.memory_space<vmem>> -> memref<32x128xf32, #tpu.memory_space<vmem>>
    %gather3A_718 = tpu.vector_load_idx %gather3A_717[%iota3A, %broadcast_in_dim3A_709] : memref<32x128xf32, #tpu.memory_space<vmem>>[vector<16xi32>, vector<16xi32>], vector<16xf32>,
    %gather3A_719 = arith.constant 3 : i32
    %gather3A_720 = arith.constant 0 : i32
    %gather3A_721 = arith.constant 0 : i32
    %gather3A_722 = tpu.memref_slice %arg9[%gather3A_719, %gather3A_720, %gather3A_721] : memref<8x32x128xf32, #tpu.memory_space<vmem>> -> memref<1x32x128xf32, #tpu.memory_space<vmem>>
    %gather3A_723 = tpu.memref_squeeze %gather3A_722 : memref<1x32x128xf32, #tpu.memory_space<vmem>> -> memref<32x128xf32, #tpu.memory_space<vmem>>
    %gather3A_724 = tpu.vector_load_idx %gather3A_723[%add3A_5, %broadcast_in_dim3A_709] : memref<32x128xf32, #tpu.memory_space<vmem>>[vector<16xi32>, vector<16xi32>], vector<16xf32>,
    %gather3A_725 = arith.constant 3 : i32
    %gather3A_726 = arith.constant 0 : i32
    %gather3A_727 = arith.constant 0 : i32
    %gather3A_728 = tpu.memref_slice %arg10[%gather3A_725, %gather3A_726, %gather3A_727] : memref<8x32x128xf32, #tpu.memory_space<vmem>> -> memref<1x32x128xf32, #tpu.memory_space<vmem>>
    %gather3A_729 = tpu.memref_squeeze %gather3A_728 : memref<1x32x128xf32, #tpu.memory_space<vmem>> -> memref<32x128xf32, #tpu.memory_space<vmem>>
    %gather3A_730 = tpu.vector_load_idx %gather3A_729[%iota3A, %broadcast_in_dim3A_712] : memref<32x128xf32, #tpu.memory_space<vmem>>[vector<16xi32>, vector<16xi32>], vector<16xf32>,
    %gather3A_731 = arith.constant 3 : i32
    %gather3A_732 = arith.constant 0 : i32
    %gather3A_733 = arith.constant 0 : i32
    %gather3A_734 = tpu.memref_slice %arg10[%gather3A_731, %gather3A_732, %gather3A_733] : memref<8x32x128xf32, #tpu.memory_space<vmem>> -> memref<1x32x128xf32, #tpu.memory_space<vmem>>
    %gather3A_735 = tpu.memref_squeeze %gather3A_734 : memref<1x32x128xf32, #tpu.memory_space<vmem>> -> memref<32x128xf32, #tpu.memory_space<vmem>>
    %gather3A_736 = tpu.vector_load_idx %gather3A_735[%add3A_5, %broadcast_in_dim3A_712] : memref<32x128xf32, #tpu.memory_space<vmem>>[vector<16xi32>, vector<16xi32>], vector<16xf32>,
    %mul3A_737 = arith.mulf %gather3A_718, %gather3A_730 : vector<16xf32>
    %mul3A_738 = arith.mulf %gather3A_724, %gather3A_736 : vector<16xf32>
    %add3A_739 = arith.addf %mul3A_737, %mul3A_738 : vector<16xf32>
    %reduce_sum3A_740 = arith.constant true
    %reduce_sum3A_741 = vector.broadcast %reduce_sum3A_740 : i1 to vector<16xi1>
    %reduce_sum3A_742 = tpu.scan <sum>, %add3A_739 masked %reduce_sum3A_741 : vector<16xf32>, vector<16xi1> -> vector<16xf32>
    %reduce_sum3A_743 = vector.extract %reduce_sum3A_742[15] : f32 from vector<16xf32>
    %broadcast_in_dim3A_744 = arith.constant 499 : i32
    %broadcast_in_dim3A_745 = vector.broadcast %broadcast_in_dim3A_744 : i32 to vector<16xi32>
    %broadcast_in_dim3A_746 = vector.broadcast %reduce_sum3A_743 : f32 to vector<16xf32>
    tpu.vector_store_idx %arg11[%broadcast_in_dim3A_745], %broadcast_in_dim3A_746 masked %eq3A_7 : memref<512xf32, #tpu.memory_space<vmem>>[vector<16xi32>], vector<16xf32>, vector<16xi1>
    %slice3A_747 = vector.extract_strided_slice %get3A_333 {offsets = [11], sizes = [1], strides = [1]} : vector<16xi32> to vector<1xi32>
    %squeeze3A_748 = vector.extract %slice3A_747[0] : i32 from vector<1xi32>
    %slice3A_749 = vector.extract_strided_slice %get3A_335 {offsets = [11], sizes = [1], strides = [1]} : vector<16xi32> to vector<1xi32>
    %squeeze3A_750 = vector.extract %slice3A_749[0] : i32 from vector<1xi32>
    %shift_right_arithmetic3A_751 = arith.constant 7 : i32
    %shift_right_arithmetic3A_752 = arith.shrsi %squeeze3A_748, %shift_right_arithmetic3A_751 : i32
    %mul3A_753 = arith.constant 128 : i32
    %mul3A_754 = arith.muli %shift_right_arithmetic3A_752, %mul3A_753 : i32
    %multiple_of3A_755 = tpu.assume_multiple %mul3A_754, 128 : i32
    %shift_right_arithmetic3A_756 = arith.constant 7 : i32
    %shift_right_arithmetic3A_757 = arith.shrsi %squeeze3A_750, %shift_right_arithmetic3A_756 : i32
    %mul3A_758 = arith.constant 128 : i32
    %mul3A_759 = arith.muli %shift_right_arithmetic3A_757, %mul3A_758 : i32
    %multiple_of3A_760 = tpu.assume_multiple %mul3A_759, 128 : i32
    %dma_start3A_761 = arith.constant 3 : i32
    %dma_start3A_762 = arith.constant 0 : i32
    %dma_start3A_763 = arith.constant 0 : i32
    %dma_start3A_764 = tpu.memref_slice %arg9[%dma_start3A_761, %dma_start3A_762, %dma_start3A_763] : memref<8x32x128xf32, #tpu.memory_space<vmem>> -> memref<1x32x128xf32, #tpu.memory_space<vmem>>
    %dma_start3A_765 = tpu.memref_squeeze %dma_start3A_764 : memref<1x32x128xf32, #tpu.memory_space<vmem>> -> memref<32x128xf32, #tpu.memory_space<vmem>>
    %dma_start3A_766 = arith.constant 0 : i32
    %dma_start3A_767 = tpu.memref_slice %arg4[%dma_start3A_766, %multiple_of3A_755] : memref<32x1000000xf32, #tpu.memory_space<hbm>> -> memref<32x128xf32, #tpu.memory_space<hbm>>
    %dma_start3A_768 = arith.constant 0 : i32
    %dma_start3A_769 = arith.constant 0 : i32
    %dma_start3A_770 = tpu.memref_slice %arg9[%dma_start3A_761, %dma_start3A_768, %dma_start3A_769] : memref<8x32x128xf32, #tpu.memory_space<vmem>> -> memref<1x32x128xf32, #tpu.memory_space<vmem>>
    %dma_start3A_771 = tpu.memref_squeeze %dma_start3A_770 : memref<1x32x128xf32, #tpu.memory_space<vmem>> -> memref<32x128xf32, #tpu.memory_space<vmem>>
    %dma_start3A_772 = arith.constant 0 : i32
    %dma_start3A_773 = tpu.memref_slice %arg4[%dma_start3A_772, %multiple_of3A_755] : memref<32x1000000xf32, #tpu.memory_space<hbm>> -> memref<32x128xf32, #tpu.memory_space<hbm>>
    tpu.enqueue_dma source(%dma_start3A_773 : memref<32x128xf32, #tpu.memory_space<hbm>>) target(%dma_start3A_771 : memref<32x128xf32, #tpu.memory_space<vmem>>) target_semaphore(%arg12 : memref<!tpu.dma_semaphore, #tpu.memory_space<semaphore_mem>>)
    %dma_start3A_774 = arith.constant 3 : i32
    %dma_start3A_775 = arith.constant 0 : i32
    %dma_start3A_776 = arith.constant 0 : i32
    %dma_start3A_777 = tpu.memref_slice %arg10[%dma_start3A_774, %dma_start3A_775, %dma_start3A_776] : memref<8x32x128xf32, #tpu.memory_space<vmem>> -> memref<1x32x128xf32, #tpu.memory_space<vmem>>
    %dma_start3A_778 = tpu.memref_squeeze %dma_start3A_777 : memref<1x32x128xf32, #tpu.memory_space<vmem>> -> memref<32x128xf32, #tpu.memory_space<vmem>>
    %dma_start3A_779 = arith.constant 0 : i32
    %dma_start3A_780 = tpu.memref_slice %arg5[%dma_start3A_779, %multiple_of3A_760] : memref<32x1000000xf32, #tpu.memory_space<hbm>> -> memref<32x128xf32, #tpu.memory_space<hbm>>
    %dma_start3A_781 = arith.constant 0 : i32
    %dma_start3A_782 = arith.constant 0 : i32
    %dma_start3A_783 = tpu.memref_slice %arg10[%dma_start3A_774, %dma_start3A_781, %dma_start3A_782] : memref<8x32x128xf32, #tpu.memory_space<vmem>> -> memref<1x32x128xf32, #tpu.memory_space<vmem>>
    %dma_start3A_784 = tpu.memref_squeeze %dma_start3A_783 : memref<1x32x128xf32, #tpu.memory_space<vmem>> -> memref<32x128xf32, #tpu.memory_space<vmem>>
    %dma_start3A_785 = arith.constant 0 : i32
    %dma_start3A_786 = tpu.memref_slice %arg5[%dma_start3A_785, %multiple_of3A_760] : memref<32x1000000xf32, #tpu.memory_space<hbm>> -> memref<32x128xf32, #tpu.memory_space<hbm>>
    tpu.enqueue_dma source(%dma_start3A_786 : memref<32x128xf32, #tpu.memory_space<hbm>>) target(%dma_start3A_784 : memref<32x128xf32, #tpu.memory_space<vmem>>) target_semaphore(%arg13 : memref<!tpu.dma_semaphore, #tpu.memory_space<semaphore_mem>>)
    %dma_wait3A_787 = arith.constant 4 : i32
    %dma_wait3A_788 = arith.constant 0 : i32
    %dma_wait3A_789 = arith.constant 0 : i32
    %dma_wait3A_790 = tpu.memref_slice %arg9[%dma_wait3A_787, %dma_wait3A_788, %dma_wait3A_789] : memref<8x32x128xf32, #tpu.memory_space<vmem>> -> memref<1x32x128xf32, #tpu.memory_space<vmem>>
    %dma_wait3A_791 = tpu.memref_squeeze %dma_wait3A_790 : memref<1x32x128xf32, #tpu.memory_space<vmem>> -> memref<32x128xf32, #tpu.memory_space<vmem>>
    %dma_wait3A_792 = arith.constant 0 : i32
    %dma_wait3A_793 = arith.constant 0 : i32
    %dma_wait3A_794 = tpu.memref_slice %arg4[%dma_wait3A_792, %dma_wait3A_793] : memref<32x1000000xf32, #tpu.memory_space<hbm>> -> memref<32x128xf32, #tpu.memory_space<hbm>>
    %dma_wait3A_795 = arith.constant 0 : i32
    %dma_wait3A_796 = arith.constant 0 : i32
    %dma_wait3A_797 = tpu.memref_slice %arg9[%dma_wait3A_787, %dma_wait3A_795, %dma_wait3A_796] : memref<8x32x128xf32, #tpu.memory_space<vmem>> -> memref<1x32x128xf32, #tpu.memory_space<vmem>>
    %dma_wait3A_798 = tpu.memref_squeeze %dma_wait3A_797 : memref<1x32x128xf32, #tpu.memory_space<vmem>> -> memref<32x128xf32, #tpu.memory_space<vmem>>
    %dma_wait3A_799 = arith.constant 0 : i32
    %dma_wait3A_800 = arith.constant 0 : i32
    %dma_wait3A_801 = tpu.memref_slice %arg4[%dma_wait3A_799, %dma_wait3A_800] : memref<32x1000000xf32, #tpu.memory_space<hbm>> -> memref<32x128xf32, #tpu.memory_space<hbm>>
    tpu.wait_dma2 semaphore(%arg12 : memref<!tpu.dma_semaphore, #tpu.memory_space<semaphore_mem>>) src(%dma_wait3A_801 : memref<32x128xf32, #tpu.memory_space<hbm>>) dst(%dma_wait3A_798 : memref<32x128xf32, #tpu.memory_space<vmem>>)
    %dma_wait3A_802 = arith.constant 4 : i32
    %dma_wait3A_803 = arith.constant 0 : i32
    %dma_wait3A_804 = arith.constant 0 : i32
    %dma_wait3A_805 = tpu.memref_slice %arg10[%dma_wait3A_802, %dma_wait3A_803, %dma_wait3A_804] : memref<8x32x128xf32, #tpu.memory_space<vmem>> -> memref<1x32x128xf32, #tpu.memory_space<vmem>>
    %dma_wait3A_806 = tpu.memref_squeeze %dma_wait3A_805 : memref<1x32x128xf32, #tpu.memory_space<vmem>> -> memref<32x128xf32, #tpu.memory_space<vmem>>
    %dma_wait3A_807 = arith.constant 0 : i32
    %dma_wait3A_808 = arith.constant 0 : i32
    %dma_wait3A_809 = tpu.memref_slice %arg5[%dma_wait3A_807, %dma_wait3A_808] : memref<32x1000000xf32, #tpu.memory_space<hbm>> -> memref<32x128xf32, #tpu.memory_space<hbm>>
    %dma_wait3A_810 = arith.constant 0 : i32
    %dma_wait3A_811 = arith.constant 0 : i32
    %dma_wait3A_812 = tpu.memref_slice %arg10[%dma_wait3A_802, %dma_wait3A_810, %dma_wait3A_811] : memref<8x32x128xf32, #tpu.memory_space<vmem>> -> memref<1x32x128xf32, #tpu.memory_space<vmem>>
    %dma_wait3A_813 = tpu.memref_squeeze %dma_wait3A_812 : memref<1x32x128xf32, #tpu.memory_space<vmem>> -> memref<32x128xf32, #tpu.memory_space<vmem>>
    %dma_wait3A_814 = arith.constant 0 : i32
    %dma_wait3A_815 = arith.constant 0 : i32
    %dma_wait3A_816 = tpu.memref_slice %arg5[%dma_wait3A_814, %dma_wait3A_815] : memref<32x1000000xf32, #tpu.memory_space<hbm>> -> memref<32x128xf32, #tpu.memory_space<hbm>>
    tpu.wait_dma2 semaphore(%arg13 : memref<!tpu.dma_semaphore, #tpu.memory_space<semaphore_mem>>) src(%dma_wait3A_816 : memref<32x128xf32, #tpu.memory_space<hbm>>) dst(%dma_wait3A_813 : memref<32x128xf32, #tpu.memory_space<vmem>>)
    %slice3A_817 = vector.extract_strided_slice %get3A_333 {offsets = [4], sizes = [1], strides = [1]} : vector<16xi32> to vector<1xi32>
    %squeeze3A_818 = vector.extract %slice3A_817[0] : i32 from vector<1xi32>
    %slice3A_819 = vector.extract_strided_slice %get3A_335 {offsets = [4], sizes = [1], strides = [1]} : vector<16xi32> to vector<1xi32>
    %squeeze3A_820 = vector.extract %slice3A_819[0] : i32 from vector<1xi32>
    %and3A_821 = arith.constant 127 : i32
    %and3A_822 = arith.andi %squeeze3A_818, %and3A_821 : i32
    %broadcast_in_dim3A_823 = vector.broadcast %and3A_822 : i32 to vector<16xi32>
    %and3A_824 = arith.constant 127 : i32
    %and3A_825 = arith.andi %squeeze3A_820, %and3A_824 : i32
    %broadcast_in_dim3A_826 = vector.broadcast %and3A_825 : i32 to vector<16xi32>
    %gather3A_827 = arith.constant 4 : i32
    %gather3A_828 = arith.constant 0 : i32
    %gather3A_829 = arith.constant 0 : i32
    %gather3A_830 = tpu.memref_slice %arg9[%gather3A_827, %gather3A_828, %gather3A_829] : memref<8x32x128xf32, #tpu.memory_space<vmem>> -> memref<1x32x128xf32, #tpu.memory_space<vmem>>
    %gather3A_831 = tpu.memref_squeeze %gather3A_830 : memref<1x32x128xf32, #tpu.memory_space<vmem>> -> memref<32x128xf32, #tpu.memory_space<vmem>>
    %gather3A_832 = tpu.vector_load_idx %gather3A_831[%iota3A, %broadcast_in_dim3A_823] : memref<32x128xf32, #tpu.memory_space<vmem>>[vector<16xi32>, vector<16xi32>], vector<16xf32>,
    %gather3A_833 = arith.constant 4 : i32
    %gather3A_834 = arith.constant 0 : i32
    %gather3A_835 = arith.constant 0 : i32
    %gather3A_836 = tpu.memref_slice %arg9[%gather3A_833, %gather3A_834, %gather3A_835] : memref<8x32x128xf32, #tpu.memory_space<vmem>> -> memref<1x32x128xf32, #tpu.memory_space<vmem>>
    %gather3A_837 = tpu.memref_squeeze %gather3A_836 : memref<1x32x128xf32, #tpu.memory_space<vmem>> -> memref<32x128xf32, #tpu.memory_space<vmem>>
    %gather3A_838 = tpu.vector_load_idx %gather3A_837[%add3A_5, %broadcast_in_dim3A_823] : memref<32x128xf32, #tpu.memory_space<vmem>>[vector<16xi32>, vector<16xi32>], vector<16xf32>,
    %gather3A_839 = arith.constant 4 : i32
    %gather3A_840 = arith.constant 0 : i32
    %gather3A_841 = arith.constant 0 : i32
    %gather3A_842 = tpu.memref_slice %arg10[%gather3A_839, %gather3A_840, %gather3A_841] : memref<8x32x128xf32, #tpu.memory_space<vmem>> -> memref<1x32x128xf32, #tpu.memory_space<vmem>>
    %gather3A_843 = tpu.memref_squeeze %gather3A_842 : memref<1x32x128xf32, #tpu.memory_space<vmem>> -> memref<32x128xf32, #tpu.memory_space<vmem>>
    %gather3A_844 = tpu.vector_load_idx %gather3A_843[%iota3A, %broadcast_in_dim3A_826] : memref<32x128xf32, #tpu.memory_space<vmem>>[vector<16xi32>, vector<16xi32>], vector<16xf32>,
    %gather3A_845 = arith.constant 4 : i32
    %gather3A_846 = arith.constant 0 : i32
    %gather3A_847 = arith.constant 0 : i32
    %gather3A_848 = tpu.memref_slice %arg10[%gather3A_845, %gather3A_846, %gather3A_847] : memref<8x32x128xf32, #tpu.memory_space<vmem>> -> memref<1x32x128xf32, #tpu.memory_space<vmem>>
    %gather3A_849 = tpu.memref_squeeze %gather3A_848 : memref<1x32x128xf32, #tpu.memory_space<vmem>> -> memref<32x128xf32, #tpu.memory_space<vmem>>
    %gather3A_850 = tpu.vector_load_idx %gather3A_849[%add3A_5, %broadcast_in_dim3A_826] : memref<32x128xf32, #tpu.memory_space<vmem>>[vector<16xi32>, vector<16xi32>], vector<16xf32>,
    %mul3A_851 = arith.mulf %gather3A_832, %gather3A_844 : vector<16xf32>
    %mul3A_852 = arith.mulf %gather3A_838, %gather3A_850 : vector<16xf32>
    %add3A_853 = arith.addf %mul3A_851, %mul3A_852 : vector<16xf32>
    %reduce_sum3A_854 = arith.constant true
    %reduce_sum3A_855 = vector.broadcast %reduce_sum3A_854 : i1 to vector<16xi1>
    %reduce_sum3A_856 = tpu.scan <sum>, %add3A_853 masked %reduce_sum3A_855 : vector<16xf32>, vector<16xi1> -> vector<16xf32>
    %reduce_sum3A_857 = vector.extract %reduce_sum3A_856[15] : f32 from vector<16xf32>
    %broadcast_in_dim3A_858 = arith.constant 500 : i32
    %broadcast_in_dim3A_859 = vector.broadcast %broadcast_in_dim3A_858 : i32 to vector<16xi32>
    %broadcast_in_dim3A_860 = vector.broadcast %reduce_sum3A_857 : f32 to vector<16xf32>
    tpu.vector_store_idx %arg11[%broadcast_in_dim3A_859], %broadcast_in_dim3A_860 masked %eq3A_7 : memref<512xf32, #tpu.memory_space<vmem>>[vector<16xi32>], vector<16xf32>, vector<16xi1>
    %slice3A_861 = vector.extract_strided_slice %get3A_333 {offsets = [12], sizes = [1], strides = [1]} : vector<16xi32> to vector<1xi32>
    %squeeze3A_862 = vector.extract %slice3A_861[0] : i32 from vector<1xi32>
    %slice3A_863 = vector.extract_strided_slice %get3A_335 {offsets = [12], sizes = [1], strides = [1]} : vector<16xi32> to vector<1xi32>
    %squeeze3A_864 = vector.extract %slice3A_863[0] : i32 from vector<1xi32>
    %shift_right_arithmetic3A_865 = arith.constant 7 : i32
    %shift_right_arithmetic3A_866 = arith.shrsi %squeeze3A_862, %shift_right_arithmetic3A_865 : i32
    %mul3A_867 = arith.constant 128 : i32
    %mul3A_868 = arith.muli %shift_right_arithmetic3A_866, %mul3A_867 : i32
    %multiple_of3A_869 = tpu.assume_multiple %mul3A_868, 128 : i32
    %shift_right_arithmetic3A_870 = arith.constant 7 : i32
    %shift_right_arithmetic3A_871 = arith.shrsi %squeeze3A_864, %shift_right_arithmetic3A_870 : i32
    %mul3A_872 = arith.constant 128 : i32
    %mul3A_873 = arith.muli %shift_right_arithmetic3A_871, %mul3A_872 : i32
    %multiple_of3A_874 = tpu.assume_multiple %mul3A_873, 128 : i32
    %dma_start3A_875 = arith.constant 4 : i32
    %dma_start3A_876 = arith.constant 0 : i32
    %dma_start3A_877 = arith.constant 0 : i32
    %dma_start3A_878 = tpu.memref_slice %arg9[%dma_start3A_875, %dma_start3A_876, %dma_start3A_877] : memref<8x32x128xf32, #tpu.memory_space<vmem>> -> memref<1x32x128xf32, #tpu.memory_space<vmem>>
    %dma_start3A_879 = tpu.memref_squeeze %dma_start3A_878 : memref<1x32x128xf32, #tpu.memory_space<vmem>> -> memref<32x128xf32, #tpu.memory_space<vmem>>
    %dma_start3A_880 = arith.constant 0 : i32
    %dma_start3A_881 = tpu.memref_slice %arg4[%dma_start3A_880, %multiple_of3A_869] : memref<32x1000000xf32, #tpu.memory_space<hbm>> -> memref<32x128xf32, #tpu.memory_space<hbm>>
    %dma_start3A_882 = arith.constant 0 : i32
    %dma_start3A_883 = arith.constant 0 : i32
    %dma_start3A_884 = tpu.memref_slice %arg9[%dma_start3A_875, %dma_start3A_882, %dma_start3A_883] : memref<8x32x128xf32, #tpu.memory_space<vmem>> -> memref<1x32x128xf32, #tpu.memory_space<vmem>>
    %dma_start3A_885 = tpu.memref_squeeze %dma_start3A_884 : memref<1x32x128xf32, #tpu.memory_space<vmem>> -> memref<32x128xf32, #tpu.memory_space<vmem>>
    %dma_start3A_886 = arith.constant 0 : i32
    %dma_start3A_887 = tpu.memref_slice %arg4[%dma_start3A_886, %multiple_of3A_869] : memref<32x1000000xf32, #tpu.memory_space<hbm>> -> memref<32x128xf32, #tpu.memory_space<hbm>>
    tpu.enqueue_dma source(%dma_start3A_887 : memref<32x128xf32, #tpu.memory_space<hbm>>) target(%dma_start3A_885 : memref<32x128xf32, #tpu.memory_space<vmem>>) target_semaphore(%arg12 : memref<!tpu.dma_semaphore, #tpu.memory_space<semaphore_mem>>)
    %dma_start3A_888 = arith.constant 4 : i32
    %dma_start3A_889 = arith.constant 0 : i32
    %dma_start3A_890 = arith.constant 0 : i32
    %dma_start3A_891 = tpu.memref_slice %arg10[%dma_start3A_888, %dma_start3A_889, %dma_start3A_890] : memref<8x32x128xf32, #tpu.memory_space<vmem>> -> memref<1x32x128xf32, #tpu.memory_space<vmem>>
    %dma_start3A_892 = tpu.memref_squeeze %dma_start3A_891 : memref<1x32x128xf32, #tpu.memory_space<vmem>> -> memref<32x128xf32, #tpu.memory_space<vmem>>
    %dma_start3A_893 = arith.constant 0 : i32
    %dma_start3A_894 = tpu.memref_slice %arg5[%dma_start3A_893, %multiple_of3A_874] : memref<32x1000000xf32, #tpu.memory_space<hbm>> -> memref<32x128xf32, #tpu.memory_space<hbm>>
    %dma_start3A_895 = arith.constant 0 : i32
    %dma_start3A_896 = arith.constant 0 : i32
    %dma_start3A_897 = tpu.memref_slice %arg10[%dma_start3A_888, %dma_start3A_895, %dma_start3A_896] : memref<8x32x128xf32, #tpu.memory_space<vmem>> -> memref<1x32x128xf32, #tpu.memory_space<vmem>>
    %dma_start3A_898 = tpu.memref_squeeze %dma_start3A_897 : memref<1x32x128xf32, #tpu.memory_space<vmem>> -> memref<32x128xf32, #tpu.memory_space<vmem>>
    %dma_start3A_899 = arith.constant 0 : i32
    %dma_start3A_900 = tpu.memref_slice %arg5[%dma_start3A_899, %multiple_of3A_874] : memref<32x1000000xf32, #tpu.memory_space<hbm>> -> memref<32x128xf32, #tpu.memory_space<hbm>>
    tpu.enqueue_dma source(%dma_start3A_900 : memref<32x128xf32, #tpu.memory_space<hbm>>) target(%dma_start3A_898 : memref<32x128xf32, #tpu.memory_space<vmem>>) target_semaphore(%arg13 : memref<!tpu.dma_semaphore, #tpu.memory_space<semaphore_mem>>)
    %dma_wait3A_901 = arith.constant 5 : i32
    %dma_wait3A_902 = arith.constant 0 : i32
    %dma_wait3A_903 = arith.constant 0 : i32
    %dma_wait3A_904 = tpu.memref_slice %arg9[%dma_wait3A_901, %dma_wait3A_902, %dma_wait3A_903] : memref<8x32x128xf32, #tpu.memory_space<vmem>> -> memref<1x32x128xf32, #tpu.memory_space<vmem>>
    %dma_wait3A_905 = tpu.memref_squeeze %dma_wait3A_904 : memref<1x32x128xf32, #tpu.memory_space<vmem>> -> memref<32x128xf32, #tpu.memory_space<vmem>>
    %dma_wait3A_906 = arith.constant 0 : i32
    %dma_wait3A_907 = arith.constant 0 : i32
    %dma_wait3A_908 = tpu.memref_slice %arg4[%dma_wait3A_906, %dma_wait3A_907] : memref<32x1000000xf32, #tpu.memory_space<hbm>> -> memref<32x128xf32, #tpu.memory_space<hbm>>
    %dma_wait3A_909 = arith.constant 0 : i32
    %dma_wait3A_910 = arith.constant 0 : i32
    %dma_wait3A_911 = tpu.memref_slice %arg9[%dma_wait3A_901, %dma_wait3A_909, %dma_wait3A_910] : memref<8x32x128xf32, #tpu.memory_space<vmem>> -> memref<1x32x128xf32, #tpu.memory_space<vmem>>
    %dma_wait3A_912 = tpu.memref_squeeze %dma_wait3A_911 : memref<1x32x128xf32, #tpu.memory_space<vmem>> -> memref<32x128xf32, #tpu.memory_space<vmem>>
    %dma_wait3A_913 = arith.constant 0 : i32
    %dma_wait3A_914 = arith.constant 0 : i32
    %dma_wait3A_915 = tpu.memref_slice %arg4[%dma_wait3A_913, %dma_wait3A_914] : memref<32x1000000xf32, #tpu.memory_space<hbm>> -> memref<32x128xf32, #tpu.memory_space<hbm>>
    tpu.wait_dma2 semaphore(%arg12 : memref<!tpu.dma_semaphore, #tpu.memory_space<semaphore_mem>>) src(%dma_wait3A_915 : memref<32x128xf32, #tpu.memory_space<hbm>>) dst(%dma_wait3A_912 : memref<32x128xf32, #tpu.memory_space<vmem>>)
    %dma_wait3A_916 = arith.constant 5 : i32
    %dma_wait3A_917 = arith.constant 0 : i32
    %dma_wait3A_918 = arith.constant 0 : i32
    %dma_wait3A_919 = tpu.memref_slice %arg10[%dma_wait3A_916, %dma_wait3A_917, %dma_wait3A_918] : memref<8x32x128xf32, #tpu.memory_space<vmem>> -> memref<1x32x128xf32, #tpu.memory_space<vmem>>
    %dma_wait3A_920 = tpu.memref_squeeze %dma_wait3A_919 : memref<1x32x128xf32, #tpu.memory_space<vmem>> -> memref<32x128xf32, #tpu.memory_space<vmem>>
    %dma_wait3A_921 = arith.constant 0 : i32
    %dma_wait3A_922 = arith.constant 0 : i32
    %dma_wait3A_923 = tpu.memref_slice %arg5[%dma_wait3A_921, %dma_wait3A_922] : memref<32x1000000xf32, #tpu.memory_space<hbm>> -> memref<32x128xf32, #tpu.memory_space<hbm>>
    %dma_wait3A_924 = arith.constant 0 : i32
    %dma_wait3A_925 = arith.constant 0 : i32
    %dma_wait3A_926 = tpu.memref_slice %arg10[%dma_wait3A_916, %dma_wait3A_924, %dma_wait3A_925] : memref<8x32x128xf32, #tpu.memory_space<vmem>> -> memref<1x32x128xf32, #tpu.memory_space<vmem>>
    %dma_wait3A_927 = tpu.memref_squeeze %dma_wait3A_926 : memref<1x32x128xf32, #tpu.memory_space<vmem>> -> memref<32x128xf32, #tpu.memory_space<vmem>>
    %dma_wait3A_928 = arith.constant 0 : i32
    %dma_wait3A_929 = arith.constant 0 : i32
    %dma_wait3A_930 = tpu.memref_slice %arg5[%dma_wait3A_928, %dma_wait3A_929] : memref<32x1000000xf32, #tpu.memory_space<hbm>> -> memref<32x128xf32, #tpu.memory_space<hbm>>
    tpu.wait_dma2 semaphore(%arg13 : memref<!tpu.dma_semaphore, #tpu.memory_space<semaphore_mem>>) src(%dma_wait3A_930 : memref<32x128xf32, #tpu.memory_space<hbm>>) dst(%dma_wait3A_927 : memref<32x128xf32, #tpu.memory_space<vmem>>)
    %slice3A_931 = vector.extract_strided_slice %get3A_333 {offsets = [5], sizes = [1], strides = [1]} : vector<16xi32> to vector<1xi32>
    %squeeze3A_932 = vector.extract %slice3A_931[0] : i32 from vector<1xi32>
    %slice3A_933 = vector.extract_strided_slice %get3A_335 {offsets = [5], sizes = [1], strides = [1]} : vector<16xi32> to vector<1xi32>
    %squeeze3A_934 = vector.extract %slice3A_933[0] : i32 from vector<1xi32>
    %and3A_935 = arith.constant 127 : i32
    %and3A_936 = arith.andi %squeeze3A_932, %and3A_935 : i32
    %broadcast_in_dim3A_937 = vector.broadcast %and3A_936 : i32 to vector<16xi32>
    %and3A_938 = arith.constant 127 : i32
    %and3A_939 = arith.andi %squeeze3A_934, %and3A_938 : i32
    %broadcast_in_dim3A_940 = vector.broadcast %and3A_939 : i32 to vector<16xi32>
    %gather3A_941 = arith.constant 5 : i32
    %gather3A_942 = arith.constant 0 : i32
    %gather3A_943 = arith.constant 0 : i32
    %gather3A_944 = tpu.memref_slice %arg9[%gather3A_941, %gather3A_942, %gather3A_943] : memref<8x32x128xf32, #tpu.memory_space<vmem>> -> memref<1x32x128xf32, #tpu.memory_space<vmem>>
    %gather3A_945 = tpu.memref_squeeze %gather3A_944 : memref<1x32x128xf32, #tpu.memory_space<vmem>> -> memref<32x128xf32, #tpu.memory_space<vmem>>
    %gather3A_946 = tpu.vector_load_idx %gather3A_945[%iota3A, %broadcast_in_dim3A_937] : memref<32x128xf32, #tpu.memory_space<vmem>>[vector<16xi32>, vector<16xi32>], vector<16xf32>,
    %gather3A_947 = arith.constant 5 : i32
    %gather3A_948 = arith.constant 0 : i32
    %gather3A_949 = arith.constant 0 : i32
    %gather3A_950 = tpu.memref_slice %arg9[%gather3A_947, %gather3A_948, %gather3A_949] : memref<8x32x128xf32, #tpu.memory_space<vmem>> -> memref<1x32x128xf32, #tpu.memory_space<vmem>>
    %gather3A_951 = tpu.memref_squeeze %gather3A_950 : memref<1x32x128xf32, #tpu.memory_space<vmem>> -> memref<32x128xf32, #tpu.memory_space<vmem>>
    %gather3A_952 = tpu.vector_load_idx %gather3A_951[%add3A_5, %broadcast_in_dim3A_937] : memref<32x128xf32, #tpu.memory_space<vmem>>[vector<16xi32>, vector<16xi32>], vector<16xf32>,
    %gather3A_953 = arith.constant 5 : i32
    %gather3A_954 = arith.constant 0 : i32
    %gather3A_955 = arith.constant 0 : i32
    %gather3A_956 = tpu.memref_slice %arg10[%gather3A_953, %gather3A_954, %gather3A_955] : memref<8x32x128xf32, #tpu.memory_space<vmem>> -> memref<1x32x128xf32, #tpu.memory_space<vmem>>
    %gather3A_957 = tpu.memref_squeeze %gather3A_956 : memref<1x32x128xf32, #tpu.memory_space<vmem>> -> memref<32x128xf32, #tpu.memory_space<vmem>>
    %gather3A_958 = tpu.vector_load_idx %gather3A_957[%iota3A, %broadcast_in_dim3A_940] : memref<32x128xf32, #tpu.memory_space<vmem>>[vector<16xi32>, vector<16xi32>], vector<16xf32>,
    %gather3A_959 = arith.constant 5 : i32
    %gather3A_960 = arith.constant 0 : i32
    %gather3A_961 = arith.constant 0 : i32
    %gather3A_962 = tpu.memref_slice %arg10[%gather3A_959, %gather3A_960, %gather3A_961] : memref<8x32x128xf32, #tpu.memory_space<vmem>> -> memref<1x32x128xf32, #tpu.memory_space<vmem>>
    %gather3A_963 = tpu.memref_squeeze %gather3A_962 : memref<1x32x128xf32, #tpu.memory_space<vmem>> -> memref<32x128xf32, #tpu.memory_space<vmem>>
    %gather3A_964 = tpu.vector_load_idx %gather3A_963[%add3A_5, %broadcast_in_dim3A_940] : memref<32x128xf32, #tpu.memory_space<vmem>>[vector<16xi32>, vector<16xi32>], vector<16xf32>,
    %mul3A_965 = arith.mulf %gather3A_946, %gather3A_958 : vector<16xf32>
    %mul3A_966 = arith.mulf %gather3A_952, %gather3A_964 : vector<16xf32>
    %add3A_967 = arith.addf %mul3A_965, %mul3A_966 : vector<16xf32>
    %reduce_sum3A_968 = arith.constant true
    %reduce_sum3A_969 = vector.broadcast %reduce_sum3A_968 : i1 to vector<16xi1>
    %reduce_sum3A_970 = tpu.scan <sum>, %add3A_967 masked %reduce_sum3A_969 : vector<16xf32>, vector<16xi1> -> vector<16xf32>
    %reduce_sum3A_971 = vector.extract %reduce_sum3A_970[15] : f32 from vector<16xf32>
    %broadcast_in_dim3A_972 = arith.constant 501 : i32
    %broadcast_in_dim3A_973 = vector.broadcast %broadcast_in_dim3A_972 : i32 to vector<16xi32>
    %broadcast_in_dim3A_974 = vector.broadcast %reduce_sum3A_971 : f32 to vector<16xf32>
    tpu.vector_store_idx %arg11[%broadcast_in_dim3A_973], %broadcast_in_dim3A_974 masked %eq3A_7 : memref<512xf32, #tpu.memory_space<vmem>>[vector<16xi32>], vector<16xf32>, vector<16xi1>
    %slice3A_975 = vector.extract_strided_slice %get3A_333 {offsets = [13], sizes = [1], strides = [1]} : vector<16xi32> to vector<1xi32>
    %squeeze3A_976 = vector.extract %slice3A_975[0] : i32 from vector<1xi32>
    %slice3A_977 = vector.extract_strided_slice %get3A_335 {offsets = [13], sizes = [1], strides = [1]} : vector<16xi32> to vector<1xi32>
    %squeeze3A_978 = vector.extract %slice3A_977[0] : i32 from vector<1xi32>
    %shift_right_arithmetic3A_979 = arith.constant 7 : i32
    %shift_right_arithmetic3A_980 = arith.shrsi %squeeze3A_976, %shift_right_arithmetic3A_979 : i32
    %mul3A_981 = arith.constant 128 : i32
    %mul3A_982 = arith.muli %shift_right_arithmetic3A_980, %mul3A_981 : i32
    %multiple_of3A_983 = tpu.assume_multiple %mul3A_982, 128 : i32
    %shift_right_arithmetic3A_984 = arith.constant 7 : i32
    %shift_right_arithmetic3A_985 = arith.shrsi %squeeze3A_978, %shift_right_arithmetic3A_984 : i32
    %mul3A_986 = arith.constant 128 : i32
    %mul3A_987 = arith.muli %shift_right_arithmetic3A_985, %mul3A_986 : i32
    %multiple_of3A_988 = tpu.assume_multiple %mul3A_987, 128 : i32
    %dma_start3A_989 = arith.constant 5 : i32
    %dma_start3A_990 = arith.constant 0 : i32
    %dma_start3A_991 = arith.constant 0 : i32
    %dma_start3A_992 = tpu.memref_slice %arg9[%dma_start3A_989, %dma_start3A_990, %dma_start3A_991] : memref<8x32x128xf32, #tpu.memory_space<vmem>> -> memref<1x32x128xf32, #tpu.memory_space<vmem>>
    %dma_start3A_993 = tpu.memref_squeeze %dma_start3A_992 : memref<1x32x128xf32, #tpu.memory_space<vmem>> -> memref<32x128xf32, #tpu.memory_space<vmem>>
    %dma_start3A_994 = arith.constant 0 : i32
    %dma_start3A_995 = tpu.memref_slice %arg4[%dma_start3A_994, %multiple_of3A_983] : memref<32x1000000xf32, #tpu.memory_space<hbm>> -> memref<32x128xf32, #tpu.memory_space<hbm>>
    %dma_start3A_996 = arith.constant 0 : i32
    %dma_start3A_997 = arith.constant 0 : i32
    %dma_start3A_998 = tpu.memref_slice %arg9[%dma_start3A_989, %dma_start3A_996, %dma_start3A_997] : memref<8x32x128xf32, #tpu.memory_space<vmem>> -> memref<1x32x128xf32, #tpu.memory_space<vmem>>
    %dma_start3A_999 = tpu.memref_squeeze %dma_start3A_998 : memref<1x32x128xf32, #tpu.memory_space<vmem>> -> memref<32x128xf32, #tpu.memory_space<vmem>>
    %dma_start3A_1000 = arith.constant 0 : i32
    %dma_start3A_1001 = tpu.memref_slice %arg4[%dma_start3A_1000, %multiple_of3A_983] : memref<32x1000000xf32, #tpu.memory_space<hbm>> -> memref<32x128xf32, #tpu.memory_space<hbm>>
    tpu.enqueue_dma source(%dma_start3A_1001 : memref<32x128xf32, #tpu.memory_space<hbm>>) target(%dma_start3A_999 : memref<32x128xf32, #tpu.memory_space<vmem>>) target_semaphore(%arg12 : memref<!tpu.dma_semaphore, #tpu.memory_space<semaphore_mem>>)
    %dma_start3A_1002 = arith.constant 5 : i32
    %dma_start3A_1003 = arith.constant 0 : i32
    %dma_start3A_1004 = arith.constant 0 : i32
    %dma_start3A_1005 = tpu.memref_slice %arg10[%dma_start3A_1002, %dma_start3A_1003, %dma_start3A_1004] : memref<8x32x128xf32, #tpu.memory_space<vmem>> -> memref<1x32x128xf32, #tpu.memory_space<vmem>>
    %dma_start3A_1006 = tpu.memref_squeeze %dma_start3A_1005 : memref<1x32x128xf32, #tpu.memory_space<vmem>> -> memref<32x128xf32, #tpu.memory_space<vmem>>
    %dma_start3A_1007 = arith.constant 0 : i32
    %dma_start3A_1008 = tpu.memref_slice %arg5[%dma_start3A_1007, %multiple_of3A_988] : memref<32x1000000xf32, #tpu.memory_space<hbm>> -> memref<32x128xf32, #tpu.memory_space<hbm>>
    %dma_start3A_1009 = arith.constant 0 : i32
    %dma_start3A_1010 = arith.constant 0 : i32
    %dma_start3A_1011 = tpu.memref_slice %arg10[%dma_start3A_1002, %dma_start3A_1009, %dma_start3A_1010] : memref<8x32x128xf32, #tpu.memory_space<vmem>> -> memref<1x32x128xf32, #tpu.memory_space<vmem>>
    %dma_start3A_1012 = tpu.memref_squeeze %dma_start3A_1011 : memref<1x32x128xf32, #tpu.memory_space<vmem>> -> memref<32x128xf32, #tpu.memory_space<vmem>>
    %dma_start3A_1013 = arith.constant 0 : i32
    %dma_start3A_1014 = tpu.memref_slice %arg5[%dma_start3A_1013, %multiple_of3A_988] : memref<32x1000000xf32, #tpu.memory_space<hbm>> -> memref<32x128xf32, #tpu.memory_space<hbm>>
    tpu.enqueue_dma source(%dma_start3A_1014 : memref<32x128xf32, #tpu.memory_space<hbm>>) target(%dma_start3A_1012 : memref<32x128xf32, #tpu.memory_space<vmem>>) target_semaphore(%arg13 : memref<!tpu.dma_semaphore, #tpu.memory_space<semaphore_mem>>)
    %dma_wait3A_1015 = arith.constant 6 : i32
    %dma_wait3A_1016 = arith.constant 0 : i32
    %dma_wait3A_1017 = arith.constant 0 : i32
    %dma_wait3A_1018 = tpu.memref_slice %arg9[%dma_wait3A_1015, %dma_wait3A_1016, %dma_wait3A_1017] : memref<8x32x128xf32, #tpu.memory_space<vmem>> -> memref<1x32x128xf32, #tpu.memory_space<vmem>>
    %dma_wait3A_1019 = tpu.memref_squeeze %dma_wait3A_1018 : memref<1x32x128xf32, #tpu.memory_space<vmem>> -> memref<32x128xf32, #tpu.memory_space<vmem>>
    %dma_wait3A_1020 = arith.constant 0 : i32
    %dma_wait3A_1021 = arith.constant 0 : i32
    %dma_wait3A_1022 = tpu.memref_slice %arg4[%dma_wait3A_1020, %dma_wait3A_1021] : memref<32x1000000xf32, #tpu.memory_space<hbm>> -> memref<32x128xf32, #tpu.memory_space<hbm>>
    %dma_wait3A_1023 = arith.constant 0 : i32
    %dma_wait3A_1024 = arith.constant 0 : i32
    %dma_wait3A_1025 = tpu.memref_slice %arg9[%dma_wait3A_1015, %dma_wait3A_1023, %dma_wait3A_1024] : memref<8x32x128xf32, #tpu.memory_space<vmem>> -> memref<1x32x128xf32, #tpu.memory_space<vmem>>
    %dma_wait3A_1026 = tpu.memref_squeeze %dma_wait3A_1025 : memref<1x32x128xf32, #tpu.memory_space<vmem>> -> memref<32x128xf32, #tpu.memory_space<vmem>>
    %dma_wait3A_1027 = arith.constant 0 : i32
    %dma_wait3A_1028 = arith.constant 0 : i32
    %dma_wait3A_1029 = tpu.memref_slice %arg4[%dma_wait3A_1027, %dma_wait3A_1028] : memref<32x1000000xf32, #tpu.memory_space<hbm>> -> memref<32x128xf32, #tpu.memory_space<hbm>>
    tpu.wait_dma2 semaphore(%arg12 : memref<!tpu.dma_semaphore, #tpu.memory_space<semaphore_mem>>) src(%dma_wait3A_1029 : memref<32x128xf32, #tpu.memory_space<hbm>>) dst(%dma_wait3A_1026 : memref<32x128xf32, #tpu.memory_space<vmem>>)
    %dma_wait3A_1030 = arith.constant 6 : i32
    %dma_wait3A_1031 = arith.constant 0 : i32
    %dma_wait3A_1032 = arith.constant 0 : i32
    %dma_wait3A_1033 = tpu.memref_slice %arg10[%dma_wait3A_1030, %dma_wait3A_1031, %dma_wait3A_1032] : memref<8x32x128xf32, #tpu.memory_space<vmem>> -> memref<1x32x128xf32, #tpu.memory_space<vmem>>
    %dma_wait3A_1034 = tpu.memref_squeeze %dma_wait3A_1033 : memref<1x32x128xf32, #tpu.memory_space<vmem>> -> memref<32x128xf32, #tpu.memory_space<vmem>>
    %dma_wait3A_1035 = arith.constant 0 : i32
    %dma_wait3A_1036 = arith.constant 0 : i32
    %dma_wait3A_1037 = tpu.memref_slice %arg5[%dma_wait3A_1035, %dma_wait3A_1036] : memref<32x1000000xf32, #tpu.memory_space<hbm>> -> memref<32x128xf32, #tpu.memory_space<hbm>>
    %dma_wait3A_1038 = arith.constant 0 : i32
    %dma_wait3A_1039 = arith.constant 0 : i32
    %dma_wait3A_1040 = tpu.memref_slice %arg10[%dma_wait3A_1030, %dma_wait3A_1038, %dma_wait3A_1039] : memref<8x32x128xf32, #tpu.memory_space<vmem>> -> memref<1x32x128xf32, #tpu.memory_space<vmem>>
    %dma_wait3A_1041 = tpu.memref_squeeze %dma_wait3A_1040 : memref<1x32x128xf32, #tpu.memory_space<vmem>> -> memref<32x128xf32, #tpu.memory_space<vmem>>
    %dma_wait3A_1042 = arith.constant 0 : i32
    %dma_wait3A_1043 = arith.constant 0 : i32
    %dma_wait3A_1044 = tpu.memref_slice %arg5[%dma_wait3A_1042, %dma_wait3A_1043] : memref<32x1000000xf32, #tpu.memory_space<hbm>> -> memref<32x128xf32, #tpu.memory_space<hbm>>
    tpu.wait_dma2 semaphore(%arg13 : memref<!tpu.dma_semaphore, #tpu.memory_space<semaphore_mem>>) src(%dma_wait3A_1044 : memref<32x128xf32, #tpu.memory_space<hbm>>) dst(%dma_wait3A_1041 : memref<32x128xf32, #tpu.memory_space<vmem>>)
    %slice3A_1045 = vector.extract_strided_slice %get3A_333 {offsets = [6], sizes = [1], strides = [1]} : vector<16xi32> to vector<1xi32>
    %squeeze3A_1046 = vector.extract %slice3A_1045[0] : i32 from vector<1xi32>
    %slice3A_1047 = vector.extract_strided_slice %get3A_335 {offsets = [6], sizes = [1], strides = [1]} : vector<16xi32> to vector<1xi32>
    %squeeze3A_1048 = vector.extract %slice3A_1047[0] : i32 from vector<1xi32>
    %and3A_1049 = arith.constant 127 : i32
    %and3A_1050 = arith.andi %squeeze3A_1046, %and3A_1049 : i32
    %broadcast_in_dim3A_1051 = vector.broadcast %and3A_1050 : i32 to vector<16xi32>
    %and3A_1052 = arith.constant 127 : i32
    %and3A_1053 = arith.andi %squeeze3A_1048, %and3A_1052 : i32
    %broadcast_in_dim3A_1054 = vector.broadcast %and3A_1053 : i32 to vector<16xi32>
    %gather3A_1055 = arith.constant 6 : i32
    %gather3A_1056 = arith.constant 0 : i32
    %gather3A_1057 = arith.constant 0 : i32
    %gather3A_1058 = tpu.memref_slice %arg9[%gather3A_1055, %gather3A_1056, %gather3A_1057] : memref<8x32x128xf32, #tpu.memory_space<vmem>> -> memref<1x32x128xf32, #tpu.memory_space<vmem>>
    %gather3A_1059 = tpu.memref_squeeze %gather3A_1058 : memref<1x32x128xf32, #tpu.memory_space<vmem>> -> memref<32x128xf32, #tpu.memory_space<vmem>>
    %gather3A_1060 = tpu.vector_load_idx %gather3A_1059[%iota3A, %broadcast_in_dim3A_1051] : memref<32x128xf32, #tpu.memory_space<vmem>>[vector<16xi32>, vector<16xi32>], vector<16xf32>,
    %gather3A_1061 = arith.constant 6 : i32
    %gather3A_1062 = arith.constant 0 : i32
    %gather3A_1063 = arith.constant 0 : i32
    %gather3A_1064 = tpu.memref_slice %arg9[%gather3A_1061, %gather3A_1062, %gather3A_1063] : memref<8x32x128xf32, #tpu.memory_space<vmem>> -> memref<1x32x128xf32, #tpu.memory_space<vmem>>
    %gather3A_1065 = tpu.memref_squeeze %gather3A_1064 : memref<1x32x128xf32, #tpu.memory_space<vmem>> -> memref<32x128xf32, #tpu.memory_space<vmem>>
    %gather3A_1066 = tpu.vector_load_idx %gather3A_1065[%add3A_5, %broadcast_in_dim3A_1051] : memref<32x128xf32, #tpu.memory_space<vmem>>[vector<16xi32>, vector<16xi32>], vector<16xf32>,
    %gather3A_1067 = arith.constant 6 : i32
    %gather3A_1068 = arith.constant 0 : i32
    %gather3A_1069 = arith.constant 0 : i32
    %gather3A_1070 = tpu.memref_slice %arg10[%gather3A_1067, %gather3A_1068, %gather3A_1069] : memref<8x32x128xf32, #tpu.memory_space<vmem>> -> memref<1x32x128xf32, #tpu.memory_space<vmem>>
    %gather3A_1071 = tpu.memref_squeeze %gather3A_1070 : memref<1x32x128xf32, #tpu.memory_space<vmem>> -> memref<32x128xf32, #tpu.memory_space<vmem>>
    %gather3A_1072 = tpu.vector_load_idx %gather3A_1071[%iota3A, %broadcast_in_dim3A_1054] : memref<32x128xf32, #tpu.memory_space<vmem>>[vector<16xi32>, vector<16xi32>], vector<16xf32>,
    %gather3A_1073 = arith.constant 6 : i32
    %gather3A_1074 = arith.constant 0 : i32
    %gather3A_1075 = arith.constant 0 : i32
    %gather3A_1076 = tpu.memref_slice %arg10[%gather3A_1073, %gather3A_1074, %gather3A_1075] : memref<8x32x128xf32, #tpu.memory_space<vmem>> -> memref<1x32x128xf32, #tpu.memory_space<vmem>>
    %gather3A_1077 = tpu.memref_squeeze %gather3A_1076 : memref<1x32x128xf32, #tpu.memory_space<vmem>> -> memref<32x128xf32, #tpu.memory_space<vmem>>
    %gather3A_1078 = tpu.vector_load_idx %gather3A_1077[%add3A_5, %broadcast_in_dim3A_1054] : memref<32x128xf32, #tpu.memory_space<vmem>>[vector<16xi32>, vector<16xi32>], vector<16xf32>,
    %mul3A_1079 = arith.mulf %gather3A_1060, %gather3A_1072 : vector<16xf32>
    %mul3A_1080 = arith.mulf %gather3A_1066, %gather3A_1078 : vector<16xf32>
    %add3A_1081 = arith.addf %mul3A_1079, %mul3A_1080 : vector<16xf32>
    %reduce_sum3A_1082 = arith.constant true
    %reduce_sum3A_1083 = vector.broadcast %reduce_sum3A_1082 : i1 to vector<16xi1>
    %reduce_sum3A_1084 = tpu.scan <sum>, %add3A_1081 masked %reduce_sum3A_1083 : vector<16xf32>, vector<16xi1> -> vector<16xf32>
    %reduce_sum3A_1085 = vector.extract %reduce_sum3A_1084[15] : f32 from vector<16xf32>
    %broadcast_in_dim3A_1086 = arith.constant 502 : i32
    %broadcast_in_dim3A_1087 = vector.broadcast %broadcast_in_dim3A_1086 : i32 to vector<16xi32>
    %broadcast_in_dim3A_1088 = vector.broadcast %reduce_sum3A_1085 : f32 to vector<16xf32>
    tpu.vector_store_idx %arg11[%broadcast_in_dim3A_1087], %broadcast_in_dim3A_1088 masked %eq3A_7 : memref<512xf32, #tpu.memory_space<vmem>>[vector<16xi32>], vector<16xf32>, vector<16xi1>
    %slice3A_1089 = vector.extract_strided_slice %get3A_333 {offsets = [14], sizes = [1], strides = [1]} : vector<16xi32> to vector<1xi32>
    %squeeze3A_1090 = vector.extract %slice3A_1089[0] : i32 from vector<1xi32>
    %slice3A_1091 = vector.extract_strided_slice %get3A_335 {offsets = [14], sizes = [1], strides = [1]} : vector<16xi32> to vector<1xi32>
    %squeeze3A_1092 = vector.extract %slice3A_1091[0] : i32 from vector<1xi32>
    %shift_right_arithmetic3A_1093 = arith.constant 7 : i32
    %shift_right_arithmetic3A_1094 = arith.shrsi %squeeze3A_1090, %shift_right_arithmetic3A_1093 : i32
    %mul3A_1095 = arith.constant 128 : i32
    %mul3A_1096 = arith.muli %shift_right_arithmetic3A_1094, %mul3A_1095 : i32
    %multiple_of3A_1097 = tpu.assume_multiple %mul3A_1096, 128 : i32
    %shift_right_arithmetic3A_1098 = arith.constant 7 : i32
    %shift_right_arithmetic3A_1099 = arith.shrsi %squeeze3A_1092, %shift_right_arithmetic3A_1098 : i32
    %mul3A_1100 = arith.constant 128 : i32
    %mul3A_1101 = arith.muli %shift_right_arithmetic3A_1099, %mul3A_1100 : i32
    %multiple_of3A_1102 = tpu.assume_multiple %mul3A_1101, 128 : i32
    %dma_start3A_1103 = arith.constant 6 : i32
    %dma_start3A_1104 = arith.constant 0 : i32
    %dma_start3A_1105 = arith.constant 0 : i32
    %dma_start3A_1106 = tpu.memref_slice %arg9[%dma_start3A_1103, %dma_start3A_1104, %dma_start3A_1105] : memref<8x32x128xf32, #tpu.memory_space<vmem>> -> memref<1x32x128xf32, #tpu.memory_space<vmem>>
    %dma_start3A_1107 = tpu.memref_squeeze %dma_start3A_1106 : memref<1x32x128xf32, #tpu.memory_space<vmem>> -> memref<32x128xf32, #tpu.memory_space<vmem>>
    %dma_start3A_1108 = arith.constant 0 : i32
    %dma_start3A_1109 = tpu.memref_slice %arg4[%dma_start3A_1108, %multiple_of3A_1097] : memref<32x1000000xf32, #tpu.memory_space<hbm>> -> memref<32x128xf32, #tpu.memory_space<hbm>>
    %dma_start3A_1110 = arith.constant 0 : i32
    %dma_start3A_1111 = arith.constant 0 : i32
    %dma_start3A_1112 = tpu.memref_slice %arg9[%dma_start3A_1103, %dma_start3A_1110, %dma_start3A_1111] : memref<8x32x128xf32, #tpu.memory_space<vmem>> -> memref<1x32x128xf32, #tpu.memory_space<vmem>>
    %dma_start3A_1113 = tpu.memref_squeeze %dma_start3A_1112 : memref<1x32x128xf32, #tpu.memory_space<vmem>> -> memref<32x128xf32, #tpu.memory_space<vmem>>
    %dma_start3A_1114 = arith.constant 0 : i32
    %dma_start3A_1115 = tpu.memref_slice %arg4[%dma_start3A_1114, %multiple_of3A_1097] : memref<32x1000000xf32, #tpu.memory_space<hbm>> -> memref<32x128xf32, #tpu.memory_space<hbm>>
    tpu.enqueue_dma source(%dma_start3A_1115 : memref<32x128xf32, #tpu.memory_space<hbm>>) target(%dma_start3A_1113 : memref<32x128xf32, #tpu.memory_space<vmem>>) target_semaphore(%arg12 : memref<!tpu.dma_semaphore, #tpu.memory_space<semaphore_mem>>)
    %dma_start3A_1116 = arith.constant 6 : i32
    %dma_start3A_1117 = arith.constant 0 : i32
    %dma_start3A_1118 = arith.constant 0 : i32
    %dma_start3A_1119 = tpu.memref_slice %arg10[%dma_start3A_1116, %dma_start3A_1117, %dma_start3A_1118] : memref<8x32x128xf32, #tpu.memory_space<vmem>> -> memref<1x32x128xf32, #tpu.memory_space<vmem>>
    %dma_start3A_1120 = tpu.memref_squeeze %dma_start3A_1119 : memref<1x32x128xf32, #tpu.memory_space<vmem>> -> memref<32x128xf32, #tpu.memory_space<vmem>>
    %dma_start3A_1121 = arith.constant 0 : i32
    %dma_start3A_1122 = tpu.memref_slice %arg5[%dma_start3A_1121, %multiple_of3A_1102] : memref<32x1000000xf32, #tpu.memory_space<hbm>> -> memref<32x128xf32, #tpu.memory_space<hbm>>
    %dma_start3A_1123 = arith.constant 0 : i32
    %dma_start3A_1124 = arith.constant 0 : i32
    %dma_start3A_1125 = tpu.memref_slice %arg10[%dma_start3A_1116, %dma_start3A_1123, %dma_start3A_1124] : memref<8x32x128xf32, #tpu.memory_space<vmem>> -> memref<1x32x128xf32, #tpu.memory_space<vmem>>
    %dma_start3A_1126 = tpu.memref_squeeze %dma_start3A_1125 : memref<1x32x128xf32, #tpu.memory_space<vmem>> -> memref<32x128xf32, #tpu.memory_space<vmem>>
    %dma_start3A_1127 = arith.constant 0 : i32
    %dma_start3A_1128 = tpu.memref_slice %arg5[%dma_start3A_1127, %multiple_of3A_1102] : memref<32x1000000xf32, #tpu.memory_space<hbm>> -> memref<32x128xf32, #tpu.memory_space<hbm>>
    tpu.enqueue_dma source(%dma_start3A_1128 : memref<32x128xf32, #tpu.memory_space<hbm>>) target(%dma_start3A_1126 : memref<32x128xf32, #tpu.memory_space<vmem>>) target_semaphore(%arg13 : memref<!tpu.dma_semaphore, #tpu.memory_space<semaphore_mem>>)
    %dma_wait3A_1129 = arith.constant 7 : i32
    %dma_wait3A_1130 = arith.constant 0 : i32
    %dma_wait3A_1131 = arith.constant 0 : i32
    %dma_wait3A_1132 = tpu.memref_slice %arg9[%dma_wait3A_1129, %dma_wait3A_1130, %dma_wait3A_1131] : memref<8x32x128xf32, #tpu.memory_space<vmem>> -> memref<1x32x128xf32, #tpu.memory_space<vmem>>
    %dma_wait3A_1133 = tpu.memref_squeeze %dma_wait3A_1132 : memref<1x32x128xf32, #tpu.memory_space<vmem>> -> memref<32x128xf32, #tpu.memory_space<vmem>>
    %dma_wait3A_1134 = arith.constant 0 : i32
    %dma_wait3A_1135 = arith.constant 0 : i32
    %dma_wait3A_1136 = tpu.memref_slice %arg4[%dma_wait3A_1134, %dma_wait3A_1135] : memref<32x1000000xf32, #tpu.memory_space<hbm>> -> memref<32x128xf32, #tpu.memory_space<hbm>>
    %dma_wait3A_1137 = arith.constant 0 : i32
    %dma_wait3A_1138 = arith.constant 0 : i32
    %dma_wait3A_1139 = tpu.memref_slice %arg9[%dma_wait3A_1129, %dma_wait3A_1137, %dma_wait3A_1138] : memref<8x32x128xf32, #tpu.memory_space<vmem>> -> memref<1x32x128xf32, #tpu.memory_space<vmem>>
    %dma_wait3A_1140 = tpu.memref_squeeze %dma_wait3A_1139 : memref<1x32x128xf32, #tpu.memory_space<vmem>> -> memref<32x128xf32, #tpu.memory_space<vmem>>
    %dma_wait3A_1141 = arith.constant 0 : i32
    %dma_wait3A_1142 = arith.constant 0 : i32
    %dma_wait3A_1143 = tpu.memref_slice %arg4[%dma_wait3A_1141, %dma_wait3A_1142] : memref<32x1000000xf32, #tpu.memory_space<hbm>> -> memref<32x128xf32, #tpu.memory_space<hbm>>
    tpu.wait_dma2 semaphore(%arg12 : memref<!tpu.dma_semaphore, #tpu.memory_space<semaphore_mem>>) src(%dma_wait3A_1143 : memref<32x128xf32, #tpu.memory_space<hbm>>) dst(%dma_wait3A_1140 : memref<32x128xf32, #tpu.memory_space<vmem>>)
    %dma_wait3A_1144 = arith.constant 7 : i32
    %dma_wait3A_1145 = arith.constant 0 : i32
    %dma_wait3A_1146 = arith.constant 0 : i32
    %dma_wait3A_1147 = tpu.memref_slice %arg10[%dma_wait3A_1144, %dma_wait3A_1145, %dma_wait3A_1146] : memref<8x32x128xf32, #tpu.memory_space<vmem>> -> memref<1x32x128xf32, #tpu.memory_space<vmem>>
    %dma_wait3A_1148 = tpu.memref_squeeze %dma_wait3A_1147 : memref<1x32x128xf32, #tpu.memory_space<vmem>> -> memref<32x128xf32, #tpu.memory_space<vmem>>
    %dma_wait3A_1149 = arith.constant 0 : i32
    %dma_wait3A_1150 = arith.constant 0 : i32
    %dma_wait3A_1151 = tpu.memref_slice %arg5[%dma_wait3A_1149, %dma_wait3A_1150] : memref<32x1000000xf32, #tpu.memory_space<hbm>> -> memref<32x128xf32, #tpu.memory_space<hbm>>
    %dma_wait3A_1152 = arith.constant 0 : i32
    %dma_wait3A_1153 = arith.constant 0 : i32
    %dma_wait3A_1154 = tpu.memref_slice %arg10[%dma_wait3A_1144, %dma_wait3A_1152, %dma_wait3A_1153] : memref<8x32x128xf32, #tpu.memory_space<vmem>> -> memref<1x32x128xf32, #tpu.memory_space<vmem>>
    %dma_wait3A_1155 = tpu.memref_squeeze %dma_wait3A_1154 : memref<1x32x128xf32, #tpu.memory_space<vmem>> -> memref<32x128xf32, #tpu.memory_space<vmem>>
    %dma_wait3A_1156 = arith.constant 0 : i32
    %dma_wait3A_1157 = arith.constant 0 : i32
    %dma_wait3A_1158 = tpu.memref_slice %arg5[%dma_wait3A_1156, %dma_wait3A_1157] : memref<32x1000000xf32, #tpu.memory_space<hbm>> -> memref<32x128xf32, #tpu.memory_space<hbm>>
    tpu.wait_dma2 semaphore(%arg13 : memref<!tpu.dma_semaphore, #tpu.memory_space<semaphore_mem>>) src(%dma_wait3A_1158 : memref<32x128xf32, #tpu.memory_space<hbm>>) dst(%dma_wait3A_1155 : memref<32x128xf32, #tpu.memory_space<vmem>>)
    %slice3A_1159 = vector.extract_strided_slice %get3A_333 {offsets = [7], sizes = [1], strides = [1]} : vector<16xi32> to vector<1xi32>
    %squeeze3A_1160 = vector.extract %slice3A_1159[0] : i32 from vector<1xi32>
    %slice3A_1161 = vector.extract_strided_slice %get3A_335 {offsets = [7], sizes = [1], strides = [1]} : vector<16xi32> to vector<1xi32>
    %squeeze3A_1162 = vector.extract %slice3A_1161[0] : i32 from vector<1xi32>
    %and3A_1163 = arith.constant 127 : i32
    %and3A_1164 = arith.andi %squeeze3A_1160, %and3A_1163 : i32
    %broadcast_in_dim3A_1165 = vector.broadcast %and3A_1164 : i32 to vector<16xi32>
    %and3A_1166 = arith.constant 127 : i32
    %and3A_1167 = arith.andi %squeeze3A_1162, %and3A_1166 : i32
    %broadcast_in_dim3A_1168 = vector.broadcast %and3A_1167 : i32 to vector<16xi32>
    %gather3A_1169 = arith.constant 7 : i32
    %gather3A_1170 = arith.constant 0 : i32
    %gather3A_1171 = arith.constant 0 : i32
    %gather3A_1172 = tpu.memref_slice %arg9[%gather3A_1169, %gather3A_1170, %gather3A_1171] : memref<8x32x128xf32, #tpu.memory_space<vmem>> -> memref<1x32x128xf32, #tpu.memory_space<vmem>>
    %gather3A_1173 = tpu.memref_squeeze %gather3A_1172 : memref<1x32x128xf32, #tpu.memory_space<vmem>> -> memref<32x128xf32, #tpu.memory_space<vmem>>
    %gather3A_1174 = tpu.vector_load_idx %gather3A_1173[%iota3A, %broadcast_in_dim3A_1165] : memref<32x128xf32, #tpu.memory_space<vmem>>[vector<16xi32>, vector<16xi32>], vector<16xf32>,
    %gather3A_1175 = arith.constant 7 : i32
    %gather3A_1176 = arith.constant 0 : i32
    %gather3A_1177 = arith.constant 0 : i32
    %gather3A_1178 = tpu.memref_slice %arg9[%gather3A_1175, %gather3A_1176, %gather3A_1177] : memref<8x32x128xf32, #tpu.memory_space<vmem>> -> memref<1x32x128xf32, #tpu.memory_space<vmem>>
    %gather3A_1179 = tpu.memref_squeeze %gather3A_1178 : memref<1x32x128xf32, #tpu.memory_space<vmem>> -> memref<32x128xf32, #tpu.memory_space<vmem>>
    %gather3A_1180 = tpu.vector_load_idx %gather3A_1179[%add3A_5, %broadcast_in_dim3A_1165] : memref<32x128xf32, #tpu.memory_space<vmem>>[vector<16xi32>, vector<16xi32>], vector<16xf32>,
    %gather3A_1181 = arith.constant 7 : i32
    %gather3A_1182 = arith.constant 0 : i32
    %gather3A_1183 = arith.constant 0 : i32
    %gather3A_1184 = tpu.memref_slice %arg10[%gather3A_1181, %gather3A_1182, %gather3A_1183] : memref<8x32x128xf32, #tpu.memory_space<vmem>> -> memref<1x32x128xf32, #tpu.memory_space<vmem>>
    %gather3A_1185 = tpu.memref_squeeze %gather3A_1184 : memref<1x32x128xf32, #tpu.memory_space<vmem>> -> memref<32x128xf32, #tpu.memory_space<vmem>>
    %gather3A_1186 = tpu.vector_load_idx %gather3A_1185[%iota3A, %broadcast_in_dim3A_1168] : memref<32x128xf32, #tpu.memory_space<vmem>>[vector<16xi32>, vector<16xi32>], vector<16xf32>,
    %gather3A_1187 = arith.constant 7 : i32
    %gather3A_1188 = arith.constant 0 : i32
    %gather3A_1189 = arith.constant 0 : i32
    %gather3A_1190 = tpu.memref_slice %arg10[%gather3A_1187, %gather3A_1188, %gather3A_1189] : memref<8x32x128xf32, #tpu.memory_space<vmem>> -> memref<1x32x128xf32, #tpu.memory_space<vmem>>
    %gather3A_1191 = tpu.memref_squeeze %gather3A_1190 : memref<1x32x128xf32, #tpu.memory_space<vmem>> -> memref<32x128xf32, #tpu.memory_space<vmem>>
    %gather3A_1192 = tpu.vector_load_idx %gather3A_1191[%add3A_5, %broadcast_in_dim3A_1168] : memref<32x128xf32, #tpu.memory_space<vmem>>[vector<16xi32>, vector<16xi32>], vector<16xf32>,
    %mul3A_1193 = arith.mulf %gather3A_1174, %gather3A_1186 : vector<16xf32>
    %mul3A_1194 = arith.mulf %gather3A_1180, %gather3A_1192 : vector<16xf32>
    %add3A_1195 = arith.addf %mul3A_1193, %mul3A_1194 : vector<16xf32>
    %reduce_sum3A_1196 = arith.constant true
    %reduce_sum3A_1197 = vector.broadcast %reduce_sum3A_1196 : i1 to vector<16xi1>
    %reduce_sum3A_1198 = tpu.scan <sum>, %add3A_1195 masked %reduce_sum3A_1197 : vector<16xf32>, vector<16xi1> -> vector<16xf32>
    %reduce_sum3A_1199 = vector.extract %reduce_sum3A_1198[15] : f32 from vector<16xf32>
    %broadcast_in_dim3A_1200 = arith.constant 503 : i32
    %broadcast_in_dim3A_1201 = vector.broadcast %broadcast_in_dim3A_1200 : i32 to vector<16xi32>
    %broadcast_in_dim3A_1202 = vector.broadcast %reduce_sum3A_1199 : f32 to vector<16xf32>
    tpu.vector_store_idx %arg11[%broadcast_in_dim3A_1201], %broadcast_in_dim3A_1202 masked %eq3A_7 : memref<512xf32, #tpu.memory_space<vmem>>[vector<16xi32>], vector<16xf32>, vector<16xi1>
    %slice3A_1203 = vector.extract_strided_slice %get3A_333 {offsets = [15], sizes = [1], strides = [1]} : vector<16xi32> to vector<1xi32>
    %squeeze3A_1204 = vector.extract %slice3A_1203[0] : i32 from vector<1xi32>
    %slice3A_1205 = vector.extract_strided_slice %get3A_335 {offsets = [15], sizes = [1], strides = [1]} : vector<16xi32> to vector<1xi32>
    %squeeze3A_1206 = vector.extract %slice3A_1205[0] : i32 from vector<1xi32>
    %shift_right_arithmetic3A_1207 = arith.constant 7 : i32
    %shift_right_arithmetic3A_1208 = arith.shrsi %squeeze3A_1204, %shift_right_arithmetic3A_1207 : i32
    %mul3A_1209 = arith.constant 128 : i32
    %mul3A_1210 = arith.muli %shift_right_arithmetic3A_1208, %mul3A_1209 : i32
    %multiple_of3A_1211 = tpu.assume_multiple %mul3A_1210, 128 : i32
    %shift_right_arithmetic3A_1212 = arith.constant 7 : i32
    %shift_right_arithmetic3A_1213 = arith.shrsi %squeeze3A_1206, %shift_right_arithmetic3A_1212 : i32
    %mul3A_1214 = arith.constant 128 : i32
    %mul3A_1215 = arith.muli %shift_right_arithmetic3A_1213, %mul3A_1214 : i32
    %multiple_of3A_1216 = tpu.assume_multiple %mul3A_1215, 128 : i32
    %dma_start3A_1217 = arith.constant 7 : i32
    %dma_start3A_1218 = arith.constant 0 : i32
    %dma_start3A_1219 = arith.constant 0 : i32
    %dma_start3A_1220 = tpu.memref_slice %arg9[%dma_start3A_1217, %dma_start3A_1218, %dma_start3A_1219] : memref<8x32x128xf32, #tpu.memory_space<vmem>> -> memref<1x32x128xf32, #tpu.memory_space<vmem>>
    %dma_start3A_1221 = tpu.memref_squeeze %dma_start3A_1220 : memref<1x32x128xf32, #tpu.memory_space<vmem>> -> memref<32x128xf32, #tpu.memory_space<vmem>>
    %dma_start3A_1222 = arith.constant 0 : i32
    %dma_start3A_1223 = tpu.memref_slice %arg4[%dma_start3A_1222, %multiple_of3A_1211] : memref<32x1000000xf32, #tpu.memory_space<hbm>> -> memref<32x128xf32, #tpu.memory_space<hbm>>
    %dma_start3A_1224 = arith.constant 0 : i32
    %dma_start3A_1225 = arith.constant 0 : i32
    %dma_start3A_1226 = tpu.memref_slice %arg9[%dma_start3A_1217, %dma_start3A_1224, %dma_start3A_1225] : memref<8x32x128xf32, #tpu.memory_space<vmem>> -> memref<1x32x128xf32, #tpu.memory_space<vmem>>
    %dma_start3A_1227 = tpu.memref_squeeze %dma_start3A_1226 : memref<1x32x128xf32, #tpu.memory_space<vmem>> -> memref<32x128xf32, #tpu.memory_space<vmem>>
    %dma_start3A_1228 = arith.constant 0 : i32
    %dma_start3A_1229 = tpu.memref_slice %arg4[%dma_start3A_1228, %multiple_of3A_1211] : memref<32x1000000xf32, #tpu.memory_space<hbm>> -> memref<32x128xf32, #tpu.memory_space<hbm>>
    tpu.enqueue_dma source(%dma_start3A_1229 : memref<32x128xf32, #tpu.memory_space<hbm>>) target(%dma_start3A_1227 : memref<32x128xf32, #tpu.memory_space<vmem>>) target_semaphore(%arg12 : memref<!tpu.dma_semaphore, #tpu.memory_space<semaphore_mem>>)
    %dma_start3A_1230 = arith.constant 7 : i32
    %dma_start3A_1231 = arith.constant 0 : i32
    %dma_start3A_1232 = arith.constant 0 : i32
    %dma_start3A_1233 = tpu.memref_slice %arg10[%dma_start3A_1230, %dma_start3A_1231, %dma_start3A_1232] : memref<8x32x128xf32, #tpu.memory_space<vmem>> -> memref<1x32x128xf32, #tpu.memory_space<vmem>>
    %dma_start3A_1234 = tpu.memref_squeeze %dma_start3A_1233 : memref<1x32x128xf32, #tpu.memory_space<vmem>> -> memref<32x128xf32, #tpu.memory_space<vmem>>
    %dma_start3A_1235 = arith.constant 0 : i32
    %dma_start3A_1236 = tpu.memref_slice %arg5[%dma_start3A_1235, %multiple_of3A_1216] : memref<32x1000000xf32, #tpu.memory_space<hbm>> -> memref<32x128xf32, #tpu.memory_space<hbm>>
    %dma_start3A_1237 = arith.constant 0 : i32
    %dma_start3A_1238 = arith.constant 0 : i32
    %dma_start3A_1239 = tpu.memref_slice %arg10[%dma_start3A_1230, %dma_start3A_1237, %dma_start3A_1238] : memref<8x32x128xf32, #tpu.memory_space<vmem>> -> memref<1x32x128xf32, #tpu.memory_space<vmem>>
    %dma_start3A_1240 = tpu.memref_squeeze %dma_start3A_1239 : memref<1x32x128xf32, #tpu.memory_space<vmem>> -> memref<32x128xf32, #tpu.memory_space<vmem>>
    %dma_start3A_1241 = arith.constant 0 : i32
    %dma_start3A_1242 = tpu.memref_slice %arg5[%dma_start3A_1241, %multiple_of3A_1216] : memref<32x1000000xf32, #tpu.memory_space<hbm>> -> memref<32x128xf32, #tpu.memory_space<hbm>>
    tpu.enqueue_dma source(%dma_start3A_1242 : memref<32x128xf32, #tpu.memory_space<hbm>>) target(%dma_start3A_1240 : memref<32x128xf32, #tpu.memory_space<vmem>>) target_semaphore(%arg13 : memref<!tpu.dma_semaphore, #tpu.memory_space<semaphore_mem>>)
    %dma_wait3A_1243 = arith.constant 0 : i32
    %dma_wait3A_1244 = arith.constant 0 : i32
    %dma_wait3A_1245 = arith.constant 0 : i32
    %dma_wait3A_1246 = tpu.memref_slice %arg9[%dma_wait3A_1243, %dma_wait3A_1244, %dma_wait3A_1245] : memref<8x32x128xf32, #tpu.memory_space<vmem>> -> memref<1x32x128xf32, #tpu.memory_space<vmem>>
    %dma_wait3A_1247 = tpu.memref_squeeze %dma_wait3A_1246 : memref<1x32x128xf32, #tpu.memory_space<vmem>> -> memref<32x128xf32, #tpu.memory_space<vmem>>
    %dma_wait3A_1248 = arith.constant 0 : i32
    %dma_wait3A_1249 = arith.constant 0 : i32
    %dma_wait3A_1250 = tpu.memref_slice %arg4[%dma_wait3A_1248, %dma_wait3A_1249] : memref<32x1000000xf32, #tpu.memory_space<hbm>> -> memref<32x128xf32, #tpu.memory_space<hbm>>
    %dma_wait3A_1251 = arith.constant 0 : i32
    %dma_wait3A_1252 = arith.constant 0 : i32
    %dma_wait3A_1253 = tpu.memref_slice %arg9[%dma_wait3A_1243, %dma_wait3A_1251, %dma_wait3A_1252] : memref<8x32x128xf32, #tpu.memory_space<vmem>> -> memref<1x32x128xf32, #tpu.memory_space<vmem>>
    %dma_wait3A_1254 = tpu.memref_squeeze %dma_wait3A_1253 : memref<1x32x128xf32, #tpu.memory_space<vmem>> -> memref<32x128xf32, #tpu.memory_space<vmem>>
    %dma_wait3A_1255 = arith.constant 0 : i32
    %dma_wait3A_1256 = arith.constant 0 : i32
    %dma_wait3A_1257 = tpu.memref_slice %arg4[%dma_wait3A_1255, %dma_wait3A_1256] : memref<32x1000000xf32, #tpu.memory_space<hbm>> -> memref<32x128xf32, #tpu.memory_space<hbm>>
    tpu.wait_dma2 semaphore(%arg12 : memref<!tpu.dma_semaphore, #tpu.memory_space<semaphore_mem>>) src(%dma_wait3A_1257 : memref<32x128xf32, #tpu.memory_space<hbm>>) dst(%dma_wait3A_1254 : memref<32x128xf32, #tpu.memory_space<vmem>>)
    %dma_wait3A_1258 = arith.constant 0 : i32
    %dma_wait3A_1259 = arith.constant 0 : i32
    %dma_wait3A_1260 = arith.constant 0 : i32
    %dma_wait3A_1261 = tpu.memref_slice %arg10[%dma_wait3A_1258, %dma_wait3A_1259, %dma_wait3A_1260] : memref<8x32x128xf32, #tpu.memory_space<vmem>> -> memref<1x32x128xf32, #tpu.memory_space<vmem>>
    %dma_wait3A_1262 = tpu.memref_squeeze %dma_wait3A_1261 : memref<1x32x128xf32, #tpu.memory_space<vmem>> -> memref<32x128xf32, #tpu.memory_space<vmem>>
    %dma_wait3A_1263 = arith.constant 0 : i32
    %dma_wait3A_1264 = arith.constant 0 : i32
    %dma_wait3A_1265 = tpu.memref_slice %arg5[%dma_wait3A_1263, %dma_wait3A_1264] : memref<32x1000000xf32, #tpu.memory_space<hbm>> -> memref<32x128xf32, #tpu.memory_space<hbm>>
    %dma_wait3A_1266 = arith.constant 0 : i32
    %dma_wait3A_1267 = arith.constant 0 : i32
    %dma_wait3A_1268 = tpu.memref_slice %arg10[%dma_wait3A_1258, %dma_wait3A_1266, %dma_wait3A_1267] : memref<8x32x128xf32, #tpu.memory_space<vmem>> -> memref<1x32x128xf32, #tpu.memory_space<vmem>>
    %dma_wait3A_1269 = tpu.memref_squeeze %dma_wait3A_1268 : memref<1x32x128xf32, #tpu.memory_space<vmem>> -> memref<32x128xf32, #tpu.memory_space<vmem>>
    %dma_wait3A_1270 = arith.constant 0 : i32
    %dma_wait3A_1271 = arith.constant 0 : i32
    %dma_wait3A_1272 = tpu.memref_slice %arg5[%dma_wait3A_1270, %dma_wait3A_1271] : memref<32x1000000xf32, #tpu.memory_space<hbm>> -> memref<32x128xf32, #tpu.memory_space<hbm>>
    tpu.wait_dma2 semaphore(%arg13 : memref<!tpu.dma_semaphore, #tpu.memory_space<semaphore_mem>>) src(%dma_wait3A_1272 : memref<32x128xf32, #tpu.memory_space<hbm>>) dst(%dma_wait3A_1269 : memref<32x128xf32, #tpu.memory_space<vmem>>)
    %slice3A_1273 = vector.extract_strided_slice %get3A_333 {offsets = [8], sizes = [1], strides = [1]} : vector<16xi32> to vector<1xi32>
    %squeeze3A_1274 = vector.extract %slice3A_1273[0] : i32 from vector<1xi32>
    %slice3A_1275 = vector.extract_strided_slice %get3A_335 {offsets = [8], sizes = [1], strides = [1]} : vector<16xi32> to vector<1xi32>
    %squeeze3A_1276 = vector.extract %slice3A_1275[0] : i32 from vector<1xi32>
    %and3A_1277 = arith.constant 127 : i32
    %and3A_1278 = arith.andi %squeeze3A_1274, %and3A_1277 : i32
    %broadcast_in_dim3A_1279 = vector.broadcast %and3A_1278 : i32 to vector<16xi32>
    %and3A_1280 = arith.constant 127 : i32
    %and3A_1281 = arith.andi %squeeze3A_1276, %and3A_1280 : i32
    %broadcast_in_dim3A_1282 = vector.broadcast %and3A_1281 : i32 to vector<16xi32>
    %gather3A_1283 = arith.constant 0 : i32
    %gather3A_1284 = arith.constant 0 : i32
    %gather3A_1285 = arith.constant 0 : i32
    %gather3A_1286 = tpu.memref_slice %arg9[%gather3A_1283, %gather3A_1284, %gather3A_1285] : memref<8x32x128xf32, #tpu.memory_space<vmem>> -> memref<1x32x128xf32, #tpu.memory_space<vmem>>
    %gather3A_1287 = tpu.memref_squeeze %gather3A_1286 : memref<1x32x128xf32, #tpu.memory_space<vmem>> -> memref<32x128xf32, #tpu.memory_space<vmem>>
    %gather3A_1288 = tpu.vector_load_idx %gather3A_1287[%iota3A, %broadcast_in_dim3A_1279] : memref<32x128xf32, #tpu.memory_space<vmem>>[vector<16xi32>, vector<16xi32>], vector<16xf32>,
    %gather3A_1289 = arith.constant 0 : i32
    %gather3A_1290 = arith.constant 0 : i32
    %gather3A_1291 = arith.constant 0 : i32
    %gather3A_1292 = tpu.memref_slice %arg9[%gather3A_1289, %gather3A_1290, %gather3A_1291] : memref<8x32x128xf32, #tpu.memory_space<vmem>> -> memref<1x32x128xf32, #tpu.memory_space<vmem>>
    %gather3A_1293 = tpu.memref_squeeze %gather3A_1292 : memref<1x32x128xf32, #tpu.memory_space<vmem>> -> memref<32x128xf32, #tpu.memory_space<vmem>>
    %gather3A_1294 = tpu.vector_load_idx %gather3A_1293[%add3A_5, %broadcast_in_dim3A_1279] : memref<32x128xf32, #tpu.memory_space<vmem>>[vector<16xi32>, vector<16xi32>], vector<16xf32>,
    %gather3A_1295 = arith.constant 0 : i32
    %gather3A_1296 = arith.constant 0 : i32
    %gather3A_1297 = arith.constant 0 : i32
    %gather3A_1298 = tpu.memref_slice %arg10[%gather3A_1295, %gather3A_1296, %gather3A_1297] : memref<8x32x128xf32, #tpu.memory_space<vmem>> -> memref<1x32x128xf32, #tpu.memory_space<vmem>>
    %gather3A_1299 = tpu.memref_squeeze %gather3A_1298 : memref<1x32x128xf32, #tpu.memory_space<vmem>> -> memref<32x128xf32, #tpu.memory_space<vmem>>
    %gather3A_1300 = tpu.vector_load_idx %gather3A_1299[%iota3A, %broadcast_in_dim3A_1282] : memref<32x128xf32, #tpu.memory_space<vmem>>[vector<16xi32>, vector<16xi32>], vector<16xf32>,
    %gather3A_1301 = arith.constant 0 : i32
    %gather3A_1302 = arith.constant 0 : i32
    %gather3A_1303 = arith.constant 0 : i32
    %gather3A_1304 = tpu.memref_slice %arg10[%gather3A_1301, %gather3A_1302, %gather3A_1303] : memref<8x32x128xf32, #tpu.memory_space<vmem>> -> memref<1x32x128xf32, #tpu.memory_space<vmem>>
    %gather3A_1305 = tpu.memref_squeeze %gather3A_1304 : memref<1x32x128xf32, #tpu.memory_space<vmem>> -> memref<32x128xf32, #tpu.memory_space<vmem>>
    %gather3A_1306 = tpu.vector_load_idx %gather3A_1305[%add3A_5, %broadcast_in_dim3A_1282] : memref<32x128xf32, #tpu.memory_space<vmem>>[vector<16xi32>, vector<16xi32>], vector<16xf32>,
    %mul3A_1307 = arith.mulf %gather3A_1288, %gather3A_1300 : vector<16xf32>
    %mul3A_1308 = arith.mulf %gather3A_1294, %gather3A_1306 : vector<16xf32>
    %add3A_1309 = arith.addf %mul3A_1307, %mul3A_1308 : vector<16xf32>
    %reduce_sum3A_1310 = arith.constant true
    %reduce_sum3A_1311 = vector.broadcast %reduce_sum3A_1310 : i1 to vector<16xi1>
    %reduce_sum3A_1312 = tpu.scan <sum>, %add3A_1309 masked %reduce_sum3A_1311 : vector<16xf32>, vector<16xi1> -> vector<16xf32>
    %reduce_sum3A_1313 = vector.extract %reduce_sum3A_1312[15] : f32 from vector<16xf32>
    %broadcast_in_dim3A_1314 = arith.constant 504 : i32
    %broadcast_in_dim3A_1315 = vector.broadcast %broadcast_in_dim3A_1314 : i32 to vector<16xi32>
    %broadcast_in_dim3A_1316 = vector.broadcast %reduce_sum3A_1313 : f32 to vector<16xf32>
    tpu.vector_store_idx %arg11[%broadcast_in_dim3A_1315], %broadcast_in_dim3A_1316 masked %eq3A_7 : memref<512xf32, #tpu.memory_space<vmem>>[vector<16xi32>], vector<16xf32>, vector<16xi1>
    %dma_wait3A_1317 = arith.constant 1 : i32
    %dma_wait3A_1318 = arith.constant 0 : i32
    %dma_wait3A_1319 = arith.constant 0 : i32
    %dma_wait3A_1320 = tpu.memref_slice %arg9[%dma_wait3A_1317, %dma_wait3A_1318, %dma_wait3A_1319] : memref<8x32x128xf32, #tpu.memory_space<vmem>> -> memref<1x32x128xf32, #tpu.memory_space<vmem>>
    %dma_wait3A_1321 = tpu.memref_squeeze %dma_wait3A_1320 : memref<1x32x128xf32, #tpu.memory_space<vmem>> -> memref<32x128xf32, #tpu.memory_space<vmem>>
    %dma_wait3A_1322 = arith.constant 0 : i32
    %dma_wait3A_1323 = arith.constant 0 : i32
    %dma_wait3A_1324 = tpu.memref_slice %arg4[%dma_wait3A_1322, %dma_wait3A_1323] : memref<32x1000000xf32, #tpu.memory_space<hbm>> -> memref<32x128xf32, #tpu.memory_space<hbm>>
    %dma_wait3A_1325 = arith.constant 0 : i32
    %dma_wait3A_1326 = arith.constant 0 : i32
    %dma_wait3A_1327 = tpu.memref_slice %arg9[%dma_wait3A_1317, %dma_wait3A_1325, %dma_wait3A_1326] : memref<8x32x128xf32, #tpu.memory_space<vmem>> -> memref<1x32x128xf32, #tpu.memory_space<vmem>>
    %dma_wait3A_1328 = tpu.memref_squeeze %dma_wait3A_1327 : memref<1x32x128xf32, #tpu.memory_space<vmem>> -> memref<32x128xf32, #tpu.memory_space<vmem>>
    %dma_wait3A_1329 = arith.constant 0 : i32
    %dma_wait3A_1330 = arith.constant 0 : i32
    %dma_wait3A_1331 = tpu.memref_slice %arg4[%dma_wait3A_1329, %dma_wait3A_1330] : memref<32x1000000xf32, #tpu.memory_space<hbm>> -> memref<32x128xf32, #tpu.memory_space<hbm>>
    tpu.wait_dma2 semaphore(%arg12 : memref<!tpu.dma_semaphore, #tpu.memory_space<semaphore_mem>>) src(%dma_wait3A_1331 : memref<32x128xf32, #tpu.memory_space<hbm>>) dst(%dma_wait3A_1328 : memref<32x128xf32, #tpu.memory_space<vmem>>)
    %dma_wait3A_1332 = arith.constant 1 : i32
    %dma_wait3A_1333 = arith.constant 0 : i32
    %dma_wait3A_1334 = arith.constant 0 : i32
    %dma_wait3A_1335 = tpu.memref_slice %arg10[%dma_wait3A_1332, %dma_wait3A_1333, %dma_wait3A_1334] : memref<8x32x128xf32, #tpu.memory_space<vmem>> -> memref<1x32x128xf32, #tpu.memory_space<vmem>>
    %dma_wait3A_1336 = tpu.memref_squeeze %dma_wait3A_1335 : memref<1x32x128xf32, #tpu.memory_space<vmem>> -> memref<32x128xf32, #tpu.memory_space<vmem>>
    %dma_wait3A_1337 = arith.constant 0 : i32
    %dma_wait3A_1338 = arith.constant 0 : i32
    %dma_wait3A_1339 = tpu.memref_slice %arg5[%dma_wait3A_1337, %dma_wait3A_1338] : memref<32x1000000xf32, #tpu.memory_space<hbm>> -> memref<32x128xf32, #tpu.memory_space<hbm>>
    %dma_wait3A_1340 = arith.constant 0 : i32
    %dma_wait3A_1341 = arith.constant 0 : i32
    %dma_wait3A_1342 = tpu.memref_slice %arg10[%dma_wait3A_1332, %dma_wait3A_1340, %dma_wait3A_1341] : memref<8x32x128xf32, #tpu.memory_space<vmem>> -> memref<1x32x128xf32, #tpu.memory_space<vmem>>
    %dma_wait3A_1343 = tpu.memref_squeeze %dma_wait3A_1342 : memref<1x32x128xf32, #tpu.memory_space<vmem>> -> memref<32x128xf32, #tpu.memory_space<vmem>>
    %dma_wait3A_1344 = arith.constant 0 : i32
    %dma_wait3A_1345 = arith.constant 0 : i32
    %dma_wait3A_1346 = tpu.memref_slice %arg5[%dma_wait3A_1344, %dma_wait3A_1345] : memref<32x1000000xf32, #tpu.memory_space<hbm>> -> memref<32x128xf32, #tpu.memory_space<hbm>>
    tpu.wait_dma2 semaphore(%arg13 : memref<!tpu.dma_semaphore, #tpu.memory_space<semaphore_mem>>) src(%dma_wait3A_1346 : memref<32x128xf32, #tpu.memory_space<hbm>>) dst(%dma_wait3A_1343 : memref<32x128xf32, #tpu.memory_space<vmem>>)
    %slice3A_1347 = vector.extract_strided_slice %get3A_333 {offsets = [9], sizes = [1], strides = [1]} : vector<16xi32> to vector<1xi32>
    %squeeze3A_1348 = vector.extract %slice3A_1347[0] : i32 from vector<1xi32>
    %slice3A_1349 = vector.extract_strided_slice %get3A_335 {offsets = [9], sizes = [1], strides = [1]} : vector<16xi32> to vector<1xi32>
    %squeeze3A_1350 = vector.extract %slice3A_1349[0] : i32 from vector<1xi32>
    %and3A_1351 = arith.constant 127 : i32
    %and3A_1352 = arith.andi %squeeze3A_1348, %and3A_1351 : i32
    %broadcast_in_dim3A_1353 = vector.broadcast %and3A_1352 : i32 to vector<16xi32>
    %and3A_1354 = arith.constant 127 : i32
    %and3A_1355 = arith.andi %squeeze3A_1350, %and3A_1354 : i32
    %broadcast_in_dim3A_1356 = vector.broadcast %and3A_1355 : i32 to vector<16xi32>
    %gather3A_1357 = arith.constant 1 : i32
    %gather3A_1358 = arith.constant 0 : i32
    %gather3A_1359 = arith.constant 0 : i32
    %gather3A_1360 = tpu.memref_slice %arg9[%gather3A_1357, %gather3A_1358, %gather3A_1359] : memref<8x32x128xf32, #tpu.memory_space<vmem>> -> memref<1x32x128xf32, #tpu.memory_space<vmem>>
    %gather3A_1361 = tpu.memref_squeeze %gather3A_1360 : memref<1x32x128xf32, #tpu.memory_space<vmem>> -> memref<32x128xf32, #tpu.memory_space<vmem>>
    %gather3A_1362 = tpu.vector_load_idx %gather3A_1361[%iota3A, %broadcast_in_dim3A_1353] : memref<32x128xf32, #tpu.memory_space<vmem>>[vector<16xi32>, vector<16xi32>], vector<16xf32>,
    %gather3A_1363 = arith.constant 1 : i32
    %gather3A_1364 = arith.constant 0 : i32
    %gather3A_1365 = arith.constant 0 : i32
    %gather3A_1366 = tpu.memref_slice %arg9[%gather3A_1363, %gather3A_1364, %gather3A_1365] : memref<8x32x128xf32, #tpu.memory_space<vmem>> -> memref<1x32x128xf32, #tpu.memory_space<vmem>>
    %gather3A_1367 = tpu.memref_squeeze %gather3A_1366 : memref<1x32x128xf32, #tpu.memory_space<vmem>> -> memref<32x128xf32, #tpu.memory_space<vmem>>
    %gather3A_1368 = tpu.vector_load_idx %gather3A_1367[%add3A_5, %broadcast_in_dim3A_1353] : memref<32x128xf32, #tpu.memory_space<vmem>>[vector<16xi32>, vector<16xi32>], vector<16xf32>,
    %gather3A_1369 = arith.constant 1 : i32
    %gather3A_1370 = arith.constant 0 : i32
    %gather3A_1371 = arith.constant 0 : i32
    %gather3A_1372 = tpu.memref_slice %arg10[%gather3A_1369, %gather3A_1370, %gather3A_1371] : memref<8x32x128xf32, #tpu.memory_space<vmem>> -> memref<1x32x128xf32, #tpu.memory_space<vmem>>
    %gather3A_1373 = tpu.memref_squeeze %gather3A_1372 : memref<1x32x128xf32, #tpu.memory_space<vmem>> -> memref<32x128xf32, #tpu.memory_space<vmem>>
    %gather3A_1374 = tpu.vector_load_idx %gather3A_1373[%iota3A, %broadcast_in_dim3A_1356] : memref<32x128xf32, #tpu.memory_space<vmem>>[vector<16xi32>, vector<16xi32>], vector<16xf32>,
    %gather3A_1375 = arith.constant 1 : i32
    %gather3A_1376 = arith.constant 0 : i32
    %gather3A_1377 = arith.constant 0 : i32
    %gather3A_1378 = tpu.memref_slice %arg10[%gather3A_1375, %gather3A_1376, %gather3A_1377] : memref<8x32x128xf32, #tpu.memory_space<vmem>> -> memref<1x32x128xf32, #tpu.memory_space<vmem>>
    %gather3A_1379 = tpu.memref_squeeze %gather3A_1378 : memref<1x32x128xf32, #tpu.memory_space<vmem>> -> memref<32x128xf32, #tpu.memory_space<vmem>>
    %gather3A_1380 = tpu.vector_load_idx %gather3A_1379[%add3A_5, %broadcast_in_dim3A_1356] : memref<32x128xf32, #tpu.memory_space<vmem>>[vector<16xi32>, vector<16xi32>], vector<16xf32>,
    %mul3A_1381 = arith.mulf %gather3A_1362, %gather3A_1374 : vector<16xf32>
    %mul3A_1382 = arith.mulf %gather3A_1368, %gather3A_1380 : vector<16xf32>
    %add3A_1383 = arith.addf %mul3A_1381, %mul3A_1382 : vector<16xf32>
    %reduce_sum3A_1384 = arith.constant true
    %reduce_sum3A_1385 = vector.broadcast %reduce_sum3A_1384 : i1 to vector<16xi1>
    %reduce_sum3A_1386 = tpu.scan <sum>, %add3A_1383 masked %reduce_sum3A_1385 : vector<16xf32>, vector<16xi1> -> vector<16xf32>
    %reduce_sum3A_1387 = vector.extract %reduce_sum3A_1386[15] : f32 from vector<16xf32>
    %broadcast_in_dim3A_1388 = arith.constant 505 : i32
    %broadcast_in_dim3A_1389 = vector.broadcast %broadcast_in_dim3A_1388 : i32 to vector<16xi32>
    %broadcast_in_dim3A_1390 = vector.broadcast %reduce_sum3A_1387 : f32 to vector<16xf32>
    tpu.vector_store_idx %arg11[%broadcast_in_dim3A_1389], %broadcast_in_dim3A_1390 masked %eq3A_7 : memref<512xf32, #tpu.memory_space<vmem>>[vector<16xi32>], vector<16xf32>, vector<16xi1>
    %dma_wait3A_1391 = arith.constant 2 : i32
    %dma_wait3A_1392 = arith.constant 0 : i32
    %dma_wait3A_1393 = arith.constant 0 : i32
    %dma_wait3A_1394 = tpu.memref_slice %arg9[%dma_wait3A_1391, %dma_wait3A_1392, %dma_wait3A_1393] : memref<8x32x128xf32, #tpu.memory_space<vmem>> -> memref<1x32x128xf32, #tpu.memory_space<vmem>>
    %dma_wait3A_1395 = tpu.memref_squeeze %dma_wait3A_1394 : memref<1x32x128xf32, #tpu.memory_space<vmem>> -> memref<32x128xf32, #tpu.memory_space<vmem>>
    %dma_wait3A_1396 = arith.constant 0 : i32
    %dma_wait3A_1397 = arith.constant 0 : i32
    %dma_wait3A_1398 = tpu.memref_slice %arg4[%dma_wait3A_1396, %dma_wait3A_1397] : memref<32x1000000xf32, #tpu.memory_space<hbm>> -> memref<32x128xf32, #tpu.memory_space<hbm>>
    %dma_wait3A_1399 = arith.constant 0 : i32
    %dma_wait3A_1400 = arith.constant 0 : i32
    %dma_wait3A_1401 = tpu.memref_slice %arg9[%dma_wait3A_1391, %dma_wait3A_1399, %dma_wait3A_1400] : memref<8x32x128xf32, #tpu.memory_space<vmem>> -> memref<1x32x128xf32, #tpu.memory_space<vmem>>
    %dma_wait3A_1402 = tpu.memref_squeeze %dma_wait3A_1401 : memref<1x32x128xf32, #tpu.memory_space<vmem>> -> memref<32x128xf32, #tpu.memory_space<vmem>>
    %dma_wait3A_1403 = arith.constant 0 : i32
    %dma_wait3A_1404 = arith.constant 0 : i32
    %dma_wait3A_1405 = tpu.memref_slice %arg4[%dma_wait3A_1403, %dma_wait3A_1404] : memref<32x1000000xf32, #tpu.memory_space<hbm>> -> memref<32x128xf32, #tpu.memory_space<hbm>>
    tpu.wait_dma2 semaphore(%arg12 : memref<!tpu.dma_semaphore, #tpu.memory_space<semaphore_mem>>) src(%dma_wait3A_1405 : memref<32x128xf32, #tpu.memory_space<hbm>>) dst(%dma_wait3A_1402 : memref<32x128xf32, #tpu.memory_space<vmem>>)
    %dma_wait3A_1406 = arith.constant 2 : i32
    %dma_wait3A_1407 = arith.constant 0 : i32
    %dma_wait3A_1408 = arith.constant 0 : i32
    %dma_wait3A_1409 = tpu.memref_slice %arg10[%dma_wait3A_1406, %dma_wait3A_1407, %dma_wait3A_1408] : memref<8x32x128xf32, #tpu.memory_space<vmem>> -> memref<1x32x128xf32, #tpu.memory_space<vmem>>
    %dma_wait3A_1410 = tpu.memref_squeeze %dma_wait3A_1409 : memref<1x32x128xf32, #tpu.memory_space<vmem>> -> memref<32x128xf32, #tpu.memory_space<vmem>>
    %dma_wait3A_1411 = arith.constant 0 : i32
    %dma_wait3A_1412 = arith.constant 0 : i32
    %dma_wait3A_1413 = tpu.memref_slice %arg5[%dma_wait3A_1411, %dma_wait3A_1412] : memref<32x1000000xf32, #tpu.memory_space<hbm>> -> memref<32x128xf32, #tpu.memory_space<hbm>>
    %dma_wait3A_1414 = arith.constant 0 : i32
    %dma_wait3A_1415 = arith.constant 0 : i32
    %dma_wait3A_1416 = tpu.memref_slice %arg10[%dma_wait3A_1406, %dma_wait3A_1414, %dma_wait3A_1415] : memref<8x32x128xf32, #tpu.memory_space<vmem>> -> memref<1x32x128xf32, #tpu.memory_space<vmem>>
    %dma_wait3A_1417 = tpu.memref_squeeze %dma_wait3A_1416 : memref<1x32x128xf32, #tpu.memory_space<vmem>> -> memref<32x128xf32, #tpu.memory_space<vmem>>
    %dma_wait3A_1418 = arith.constant 0 : i32
    %dma_wait3A_1419 = arith.constant 0 : i32
    %dma_wait3A_1420 = tpu.memref_slice %arg5[%dma_wait3A_1418, %dma_wait3A_1419] : memref<32x1000000xf32, #tpu.memory_space<hbm>> -> memref<32x128xf32, #tpu.memory_space<hbm>>
    tpu.wait_dma2 semaphore(%arg13 : memref<!tpu.dma_semaphore, #tpu.memory_space<semaphore_mem>>) src(%dma_wait3A_1420 : memref<32x128xf32, #tpu.memory_space<hbm>>) dst(%dma_wait3A_1417 : memref<32x128xf32, #tpu.memory_space<vmem>>)
    %slice3A_1421 = vector.extract_strided_slice %get3A_333 {offsets = [10], sizes = [1], strides = [1]} : vector<16xi32> to vector<1xi32>
    %squeeze3A_1422 = vector.extract %slice3A_1421[0] : i32 from vector<1xi32>
    %slice3A_1423 = vector.extract_strided_slice %get3A_335 {offsets = [10], sizes = [1], strides = [1]} : vector<16xi32> to vector<1xi32>
    %squeeze3A_1424 = vector.extract %slice3A_1423[0] : i32 from vector<1xi32>
    %and3A_1425 = arith.constant 127 : i32
    %and3A_1426 = arith.andi %squeeze3A_1422, %and3A_1425 : i32
    %broadcast_in_dim3A_1427 = vector.broadcast %and3A_1426 : i32 to vector<16xi32>
    %and3A_1428 = arith.constant 127 : i32
    %and3A_1429 = arith.andi %squeeze3A_1424, %and3A_1428 : i32
    %broadcast_in_dim3A_1430 = vector.broadcast %and3A_1429 : i32 to vector<16xi32>
    %gather3A_1431 = arith.constant 2 : i32
    %gather3A_1432 = arith.constant 0 : i32
    %gather3A_1433 = arith.constant 0 : i32
    %gather3A_1434 = tpu.memref_slice %arg9[%gather3A_1431, %gather3A_1432, %gather3A_1433] : memref<8x32x128xf32, #tpu.memory_space<vmem>> -> memref<1x32x128xf32, #tpu.memory_space<vmem>>
    %gather3A_1435 = tpu.memref_squeeze %gather3A_1434 : memref<1x32x128xf32, #tpu.memory_space<vmem>> -> memref<32x128xf32, #tpu.memory_space<vmem>>
    %gather3A_1436 = tpu.vector_load_idx %gather3A_1435[%iota3A, %broadcast_in_dim3A_1427] : memref<32x128xf32, #tpu.memory_space<vmem>>[vector<16xi32>, vector<16xi32>], vector<16xf32>,
    %gather3A_1437 = arith.constant 2 : i32
    %gather3A_1438 = arith.constant 0 : i32
    %gather3A_1439 = arith.constant 0 : i32
    %gather3A_1440 = tpu.memref_slice %arg9[%gather3A_1437, %gather3A_1438, %gather3A_1439] : memref<8x32x128xf32, #tpu.memory_space<vmem>> -> memref<1x32x128xf32, #tpu.memory_space<vmem>>
    %gather3A_1441 = tpu.memref_squeeze %gather3A_1440 : memref<1x32x128xf32, #tpu.memory_space<vmem>> -> memref<32x128xf32, #tpu.memory_space<vmem>>
    %gather3A_1442 = tpu.vector_load_idx %gather3A_1441[%add3A_5, %broadcast_in_dim3A_1427] : memref<32x128xf32, #tpu.memory_space<vmem>>[vector<16xi32>, vector<16xi32>], vector<16xf32>,
    %gather3A_1443 = arith.constant 2 : i32
    %gather3A_1444 = arith.constant 0 : i32
    %gather3A_1445 = arith.constant 0 : i32
    %gather3A_1446 = tpu.memref_slice %arg10[%gather3A_1443, %gather3A_1444, %gather3A_1445] : memref<8x32x128xf32, #tpu.memory_space<vmem>> -> memref<1x32x128xf32, #tpu.memory_space<vmem>>
    %gather3A_1447 = tpu.memref_squeeze %gather3A_1446 : memref<1x32x128xf32, #tpu.memory_space<vmem>> -> memref<32x128xf32, #tpu.memory_space<vmem>>
    %gather3A_1448 = tpu.vector_load_idx %gather3A_1447[%iota3A, %broadcast_in_dim3A_1430] : memref<32x128xf32, #tpu.memory_space<vmem>>[vector<16xi32>, vector<16xi32>], vector<16xf32>,
    %gather3A_1449 = arith.constant 2 : i32
    %gather3A_1450 = arith.constant 0 : i32
    %gather3A_1451 = arith.constant 0 : i32
    %gather3A_1452 = tpu.memref_slice %arg10[%gather3A_1449, %gather3A_1450, %gather3A_1451] : memref<8x32x128xf32, #tpu.memory_space<vmem>> -> memref<1x32x128xf32, #tpu.memory_space<vmem>>
    %gather3A_1453 = tpu.memref_squeeze %gather3A_1452 : memref<1x32x128xf32, #tpu.memory_space<vmem>> -> memref<32x128xf32, #tpu.memory_space<vmem>>
    %gather3A_1454 = tpu.vector_load_idx %gather3A_1453[%add3A_5, %broadcast_in_dim3A_1430] : memref<32x128xf32, #tpu.memory_space<vmem>>[vector<16xi32>, vector<16xi32>], vector<16xf32>,
    %mul3A_1455 = arith.mulf %gather3A_1436, %gather3A_1448 : vector<16xf32>
    %mul3A_1456 = arith.mulf %gather3A_1442, %gather3A_1454 : vector<16xf32>
    %add3A_1457 = arith.addf %mul3A_1455, %mul3A_1456 : vector<16xf32>
    %reduce_sum3A_1458 = arith.constant true
    %reduce_sum3A_1459 = vector.broadcast %reduce_sum3A_1458 : i1 to vector<16xi1>
    %reduce_sum3A_1460 = tpu.scan <sum>, %add3A_1457 masked %reduce_sum3A_1459 : vector<16xf32>, vector<16xi1> -> vector<16xf32>
    %reduce_sum3A_1461 = vector.extract %reduce_sum3A_1460[15] : f32 from vector<16xf32>
    %broadcast_in_dim3A_1462 = arith.constant 506 : i32
    %broadcast_in_dim3A_1463 = vector.broadcast %broadcast_in_dim3A_1462 : i32 to vector<16xi32>
    %broadcast_in_dim3A_1464 = vector.broadcast %reduce_sum3A_1461 : f32 to vector<16xf32>
    tpu.vector_store_idx %arg11[%broadcast_in_dim3A_1463], %broadcast_in_dim3A_1464 masked %eq3A_7 : memref<512xf32, #tpu.memory_space<vmem>>[vector<16xi32>], vector<16xf32>, vector<16xi1>
    %dma_wait3A_1465 = arith.constant 3 : i32
    %dma_wait3A_1466 = arith.constant 0 : i32
    %dma_wait3A_1467 = arith.constant 0 : i32
    %dma_wait3A_1468 = tpu.memref_slice %arg9[%dma_wait3A_1465, %dma_wait3A_1466, %dma_wait3A_1467] : memref<8x32x128xf32, #tpu.memory_space<vmem>> -> memref<1x32x128xf32, #tpu.memory_space<vmem>>
    %dma_wait3A_1469 = tpu.memref_squeeze %dma_wait3A_1468 : memref<1x32x128xf32, #tpu.memory_space<vmem>> -> memref<32x128xf32, #tpu.memory_space<vmem>>
    %dma_wait3A_1470 = arith.constant 0 : i32
    %dma_wait3A_1471 = arith.constant 0 : i32
    %dma_wait3A_1472 = tpu.memref_slice %arg4[%dma_wait3A_1470, %dma_wait3A_1471] : memref<32x1000000xf32, #tpu.memory_space<hbm>> -> memref<32x128xf32, #tpu.memory_space<hbm>>
    %dma_wait3A_1473 = arith.constant 0 : i32
    %dma_wait3A_1474 = arith.constant 0 : i32
    %dma_wait3A_1475 = tpu.memref_slice %arg9[%dma_wait3A_1465, %dma_wait3A_1473, %dma_wait3A_1474] : memref<8x32x128xf32, #tpu.memory_space<vmem>> -> memref<1x32x128xf32, #tpu.memory_space<vmem>>
    %dma_wait3A_1476 = tpu.memref_squeeze %dma_wait3A_1475 : memref<1x32x128xf32, #tpu.memory_space<vmem>> -> memref<32x128xf32, #tpu.memory_space<vmem>>
    %dma_wait3A_1477 = arith.constant 0 : i32
    %dma_wait3A_1478 = arith.constant 0 : i32
    %dma_wait3A_1479 = tpu.memref_slice %arg4[%dma_wait3A_1477, %dma_wait3A_1478] : memref<32x1000000xf32, #tpu.memory_space<hbm>> -> memref<32x128xf32, #tpu.memory_space<hbm>>
    tpu.wait_dma2 semaphore(%arg12 : memref<!tpu.dma_semaphore, #tpu.memory_space<semaphore_mem>>) src(%dma_wait3A_1479 : memref<32x128xf32, #tpu.memory_space<hbm>>) dst(%dma_wait3A_1476 : memref<32x128xf32, #tpu.memory_space<vmem>>)
    %dma_wait3A_1480 = arith.constant 3 : i32
    %dma_wait3A_1481 = arith.constant 0 : i32
    %dma_wait3A_1482 = arith.constant 0 : i32
    %dma_wait3A_1483 = tpu.memref_slice %arg10[%dma_wait3A_1480, %dma_wait3A_1481, %dma_wait3A_1482] : memref<8x32x128xf32, #tpu.memory_space<vmem>> -> memref<1x32x128xf32, #tpu.memory_space<vmem>>
    %dma_wait3A_1484 = tpu.memref_squeeze %dma_wait3A_1483 : memref<1x32x128xf32, #tpu.memory_space<vmem>> -> memref<32x128xf32, #tpu.memory_space<vmem>>
    %dma_wait3A_1485 = arith.constant 0 : i32
    %dma_wait3A_1486 = arith.constant 0 : i32
    %dma_wait3A_1487 = tpu.memref_slice %arg5[%dma_wait3A_1485, %dma_wait3A_1486] : memref<32x1000000xf32, #tpu.memory_space<hbm>> -> memref<32x128xf32, #tpu.memory_space<hbm>>
    %dma_wait3A_1488 = arith.constant 0 : i32
    %dma_wait3A_1489 = arith.constant 0 : i32
    %dma_wait3A_1490 = tpu.memref_slice %arg10[%dma_wait3A_1480, %dma_wait3A_1488, %dma_wait3A_1489] : memref<8x32x128xf32, #tpu.memory_space<vmem>> -> memref<1x32x128xf32, #tpu.memory_space<vmem>>
    %dma_wait3A_1491 = tpu.memref_squeeze %dma_wait3A_1490 : memref<1x32x128xf32, #tpu.memory_space<vmem>> -> memref<32x128xf32, #tpu.memory_space<vmem>>
    %dma_wait3A_1492 = arith.constant 0 : i32
    %dma_wait3A_1493 = arith.constant 0 : i32
    %dma_wait3A_1494 = tpu.memref_slice %arg5[%dma_wait3A_1492, %dma_wait3A_1493] : memref<32x1000000xf32, #tpu.memory_space<hbm>> -> memref<32x128xf32, #tpu.memory_space<hbm>>
    tpu.wait_dma2 semaphore(%arg13 : memref<!tpu.dma_semaphore, #tpu.memory_space<semaphore_mem>>) src(%dma_wait3A_1494 : memref<32x128xf32, #tpu.memory_space<hbm>>) dst(%dma_wait3A_1491 : memref<32x128xf32, #tpu.memory_space<vmem>>)
    %slice3A_1495 = vector.extract_strided_slice %get3A_333 {offsets = [11], sizes = [1], strides = [1]} : vector<16xi32> to vector<1xi32>
    %squeeze3A_1496 = vector.extract %slice3A_1495[0] : i32 from vector<1xi32>
    %slice3A_1497 = vector.extract_strided_slice %get3A_335 {offsets = [11], sizes = [1], strides = [1]} : vector<16xi32> to vector<1xi32>
    %squeeze3A_1498 = vector.extract %slice3A_1497[0] : i32 from vector<1xi32>
    %and3A_1499 = arith.constant 127 : i32
    %and3A_1500 = arith.andi %squeeze3A_1496, %and3A_1499 : i32
    %broadcast_in_dim3A_1501 = vector.broadcast %and3A_1500 : i32 to vector<16xi32>
    %and3A_1502 = arith.constant 127 : i32
    %and3A_1503 = arith.andi %squeeze3A_1498, %and3A_1502 : i32
    %broadcast_in_dim3A_1504 = vector.broadcast %and3A_1503 : i32 to vector<16xi32>
    %gather3A_1505 = arith.constant 3 : i32
    %gather3A_1506 = arith.constant 0 : i32
    %gather3A_1507 = arith.constant 0 : i32
    %gather3A_1508 = tpu.memref_slice %arg9[%gather3A_1505, %gather3A_1506, %gather3A_1507] : memref<8x32x128xf32, #tpu.memory_space<vmem>> -> memref<1x32x128xf32, #tpu.memory_space<vmem>>
    %gather3A_1509 = tpu.memref_squeeze %gather3A_1508 : memref<1x32x128xf32, #tpu.memory_space<vmem>> -> memref<32x128xf32, #tpu.memory_space<vmem>>
    %gather3A_1510 = tpu.vector_load_idx %gather3A_1509[%iota3A, %broadcast_in_dim3A_1501] : memref<32x128xf32, #tpu.memory_space<vmem>>[vector<16xi32>, vector<16xi32>], vector<16xf32>,
    %gather3A_1511 = arith.constant 3 : i32
    %gather3A_1512 = arith.constant 0 : i32
    %gather3A_1513 = arith.constant 0 : i32
    %gather3A_1514 = tpu.memref_slice %arg9[%gather3A_1511, %gather3A_1512, %gather3A_1513] : memref<8x32x128xf32, #tpu.memory_space<vmem>> -> memref<1x32x128xf32, #tpu.memory_space<vmem>>
    %gather3A_1515 = tpu.memref_squeeze %gather3A_1514 : memref<1x32x128xf32, #tpu.memory_space<vmem>> -> memref<32x128xf32, #tpu.memory_space<vmem>>
    %gather3A_1516 = tpu.vector_load_idx %gather3A_1515[%add3A_5, %broadcast_in_dim3A_1501] : memref<32x128xf32, #tpu.memory_space<vmem>>[vector<16xi32>, vector<16xi32>], vector<16xf32>,
    %gather3A_1517 = arith.constant 3 : i32
    %gather3A_1518 = arith.constant 0 : i32
    %gather3A_1519 = arith.constant 0 : i32
    %gather3A_1520 = tpu.memref_slice %arg10[%gather3A_1517, %gather3A_1518, %gather3A_1519] : memref<8x32x128xf32, #tpu.memory_space<vmem>> -> memref<1x32x128xf32, #tpu.memory_space<vmem>>
    %gather3A_1521 = tpu.memref_squeeze %gather3A_1520 : memref<1x32x128xf32, #tpu.memory_space<vmem>> -> memref<32x128xf32, #tpu.memory_space<vmem>>
    %gather3A_1522 = tpu.vector_load_idx %gather3A_1521[%iota3A, %broadcast_in_dim3A_1504] : memref<32x128xf32, #tpu.memory_space<vmem>>[vector<16xi32>, vector<16xi32>], vector<16xf32>,
    %gather3A_1523 = arith.constant 3 : i32
    %gather3A_1524 = arith.constant 0 : i32
    %gather3A_1525 = arith.constant 0 : i32
    %gather3A_1526 = tpu.memref_slice %arg10[%gather3A_1523, %gather3A_1524, %gather3A_1525] : memref<8x32x128xf32, #tpu.memory_space<vmem>> -> memref<1x32x128xf32, #tpu.memory_space<vmem>>
    %gather3A_1527 = tpu.memref_squeeze %gather3A_1526 : memref<1x32x128xf32, #tpu.memory_space<vmem>> -> memref<32x128xf32, #tpu.memory_space<vmem>>
    %gather3A_1528 = tpu.vector_load_idx %gather3A_1527[%add3A_5, %broadcast_in_dim3A_1504] : memref<32x128xf32, #tpu.memory_space<vmem>>[vector<16xi32>, vector<16xi32>], vector<16xf32>,
    %mul3A_1529 = arith.mulf %gather3A_1510, %gather3A_1522 : vector<16xf32>
    %mul3A_1530 = arith.mulf %gather3A_1516, %gather3A_1528 : vector<16xf32>
    %add3A_1531 = arith.addf %mul3A_1529, %mul3A_1530 : vector<16xf32>
    %reduce_sum3A_1532 = arith.constant true
    %reduce_sum3A_1533 = vector.broadcast %reduce_sum3A_1532 : i1 to vector<16xi1>
    %reduce_sum3A_1534 = tpu.scan <sum>, %add3A_1531 masked %reduce_sum3A_1533 : vector<16xf32>, vector<16xi1> -> vector<16xf32>
    %reduce_sum3A_1535 = vector.extract %reduce_sum3A_1534[15] : f32 from vector<16xf32>
    %broadcast_in_dim3A_1536 = arith.constant 507 : i32
    %broadcast_in_dim3A_1537 = vector.broadcast %broadcast_in_dim3A_1536 : i32 to vector<16xi32>
    %broadcast_in_dim3A_1538 = vector.broadcast %reduce_sum3A_1535 : f32 to vector<16xf32>
    tpu.vector_store_idx %arg11[%broadcast_in_dim3A_1537], %broadcast_in_dim3A_1538 masked %eq3A_7 : memref<512xf32, #tpu.memory_space<vmem>>[vector<16xi32>], vector<16xf32>, vector<16xi1>
    %dma_wait3A_1539 = arith.constant 4 : i32
    %dma_wait3A_1540 = arith.constant 0 : i32
    %dma_wait3A_1541 = arith.constant 0 : i32
    %dma_wait3A_1542 = tpu.memref_slice %arg9[%dma_wait3A_1539, %dma_wait3A_1540, %dma_wait3A_1541] : memref<8x32x128xf32, #tpu.memory_space<vmem>> -> memref<1x32x128xf32, #tpu.memory_space<vmem>>
    %dma_wait3A_1543 = tpu.memref_squeeze %dma_wait3A_1542 : memref<1x32x128xf32, #tpu.memory_space<vmem>> -> memref<32x128xf32, #tpu.memory_space<vmem>>
    %dma_wait3A_1544 = arith.constant 0 : i32
    %dma_wait3A_1545 = arith.constant 0 : i32
    %dma_wait3A_1546 = tpu.memref_slice %arg4[%dma_wait3A_1544, %dma_wait3A_1545] : memref<32x1000000xf32, #tpu.memory_space<hbm>> -> memref<32x128xf32, #tpu.memory_space<hbm>>
    %dma_wait3A_1547 = arith.constant 0 : i32
    %dma_wait3A_1548 = arith.constant 0 : i32
    %dma_wait3A_1549 = tpu.memref_slice %arg9[%dma_wait3A_1539, %dma_wait3A_1547, %dma_wait3A_1548] : memref<8x32x128xf32, #tpu.memory_space<vmem>> -> memref<1x32x128xf32, #tpu.memory_space<vmem>>
    %dma_wait3A_1550 = tpu.memref_squeeze %dma_wait3A_1549 : memref<1x32x128xf32, #tpu.memory_space<vmem>> -> memref<32x128xf32, #tpu.memory_space<vmem>>
    %dma_wait3A_1551 = arith.constant 0 : i32
    %dma_wait3A_1552 = arith.constant 0 : i32
    %dma_wait3A_1553 = tpu.memref_slice %arg4[%dma_wait3A_1551, %dma_wait3A_1552] : memref<32x1000000xf32, #tpu.memory_space<hbm>> -> memref<32x128xf32, #tpu.memory_space<hbm>>
    tpu.wait_dma2 semaphore(%arg12 : memref<!tpu.dma_semaphore, #tpu.memory_space<semaphore_mem>>) src(%dma_wait3A_1553 : memref<32x128xf32, #tpu.memory_space<hbm>>) dst(%dma_wait3A_1550 : memref<32x128xf32, #tpu.memory_space<vmem>>)
    %dma_wait3A_1554 = arith.constant 4 : i32
    %dma_wait3A_1555 = arith.constant 0 : i32
    %dma_wait3A_1556 = arith.constant 0 : i32
    %dma_wait3A_1557 = tpu.memref_slice %arg10[%dma_wait3A_1554, %dma_wait3A_1555, %dma_wait3A_1556] : memref<8x32x128xf32, #tpu.memory_space<vmem>> -> memref<1x32x128xf32, #tpu.memory_space<vmem>>
    %dma_wait3A_1558 = tpu.memref_squeeze %dma_wait3A_1557 : memref<1x32x128xf32, #tpu.memory_space<vmem>> -> memref<32x128xf32, #tpu.memory_space<vmem>>
    %dma_wait3A_1559 = arith.constant 0 : i32
    %dma_wait3A_1560 = arith.constant 0 : i32
    %dma_wait3A_1561 = tpu.memref_slice %arg5[%dma_wait3A_1559, %dma_wait3A_1560] : memref<32x1000000xf32, #tpu.memory_space<hbm>> -> memref<32x128xf32, #tpu.memory_space<hbm>>
    %dma_wait3A_1562 = arith.constant 0 : i32
    %dma_wait3A_1563 = arith.constant 0 : i32
    %dma_wait3A_1564 = tpu.memref_slice %arg10[%dma_wait3A_1554, %dma_wait3A_1562, %dma_wait3A_1563] : memref<8x32x128xf32, #tpu.memory_space<vmem>> -> memref<1x32x128xf32, #tpu.memory_space<vmem>>
    %dma_wait3A_1565 = tpu.memref_squeeze %dma_wait3A_1564 : memref<1x32x128xf32, #tpu.memory_space<vmem>> -> memref<32x128xf32, #tpu.memory_space<vmem>>
    %dma_wait3A_1566 = arith.constant 0 : i32
    %dma_wait3A_1567 = arith.constant 0 : i32
    %dma_wait3A_1568 = tpu.memref_slice %arg5[%dma_wait3A_1566, %dma_wait3A_1567] : memref<32x1000000xf32, #tpu.memory_space<hbm>> -> memref<32x128xf32, #tpu.memory_space<hbm>>
    tpu.wait_dma2 semaphore(%arg13 : memref<!tpu.dma_semaphore, #tpu.memory_space<semaphore_mem>>) src(%dma_wait3A_1568 : memref<32x128xf32, #tpu.memory_space<hbm>>) dst(%dma_wait3A_1565 : memref<32x128xf32, #tpu.memory_space<vmem>>)
    %slice3A_1569 = vector.extract_strided_slice %get3A_333 {offsets = [12], sizes = [1], strides = [1]} : vector<16xi32> to vector<1xi32>
    %squeeze3A_1570 = vector.extract %slice3A_1569[0] : i32 from vector<1xi32>
    %slice3A_1571 = vector.extract_strided_slice %get3A_335 {offsets = [12], sizes = [1], strides = [1]} : vector<16xi32> to vector<1xi32>
    %squeeze3A_1572 = vector.extract %slice3A_1571[0] : i32 from vector<1xi32>
    %and3A_1573 = arith.constant 127 : i32
    %and3A_1574 = arith.andi %squeeze3A_1570, %and3A_1573 : i32
    %broadcast_in_dim3A_1575 = vector.broadcast %and3A_1574 : i32 to vector<16xi32>
    %and3A_1576 = arith.constant 127 : i32
    %and3A_1577 = arith.andi %squeeze3A_1572, %and3A_1576 : i32
    %broadcast_in_dim3A_1578 = vector.broadcast %and3A_1577 : i32 to vector<16xi32>
    %gather3A_1579 = arith.constant 4 : i32
    %gather3A_1580 = arith.constant 0 : i32
    %gather3A_1581 = arith.constant 0 : i32
    %gather3A_1582 = tpu.memref_slice %arg9[%gather3A_1579, %gather3A_1580, %gather3A_1581] : memref<8x32x128xf32, #tpu.memory_space<vmem>> -> memref<1x32x128xf32, #tpu.memory_space<vmem>>
    %gather3A_1583 = tpu.memref_squeeze %gather3A_1582 : memref<1x32x128xf32, #tpu.memory_space<vmem>> -> memref<32x128xf32, #tpu.memory_space<vmem>>
    %gather3A_1584 = tpu.vector_load_idx %gather3A_1583[%iota3A, %broadcast_in_dim3A_1575] : memref<32x128xf32, #tpu.memory_space<vmem>>[vector<16xi32>, vector<16xi32>], vector<16xf32>,
    %gather3A_1585 = arith.constant 4 : i32
    %gather3A_1586 = arith.constant 0 : i32
    %gather3A_1587 = arith.constant 0 : i32
    %gather3A_1588 = tpu.memref_slice %arg9[%gather3A_1585, %gather3A_1586, %gather3A_1587] : memref<8x32x128xf32, #tpu.memory_space<vmem>> -> memref<1x32x128xf32, #tpu.memory_space<vmem>>
    %gather3A_1589 = tpu.memref_squeeze %gather3A_1588 : memref<1x32x128xf32, #tpu.memory_space<vmem>> -> memref<32x128xf32, #tpu.memory_space<vmem>>
    %gather3A_1590 = tpu.vector_load_idx %gather3A_1589[%add3A_5, %broadcast_in_dim3A_1575] : memref<32x128xf32, #tpu.memory_space<vmem>>[vector<16xi32>, vector<16xi32>], vector<16xf32>,
    %gather3A_1591 = arith.constant 4 : i32
    %gather3A_1592 = arith.constant 0 : i32
    %gather3A_1593 = arith.constant 0 : i32
    %gather3A_1594 = tpu.memref_slice %arg10[%gather3A_1591, %gather3A_1592, %gather3A_1593] : memref<8x32x128xf32, #tpu.memory_space<vmem>> -> memref<1x32x128xf32, #tpu.memory_space<vmem>>
    %gather3A_1595 = tpu.memref_squeeze %gather3A_1594 : memref<1x32x128xf32, #tpu.memory_space<vmem>> -> memref<32x128xf32, #tpu.memory_space<vmem>>
    %gather3A_1596 = tpu.vector_load_idx %gather3A_1595[%iota3A, %broadcast_in_dim3A_1578] : memref<32x128xf32, #tpu.memory_space<vmem>>[vector<16xi32>, vector<16xi32>], vector<16xf32>,
    %gather3A_1597 = arith.constant 4 : i32
    %gather3A_1598 = arith.constant 0 : i32
    %gather3A_1599 = arith.constant 0 : i32
    %gather3A_1600 = tpu.memref_slice %arg10[%gather3A_1597, %gather3A_1598, %gather3A_1599] : memref<8x32x128xf32, #tpu.memory_space<vmem>> -> memref<1x32x128xf32, #tpu.memory_space<vmem>>
    %gather3A_1601 = tpu.memref_squeeze %gather3A_1600 : memref<1x32x128xf32, #tpu.memory_space<vmem>> -> memref<32x128xf32, #tpu.memory_space<vmem>>
    %gather3A_1602 = tpu.vector_load_idx %gather3A_1601[%add3A_5, %broadcast_in_dim3A_1578] : memref<32x128xf32, #tpu.memory_space<vmem>>[vector<16xi32>, vector<16xi32>], vector<16xf32>,
    %mul3A_1603 = arith.mulf %gather3A_1584, %gather3A_1596 : vector<16xf32>
    %mul3A_1604 = arith.mulf %gather3A_1590, %gather3A_1602 : vector<16xf32>
    %add3A_1605 = arith.addf %mul3A_1603, %mul3A_1604 : vector<16xf32>
    %reduce_sum3A_1606 = arith.constant true
    %reduce_sum3A_1607 = vector.broadcast %reduce_sum3A_1606 : i1 to vector<16xi1>
    %reduce_sum3A_1608 = tpu.scan <sum>, %add3A_1605 masked %reduce_sum3A_1607 : vector<16xf32>, vector<16xi1> -> vector<16xf32>
    %reduce_sum3A_1609 = vector.extract %reduce_sum3A_1608[15] : f32 from vector<16xf32>
    %broadcast_in_dim3A_1610 = arith.constant 508 : i32
    %broadcast_in_dim3A_1611 = vector.broadcast %broadcast_in_dim3A_1610 : i32 to vector<16xi32>
    %broadcast_in_dim3A_1612 = vector.broadcast %reduce_sum3A_1609 : f32 to vector<16xf32>
    tpu.vector_store_idx %arg11[%broadcast_in_dim3A_1611], %broadcast_in_dim3A_1612 masked %eq3A_7 : memref<512xf32, #tpu.memory_space<vmem>>[vector<16xi32>], vector<16xf32>, vector<16xi1>
    %dma_wait3A_1613 = arith.constant 5 : i32
    %dma_wait3A_1614 = arith.constant 0 : i32
    %dma_wait3A_1615 = arith.constant 0 : i32
    %dma_wait3A_1616 = tpu.memref_slice %arg9[%dma_wait3A_1613, %dma_wait3A_1614, %dma_wait3A_1615] : memref<8x32x128xf32, #tpu.memory_space<vmem>> -> memref<1x32x128xf32, #tpu.memory_space<vmem>>
    %dma_wait3A_1617 = tpu.memref_squeeze %dma_wait3A_1616 : memref<1x32x128xf32, #tpu.memory_space<vmem>> -> memref<32x128xf32, #tpu.memory_space<vmem>>
    %dma_wait3A_1618 = arith.constant 0 : i32
    %dma_wait3A_1619 = arith.constant 0 : i32
    %dma_wait3A_1620 = tpu.memref_slice %arg4[%dma_wait3A_1618, %dma_wait3A_1619] : memref<32x1000000xf32, #tpu.memory_space<hbm>> -> memref<32x128xf32, #tpu.memory_space<hbm>>
    %dma_wait3A_1621 = arith.constant 0 : i32
    %dma_wait3A_1622 = arith.constant 0 : i32
    %dma_wait3A_1623 = tpu.memref_slice %arg9[%dma_wait3A_1613, %dma_wait3A_1621, %dma_wait3A_1622] : memref<8x32x128xf32, #tpu.memory_space<vmem>> -> memref<1x32x128xf32, #tpu.memory_space<vmem>>
    %dma_wait3A_1624 = tpu.memref_squeeze %dma_wait3A_1623 : memref<1x32x128xf32, #tpu.memory_space<vmem>> -> memref<32x128xf32, #tpu.memory_space<vmem>>
    %dma_wait3A_1625 = arith.constant 0 : i32
    %dma_wait3A_1626 = arith.constant 0 : i32
    %dma_wait3A_1627 = tpu.memref_slice %arg4[%dma_wait3A_1625, %dma_wait3A_1626] : memref<32x1000000xf32, #tpu.memory_space<hbm>> -> memref<32x128xf32, #tpu.memory_space<hbm>>
    tpu.wait_dma2 semaphore(%arg12 : memref<!tpu.dma_semaphore, #tpu.memory_space<semaphore_mem>>) src(%dma_wait3A_1627 : memref<32x128xf32, #tpu.memory_space<hbm>>) dst(%dma_wait3A_1624 : memref<32x128xf32, #tpu.memory_space<vmem>>)
    %dma_wait3A_1628 = arith.constant 5 : i32
    %dma_wait3A_1629 = arith.constant 0 : i32
    %dma_wait3A_1630 = arith.constant 0 : i32
    %dma_wait3A_1631 = tpu.memref_slice %arg10[%dma_wait3A_1628, %dma_wait3A_1629, %dma_wait3A_1630] : memref<8x32x128xf32, #tpu.memory_space<vmem>> -> memref<1x32x128xf32, #tpu.memory_space<vmem>>
    %dma_wait3A_1632 = tpu.memref_squeeze %dma_wait3A_1631 : memref<1x32x128xf32, #tpu.memory_space<vmem>> -> memref<32x128xf32, #tpu.memory_space<vmem>>
    %dma_wait3A_1633 = arith.constant 0 : i32
    %dma_wait3A_1634 = arith.constant 0 : i32
    %dma_wait3A_1635 = tpu.memref_slice %arg5[%dma_wait3A_1633, %dma_wait3A_1634] : memref<32x1000000xf32, #tpu.memory_space<hbm>> -> memref<32x128xf32, #tpu.memory_space<hbm>>
    %dma_wait3A_1636 = arith.constant 0 : i32
    %dma_wait3A_1637 = arith.constant 0 : i32
    %dma_wait3A_1638 = tpu.memref_slice %arg10[%dma_wait3A_1628, %dma_wait3A_1636, %dma_wait3A_1637] : memref<8x32x128xf32, #tpu.memory_space<vmem>> -> memref<1x32x128xf32, #tpu.memory_space<vmem>>
    %dma_wait3A_1639 = tpu.memref_squeeze %dma_wait3A_1638 : memref<1x32x128xf32, #tpu.memory_space<vmem>> -> memref<32x128xf32, #tpu.memory_space<vmem>>
    %dma_wait3A_1640 = arith.constant 0 : i32
    %dma_wait3A_1641 = arith.constant 0 : i32
    %dma_wait3A_1642 = tpu.memref_slice %arg5[%dma_wait3A_1640, %dma_wait3A_1641] : memref<32x1000000xf32, #tpu.memory_space<hbm>> -> memref<32x128xf32, #tpu.memory_space<hbm>>
    tpu.wait_dma2 semaphore(%arg13 : memref<!tpu.dma_semaphore, #tpu.memory_space<semaphore_mem>>) src(%dma_wait3A_1642 : memref<32x128xf32, #tpu.memory_space<hbm>>) dst(%dma_wait3A_1639 : memref<32x128xf32, #tpu.memory_space<vmem>>)
    %slice3A_1643 = vector.extract_strided_slice %get3A_333 {offsets = [13], sizes = [1], strides = [1]} : vector<16xi32> to vector<1xi32>
    %squeeze3A_1644 = vector.extract %slice3A_1643[0] : i32 from vector<1xi32>
    %slice3A_1645 = vector.extract_strided_slice %get3A_335 {offsets = [13], sizes = [1], strides = [1]} : vector<16xi32> to vector<1xi32>
    %squeeze3A_1646 = vector.extract %slice3A_1645[0] : i32 from vector<1xi32>
    %and3A_1647 = arith.constant 127 : i32
    %and3A_1648 = arith.andi %squeeze3A_1644, %and3A_1647 : i32
    %broadcast_in_dim3A_1649 = vector.broadcast %and3A_1648 : i32 to vector<16xi32>
    %and3A_1650 = arith.constant 127 : i32
    %and3A_1651 = arith.andi %squeeze3A_1646, %and3A_1650 : i32
    %broadcast_in_dim3A_1652 = vector.broadcast %and3A_1651 : i32 to vector<16xi32>
    %gather3A_1653 = arith.constant 5 : i32
    %gather3A_1654 = arith.constant 0 : i32
    %gather3A_1655 = arith.constant 0 : i32
    %gather3A_1656 = tpu.memref_slice %arg9[%gather3A_1653, %gather3A_1654, %gather3A_1655] : memref<8x32x128xf32, #tpu.memory_space<vmem>> -> memref<1x32x128xf32, #tpu.memory_space<vmem>>
    %gather3A_1657 = tpu.memref_squeeze %gather3A_1656 : memref<1x32x128xf32, #tpu.memory_space<vmem>> -> memref<32x128xf32, #tpu.memory_space<vmem>>
    %gather3A_1658 = tpu.vector_load_idx %gather3A_1657[%iota3A, %broadcast_in_dim3A_1649] : memref<32x128xf32, #tpu.memory_space<vmem>>[vector<16xi32>, vector<16xi32>], vector<16xf32>,
    %gather3A_1659 = arith.constant 5 : i32
    %gather3A_1660 = arith.constant 0 : i32
    %gather3A_1661 = arith.constant 0 : i32
    %gather3A_1662 = tpu.memref_slice %arg9[%gather3A_1659, %gather3A_1660, %gather3A_1661] : memref<8x32x128xf32, #tpu.memory_space<vmem>> -> memref<1x32x128xf32, #tpu.memory_space<vmem>>
    %gather3A_1663 = tpu.memref_squeeze %gather3A_1662 : memref<1x32x128xf32, #tpu.memory_space<vmem>> -> memref<32x128xf32, #tpu.memory_space<vmem>>
    %gather3A_1664 = tpu.vector_load_idx %gather3A_1663[%add3A_5, %broadcast_in_dim3A_1649] : memref<32x128xf32, #tpu.memory_space<vmem>>[vector<16xi32>, vector<16xi32>], vector<16xf32>,
    %gather3A_1665 = arith.constant 5 : i32
    %gather3A_1666 = arith.constant 0 : i32
    %gather3A_1667 = arith.constant 0 : i32
    %gather3A_1668 = tpu.memref_slice %arg10[%gather3A_1665, %gather3A_1666, %gather3A_1667] : memref<8x32x128xf32, #tpu.memory_space<vmem>> -> memref<1x32x128xf32, #tpu.memory_space<vmem>>
    %gather3A_1669 = tpu.memref_squeeze %gather3A_1668 : memref<1x32x128xf32, #tpu.memory_space<vmem>> -> memref<32x128xf32, #tpu.memory_space<vmem>>
    %gather3A_1670 = tpu.vector_load_idx %gather3A_1669[%iota3A, %broadcast_in_dim3A_1652] : memref<32x128xf32, #tpu.memory_space<vmem>>[vector<16xi32>, vector<16xi32>], vector<16xf32>,
    %gather3A_1671 = arith.constant 5 : i32
    %gather3A_1672 = arith.constant 0 : i32
    %gather3A_1673 = arith.constant 0 : i32
    %gather3A_1674 = tpu.memref_slice %arg10[%gather3A_1671, %gather3A_1672, %gather3A_1673] : memref<8x32x128xf32, #tpu.memory_space<vmem>> -> memref<1x32x128xf32, #tpu.memory_space<vmem>>
    %gather3A_1675 = tpu.memref_squeeze %gather3A_1674 : memref<1x32x128xf32, #tpu.memory_space<vmem>> -> memref<32x128xf32, #tpu.memory_space<vmem>>
    %gather3A_1676 = tpu.vector_load_idx %gather3A_1675[%add3A_5, %broadcast_in_dim3A_1652] : memref<32x128xf32, #tpu.memory_space<vmem>>[vector<16xi32>, vector<16xi32>], vector<16xf32>,
    %mul3A_1677 = arith.mulf %gather3A_1658, %gather3A_1670 : vector<16xf32>
    %mul3A_1678 = arith.mulf %gather3A_1664, %gather3A_1676 : vector<16xf32>
    %add3A_1679 = arith.addf %mul3A_1677, %mul3A_1678 : vector<16xf32>
    %reduce_sum3A_1680 = arith.constant true
    %reduce_sum3A_1681 = vector.broadcast %reduce_sum3A_1680 : i1 to vector<16xi1>
    %reduce_sum3A_1682 = tpu.scan <sum>, %add3A_1679 masked %reduce_sum3A_1681 : vector<16xf32>, vector<16xi1> -> vector<16xf32>
    %reduce_sum3A_1683 = vector.extract %reduce_sum3A_1682[15] : f32 from vector<16xf32>
    %broadcast_in_dim3A_1684 = arith.constant 509 : i32
    %broadcast_in_dim3A_1685 = vector.broadcast %broadcast_in_dim3A_1684 : i32 to vector<16xi32>
    %broadcast_in_dim3A_1686 = vector.broadcast %reduce_sum3A_1683 : f32 to vector<16xf32>
    tpu.vector_store_idx %arg11[%broadcast_in_dim3A_1685], %broadcast_in_dim3A_1686 masked %eq3A_7 : memref<512xf32, #tpu.memory_space<vmem>>[vector<16xi32>], vector<16xf32>, vector<16xi1>
    %dma_wait3A_1687 = arith.constant 6 : i32
    %dma_wait3A_1688 = arith.constant 0 : i32
    %dma_wait3A_1689 = arith.constant 0 : i32
    %dma_wait3A_1690 = tpu.memref_slice %arg9[%dma_wait3A_1687, %dma_wait3A_1688, %dma_wait3A_1689] : memref<8x32x128xf32, #tpu.memory_space<vmem>> -> memref<1x32x128xf32, #tpu.memory_space<vmem>>
    %dma_wait3A_1691 = tpu.memref_squeeze %dma_wait3A_1690 : memref<1x32x128xf32, #tpu.memory_space<vmem>> -> memref<32x128xf32, #tpu.memory_space<vmem>>
    %dma_wait3A_1692 = arith.constant 0 : i32
    %dma_wait3A_1693 = arith.constant 0 : i32
    %dma_wait3A_1694 = tpu.memref_slice %arg4[%dma_wait3A_1692, %dma_wait3A_1693] : memref<32x1000000xf32, #tpu.memory_space<hbm>> -> memref<32x128xf32, #tpu.memory_space<hbm>>
    %dma_wait3A_1695 = arith.constant 0 : i32
    %dma_wait3A_1696 = arith.constant 0 : i32
    %dma_wait3A_1697 = tpu.memref_slice %arg9[%dma_wait3A_1687, %dma_wait3A_1695, %dma_wait3A_1696] : memref<8x32x128xf32, #tpu.memory_space<vmem>> -> memref<1x32x128xf32, #tpu.memory_space<vmem>>
    %dma_wait3A_1698 = tpu.memref_squeeze %dma_wait3A_1697 : memref<1x32x128xf32, #tpu.memory_space<vmem>> -> memref<32x128xf32, #tpu.memory_space<vmem>>
    %dma_wait3A_1699 = arith.constant 0 : i32
    %dma_wait3A_1700 = arith.constant 0 : i32
    %dma_wait3A_1701 = tpu.memref_slice %arg4[%dma_wait3A_1699, %dma_wait3A_1700] : memref<32x1000000xf32, #tpu.memory_space<hbm>> -> memref<32x128xf32, #tpu.memory_space<hbm>>
    tpu.wait_dma2 semaphore(%arg12 : memref<!tpu.dma_semaphore, #tpu.memory_space<semaphore_mem>>) src(%dma_wait3A_1701 : memref<32x128xf32, #tpu.memory_space<hbm>>) dst(%dma_wait3A_1698 : memref<32x128xf32, #tpu.memory_space<vmem>>)
    %dma_wait3A_1702 = arith.constant 6 : i32
    %dma_wait3A_1703 = arith.constant 0 : i32
    %dma_wait3A_1704 = arith.constant 0 : i32
    %dma_wait3A_1705 = tpu.memref_slice %arg10[%dma_wait3A_1702, %dma_wait3A_1703, %dma_wait3A_1704] : memref<8x32x128xf32, #tpu.memory_space<vmem>> -> memref<1x32x128xf32, #tpu.memory_space<vmem>>
    %dma_wait3A_1706 = tpu.memref_squeeze %dma_wait3A_1705 : memref<1x32x128xf32, #tpu.memory_space<vmem>> -> memref<32x128xf32, #tpu.memory_space<vmem>>
    %dma_wait3A_1707 = arith.constant 0 : i32
    %dma_wait3A_1708 = arith.constant 0 : i32
    %dma_wait3A_1709 = tpu.memref_slice %arg5[%dma_wait3A_1707, %dma_wait3A_1708] : memref<32x1000000xf32, #tpu.memory_space<hbm>> -> memref<32x128xf32, #tpu.memory_space<hbm>>
    %dma_wait3A_1710 = arith.constant 0 : i32
    %dma_wait3A_1711 = arith.constant 0 : i32
    %dma_wait3A_1712 = tpu.memref_slice %arg10[%dma_wait3A_1702, %dma_wait3A_1710, %dma_wait3A_1711] : memref<8x32x128xf32, #tpu.memory_space<vmem>> -> memref<1x32x128xf32, #tpu.memory_space<vmem>>
    %dma_wait3A_1713 = tpu.memref_squeeze %dma_wait3A_1712 : memref<1x32x128xf32, #tpu.memory_space<vmem>> -> memref<32x128xf32, #tpu.memory_space<vmem>>
    %dma_wait3A_1714 = arith.constant 0 : i32
    %dma_wait3A_1715 = arith.constant 0 : i32
    %dma_wait3A_1716 = tpu.memref_slice %arg5[%dma_wait3A_1714, %dma_wait3A_1715] : memref<32x1000000xf32, #tpu.memory_space<hbm>> -> memref<32x128xf32, #tpu.memory_space<hbm>>
    tpu.wait_dma2 semaphore(%arg13 : memref<!tpu.dma_semaphore, #tpu.memory_space<semaphore_mem>>) src(%dma_wait3A_1716 : memref<32x128xf32, #tpu.memory_space<hbm>>) dst(%dma_wait3A_1713 : memref<32x128xf32, #tpu.memory_space<vmem>>)
    %slice3A_1717 = vector.extract_strided_slice %get3A_333 {offsets = [14], sizes = [1], strides = [1]} : vector<16xi32> to vector<1xi32>
    %squeeze3A_1718 = vector.extract %slice3A_1717[0] : i32 from vector<1xi32>
    %slice3A_1719 = vector.extract_strided_slice %get3A_335 {offsets = [14], sizes = [1], strides = [1]} : vector<16xi32> to vector<1xi32>
    %squeeze3A_1720 = vector.extract %slice3A_1719[0] : i32 from vector<1xi32>
    %and3A_1721 = arith.constant 127 : i32
    %and3A_1722 = arith.andi %squeeze3A_1718, %and3A_1721 : i32
    %broadcast_in_dim3A_1723 = vector.broadcast %and3A_1722 : i32 to vector<16xi32>
    %and3A_1724 = arith.constant 127 : i32
    %and3A_1725 = arith.andi %squeeze3A_1720, %and3A_1724 : i32
    %broadcast_in_dim3A_1726 = vector.broadcast %and3A_1725 : i32 to vector<16xi32>
    %gather3A_1727 = arith.constant 6 : i32
    %gather3A_1728 = arith.constant 0 : i32
    %gather3A_1729 = arith.constant 0 : i32
    %gather3A_1730 = tpu.memref_slice %arg9[%gather3A_1727, %gather3A_1728, %gather3A_1729] : memref<8x32x128xf32, #tpu.memory_space<vmem>> -> memref<1x32x128xf32, #tpu.memory_space<vmem>>
    %gather3A_1731 = tpu.memref_squeeze %gather3A_1730 : memref<1x32x128xf32, #tpu.memory_space<vmem>> -> memref<32x128xf32, #tpu.memory_space<vmem>>
    %gather3A_1732 = tpu.vector_load_idx %gather3A_1731[%iota3A, %broadcast_in_dim3A_1723] : memref<32x128xf32, #tpu.memory_space<vmem>>[vector<16xi32>, vector<16xi32>], vector<16xf32>,
    %gather3A_1733 = arith.constant 6 : i32
    %gather3A_1734 = arith.constant 0 : i32
    %gather3A_1735 = arith.constant 0 : i32
    %gather3A_1736 = tpu.memref_slice %arg9[%gather3A_1733, %gather3A_1734, %gather3A_1735] : memref<8x32x128xf32, #tpu.memory_space<vmem>> -> memref<1x32x128xf32, #tpu.memory_space<vmem>>
    %gather3A_1737 = tpu.memref_squeeze %gather3A_1736 : memref<1x32x128xf32, #tpu.memory_space<vmem>> -> memref<32x128xf32, #tpu.memory_space<vmem>>
    %gather3A_1738 = tpu.vector_load_idx %gather3A_1737[%add3A_5, %broadcast_in_dim3A_1723] : memref<32x128xf32, #tpu.memory_space<vmem>>[vector<16xi32>, vector<16xi32>], vector<16xf32>,
    %gather3A_1739 = arith.constant 6 : i32
    %gather3A_1740 = arith.constant 0 : i32
    %gather3A_1741 = arith.constant 0 : i32
    %gather3A_1742 = tpu.memref_slice %arg10[%gather3A_1739, %gather3A_1740, %gather3A_1741] : memref<8x32x128xf32, #tpu.memory_space<vmem>> -> memref<1x32x128xf32, #tpu.memory_space<vmem>>
    %gather3A_1743 = tpu.memref_squeeze %gather3A_1742 : memref<1x32x128xf32, #tpu.memory_space<vmem>> -> memref<32x128xf32, #tpu.memory_space<vmem>>
    %gather3A_1744 = tpu.vector_load_idx %gather3A_1743[%iota3A, %broadcast_in_dim3A_1726] : memref<32x128xf32, #tpu.memory_space<vmem>>[vector<16xi32>, vector<16xi32>], vector<16xf32>,
    %gather3A_1745 = arith.constant 6 : i32
    %gather3A_1746 = arith.constant 0 : i32
    %gather3A_1747 = arith.constant 0 : i32
    %gather3A_1748 = tpu.memref_slice %arg10[%gather3A_1745, %gather3A_1746, %gather3A_1747] : memref<8x32x128xf32, #tpu.memory_space<vmem>> -> memref<1x32x128xf32, #tpu.memory_space<vmem>>
    %gather3A_1749 = tpu.memref_squeeze %gather3A_1748 : memref<1x32x128xf32, #tpu.memory_space<vmem>> -> memref<32x128xf32, #tpu.memory_space<vmem>>
    %gather3A_1750 = tpu.vector_load_idx %gather3A_1749[%add3A_5, %broadcast_in_dim3A_1726] : memref<32x128xf32, #tpu.memory_space<vmem>>[vector<16xi32>, vector<16xi32>], vector<16xf32>,
    %mul3A_1751 = arith.mulf %gather3A_1732, %gather3A_1744 : vector<16xf32>
    %mul3A_1752 = arith.mulf %gather3A_1738, %gather3A_1750 : vector<16xf32>
    %add3A_1753 = arith.addf %mul3A_1751, %mul3A_1752 : vector<16xf32>
    %reduce_sum3A_1754 = arith.constant true
    %reduce_sum3A_1755 = vector.broadcast %reduce_sum3A_1754 : i1 to vector<16xi1>
    %reduce_sum3A_1756 = tpu.scan <sum>, %add3A_1753 masked %reduce_sum3A_1755 : vector<16xf32>, vector<16xi1> -> vector<16xf32>
    %reduce_sum3A_1757 = vector.extract %reduce_sum3A_1756[15] : f32 from vector<16xf32>
    %broadcast_in_dim3A_1758 = arith.constant 510 : i32
    %broadcast_in_dim3A_1759 = vector.broadcast %broadcast_in_dim3A_1758 : i32 to vector<16xi32>
    %broadcast_in_dim3A_1760 = vector.broadcast %reduce_sum3A_1757 : f32 to vector<16xf32>
    tpu.vector_store_idx %arg11[%broadcast_in_dim3A_1759], %broadcast_in_dim3A_1760 masked %eq3A_7 : memref<512xf32, #tpu.memory_space<vmem>>[vector<16xi32>], vector<16xf32>, vector<16xi1>
    %dma_wait3A_1761 = arith.constant 7 : i32
    %dma_wait3A_1762 = arith.constant 0 : i32
    %dma_wait3A_1763 = arith.constant 0 : i32
    %dma_wait3A_1764 = tpu.memref_slice %arg9[%dma_wait3A_1761, %dma_wait3A_1762, %dma_wait3A_1763] : memref<8x32x128xf32, #tpu.memory_space<vmem>> -> memref<1x32x128xf32, #tpu.memory_space<vmem>>
    %dma_wait3A_1765 = tpu.memref_squeeze %dma_wait3A_1764 : memref<1x32x128xf32, #tpu.memory_space<vmem>> -> memref<32x128xf32, #tpu.memory_space<vmem>>
    %dma_wait3A_1766 = arith.constant 0 : i32
    %dma_wait3A_1767 = arith.constant 0 : i32
    %dma_wait3A_1768 = tpu.memref_slice %arg4[%dma_wait3A_1766, %dma_wait3A_1767] : memref<32x1000000xf32, #tpu.memory_space<hbm>> -> memref<32x128xf32, #tpu.memory_space<hbm>>
    %dma_wait3A_1769 = arith.constant 0 : i32
    %dma_wait3A_1770 = arith.constant 0 : i32
    %dma_wait3A_1771 = tpu.memref_slice %arg9[%dma_wait3A_1761, %dma_wait3A_1769, %dma_wait3A_1770] : memref<8x32x128xf32, #tpu.memory_space<vmem>> -> memref<1x32x128xf32, #tpu.memory_space<vmem>>
    %dma_wait3A_1772 = tpu.memref_squeeze %dma_wait3A_1771 : memref<1x32x128xf32, #tpu.memory_space<vmem>> -> memref<32x128xf32, #tpu.memory_space<vmem>>
    %dma_wait3A_1773 = arith.constant 0 : i32
    %dma_wait3A_1774 = arith.constant 0 : i32
    %dma_wait3A_1775 = tpu.memref_slice %arg4[%dma_wait3A_1773, %dma_wait3A_1774] : memref<32x1000000xf32, #tpu.memory_space<hbm>> -> memref<32x128xf32, #tpu.memory_space<hbm>>
    tpu.wait_dma2 semaphore(%arg12 : memref<!tpu.dma_semaphore, #tpu.memory_space<semaphore_mem>>) src(%dma_wait3A_1775 : memref<32x128xf32, #tpu.memory_space<hbm>>) dst(%dma_wait3A_1772 : memref<32x128xf32, #tpu.memory_space<vmem>>)
    %dma_wait3A_1776 = arith.constant 7 : i32
    %dma_wait3A_1777 = arith.constant 0 : i32
    %dma_wait3A_1778 = arith.constant 0 : i32
    %dma_wait3A_1779 = tpu.memref_slice %arg10[%dma_wait3A_1776, %dma_wait3A_1777, %dma_wait3A_1778] : memref<8x32x128xf32, #tpu.memory_space<vmem>> -> memref<1x32x128xf32, #tpu.memory_space<vmem>>
    %dma_wait3A_1780 = tpu.memref_squeeze %dma_wait3A_1779 : memref<1x32x128xf32, #tpu.memory_space<vmem>> -> memref<32x128xf32, #tpu.memory_space<vmem>>
    %dma_wait3A_1781 = arith.constant 0 : i32
    %dma_wait3A_1782 = arith.constant 0 : i32
    %dma_wait3A_1783 = tpu.memref_slice %arg5[%dma_wait3A_1781, %dma_wait3A_1782] : memref<32x1000000xf32, #tpu.memory_space<hbm>> -> memref<32x128xf32, #tpu.memory_space<hbm>>
    %dma_wait3A_1784 = arith.constant 0 : i32
    %dma_wait3A_1785 = arith.constant 0 : i32
    %dma_wait3A_1786 = tpu.memref_slice %arg10[%dma_wait3A_1776, %dma_wait3A_1784, %dma_wait3A_1785] : memref<8x32x128xf32, #tpu.memory_space<vmem>> -> memref<1x32x128xf32, #tpu.memory_space<vmem>>
    %dma_wait3A_1787 = tpu.memref_squeeze %dma_wait3A_1786 : memref<1x32x128xf32, #tpu.memory_space<vmem>> -> memref<32x128xf32, #tpu.memory_space<vmem>>
    %dma_wait3A_1788 = arith.constant 0 : i32
    %dma_wait3A_1789 = arith.constant 0 : i32
    %dma_wait3A_1790 = tpu.memref_slice %arg5[%dma_wait3A_1788, %dma_wait3A_1789] : memref<32x1000000xf32, #tpu.memory_space<hbm>> -> memref<32x128xf32, #tpu.memory_space<hbm>>
    tpu.wait_dma2 semaphore(%arg13 : memref<!tpu.dma_semaphore, #tpu.memory_space<semaphore_mem>>) src(%dma_wait3A_1790 : memref<32x128xf32, #tpu.memory_space<hbm>>) dst(%dma_wait3A_1787 : memref<32x128xf32, #tpu.memory_space<vmem>>)
    %slice3A_1791 = vector.extract_strided_slice %get3A_333 {offsets = [15], sizes = [1], strides = [1]} : vector<16xi32> to vector<1xi32>
    %squeeze3A_1792 = vector.extract %slice3A_1791[0] : i32 from vector<1xi32>
    %slice3A_1793 = vector.extract_strided_slice %get3A_335 {offsets = [15], sizes = [1], strides = [1]} : vector<16xi32> to vector<1xi32>
    %squeeze3A_1794 = vector.extract %slice3A_1793[0] : i32 from vector<1xi32>
    %and3A_1795 = arith.constant 127 : i32
    %and3A_1796 = arith.andi %squeeze3A_1792, %and3A_1795 : i32
    %broadcast_in_dim3A_1797 = vector.broadcast %and3A_1796 : i32 to vector<16xi32>
    %and3A_1798 = arith.constant 127 : i32
    %and3A_1799 = arith.andi %squeeze3A_1794, %and3A_1798 : i32
    %broadcast_in_dim3A_1800 = vector.broadcast %and3A_1799 : i32 to vector<16xi32>
    %gather3A_1801 = arith.constant 7 : i32
    %gather3A_1802 = arith.constant 0 : i32
    %gather3A_1803 = arith.constant 0 : i32
    %gather3A_1804 = tpu.memref_slice %arg9[%gather3A_1801, %gather3A_1802, %gather3A_1803] : memref<8x32x128xf32, #tpu.memory_space<vmem>> -> memref<1x32x128xf32, #tpu.memory_space<vmem>>
    %gather3A_1805 = tpu.memref_squeeze %gather3A_1804 : memref<1x32x128xf32, #tpu.memory_space<vmem>> -> memref<32x128xf32, #tpu.memory_space<vmem>>
    %gather3A_1806 = tpu.vector_load_idx %gather3A_1805[%iota3A, %broadcast_in_dim3A_1797] : memref<32x128xf32, #tpu.memory_space<vmem>>[vector<16xi32>, vector<16xi32>], vector<16xf32>,
    %gather3A_1807 = arith.constant 7 : i32
    %gather3A_1808 = arith.constant 0 : i32
    %gather3A_1809 = arith.constant 0 : i32
    %gather3A_1810 = tpu.memref_slice %arg9[%gather3A_1807, %gather3A_1808, %gather3A_1809] : memref<8x32x128xf32, #tpu.memory_space<vmem>> -> memref<1x32x128xf32, #tpu.memory_space<vmem>>
    %gather3A_1811 = tpu.memref_squeeze %gather3A_1810 : memref<1x32x128xf32, #tpu.memory_space<vmem>> -> memref<32x128xf32, #tpu.memory_space<vmem>>
    %gather3A_1812 = tpu.vector_load_idx %gather3A_1811[%add3A_5, %broadcast_in_dim3A_1797] : memref<32x128xf32, #tpu.memory_space<vmem>>[vector<16xi32>, vector<16xi32>], vector<16xf32>,
    %gather3A_1813 = arith.constant 7 : i32
    %gather3A_1814 = arith.constant 0 : i32
    %gather3A_1815 = arith.constant 0 : i32
    %gather3A_1816 = tpu.memref_slice %arg10[%gather3A_1813, %gather3A_1814, %gather3A_1815] : memref<8x32x128xf32, #tpu.memory_space<vmem>> -> memref<1x32x128xf32, #tpu.memory_space<vmem>>
    %gather3A_1817 = tpu.memref_squeeze %gather3A_1816 : memref<1x32x128xf32, #tpu.memory_space<vmem>> -> memref<32x128xf32, #tpu.memory_space<vmem>>
    %gather3A_1818 = tpu.vector_load_idx %gather3A_1817[%iota3A, %broadcast_in_dim3A_1800] : memref<32x128xf32, #tpu.memory_space<vmem>>[vector<16xi32>, vector<16xi32>], vector<16xf32>,
    %gather3A_1819 = arith.constant 7 : i32
    %gather3A_1820 = arith.constant 0 : i32
    %gather3A_1821 = arith.constant 0 : i32
    %gather3A_1822 = tpu.memref_slice %arg10[%gather3A_1819, %gather3A_1820, %gather3A_1821] : memref<8x32x128xf32, #tpu.memory_space<vmem>> -> memref<1x32x128xf32, #tpu.memory_space<vmem>>
    %gather3A_1823 = tpu.memref_squeeze %gather3A_1822 : memref<1x32x128xf32, #tpu.memory_space<vmem>> -> memref<32x128xf32, #tpu.memory_space<vmem>>
    %gather3A_1824 = tpu.vector_load_idx %gather3A_1823[%add3A_5, %broadcast_in_dim3A_1800] : memref<32x128xf32, #tpu.memory_space<vmem>>[vector<16xi32>, vector<16xi32>], vector<16xf32>,
    %mul3A_1825 = arith.mulf %gather3A_1806, %gather3A_1818 : vector<16xf32>
    %mul3A_1826 = arith.mulf %gather3A_1812, %gather3A_1824 : vector<16xf32>
    %add3A_1827 = arith.addf %mul3A_1825, %mul3A_1826 : vector<16xf32>
    %reduce_sum3A_1828 = arith.constant true
    %reduce_sum3A_1829 = vector.broadcast %reduce_sum3A_1828 : i1 to vector<16xi1>
    %reduce_sum3A_1830 = tpu.scan <sum>, %add3A_1827 masked %reduce_sum3A_1829 : vector<16xf32>, vector<16xi1> -> vector<16xf32>
    %reduce_sum3A_1831 = vector.extract %reduce_sum3A_1830[15] : f32 from vector<16xf32>
    %broadcast_in_dim3A_1832 = arith.constant 511 : i32
    %broadcast_in_dim3A_1833 = vector.broadcast %broadcast_in_dim3A_1832 : i32 to vector<16xi32>
    %broadcast_in_dim3A_1834 = vector.broadcast %reduce_sum3A_1831 : f32 to vector<16xf32>
    tpu.vector_store_idx %arg11[%broadcast_in_dim3A_1833], %broadcast_in_dim3A_1834 masked %eq3A_7 : memref<512xf32, #tpu.memory_space<vmem>>[vector<16xi32>], vector<16xf32>, vector<16xi1>
    "tpu.region"() ({
      %run_scoped3A = tpu.sem_alloc : memref<!tpu.dma_semaphore, #tpu.memory_space<semaphore_mem>>
      %dma_start3A_1835 = tpu.memref_slice %arg6[%mul3A_2] : memref<16384xf32, #tpu.memory_space<hbm>> -> memref<512xf32, #tpu.memory_space<hbm>>
      %dma_start3A_1836 = tpu.memref_slice %arg6[%mul3A_2] : memref<16384xf32, #tpu.memory_space<hbm>> -> memref<512xf32, #tpu.memory_space<hbm>>
      tpu.enqueue_dma source(%arg11 : memref<512xf32, #tpu.memory_space<vmem>>) target(%dma_start3A_1836 : memref<512xf32, #tpu.memory_space<hbm>>) target_semaphore(%run_scoped3A : memref<!tpu.dma_semaphore, #tpu.memory_space<semaphore_mem>>)
      %dma_wait3A_1837 = tpu.memref_slice %arg6[%mul3A_2] : memref<16384xf32, #tpu.memory_space<hbm>> -> memref<512xf32, #tpu.memory_space<hbm>>
      %dma_wait3A_1838 = tpu.memref_slice %arg6[%mul3A_2] : memref<16384xf32, #tpu.memory_space<hbm>> -> memref<512xf32, #tpu.memory_space<hbm>>
      tpu.wait_dma2 semaphore(%run_scoped3A : memref<!tpu.dma_semaphore, #tpu.memory_space<semaphore_mem>>) src(%arg11 : memref<512xf32, #tpu.memory_space<vmem>>) dst(%dma_wait3A_1838 : memref<512xf32, #tpu.memory_space<hbm>>)
      tpu.yield
    }) : () -> ()
    return
  }
}

</mosaic_0001>

<sc_bundles>
// kernel: kernel.3.cloned.1.call-start
scs
__scs_entry_jumppad:
0x0: {  	(pc) =	sbr.rel $0x88, $3  }
0x1: {  	(tag) =	ssettag $0x0;
	lr =	simm.s32 $0x1  }
0x2: {  	[smem:$0x3F9D] =	sst lr;
	_ =	strace $0xD0000000  }
0x3: {  	_ = 	snop  }
0x4: {  	_ = 	snop  }
0x5: {  	_ = 	snop  }
0x6: {  	_ = 	snop  }
0x7: {  	_ = 	snop  }
__scs_overlays_trampoline_lowered:
0x8: {  	[smem:$0x3FAC] =	sst s0  }
0x9: {  	[smem:$0x3FAD] =	sst s1  }
0xa: {  	[smem:$0x3FAE] =	sst s2  }
0xb: {  	[smem:$0x3FAF] =	sst s3  }
0xc: {  	[smem:$0x3FB0] =	sst s4  }
0xd: {  	[smem:$0x3FB1] =	sst s5  }
0xe: {  	[smem:$0x3FB2] =	sst s6  }
0xf: {  	[smem:$0x3FB3] =	sst s7  }
0x10: {  	[smem:$0x3FB4] =	sst s8  }
0x11: {  	[smem:$0x3FB5] =	sst s9;
	s0 =	simm.s32 @!p0 $0x0  }
0x12: {  	s1 =	sld [smem:$0x3F9B];
	s0 =	simm.s32 @p0 $0x1  }
0x13: {  	[smem:$0x3FB6] =	sst s0;
	s0 =	simm.s32 @!p1 $0x0  }
0x14: {  	s2 =	sld [smem:$0x3F9A];
	s0 =	simm.s32 @p1 $0x1  }
0x15: {  	[smem:$0x3FB7] =	sst s0;
	s0 =	simm.s32 @!p2 $0x0  }
0x16: {  	s3 =	sld [smem:$0x3FDB];
	s0 =	simm.s32 @p2 $0x1  }
0x17: {  	s4 =	simm.s32 $0x1BF5;
	[smem:$0x3FB9] =	sst s0  }
0x18: {  	s0 =	sld [smem:$0x3F9C];
	_ =	swait.ge [sflag:s4], $0x0  }
0x19: {  	s7 =	sld [smem:$0x3F9D]  }
0x1a: {  	s8 =	sadd.s32 $0xFFFFE003, lr  }
0x1b: {  	s9 =	sadd.s32 $0xFFFFFEF7, lr;
	s5 =	simm.s32 $0xFFFFFFFF;
	p2 =	slt.u32 s8, $0xFFFFF086  }
0x1c: {  	p1 =	slt.u32 s9, $0xF7A;
	s5 =	simm.s32 @!p2 $0x0  }
0x1d: {  	s5 =	simm.s32 @p1 $0x1;
	p0 =	seq.s32 s7, s2  }
0x1e: {  	s7 =	smul.u32 @!p0 $0xF7A, s2;
	p2 =	seq.s32 @!p0 s5, $0x0  }
0x1f: {  	s9 =	smul.u32 $0xF7A, s1;
	s8 =	simm.s32 @!p0 $0x1BF5;
	p2 =	por !p2, p0  }
0x20: {  	[sflag:s8] =	ssyncset.s32 @!p0 $0xFFFFF086;
	s6 =	sadd.s32 @!p0 s3, s7;
	s7 =	simm.s32 @!p0 $0x108  }
0x21: {  	s3 =	sadd.s32 s3, s9;
	s6 =	sadd.s32 @!p0 $0x88, s6;
	s7 =	simm.s32 @p2 $0x1082  }
0x22: {  	[simem:s7], [sflag:s8] =	dma.local @!p0 [hbm:s6], $0xF7A  }
0x23: {  	s9 =	sor.u32 $0xD0000000, s2;
	s6 =	simm.s32 $0x108;
	_ =	swait.ge @!p0 [sflag:s8], $0x0  }
0x24: {  	s3 =	sadd.s32 $0x88, s3;
	s6 =	simm.s32 @!p1 $0x1082;
	[sflag:s4] =	ssyncset.s32 $0xFFFFF086  }
0x25: {  	[simem:s6], [sflag:s4] =	dma.local [hbm:s3], $0xF7A  }
0x26: {  	[smem:$0x3F9D] =	sst s1;
	(tag) =	ssettag s2;
	_ =	strace s9  }
0x27: {  	s1 =	sld [smem:$0x3FAD]  }
0x28: {  	s2 =	sld [smem:$0x3FAE]  }
0x29: {  	s4 =	sld [smem:$0x3FB0]  }
0x2a: {  	p0 =	seq.s32 s5, $0x0;
	s5 =	sld [smem:$0x3FB1]  }
0x2b: {  	s6 =	sld [smem:$0x3FB2]  }
0x2c: {  	s7 =	sld [smem:$0x3FB3]  }
0x2d: {  	s3 =	simm.s32 $0x108;
	s8 =	sld [smem:$0x3FB4]  }
0x2e: {  	s3 =	simm.s32 @!p0 $0x1082;
	s9 =	sld [smem:$0x3FB5]  }
0x2f: {  	lr =	sadd.s32 s0, s3;
	s0 =	sld [smem:$0x3FAC]  }
0x30: {  	s3 =	sld [smem:$0x3FAF]  }
0x31: {  	[smem:$0x3FB8] =	sst s10  }
0x32: {  	s10 =	sld [smem:$0x3FB6];
	_ =	sdelay $0x3  }
0x33: {  	p0 =	seq.s32 s10, $0x1;
	s10 =	sld [smem:$0x3FB8];
	_ =	sdelay $0x3  }
0x34: {  	[smem:$0x3FB8] =	sst s10  }
0x35: {  	s10 =	sld [smem:$0x3FB7];
	_ =	sdelay $0x3  }
0x36: {  	p1 =	seq.s32 s10, $0x1;
	s10 =	sld [smem:$0x3FB8];
	_ =	sdelay $0x3  }
0x37: {  	[smem:$0x3FB8] =	sst s10  }
0x38: {  	s10 =	sld [smem:$0x3FB9]  }
0x39: {  	_ = 	snop;
	(pc) =	sbr.ind lr, $3  }
0x3a: {  	_ = 	snop  }
0x3b: {  	_ = 	snop  }
0x3c: {  	p2 =	seq.s32 s10, $0x1;
	s10 =	sld [smem:$0x3FB8]  }
0x3d: {  	_ =	shalt  }
0x3e: {  	_ =	shalt  }
0x3f: {  	_ =	shalt  }
0x40: {  	_ =	shalt  }
0x41: {  	_ =	shalt  }
0x42: {  	_ =	shalt  }
0x43: {  	_ =	shalt  }
0x44: {  	_ =	shalt  }
0x45: {  	_ =	shalt  }
0x46: {  	_ =	shalt  }
0x47: {  	_ =	shalt  }
0x48: {  	_ =	shalt  }
0x49: {  	_ =	shalt  }
0x4a: {  	_ =	shalt  }
0x4b: {  	_ =	shalt  }
0x4c: {  	_ =	shalt  }
0x4d: {  	_ =	shalt  }
0x4e: {  	_ =	shalt  }
0x4f: {  	_ =	shalt  }
0x50: {  	_ =	shalt  }
0x51: {  	_ =	shalt  }
0x52: {  	_ =	shalt  }
0x53: {  	_ =	shalt  }
0x54: {  	_ =	shalt  }
0x55: {  	_ =	shalt  }
0x56: {  	_ =	shalt  }
0x57: {  	_ =	shalt  }
0x58: {  	_ =	shalt  }
0x59: {  	_ =	shalt  }
0x5a: {  	_ =	shalt  }
0x5b: {  	_ =	shalt  }
0x5c: {  	_ =	shalt  }
0x5d: {  	_ =	shalt  }
0x5e: {  	_ =	shalt  }
0x5f: {  	_ =	shalt  }
0x60: {  	_ =	shalt  }
0x61: {  	_ =	shalt  }
0x62: {  	_ =	shalt  }
0x63: {  	_ =	shalt  }
0x64: {  	_ =	shalt  }
0x65: {  	_ =	shalt  }
0x66: {  	_ =	shalt  }
0x67: {  	_ =	shalt  }
0x68: {  	_ =	shalt  }
0x69: {  	_ =	shalt  }
0x6a: {  	_ =	shalt  }
0x6b: {  	_ =	shalt  }
0x6c: {  	_ =	shalt  }
0x6d: {  	_ =	shalt  }
0x6e: {  	_ =	shalt  }
0x6f: {  	_ =	shalt  }
0x70: {  	_ =	shalt  }
0x71: {  	_ =	shalt  }
0x72: {  	_ =	shalt  }
0x73: {  	_ =	shalt  }
0x74: {  	_ =	shalt  }
0x75: {  	_ =	shalt  }
0x76: {  	_ =	shalt  }
0x77: {  	_ =	shalt  }
0x78: {  	_ =	shalt  }
0x79: {  	_ =	shalt  }
0x7a: {  	_ =	shalt  }
0x7b: {  	_ =	shalt  }
0x7c: {  	_ =	shalt  }
0x7d: {  	_ =	shalt  }
0x7e: {  	_ =	shalt  }
0x7f: {  	_ =	shalt  }
0x80: {  	_ =	shalt  }
0x81: {  	_ =	shalt  }
0x82: {  	_ =	shalt  }
0x83: {  	_ =	shalt  }
0x84: {  	_ =	shalt  }
0x85: {  	_ =	shalt  }
0x86: {  	_ =	shalt  }
0x87: {  	_ =	shalt  }
.Lfunc_end0:
.L_simem_size_0:
called_computation_lowered:
.L_overlay_start_0:
0x88: {  	s2 =	sld [smem:$0x3FD9]  }
0x89: {  	s3 =	sld [smem:$0x3FFE];
	_ =	sdelay $0x1  }
0x8a: {  	s1 =	srdreg.scid  }
0x8b: {  	s0 =	sand.u32 $0x1, s1  }
0x8c: {  	s18 =	sshll.u32 s0, $0xA;
	s2 =	sadd.s32 s3, s2  }
0x8d: {  	s2 =	sadd.s32 s2, s18  }
0x8e: {  	[smem:$0x3FC4] =	sst s2  }
0x8f: {  	_ = 	snop  }
0x90: {  	s2 =	sld [smem:$0x3FC9]  }
0x91: {  	s19 =	sld [smem:$0x3FC8]  }
0x92: {  	s4 =	sld [smem:$0x3FC7]  }
0x93: {  	s5 =	sld [smem:$0x3FC6]  }
0x94: {  	s6 =	sld [smem:$0x3FD0];
	(tm) =	ssettm $0x1  }
0x95: {  	s7 =	sld [smem:$0x3FFB];
	_ =	sdelay $0x3  }
0x96: {  	_ =	strace s7  }
0x97: {  	s7 =	sld [smem:$0x3FFC];
	_ =	sdelay $0x3  }
0x98: {  	_ =	strace s7  }
0x99: {  	s7 =	sld [smem:$0x3FFD];
	_ =	sdelay $0x3  }
0x9a: {  	_ =	strace s7  }
0x9b: {  	_ =	strace $0x8FFFFFFF  }
0x9c: {  	s20 =	sld [smem:$0x3FDB];
	_ =	sdelay $0x1  }
0x9d: {  	s8 =	simm.s32 $_scs_section_size  }
0x9e: {  	s9 =	simm.s32 $_size__tile_overlayer_lowered;
	s10 =	simm.s32 $_tile_overlayer_lowered  }
0x9f: {  	s23 =	simm.s32 $0x1BFF;
	s22 =	sshll.u32 s10, $0x1;
	s7 =	sadd.s32 s8, s20  }
0xa0: {  	s11 =	simm.s32 $0x0;
	s21 =	sshll.u32 s9, $0x1;
	s9 =	sadd.s32 s22, s7  }
0xa1: {  	[timem:s11], [sflag:s23] =	dma.local [hbm:s9], s21  }
0xa2: {  	_ =	swait.ge [sflag:s23], s21  }
0xa3: {  	s8 =	ssub.s32 $0x0, s21;
	[sflag:s23] =	ssyncset.done $0x0  }
0xa4: {  	[sflag:s23] =	ssyncadd.s32 s8;
	_ =	sdelay $0x1  }
0xa5: {  	s24 =	simm.s32 $0x1B8B  }
0xa6: {  	_ =	swait.ge [sflag:s24], $0x1  }
0xa7: {  	[sflag:s24] =	ssyncset.done $0x0  }
0xa8: {  	s25 =	simm.s32 $0x1B8E;
	[sflag:s24] =	ssyncadd.s32 $0xFFFFFFFF  }
0xa9: {  	s26 =	simm.s32 $execute0_lowered;
	[smem:$0x3FD2] =	sst s25  }
0xaa: {  	s8 =	sshll.u32 s26, $0x1;
	_ =	strace $0x80000046;
	[dreg:$0x1] =	wrdreg $0xFFFFFFFF  }
0xab: {  	s28 =	simm.s32 $_size_execute0_lowered;
	s7 =	sadd.s32 s7, s8;
	[dreg:$0x0] =	wrdreg $0x0  }
0xac: {  	s8 =	sshll.u32 s28, $0x1;
	[dreg:$0x2] =	wrdreg s7  }
0xad: {  	[dreg:$0x3] =	wrdreg s8  }
0xae: {  	[dreg:$0x4] =	wrdreg $0xC0  }
0xaf: {  	_ =	task [dreg:s11], $0x5FFFF  }
0xb0: {  	[dreg:$0x1] =	wrdreg $0xFFFFFFFF  }
0xb1: {  	[dreg:$0x0] =	wrdreg $0x60  }
0xb2: {  	[dreg:$0x2] =	wrdreg s2  }
0xb3: {  	[dreg:$0x3] =	wrdreg s19  }
0xb4: {  	[dreg:$0x4] =	wrdreg s4  }
0xb5: {  	[dreg:$0x5] =	wrdreg s5  }
0xb6: {  	[dreg:$0x6] =	wrdreg s6  }
0xb7: {  	[dreg:$0x7] =	wrdreg $0x9  }
0xb8: {  	_ =	task.clear_ibuf [dreg:s11], $0x8FFFF;
	_ =	strace $0x90000046  }
0xb9: {  	s29 =	simm.s32 $0x9;
	_ =	strace $0x80000048  }
0xba: {  	_ =	swait.ge [sflag:s29], $0x1  }
0xbb: {  	[sflag:s29] =	ssyncadd.s32 $0xFFFFFFFF  }
0xbc: {  	_ =	strace $0x90000048  }
0xbd: {  	_ =	sfence  }
0xbe: {  	s30 =	sld [smem:$0x0];
	_ =	sdelay $0x2  }
0xbf: {  	s31 =	sshll.u32 s1, $0xD;
	s1 =	sshrl.u32 s1, $0x2  }
0xc0: {  	s3 =	sand.u32 $0x4000, s31;
	s1 =	sadd.s32 s1, s30  }
0xc1: {  	s0 =	sor.u32 s3, s0;
	s1 =	sshll.u32 s1, $0x11  }
0xc2: {  	s0 =	sor.u32 s1, s0  }
0xc3: {  	s0 =	sadd.s32 $0x8F2B, s0  }
0xc4: {  	[sflag:s0] =	ssyncadd.remote.s32 $0x1  }
0xc5: {  	_ =	sfence.sel $0xFFFF  }
0xc6: {  	[dreg:$0x0] =	wrdreg $0xFFFFFFFF;
	(pc) =	sbr.abs _section_cstart, $3  }
0xc7: {  	[dreg:$0x1] =	wrdreg $0xFFFFFFFF  }
0xc8: {  	_ =	task.clear_ibuf [dreg:s11], $0x2FFFF;
	_ =	strace $0x9FFFFFFF  }
0xc9: {  	(tm) =	ssettm $0x7FFFFFFF  }
tec
execute0_lowered:
.L_overlay_start_1:
0x0: {  	(tag) =	ssettag $0x1  }
0x1: {  	s0 =	rddreg [dreg:$0x0]  }
0x2: {  	s3 =	rddreg [dreg:$0x1]  }
0x3: {  	s4 =	rddreg [dreg:$0x4]  }
0x4: {  	s5 =	srdreg.scid;
	s9 =	simm.s32 $0x0;
	s8 =	stileid.u32  }
0x5: {  	s11 =	simm.s32 $0x7A1400;
	s12 =	simm.s32 $0x400;
	s20 =	simm.s32 $0x8400  }
0x6: {  	s21 =	simm.s32 $0x9400;
	s22 =	simm.s32 $0xB400;
	s10 =	simm.s32 $0x4400  }
0x7: {  	s13 =	simm.s32 $0xC400;
	s14 =	simm.s32 $0x5400;
	s15 =	simm.s32 $0xD400  }
0x8: {  	s16 =	simm.s32 $0x6400;
	s17 =	simm.s32 $0xE400;
	s18 =	simm.s32 $0x7400  }
0x9: {  	s19 =	simm.s32 $0xF400;
	s29 =	simm.s32 $0x1;
	s30 =	simm.s32 $0x2  }
0xa: {  	s23 =	simm.s32 $0x10400;
	s5 =	sand.u32 $0x1, s5;
	[smem:$0x7FF] =	sst s9  }
0xb: {  	v0 =	vlaneseq.u32;
	s8 =	sshll.u32 s8, $0x7;
	s6 =	ssub.s32 $0x2, s5;
	s5 =	sshll.u32 s5, $0x6  }
0xc: {  	v2 =	vimm.s32 $0x1F0;
	v3 =	vimm.s32 $0x1F1;
	v4 =	vimm.s32 $0x1F2;
	s1 =	simm.s32 $0x0;
	_ =	strace $0x80000047;
	s5 =	sor.u32 s5, s8  }
0xd: {  	v5 =	vimm.s32 $0x1F3;
	v6 =	vimm.s32 $0x1F4;
	v7 =	vimm.s32 $0x1F5;
	s7 =	sshrl.u32 s6, $0x1;
	s8 =	simm.s32 $0x3400;
	s0 =	sadd.s32 s0, s5  }
0xe: {  	v8 =	vimm.s32 $0x1F6;
	v9 =	vimm.s32 $0x1F7;
	v10 =	vimm.s32 $0x1F8;
	s6 =	ssub.s32 s6, s7;
	s26 =	sadd.s32 s3, s5;
	[dreg:$0x6] =	wrdreg s0  }
0xf: {  	v11 =	vimm.s32 $0x1F9;
	v12 =	vimm.s32 $0x1FA;
	v0 =	vmul.u32 $0x80, v0;
	s28 =	sadd.s32 s4, s5;
	s3 =	simm.s32 $0x3;
	[dreg:$0x7] =	wrdreg s26  }
0x10: {  	v13 =	vimm.s32 $0x1FB;
	v14 =	vimm.s32 $0x1FC;
	v15 =	vimm.s32 $0x1FD;
	s5 =	simm.s32 $0x1400;
	[dreg:$0x8] =	wrdreg s28;
	s31 =	smax.u32 s6, $0x1  }
0x11: {  	v16 =	vimm.s32 $0x1FE;
	v17 =	vimm.s32 $0x1FF;
	v1 =	vor.u32 $0x800, v0;
	s7 =	simm.s32 $0xA400;
	s6 =	simm.s32 $0x2400;
	[dreg:$0x9] =	wrdreg s31  }
.LBB2_1:
0x12: {  	[dreg:$0xa] =	wrdreg s1  }
0x13: {  	s0 =	rddreg [dreg:$0x6]  }
0x14: {  	[tilespmem:s9], [sflag:$0x3] =	stream.linear.gather [hbm4b:s0+s9], $0x200, $0x38;
	[tilespmem:$0x10600] =	vst v63  }
0x15: {  	_ =	swait.ge [sflag:s3], $0x200  }
0x16: {  	[sflag:s3] =	ssyncset.done $0x0  }
0x17: {  	s4 =	simm.s32 $0x200;
	s25 =	rddreg [dreg:$0x7];
	[sflag:s3] =	ssyncadd.s32 $0xFFFFFE00  }
0x18: {  	[tilespmem:s4], [sflag:$0x3] =	stream.linear.gather [hbm4b:s25+s9], $0x200, $0x38;
	[tilespmem:$0x10600] =	vst v63  }
0x19: {  	_ =	swait.ge [sflag:s3], $0x200  }
0x1a: {  	[sflag:s3] =	ssyncset.done $0x0  }
0x1b: {  	[sflag:s3] =	ssyncadd.s32 $0xFFFFFE00  }
0x1c: {  	v18 =	vld [tilespmem:$0x0]  }
0x1d: {  	v19 =	vld [tilespmem:$0x200];
	_ =	sdelay $0x3  }
0x1e: {  	(v2sf) =	vpush v18, $0x0  }
0x1f: {  	(v2sf) =	vpush v19, $0x0;
	_ =	sdelay $0x5  }
0x20: {  	(v2sf) =	vpush v18, $0x1;
	_ =	sdelay $0x1  }
0x21: {  	(v2sf) =	vpush v19, $0x1;
	_ =	sdelay $0x5  }
0x22: {  	s26 =	spop (v2sf);
	(v2sf) =	vpush v18, $0x2  }
0x23: {  	s28 =	spop (v2sf);
	(v2sf) =	vpush v19, $0x2;
	_ =	sdelay $0x4  }
0x24: {  	s1 =	rddreg [dreg:$0x2];
	s0 =	sand.u32 $0xFFFFF80, s26  }
0x25: {  	s0 =	sadd.s32 s1, s0;
	s31 =	spop (v2sf);
	(v2sf) =	vpush v18, $0x3  }
0x26: {  	[tilespmem:s12], [sflag:$0x1] =	stream.strided.gather [hbm4b:s0+s12], $0x1000, s11, s12, $0x38;
	[tilespmem:$0x10600] =	vst v63  }
0x27: {  	s2 =	rddreg [dreg:$0x3];
	s0 =	sand.u32 $0xFFFFF80, s28;
	s3 =	spop (v2sf);
	(v2sf) =	vpush v19, $0x3  }
0x28: {  	s0 =	sadd.s32 s2, s0  }
0x29: {  	[tilespmem:s20], [sflag:$0x2] =	stream.strided.gather [hbm4b:s0+s12], $0x1000, s11, s12, $0x38;
	[tilespmem:$0x10600] =	vst v63  }
0x2a: {  	s0 =	sand.u32 $0xFFFFF80, s31  }
0x2b: {  	s0 =	sadd.s32 s1, s0  }
0x2c: {  	[tilespmem:s5], [sflag:$0x1] =	stream.strided.gather [hbm4b:s0+s12], $0x1000, s11, s12, $0x38;
	[tilespmem:$0x10600] =	vst v63  }
0x2d: {  	s0 =	sand.u32 $0xFFFFF80, s3;
	s4 =	spop (v2sf);
	(v2sf) =	vpush v18, $0x4  }
0x2e: {  	s0 =	sadd.s32 s2, s0;
	s5 =	spop (v2sf);
	(v2sf) =	vpush v19, $0x4  }
0x2f: {  	[tilespmem:s21], [sflag:$0x2] =	stream.strided.gather [hbm4b:s0+s12], $0x1000, s11, s12, $0x38;
	[tilespmem:$0x10600] =	vst v63  }
0x30: {  	s0 =	sand.u32 $0xFFFFF80, s4  }
0x31: {  	s0 =	sadd.s32 s1, s0;
	(v2sf) =	vpush v18, $0x5  }
0x32: {  	[tilespmem:s6], [sflag:$0x1] =	stream.strided.gather [hbm4b:s0+s12], $0x1000, s11, s12, $0x38;
	[tilespmem:$0x10600] =	vst v63  }
0x33: {  	s0 =	sand.u32 $0xFFFFF80, s5  }
0x34: {  	s6 =	spop (v2sf);
	s0 =	sadd.s32 s2, s0  }
0x35: {  	(v2sf) =	vpush v19, $0x5;
	[tilespmem:s7], [sflag:$0x2] =	stream.strided.gather [hbm4b:s0+s12], $0x1000, s11, s12, $0x38;
	[tilespmem:$0x10600] =	vst v63  }
0x36: {  	s0 =	sand.u32 $0xFFFFF80, s6;
	s7 =	spop (v2sf);
	(v2sf) =	vpush v18, $0x6  }
0x37: {  	s0 =	sadd.s32 s1, s0  }
0x38: {  	[tilespmem:s8], [sflag:$0x1] =	stream.strided.gather [hbm4b:s0+s12], $0x1000, s11, s12, $0x38;
	[tilespmem:$0x10600] =	vst v63  }
0x39: {  	s0 =	sand.u32 $0xFFFFF80, s7  }
0x3a: {  	s0 =	sadd.s32 s2, s0  }
0x3b: {  	[tilespmem:s22], [sflag:$0x2] =	stream.strided.gather [hbm4b:s0+s12], $0x1000, s11, s12, $0x38;
	[tilespmem:$0x10600] =	vst v63  }
0x3c: {  	s8 =	spop (v2sf);
	(v2sf) =	vpush v19, $0x6  }
0x3d: {  	s0 =	sand.u32 $0xFFFFF80, s8;
	s9 =	spop (v2sf);
	(v2sf) =	vpush v18, $0x7  }
0x3e: {  	s0 =	sadd.s32 s1, s0  }
0x3f: {  	[tilespmem:s10], [sflag:$0x1] =	stream.strided.gather [hbm4b:s0+s12], $0x1000, s11, s12, $0x38;
	[tilespmem:$0x10600] =	vst v63  }
0x40: {  	s10 =	spop (v2sf);
	(v2sf) =	vpush v19, $0x7  }
0x41: {  	s0 =	sand.u32 $0xFFFFF80, s9  }
0x42: {  	s0 =	sadd.s32 s2, s0  }
0x43: {  	[tilespmem:s13], [sflag:$0x2] =	stream.strided.gather [hbm4b:s0+s12], $0x1000, s11, s12, $0x38;
	[tilespmem:$0x10600] =	vst v63  }
0x44: {  	s0 =	sand.u32 $0xFFFFF80, s10;
	s13 =	spop (v2sf)  }
0x45: {  	s0 =	sadd.s32 s1, s0;
	s20 =	sand.u32 $0xFFFFF80, s13;
	s21 =	spop (v2sf)  }
0x46: {  	[tilespmem:s14], [sflag:$0x1] =	stream.strided.gather [hbm4b:s0+s12], $0x1000, s11, s12, $0x38;
	[tilespmem:$0x10600] =	vst v63  }
0x47: {  	s0 =	sadd.s32 s2, s20;
	s22 =	sand.u32 $0xFFFFF80, s21  }
0x48: {  	[tilespmem:s15], [sflag:$0x2] =	stream.strided.gather [hbm4b:s0+s12], $0x1000, s11, s12, $0x38;
	[tilespmem:$0x10600] =	vst v63  }
0x49: {  	s0 =	sadd.s32 s1, s22  }
0x4a: {  	[tilespmem:s16], [sflag:$0x1] =	stream.strided.gather [hbm4b:s0+s12], $0x1000, s11, s12, $0x38;
	[tilespmem:$0x10600] =	vst v63  }
0x4b: {  	s24 =	spop (v2sf)  }
0x4c: {  	s25 =	sand.u32 $0xFFFFF80, s24;
	s26 =	spop (v2sf)  }
0x4d: {  	s0 =	sadd.s32 s2, s25;
	s28 =	sand.u32 $0xFFFFF80, s26  }
0x4e: {  	[tilespmem:s17], [sflag:$0x2] =	stream.strided.gather [hbm4b:s0+s12], $0x1000, s11, s12, $0x38;
	[tilespmem:$0x10600] =	vst v63  }
0x4f: {  	s0 =	sadd.s32 s1, s28;
	s31 =	spop (v2sf)  }
0x50: {  	[tilespmem:s18], [sflag:$0x1] =	stream.strided.gather [hbm4b:s0+s12], $0x1000, s11, s12, $0x38;
	[tilespmem:$0x10600] =	vst v63  }
0x51: {  	s3 =	simm.s32 $0xF;
	s0 =	sand.u32 $0xFFFFF80, s31  }
0x52: {  	s5 =	simm.s32 $0x10;
	s10 =	simm.s32 $0x210;
	s0 =	sadd.s32 s2, s0  }
0x53: {  	[tilespmem:s19], [sflag:$0x2] =	stream.strided.gather [hbm4b:s0+s12], $0x1000, s11, s12, $0x38;
	[tilespmem:$0x10600] =	vst v63  }
.LBB2_2:
0x54: {  	v21 =	vld [tilespmem:s5+$0xFFFFFFF0]  }
0x55: {  	v20 =	vld [tilespmem:s10+$0xFFFFFFF0]  }
0x56: {  	v19 =	vld [tilespmem:s5+$0x0]  }
0x57: {  	v18 =	vld [tilespmem:s10+$0x0];
	_ =	swait.ge [sflag:s29], $0x1000  }
0x58: {  	[sflag:s29] =	ssyncset.done $0x0  }
0x59: {  	[sflag:s29] =	ssyncadd.s32 $0xFFFFF000  }
0x5a: {  	_ =	swait.ge [sflag:s30], $0x1000  }
0x5b: {  	(v2sf) =	vpush v21, $0x0;
	_ =	sdelay $0x1  }
0x5c: {  	(v2sf) =	vpush v20, $0x0;
	_ =	sdelay $0xc  }
0x5d: {  	s0 =	spop (v2sf)  }
0x5e: {  	s0 =	sand.u32 $0x7F, s0  }
0x5f: {  	s4 =	spop (v2sf);
	v22 =	vor.u32 s0, v0  }
0x60: {  	s4 =	sand.u32 $0x7F, s4;
	v23 =	vor.u32 s0, v1  }
0x61: {  	v24 =	vor.u32 s4, v0  }
0x62: {  	[sflag:s30] =	ssyncset.done $0x0;
	v25 =	vor.u32 s4, v1  }
0x63: {  	[sflag:s30] =	ssyncadd.s32 $0xFFFFF000  }
0x64: {  	v22 =	vld.idx.msk [tilespmem:v22+s12+$0x0], $0xffff  }
0x65: {  	s16 =	simm.s32 $0x8400;
	v23 =	vld.idx.msk [tilespmem:v23+s12+$0x0], $0xffff  }
0x66: {  	v24 =	vld.idx.msk [tilespmem:v24+s16+$0x0], $0xffff  }
0x67: {  	v25 =	vld.idx.msk [tilespmem:v25+s16+$0x0], $0xffff;
	_ =	sdelay $0x4  }
0x68: {  	(v2sf) =	vpush v21, $0x8;
	v22 =	vmul.f32 v24, v22;
	v23 =	vmul.f32 v25, v23  }
0x69: {  	(v2sf) =	vpush v20, $0x8  }
0x6a: {  	v22 =	vadd.f32 v23, v22;
	_ =	sdelay $0x1  }
0x6b: {  	(xrf2) =	vadd.scan.msk.f32 $0xffff, v22;
	_ =	sdelay $0x3  }
0x6c: {  	s17 =	sadd.s32 $0xFFFFFFF1, s3  }
0x6d: {  	v52 =	vmov s17  }
0x6e: {  	v22 =	vand.u32 $0xFFFFFFF0, v52  }
0x6f: {  	v22 =	vbroadcast v22, $0x0;
	_ =	sdelay $0x2  }
0x70: {  	v53, _, _ =	vpop (xrf2)  }
0x71: {  	s7 =	spop (v2sf);
	v23 =	vbroadcast v53, $0xF  }
0x72: {  	s2 =	rddreg [dreg:$0x2];
	s18 =	sand.u32 $0xFFFFF80, s7;
	s6 =	spop (v2sf)  }
0x73: {  	s31 =	rddreg [dreg:$0x3];
	s0 =	sadd.s32 s2, s18;
	s19 =	sand.u32 $0xFFFFF80, s6;
	[tilespmem:v22+s23+$0x0] =	vst.idx.msk $0x1, v23  }
0x74: {  	[tilespmem:s12], [sflag:$0x1] =	stream.strided.gather [hbm4b:s0+s12], $0x1000, s11, s12, $0x38;
	[tilespmem:$0x10600] =	vst v63  }
0x75: {  	s1 =	simm.s32 $0x8400;
	s0 =	sadd.s32 s31, s19  }
0x76: {  	[tilespmem:s1], [sflag:$0x2] =	stream.strided.gather [hbm4b:s0+s12], $0x1000, s11, s12, $0x38;
	[tilespmem:$0x10600] =	vst v63  }
0x77: {  	_ =	swait.ge [sflag:s29], $0x1000  }
0x78: {  	[sflag:s29] =	ssyncset.done $0x0  }
0x79: {  	[sflag:s29] =	ssyncadd.s32 $0xFFFFF000  }
0x7a: {  	_ =	swait.ge [sflag:s30], $0x1000  }
0x7b: {  	(v2sf) =	vpush v21, $0x1;
	_ =	sdelay $0x1  }
0x7c: {  	(v2sf) =	vpush v20, $0x1;
	_ =	sdelay $0xc  }
0x7d: {  	s20 =	spop (v2sf)  }
0x7e: {  	s0 =	sand.u32 $0x7F, s20  }
0x7f: {  	s21 =	spop (v2sf);
	v54 =	vor.u32 s0, v0  }
0x80: {  	s4 =	sand.u32 $0x7F, s21;
	v55 =	vor.u32 s0, v1  }
0x81: {  	v56 =	vor.u32 s4, v0  }
0x82: {  	[sflag:s30] =	ssyncset.done $0x0;
	v57 =	vor.u32 s4, v1  }
0x83: {  	s22 =	simm.s32 $0x1400;
	[sflag:s30] =	ssyncadd.s32 $0xFFFFF000  }
0x84: {  	v22 =	vld.idx.msk [tilespmem:v54+s22+$0x0], $0xffff  }
0x85: {  	s24 =	simm.s32 $0x9400;
	v23 =	vld.idx.msk [tilespmem:v55+s22+$0x0], $0xffff  }
0x86: {  	v24 =	vld.idx.msk [tilespmem:v56+s24+$0x0], $0xffff  }
0x87: {  	v25 =	vld.idx.msk [tilespmem:v57+s24+$0x0], $0xffff;
	_ =	sdelay $0x4  }
0x88: {  	(v2sf) =	vpush v21, $0x9;
	v22 =	vmul.f32 v24, v22;
	v23 =	vmul.f32 v25, v23  }
0x89: {  	(v2sf) =	vpush v20, $0x9  }
0x8a: {  	v22 =	vadd.f32 v23, v22;
	_ =	sdelay $0x1  }
0x8b: {  	(xrf2) =	vadd.scan.msk.f32 $0xffff, v22;
	_ =	sdelay $0x3  }
0x8c: {  	s26 =	sadd.s32 $0xFFFFFFF2, s3  }
0x8d: {  	v58 =	vmov s26  }
0x8e: {  	v22 =	vand.u32 $0xFFFFFFF1, v58  }
0x8f: {  	v22 =	vbroadcast v22, $0x0;
	_ =	sdelay $0x2  }
0x90: {  	v59, _, _ =	vpop (xrf2)  }
0x91: {  	s4 =	spop (v2sf);
	v23 =	vbroadcast v59, $0xF  }
0x92: {  	s28 =	sand.u32 $0xFFFFF80, s4;
	s9 =	spop (v2sf)  }
0x93: {  	s8 =	simm.s32 $0x1400;
	s0 =	sadd.s32 s2, s28;
	s13 =	sand.u32 $0xFFFFF80, s9;
	[tilespmem:v22+s23+$0x0] =	vst.idx.msk $0x1, v23  }
0x94: {  	[tilespmem:s8], [sflag:$0x1] =	stream.strided.gather [hbm4b:s0+s12], $0x1000, s11, s12, $0x38;
	[tilespmem:$0x10600] =	vst v63  }
0x95: {  	s25 =	simm.s32 $0x9400;
	[dreg:$0xb] =	wrdreg s9;
	s0 =	sadd.s32 s31, s13  }
0x96: {  	[tilespmem:s25], [sflag:$0x2] =	stream.strided.gather [hbm4b:s0+s12], $0x1000, s11, s12, $0x38;
	[tilespmem:$0x10600] =	vst v63  }
0x97: {  	_ =	swait.ge [sflag:s29], $0x1000  }
0x98: {  	[sflag:s29] =	ssyncset.done $0x0  }
0x99: {  	[sflag:s29] =	ssyncadd.s32 $0xFFFFF000  }
0x9a: {  	_ =	swait.ge [sflag:s30], $0x1000  }
0x9b: {  	(v2sf) =	vpush v21, $0x2;
	_ =	sdelay $0x1  }
0x9c: {  	(v2sf) =	vpush v20, $0x2;
	_ =	sdelay $0xc  }
0x9d: {  	s14 =	spop (v2sf)  }
0x9e: {  	s0 =	sand.u32 $0x7F, s14  }
0x9f: {  	s15 =	spop (v2sf);
	v60 =	vor.u32 s0, v0  }
0xa0: {  	s9 =	sand.u32 $0x7F, s15;
	v61 =	vor.u32 s0, v1  }
0xa1: {  	v62 =	vor.u32 s9, v0  }
0xa2: {  	[sflag:s30] =	ssyncset.done $0x0;
	v63 =	vor.u32 s9, v1  }
0xa3: {  	s16 =	simm.s32 $0x2400;
	[sflag:s30] =	ssyncadd.s32 $0xFFFFF000  }
0xa4: {  	v22 =	vld.idx.msk [tilespmem:v60+s16+$0x0], $0xffff  }
0xa5: {  	s18 =	simm.s32 $0xA400;
	v23 =	vld.idx.msk [tilespmem:v61+s16+$0x0], $0xffff  }
0xa6: {  	v24 =	vld.idx.msk [tilespmem:v62+s18+$0x0], $0xffff  }
0xa7: {  	v25 =	vld.idx.msk [tilespmem:v63+s18+$0x0], $0xffff;
	_ =	sdelay $0x4  }
0xa8: {  	(v2sf) =	vpush v21, $0xA;
	v22 =	vmul.f32 v24, v22;
	v23 =	vmul.f32 v25, v23  }
0xa9: {  	(v2sf) =	vpush v20, $0xA  }
0xaa: {  	v22 =	vadd.f32 v23, v22;
	_ =	sdelay $0x1  }
0xab: {  	(xrf2) =	vadd.scan.msk.f32 $0xffff, v22;
	_ =	sdelay $0x3  }
0xac: {  	s20 =	sadd.s32 $0xFFFFFFF3, s3  }
0xad: {  	v26 =	vmov s20  }
0xae: {  	v22 =	vand.u32 $0xFFFFFFF2, v26  }
0xaf: {  	v22 =	vbroadcast v22, $0x0;
	_ =	sdelay $0x2  }
0xb0: {  	v27, _, _ =	vpop (xrf2)  }
0xb1: {  	s0 =	spop (v2sf);
	v23 =	vbroadcast v27, $0xF  }
0xb2: {  	s13 =	sand.u32 $0xFFFFF80, s0;
	s21 =	spop (v2sf)  }
0xb3: {  	s17 =	simm.s32 $0x2400;
	s13 =	sadd.s32 s2, s13;
	s22 =	sand.u32 $0xFFFFF80, s21;
	[tilespmem:v22+s23+$0x0] =	vst.idx.msk $0x1, v23  }
0xb4: {  	[tilespmem:s17], [sflag:$0x1] =	stream.strided.gather [hbm4b:s13+s12], $0x1000, s11, s12, $0x38;
	[tilespmem:$0x10600] =	vst v63  }
0xb5: {  	s19 =	simm.s32 $0xA400;
	[dreg:$0xc] =	wrdreg s21;
	s13 =	sadd.s32 s31, s22  }
0xb6: {  	[tilespmem:s19], [sflag:$0x2] =	stream.strided.gather [hbm4b:s13+s12], $0x1000, s11, s12, $0x38;
	[tilespmem:$0x10600] =	vst v63  }
0xb7: {  	_ =	swait.ge [sflag:s29], $0x1000  }
0xb8: {  	[sflag:s29] =	ssyncset.done $0x0  }
0xb9: {  	[sflag:s29] =	ssyncadd.s32 $0xFFFFF000  }
0xba: {  	_ =	swait.ge [sflag:s30], $0x1000  }
0xbb: {  	(v2sf) =	vpush v21, $0x3;
	_ =	sdelay $0x1  }
0xbc: {  	(v2sf) =	vpush v20, $0x3;
	_ =	sdelay $0xc  }
0xbd: {  	s24 =	spop (v2sf)  }
0xbe: {  	s13 =	sand.u32 $0x7F, s24  }
0xbf: {  	s14 =	spop (v2sf);
	v28 =	vor.u32 s13, v0  }
0xc0: {  	s14 =	sand.u32 $0x7F, s14;
	v29 =	vor.u32 s13, v1  }
0xc1: {  	v30 =	vor.u32 s14, v0  }
0xc2: {  	[sflag:s30] =	ssyncset.done $0x0;
	v31 =	vor.u32 s14, v1  }
0xc3: {  	s26 =	simm.s32 $0x3400;
	[sflag:s30] =	ssyncadd.s32 $0xFFFFF000  }
0xc4: {  	v22 =	vld.idx.msk [tilespmem:v28+s26+$0x0], $0xffff  }
0xc5: {  	s25 =	simm.s32 $0xB400;
	v23 =	vld.idx.msk [tilespmem:v29+s26+$0x0], $0xffff  }
0xc6: {  	v24 =	vld.idx.msk [tilespmem:v30+s25+$0x0], $0xffff  }
0xc7: {  	v25 =	vld.idx.msk [tilespmem:v31+s25+$0x0], $0xffff;
	_ =	sdelay $0x4  }
0xc8: {  	(v2sf) =	vpush v21, $0xB;
	v22 =	vmul.f32 v24, v22;
	v23 =	vmul.f32 v25, v23  }
0xc9: {  	(v2sf) =	vpush v20, $0xB  }
0xca: {  	v22 =	vadd.f32 v23, v22;
	_ =	sdelay $0x1  }
0xcb: {  	(xrf2) =	vadd.scan.msk.f32 $0xffff, v22;
	_ =	sdelay $0x3  }
0xcc: {  	s8 =	sadd.s32 $0xFFFFFFF4, s3  }
0xcd: {  	v32 =	vmov s8  }
0xce: {  	v22 =	vand.u32 $0xFFFFFFF3, v32  }
0xcf: {  	v22 =	vbroadcast v22, $0x0;
	_ =	sdelay $0x2  }
0xd0: {  	v33, _, _ =	vpop (xrf2)  }
0xd1: {  	s9 =	spop (v2sf);
	v23 =	vbroadcast v33, $0xF  }
0xd2: {  	s15 =	sand.u32 $0xFFFFF80, s9;
	s13 =	spop (v2sf)  }
0xd3: {  	[dreg:$0xe] =	wrdreg s9;
	s15 =	sadd.s32 s2, s15;
	s14 =	sand.u32 $0xFFFFF80, s13;
	[tilespmem:v22+s23+$0x0] =	vst.idx.msk $0x1, v23  }
0xd4: {  	[tilespmem:s26], [sflag:$0x1] =	stream.strided.gather [hbm4b:s15+s12], $0x1000, s11, s12, $0x38;
	[tilespmem:$0x10600] =	vst v63  }
0xd5: {  	s28 =	simm.s32 $0xB400;
	[dreg:$0xd] =	wrdreg s13;
	s15 =	sadd.s32 s31, s14  }
0xd6: {  	[tilespmem:s28], [sflag:$0x2] =	stream.strided.gather [hbm4b:s15+s12], $0x1000, s11, s12, $0x38;
	[tilespmem:$0x10600] =	vst v63  }
0xd7: {  	_ =	swait.ge [sflag:s29], $0x1000  }
0xd8: {  	[sflag:s29] =	ssyncset.done $0x0  }
0xd9: {  	[sflag:s29] =	ssyncadd.s32 $0xFFFFF000  }
0xda: {  	_ =	swait.ge [sflag:s30], $0x1000  }
0xdb: {  	(v2sf) =	vpush v21, $0x4;
	_ =	sdelay $0x1  }
0xdc: {  	(v2sf) =	vpush v20, $0x4;
	_ =	sdelay $0xc  }
0xdd: {  	s16 =	spop (v2sf)  }
0xde: {  	s15 =	sand.u32 $0x7F, s16  }
0xdf: {  	s16 =	spop (v2sf);
	v34 =	vor.u32 s15, v0  }
0xe0: {  	s16 =	sand.u32 $0x7F, s16;
	v35 =	vor.u32 s15, v1  }
0xe1: {  	v36 =	vor.u32 s16, v0  }
0xe2: {  	[sflag:s30] =	ssyncset.done $0x0;
	v37 =	vor.u32 s16, v1  }
0xe3: {  	[sflag:s30] =	ssyncadd.s32 $0xFFFFF000;
	s16 =	simm.s32 $0x4400  }
0xe4: {  	v22 =	vld.idx.msk [tilespmem:v34+s16+$0x0], $0xffff  }
0xe5: {  	s24 =	simm.s32 $0xC400;
	v23 =	vld.idx.msk [tilespmem:v35+s16+$0x0], $0xffff  }
0xe6: {  	v24 =	vld.idx.msk [tilespmem:v36+s24+$0x0], $0xffff  }
0xe7: {  	v25 =	vld.idx.msk [tilespmem:v37+s24+$0x0], $0xffff;
	_ =	sdelay $0x4  }
0xe8: {  	(v2sf) =	vpush v21, $0xC;
	v22 =	vmul.f32 v24, v22;
	v23 =	vmul.f32 v25, v23  }
0xe9: {  	(v2sf) =	vpush v20, $0xC  }
0xea: {  	v22 =	vadd.f32 v23, v22;
	_ =	sdelay $0x1  }
0xeb: {  	(xrf2) =	vadd.scan.msk.f32 $0xffff, v22;
	_ =	sdelay $0x3  }
0xec: {  	s17 =	sadd.s32 $0xFFFFFFF5, s3  }
0xed: {  	v38 =	vmov s17  }
0xee: {  	v22 =	vand.u32 $0xFFFFFFF4, v38  }
0xef: {  	v22 =	vbroadcast v22, $0x0;
	_ =	sdelay $0x2  }
0xf0: {  	v39, _, _ =	vpop (xrf2)  }
0xf1: {  	s25 =	spop (v2sf);
	v23 =	vbroadcast v39, $0xF  }
0xf2: {  	s17 =	sand.u32 $0xFFFFF80, s25;
	s28 =	spop (v2sf)  }
0xf3: {  	s17 =	sadd.s32 s2, s17;
	s18 =	sand.u32 $0xFFFFF80, s28;
	[tilespmem:v22+s23+$0x0] =	vst.idx.msk $0x1, v23  }
0xf4: {  	[tilespmem:s16], [sflag:$0x1] =	stream.strided.gather [hbm4b:s17+s12], $0x1000, s11, s12, $0x38;
	[tilespmem:$0x10600] =	vst v63  }
0xf5: {  	s17 =	sadd.s32 s31, s18  }
0xf6: {  	[tilespmem:s24], [sflag:$0x2] =	stream.strided.gather [hbm4b:s17+s12], $0x1000, s11, s12, $0x38;
	[tilespmem:$0x10600] =	vst v63  }
0xf7: {  	_ =	swait.ge [sflag:s29], $0x1000  }
0xf8: {  	[sflag:s29] =	ssyncset.done $0x0  }
0xf9: {  	[sflag:s29] =	ssyncadd.s32 $0xFFFFF000  }
0xfa: {  	_ =	swait.ge [sflag:s30], $0x1000  }
0xfb: {  	(v2sf) =	vpush v21, $0x5;
	_ =	sdelay $0x1  }
0xfc: {  	(v2sf) =	vpush v20, $0x5;
	_ =	sdelay $0xc  }
0xfd: {  	s19 =	spop (v2sf)  }
0xfe: {  	s17 =	sand.u32 $0x7F, s19  }
0xff: {  	s18 =	spop (v2sf);
	v40 =	vor.u32 s17, v0  }
0x100: {  	s18 =	sand.u32 $0x7F, s18;
	v41 =	vor.u32 s17, v1  }
0x101: {  	v42 =	vor.u32 s18, v0  }
0x102: {  	[sflag:s30] =	ssyncset.done $0x0;
	v43 =	vor.u32 s18, v1  }
0x103: {  	s14 =	simm.s32 $0x5400;
	[sflag:s30] =	ssyncadd.s32 $0xFFFFF000  }
0x104: {  	v22 =	vld.idx.msk [tilespmem:v40+s14+$0x0], $0xffff  }
0x105: {  	s15 =	simm.s32 $0xD400;
	v23 =	vld.idx.msk [tilespmem:v41+s14+$0x0], $0xffff  }
0x106: {  	v24 =	vld.idx.msk [tilespmem:v42+s15+$0x0], $0xffff  }
0x107: {  	v25 =	vld.idx.msk [tilespmem:v43+s15+$0x0], $0xffff;
	_ =	sdelay $0x4  }
0x108: {  	(v2sf) =	vpush v21, $0xD;
	v22 =	vmul.f32 v24, v22;
	v23 =	vmul.f32 v25, v23  }
0x109: {  	(v2sf) =	vpush v20, $0xD  }
0x10a: {  	v22 =	vadd.f32 v23, v22;
	_ =	sdelay $0x1  }
0x10b: {  	(xrf2) =	vadd.scan.msk.f32 $0xffff, v22;
	_ =	sdelay $0x3  }
0x10c: {  	s20 =	sadd.s32 $0xFFFFFFF6, s3  }
0x10d: {  	v44 =	vmov s20  }
0x10e: {  	v22 =	vand.u32 $0xFFFFFFF5, v44  }
0x10f: {  	v22 =	vbroadcast v22, $0x0;
	_ =	sdelay $0x2  }
0x110: {  	v45, _, _ =	vpop (xrf2)  }
0x111: {  	s18 =	spop (v2sf);
	v23 =	vbroadcast v45, $0xF  }
0x112: {  	s19 =	sand.u32 $0xFFFFF80, s18;
	s17 =	spop (v2sf)  }
0x113: {  	s19 =	sadd.s32 s2, s19;
	s21 =	sand.u32 $0xFFFFF80, s17;
	[tilespmem:v22+s23+$0x0] =	vst.idx.msk $0x1, v23  }
0x114: {  	[tilespmem:s14], [sflag:$0x1] =	stream.strided.gather [hbm4b:s19+s12], $0x1000, s11, s12, $0x38;
	[tilespmem:$0x10600] =	vst v63  }
0x115: {  	s19 =	sadd.s32 s31, s21  }
0x116: {  	[tilespmem:s15], [sflag:$0x2] =	stream.strided.gather [hbm4b:s19+s12], $0x1000, s11, s12, $0x38;
	[tilespmem:$0x10600] =	vst v63  }
0x117: {  	_ =	swait.ge [sflag:s29], $0x1000  }
0x118: {  	[sflag:s29] =	ssyncset.done $0x0  }
0x119: {  	[sflag:s29] =	ssyncadd.s32 $0xFFFFF000  }
0x11a: {  	_ =	swait.ge [sflag:s30], $0x1000  }
0x11b: {  	(v2sf) =	vpush v21, $0x6;
	_ =	sdelay $0x1  }
0x11c: {  	(v2sf) =	vpush v20, $0x6;
	_ =	sdelay $0xc  }
0x11d: {  	s22 =	spop (v2sf)  }
0x11e: {  	s19 =	sand.u32 $0x7F, s22  }
0x11f: {  	s20 =	spop (v2sf);
	v46 =	vor.u32 s19, v0  }
0x120: {  	s20 =	sand.u32 $0x7F, s20;
	v47 =	vor.u32 s19, v1  }
0x121: {  	v48 =	vor.u32 s20, v0  }
0x122: {  	[sflag:s30] =	ssyncset.done $0x0;
	v49 =	vor.u32 s20, v1  }
0x123: {  	s9 =	simm.s32 $0x6400;
	[sflag:s30] =	ssyncadd.s32 $0xFFFFF000  }
0x124: {  	v22 =	vld.idx.msk [tilespmem:v46+s9+$0x0], $0xffff  }
0x125: {  	s13 =	simm.s32 $0xE400;
	v23 =	vld.idx.msk [tilespmem:v47+s9+$0x0], $0xffff  }
0x126: {  	v24 =	vld.idx.msk [tilespmem:v48+s13+$0x0], $0xffff  }
0x127: {  	v25 =	vld.idx.msk [tilespmem:v49+s13+$0x0], $0xffff;
	_ =	sdelay $0x4  }
0x128: {  	(v2sf) =	vpush v21, $0xE;
	v22 =	vmul.f32 v24, v22;
	v23 =	vmul.f32 v25, v23  }
0x129: {  	(v2sf) =	vpush v20, $0xE  }
0x12a: {  	v22 =	vadd.f32 v23, v22;
	_ =	sdelay $0x1  }
0x12b: {  	(xrf2) =	vadd.scan.msk.f32 $0xffff, v22;
	_ =	sdelay $0x3  }
0x12c: {  	s1 =	sadd.s32 $0xFFFFFFF7, s3  }
0x12d: {  	v50 =	vmov s1  }
0x12e: {  	v22 =	vand.u32 $0xFFFFFFF6, v50  }
0x12f: {  	v22 =	vbroadcast v22, $0x0;
	_ =	sdelay $0x2  }
0x130: {  	v51, _, _ =	vpop (xrf2)  }
0x131: {  	s20 =	spop (v2sf);
	v23 =	vbroadcast v51, $0xF  }
0x132: {  	s21 =	sand.u32 $0xFFFFF80, s20;
	s19 =	spop (v2sf)  }
0x133: {  	s21 =	sadd.s32 s2, s21;
	s8 =	sand.u32 $0xFFFFF80, s19;
	[tilespmem:v22+s23+$0x0] =	vst.idx.msk $0x1, v23  }
0x134: {  	[tilespmem:s9], [sflag:$0x1] =	stream.strided.gather [hbm4b:s21+s12], $0x1000, s11, s12, $0x38;
	[tilespmem:$0x10600] =	vst v63  }
0x135: {  	s21 =	sadd.s32 s31, s8  }
0x136: {  	[tilespmem:s13], [sflag:$0x2] =	stream.strided.gather [hbm4b:s21+s12], $0x1000, s11, s12, $0x38;
	[tilespmem:$0x10600] =	vst v63  }
0x137: {  	_ =	swait.ge [sflag:s29], $0x1000  }
0x138: {  	[sflag:s29] =	ssyncset.done $0x0  }
0x139: {  	[sflag:s29] =	ssyncadd.s32 $0xFFFFF000  }
0x13a: {  	_ =	swait.ge [sflag:s30], $0x1000  }
0x13b: {  	(v2sf) =	vpush v21, $0x7;
	_ =	sdelay $0x1  }
0x13c: {  	(v2sf) =	vpush v20, $0x7;
	_ =	sdelay $0xc  }
0x13d: {  	s22 =	spop (v2sf)  }
0x13e: {  	s21 =	sand.u32 $0x7F, s22  }
0x13f: {  	s22 =	spop (v2sf);
	v52 =	vor.u32 s21, v0  }
0x140: {  	s22 =	sand.u32 $0x7F, s22;
	v53 =	vor.u32 s21, v1  }
0x141: {  	v54 =	vor.u32 s22, v0  }
0x142: {  	[sflag:s30] =	ssyncset.done $0x0;
	v55 =	vor.u32 s22, v1  }
0x143: {  	s1 =	simm.s32 $0x7400;
	[sflag:s30] =	ssyncadd.s32 $0xFFFFF000  }
0x144: {  	v22 =	vld.idx.msk [tilespmem:v52+s1+$0x0], $0xffff  }
0x145: {  	s8 =	simm.s32 $0xF400;
	v23 =	vld.idx.msk [tilespmem:v53+s1+$0x0], $0xffff  }
0x146: {  	v24 =	vld.idx.msk [tilespmem:v54+s8+$0x0], $0xffff  }
0x147: {  	v25 =	vld.idx.msk [tilespmem:v55+s8+$0x0], $0xffff;
	_ =	sdelay $0x4  }
0x148: {  	(v2sf) =	vpush v21, $0xF;
	v22 =	vmul.f32 v24, v22;
	v23 =	vmul.f32 v25, v23;
	_ =	sdelay $0x1  }
0x149: {  	(v2sf) =	vpush v20, $0xF;
	v56 =	vadd.f32 v23, v22;
	_ =	sdelay $0x1  }
0x14a: {  	(xrf2) =	vadd.scan.msk.f32 $0xffff, v56;
	_ =	sdelay $0x3  }
0x14b: {  	s23 =	sadd.s32 $0xFFFFFFF8, s3  }
0x14c: {  	v57 =	vmov s23  }
0x14d: {  	v20 =	vand.u32 $0xFFFFFFF7, v57  }
0x14e: {  	v20 =	vbroadcast v20, $0x0;
	_ =	sdelay $0x2  }
0x14f: {  	v21, _, _ =	vpop (xrf2)  }
0x150: {  	s22 =	spop (v2sf);
	v21 =	vbroadcast v21, $0xF  }
0x151: {  	s21 =	simm.s32 $0x10400;
	s23 =	sand.u32 $0xFFFFF80, s22  }
0x152: {  	s23 =	sadd.s32 s2, s23;
	[tilespmem:v20+s21+$0x0] =	vst.idx.msk $0x1, v21;
	s21 =	spop (v2sf)  }
0x153: {  	[tilespmem:s1], [sflag:$0x1] =	stream.strided.gather [hbm4b:s23+s12], $0x1000, s11, s12, $0x38;
	[tilespmem:$0x10600] =	vst v63  }
0x154: {  	s23 =	sand.u32 $0xFFFFF80, s21  }
0x155: {  	s23 =	sadd.s32 s31, s23  }
0x156: {  	[tilespmem:s8], [sflag:$0x2] =	stream.strided.gather [hbm4b:s23+s12], $0x1000, s11, s12, $0x38;
	[tilespmem:$0x10600] =	vst v63  }
0x157: {  	s7 =	sand.u32 $0x7F, s7;
	_ =	swait.ge [sflag:s29], $0x1000  }
0x158: {  	v58 =	vor.u32 s7, v0;
	[sflag:s29] =	ssyncset.done $0x0  }
0x159: {  	s6 =	sand.u32 $0x7F, s6;
	v59 =	vor.u32 s7, v1;
	[sflag:s29] =	ssyncadd.s32 $0xFFFFF000  }
0x15a: {  	v60 =	vor.u32 s6, v0;
	_ =	swait.ge [sflag:s30], $0x1000  }
0x15b: {  	v61 =	vor.u32 s6, v1;
	[sflag:s30] =	ssyncset.done $0x0  }
0x15c: {  	[sflag:s30] =	ssyncadd.s32 $0xFFFFF000  }
0x15d: {  	v20 =	vld.idx.msk [tilespmem:v58+s12+$0x0], $0xffff  }
0x15e: {  	s7 =	simm.s32 $0x8400;
	v21 =	vld.idx.msk [tilespmem:v59+s12+$0x0], $0xffff  }
0x15f: {  	v22 =	vld.idx.msk [tilespmem:v60+s7+$0x0], $0xffff  }
0x160: {  	v23 =	vld.idx.msk [tilespmem:v61+s7+$0x0], $0xffff;
	_ =	sdelay $0x4  }
0x161: {  	(v2sf) =	vpush v19, $0x0;
	v20 =	vmul.f32 v22, v20;
	v21 =	vmul.f32 v23, v21;
	_ =	sdelay $0x1  }
0x162: {  	v20 =	vadd.f32 v21, v20;
	_ =	sdelay $0x1  }
0x163: {  	(v2sf) =	vpush v18, $0x0;
	(xrf2) =	vadd.scan.msk.f32 $0xffff, v20;
	_ =	sdelay $0x3  }
0x164: {  	s6 =	sadd.s32 $0xFFFFFFF9, s3  }
0x165: {  	v62 =	vmov s6  }
0x166: {  	v20 =	vand.u32 $0xFFFFFFF8, v62  }
0x167: {  	v20 =	vbroadcast v20, $0x0;
	_ =	sdelay $0x2  }
0x168: {  	v63, _, _ =	vpop (xrf2)  }
0x169: {  	s6 =	spop (v2sf);
	v21 =	vbroadcast v63, $0xF  }
0x16a: {  	s23 =	simm.s32 $0x10400;
	s6 =	sand.u32 $0xFFFFF80, s6  }
0x16b: {  	s6 =	sadd.s32 s2, s6;
	[tilespmem:v20+s23+$0x0] =	vst.idx.msk $0x1, v21  }
0x16c: {  	[tilespmem:s12], [sflag:$0x1] =	stream.strided.gather [hbm4b:s6+s12], $0x1000, s11, s12, $0x38;
	[tilespmem:$0x10600] =	vst v63  }
0x16d: {  	s6 =	spop (v2sf)  }
0x16e: {  	s6 =	sand.u32 $0xFFFFF80, s6  }
0x16f: {  	s7 =	simm.s32 $0x8400;
	s6 =	sadd.s32 s31, s6  }
0x170: {  	[tilespmem:s7], [sflag:$0x2] =	stream.strided.gather [hbm4b:s6+s12], $0x1000, s11, s12, $0x38;
	[tilespmem:$0x10600] =	vst v63  }
0x171: {  	s4 =	sand.u32 $0x7F, s4;
	_ =	swait.ge [sflag:s29], $0x1000  }
0x172: {  	v24 =	vor.u32 s4, v0;
	[sflag:s29] =	ssyncset.done $0x0;
	s6 =	rddreg [dreg:$0xb]  }
0x173: {  	v25 =	vor.u32 s4, v1;
	[sflag:s29] =	ssyncadd.s32 $0xFFFFF000;
	s4 =	sand.u32 $0x7F, s6  }
0x174: {  	_ =	swait.ge [sflag:s30], $0x1000;
	v26 =	vor.u32 s4, v0  }
0x175: {  	v27 =	vor.u32 s4, v1;
	[sflag:s30] =	ssyncset.done $0x0  }
0x176: {  	s7 =	simm.s32 $0x1400;
	[sflag:s30] =	ssyncadd.s32 $0xFFFFF000  }
0x177: {  	v20 =	vld.idx.msk [tilespmem:v24+s7+$0x0], $0xffff  }
0x178: {  	s6 =	simm.s32 $0x9400;
	v21 =	vld.idx.msk [tilespmem:v25+s7+$0x0], $0xffff  }
0x179: {  	v22 =	vld.idx.msk [tilespmem:v26+s6+$0x0], $0xffff  }
0x17a: {  	v23 =	vld.idx.msk [tilespmem:v27+s6+$0x0], $0xffff;
	_ =	sdelay $0x4  }
0x17b: {  	(v2sf) =	vpush v19, $0x1;
	v20 =	vmul.f32 v22, v20;
	v21 =	vmul.f32 v23, v21;
	_ =	sdelay $0x1  }
0x17c: {  	v20 =	vadd.f32 v21, v20;
	_ =	sdelay $0x1  }
0x17d: {  	(v2sf) =	vpush v18, $0x1;
	(xrf2) =	vadd.scan.msk.f32 $0xffff, v20;
	_ =	sdelay $0x3  }
0x17e: {  	s4 =	sadd.s32 $0xFFFFFFFA, s3  }
0x17f: {  	v28 =	vmov s4  }
0x180: {  	v20 =	vand.u32 $0xFFFFFFF9, v28  }
0x181: {  	v20 =	vbroadcast v20, $0x0;
	_ =	sdelay $0x2  }
0x182: {  	v29, _, _ =	vpop (xrf2)  }
0x183: {  	s4 =	spop (v2sf);
	v21 =	vbroadcast v29, $0xF  }
0x184: {  	s4 =	sand.u32 $0xFFFFF80, s4  }
0x185: {  	s7 =	simm.s32 $0x1400;
	s4 =	sadd.s32 s2, s4;
	[tilespmem:v20+s23+$0x0] =	vst.idx.msk $0x1, v21  }
0x186: {  	[tilespmem:s7], [sflag:$0x1] =	stream.strided.gather [hbm4b:s4+s12], $0x1000, s11, s12, $0x38;
	[tilespmem:$0x10600] =	vst v63  }
0x187: {  	s7 =	spop (v2sf)  }
0x188: {  	s4 =	sand.u32 $0xFFFFF80, s7  }
0x189: {  	s6 =	simm.s32 $0x9400;
	s4 =	sadd.s32 s31, s4  }
0x18a: {  	[tilespmem:s6], [sflag:$0x2] =	stream.strided.gather [hbm4b:s4+s12], $0x1000, s11, s12, $0x38;
	[tilespmem:$0x10600] =	vst v63  }
0x18b: {  	s0 =	sand.u32 $0x7F, s0;
	_ =	swait.ge [sflag:s29], $0x1000  }
0x18c: {  	v30 =	vor.u32 s0, v0;
	[sflag:s29] =	ssyncset.done $0x0;
	s6 =	rddreg [dreg:$0xc]  }
0x18d: {  	v31 =	vor.u32 s0, v1;
	[sflag:s29] =	ssyncadd.s32 $0xFFFFF000;
	s0 =	sand.u32 $0x7F, s6  }
0x18e: {  	_ =	swait.ge [sflag:s30], $0x1000;
	v32 =	vor.u32 s0, v0  }
0x18f: {  	v33 =	vor.u32 s0, v1;
	[sflag:s30] =	ssyncset.done $0x0  }
0x190: {  	s7 =	simm.s32 $0x2400;
	[sflag:s30] =	ssyncadd.s32 $0xFFFFF000  }
0x191: {  	v20 =	vld.idx.msk [tilespmem:v30+s7+$0x0], $0xffff  }
0x192: {  	s4 =	simm.s32 $0xA400;
	v21 =	vld.idx.msk [tilespmem:v31+s7+$0x0], $0xffff  }
0x193: {  	v22 =	vld.idx.msk [tilespmem:v32+s4+$0x0], $0xffff  }
0x194: {  	v23 =	vld.idx.msk [tilespmem:v33+s4+$0x0], $0xffff;
	_ =	sdelay $0x4  }
0x195: {  	(v2sf) =	vpush v19, $0x2;
	v20 =	vmul.f32 v22, v20;
	v21 =	vmul.f32 v23, v21;
	_ =	sdelay $0x1  }
0x196: {  	(v2sf) =	vpush v18, $0x2;
	v20 =	vadd.f32 v21, v20;
	_ =	sdelay $0x1  }
0x197: {  	(xrf2) =	vadd.scan.msk.f32 $0xffff, v20;
	_ =	sdelay $0x3  }
0x198: {  	s7 =	sadd.s32 $0xFFFFFFFB, s3  }
0x199: {  	v34 =	vmov s7  }
0x19a: {  	v20 =	vand.u32 $0xFFFFFFFA, v34  }
0x19b: {  	v20 =	vbroadcast v20, $0x0;
	_ =	sdelay $0x2  }
0x19c: {  	v35, _, _ =	vpop (xrf2)  }
0x19d: {  	s7 =	spop (v2sf);
	v21 =	vbroadcast v35, $0xF  }
0x19e: {  	s0 =	sand.u32 $0xFFFFF80, s7  }
0x19f: {  	s6 =	simm.s32 $0x2400;
	s7 =	spop (v2sf);
	s0 =	sadd.s32 s2, s0;
	[tilespmem:v20+s23+$0x0] =	vst.idx.msk $0x1, v21  }
0x1a0: {  	[tilespmem:s6], [sflag:$0x1] =	stream.strided.gather [hbm4b:s0+s12], $0x1000, s11, s12, $0x38;
	[tilespmem:$0x10600] =	vst v63  }
0x1a1: {  	s0 =	sand.u32 $0xFFFFF80, s7  }
0x1a2: {  	s4 =	simm.s32 $0xA400;
	s0 =	sadd.s32 s31, s0  }
0x1a3: {  	[tilespmem:s4], [sflag:$0x2] =	stream.strided.gather [hbm4b:s0+s12], $0x1000, s11, s12, $0x38;
	[tilespmem:$0x10600] =	vst v63  }
0x1a4: {  	_ =	swait.ge [sflag:s29], $0x1000  }
0x1a5: {  	s6 =	rddreg [dreg:$0xe]  }
0x1a6: {  	s0 =	sand.u32 $0x7F, s6  }
0x1a7: {  	[sflag:s29] =	ssyncset.done $0x0;
	s7 =	rddreg [dreg:$0xd];
	v36 =	vor.u32 s0, v0  }
0x1a8: {  	[sflag:s29] =	ssyncadd.s32 $0xFFFFF000;
	v37 =	vor.u32 s0, v1;
	s0 =	sand.u32 $0x7F, s7  }
0x1a9: {  	_ =	swait.ge [sflag:s30], $0x1000;
	v38 =	vor.u32 s0, v0  }
0x1aa: {  	[sflag:s30] =	ssyncset.done $0x0;
	v39 =	vor.u32 s0, v1  }
0x1ab: {  	[sflag:s30] =	ssyncadd.s32 $0xFFFFF000  }
0x1ac: {  	v20 =	vld.idx.msk [tilespmem:v36+s26+$0x0], $0xffff  }
0x1ad: {  	s4 =	simm.s32 $0xB400;
	v21 =	vld.idx.msk [tilespmem:v37+s26+$0x0], $0xffff  }
0x1ae: {  	v22 =	vld.idx.msk [tilespmem:v38+s4+$0x0], $0xffff  }
0x1af: {  	v23 =	vld.idx.msk [tilespmem:v39+s4+$0x0], $0xffff;
	_ =	sdelay $0x4  }
0x1b0: {  	(v2sf) =	vpush v19, $0x3;
	v20 =	vmul.f32 v22, v20;
	v21 =	vmul.f32 v23, v21;
	_ =	sdelay $0x1  }
0x1b1: {  	v20 =	vadd.f32 v21, v20;
	_ =	sdelay $0x1  }
0x1b2: {  	(v2sf) =	vpush v18, $0x3;
	(xrf2) =	vadd.scan.msk.f32 $0xffff, v20;
	_ =	sdelay $0x3  }
0x1b3: {  	s6 =	sadd.s32 $0xFFFFFFFC, s3  }
0x1b4: {  	v40 =	vmov s6  }
0x1b5: {  	v20 =	vand.u32 $0xFFFFFFFB, v40  }
0x1b6: {  	v20 =	vbroadcast v20, $0x0;
	_ =	sdelay $0x2  }
0x1b7: {  	v41, _, _ =	vpop (xrf2)  }
0x1b8: {  	s7 =	spop (v2sf);
	v21 =	vbroadcast v41, $0xF  }
0x1b9: {  	s0 =	sand.u32 $0xFFFFF80, s7  }
0x1ba: {  	s0 =	sadd.s32 s2, s0;
	[tilespmem:v20+s23+$0x0] =	vst.idx.msk $0x1, v21  }
0x1bb: {  	[tilespmem:s26], [sflag:$0x1] =	stream.strided.gather [hbm4b:s0+s12], $0x1000, s11, s12, $0x38;
	[tilespmem:$0x10600] =	vst v63  }
0x1bc: {  	s26 =	spop (v2sf)  }
0x1bd: {  	s0 =	sand.u32 $0xFFFFF80, s26  }
0x1be: {  	s4 =	simm.s32 $0xB400;
	s0 =	sadd.s32 s31, s0  }
0x1bf: {  	[tilespmem:s4], [sflag:$0x2] =	stream.strided.gather [hbm4b:s0+s12], $0x1000, s11, s12, $0x38;
	[tilespmem:$0x10600] =	vst v63  }
0x1c0: {  	s4 =	sand.u32 $0x7F, s25;
	_ =	swait.ge [sflag:s29], $0x1000  }
0x1c1: {  	v42 =	vor.u32 s4, v0;
	[sflag:s29] =	ssyncset.done $0x0  }
0x1c2: {  	s6 =	sand.u32 $0x7F, s28;
	v43 =	vor.u32 s4, v1;
	[sflag:s29] =	ssyncadd.s32 $0xFFFFF000  }
0x1c3: {  	v44 =	vor.u32 s6, v0;
	_ =	swait.ge [sflag:s30], $0x1000  }
0x1c4: {  	v45 =	vor.u32 s6, v1;
	[sflag:s30] =	ssyncset.done $0x0  }
0x1c5: {  	[sflag:s30] =	ssyncadd.s32 $0xFFFFF000  }
0x1c6: {  	v20 =	vld.idx.msk [tilespmem:v42+s16+$0x0], $0xffff  }
0x1c7: {  	v21 =	vld.idx.msk [tilespmem:v43+s16+$0x0], $0xffff  }
0x1c8: {  	v22 =	vld.idx.msk [tilespmem:v44+s24+$0x0], $0xffff  }
0x1c9: {  	v23 =	vld.idx.msk [tilespmem:v45+s24+$0x0], $0xffff;
	_ =	sdelay $0x4  }
0x1ca: {  	(v2sf) =	vpush v19, $0x4;
	v20 =	vmul.f32 v22, v20;
	v21 =	vmul.f32 v23, v21;
	_ =	sdelay $0x1  }
0x1cb: {  	(v2sf) =	vpush v18, $0x4;
	v20 =	vadd.f32 v21, v20;
	_ =	sdelay $0x1  }
0x1cc: {  	(xrf2) =	vadd.scan.msk.f32 $0xffff, v20;
	_ =	sdelay $0x3  }
0x1cd: {  	s7 =	sadd.s32 $0xFFFFFFFD, s3  }
0x1ce: {  	v46 =	vmov s7  }
0x1cf: {  	v20 =	vand.u32 $0xFFFFFFFC, v46  }
0x1d0: {  	v20 =	vbroadcast v20, $0x0;
	_ =	sdelay $0x2  }
0x1d1: {  	v47, _, _ =	vpop (xrf2)  }
0x1d2: {  	s25 =	spop (v2sf);
	v21 =	vbroadcast v47, $0xF  }
0x1d3: {  	s0 =	sand.u32 $0xFFFFF80, s25  }
0x1d4: {  	s26 =	spop (v2sf);
	s0 =	sadd.s32 s2, s0;
	[tilespmem:v20+s23+$0x0] =	vst.idx.msk $0x1, v21  }
0x1d5: {  	[tilespmem:s16], [sflag:$0x1] =	stream.strided.gather [hbm4b:s0+s12], $0x1000, s11, s12, $0x38;
	[tilespmem:$0x10600] =	vst v63  }
0x1d6: {  	s0 =	sand.u32 $0xFFFFF80, s26  }
0x1d7: {  	s0 =	sadd.s32 s31, s0  }
0x1d8: {  	[tilespmem:s24], [sflag:$0x2] =	stream.strided.gather [hbm4b:s0+s12], $0x1000, s11, s12, $0x38;
	[tilespmem:$0x10600] =	vst v63  }
0x1d9: {  	s28 =	sand.u32 $0x7F, s18;
	_ =	swait.ge [sflag:s29], $0x1000  }
0x1da: {  	v48 =	vor.u32 s28, v0;
	[sflag:s29] =	ssyncset.done $0x0  }
0x1db: {  	v49 =	vor.u32 s28, v1;
	s4 =	sand.u32 $0x7F, s17;
	[sflag:s29] =	ssyncadd.s32 $0xFFFFF000  }
0x1dc: {  	v50 =	vor.u32 s4, v0;
	_ =	swait.ge [sflag:s30], $0x1000  }
0x1dd: {  	v51 =	vor.u32 s4, v1;
	[sflag:s30] =	ssyncset.done $0x0  }
0x1de: {  	[sflag:s30] =	ssyncadd.s32 $0xFFFFF000  }
0x1df: {  	v20 =	vld.idx.msk [tilespmem:v48+s14+$0x0], $0xffff  }
0x1e0: {  	v21 =	vld.idx.msk [tilespmem:v49+s14+$0x0], $0xffff  }
0x1e1: {  	v22 =	vld.idx.msk [tilespmem:v50+s15+$0x0], $0xffff  }
0x1e2: {  	v23 =	vld.idx.msk [tilespmem:v51+s15+$0x0], $0xffff;
	_ =	sdelay $0x4  }
0x1e3: {  	(v2sf) =	vpush v19, $0x5;
	v20 =	vmul.f32 v22, v20;
	v21 =	vmul.f32 v23, v21;
	_ =	sdelay $0x1  }
0x1e4: {  	v20 =	vadd.f32 v21, v20;
	_ =	sdelay $0x1  }
0x1e5: {  	(v2sf) =	vpush v18, $0x5;
	(xrf2) =	vadd.scan.msk.f32 $0xffff, v20;
	_ =	sdelay $0x3  }
0x1e6: {  	s6 =	sadd.s32 $0xFFFFFFFE, s3  }
0x1e7: {  	v52 =	vmov s6  }
0x1e8: {  	v20 =	vand.u32 $0xFFFFFFFD, v52  }
0x1e9: {  	v20 =	vbroadcast v20, $0x0;
	_ =	sdelay $0x2  }
0x1ea: {  	v53, _, _ =	vpop (xrf2)  }
0x1eb: {  	s7 =	spop (v2sf);
	v21 =	vbroadcast v53, $0xF  }
0x1ec: {  	s0 =	sand.u32 $0xFFFFF80, s7  }
0x1ed: {  	s0 =	sadd.s32 s2, s0;
	[tilespmem:v20+s23+$0x0] =	vst.idx.msk $0x1, v21  }
0x1ee: {  	[tilespmem:s14], [sflag:$0x1] =	stream.strided.gather [hbm4b:s0+s12], $0x1000, s11, s12, $0x38;
	[tilespmem:$0x10600] =	vst v63  }
0x1ef: {  	s14 =	spop (v2sf)  }
0x1f0: {  	s0 =	sand.u32 $0xFFFFF80, s14  }
0x1f1: {  	s0 =	sadd.s32 s31, s0  }
0x1f2: {  	[tilespmem:s15], [sflag:$0x2] =	stream.strided.gather [hbm4b:s0+s12], $0x1000, s11, s12, $0x38;
	[tilespmem:$0x10600] =	vst v63  }
0x1f3: {  	s16 =	sand.u32 $0x7F, s20;
	_ =	swait.ge [sflag:s29], $0x1000  }
0x1f4: {  	v54 =	vor.u32 s16, v0;
	[sflag:s29] =	ssyncset.done $0x0  }
0x1f5: {  	s17 =	sand.u32 $0x7F, s19;
	v55 =	vor.u32 s16, v1;
	[sflag:s29] =	ssyncadd.s32 $0xFFFFF000  }
0x1f6: {  	v56 =	vor.u32 s17, v0;
	_ =	swait.ge [sflag:s30], $0x1000  }
0x1f7: {  	v57 =	vor.u32 s17, v1;
	[sflag:s30] =	ssyncset.done $0x0  }
0x1f8: {  	[sflag:s30] =	ssyncadd.s32 $0xFFFFF000  }
0x1f9: {  	v20 =	vld.idx.msk [tilespmem:v54+s9+$0x0], $0xffff  }
0x1fa: {  	v21 =	vld.idx.msk [tilespmem:v55+s9+$0x0], $0xffff  }
0x1fb: {  	v22 =	vld.idx.msk [tilespmem:v56+s13+$0x0], $0xffff  }
0x1fc: {  	v23 =	vld.idx.msk [tilespmem:v57+s13+$0x0], $0xffff;
	_ =	sdelay $0x4  }
0x1fd: {  	(v2sf) =	vpush v19, $0x6;
	v20 =	vmul.f32 v22, v20;
	v21 =	vmul.f32 v23, v21;
	_ =	sdelay $0x1  }
0x1fe: {  	(v2sf) =	vpush v18, $0x6;
	v20 =	vadd.f32 v21, v20;
	_ =	sdelay $0x1  }
0x1ff: {  	(xrf2) =	vadd.scan.msk.f32 $0xffff, v20;
	_ =	sdelay $0x3  }
0x200: {  	s18 =	sadd.s32 $0xFFFFFFFF, s3  }
0x201: {  	v58 =	vmov s18  }
0x202: {  	v20 =	vand.u32 $0xFFFFFFFE, v58  }
0x203: {  	v20 =	vbroadcast v20, $0x0;
	_ =	sdelay $0x2  }
0x204: {  	v59, _, _ =	vpop (xrf2)  }
0x205: {  	s19 =	spop (v2sf);
	v21 =	vbroadcast v59, $0xF  }
0x206: {  	s0 =	sand.u32 $0xFFFFF80, s19  }
0x207: {  	s20 =	spop (v2sf);
	s0 =	sadd.s32 s2, s0;
	[tilespmem:v20+s23+$0x0] =	vst.idx.msk $0x1, v21  }
0x208: {  	[tilespmem:s9], [sflag:$0x1] =	stream.strided.gather [hbm4b:s0+s12], $0x1000, s11, s12, $0x38;
	[tilespmem:$0x10600] =	vst v63  }
0x209: {  	s0 =	sand.u32 $0xFFFFF80, s20  }
0x20a: {  	s0 =	sadd.s32 s31, s0  }
0x20b: {  	[tilespmem:s13], [sflag:$0x2] =	stream.strided.gather [hbm4b:s0+s12], $0x1000, s11, s12, $0x38;
	[tilespmem:$0x10600] =	vst v63  }
0x20c: {  	s24 =	sand.u32 $0x7F, s22;
	_ =	swait.ge [sflag:s29], $0x1000  }
0x20d: {  	v60 =	vor.u32 s24, v0;
	[sflag:s29] =	ssyncset.done $0x0  }
0x20e: {  	s25 =	sand.u32 $0x7F, s21;
	v61 =	vor.u32 s24, v1;
	[sflag:s29] =	ssyncadd.s32 $0xFFFFF000  }
0x20f: {  	v62 =	vor.u32 s25, v0;
	_ =	swait.ge [sflag:s30], $0x1000  }
0x210: {  	v63 =	vor.u32 s25, v1;
	[sflag:s30] =	ssyncset.done $0x0  }
0x211: {  	[sflag:s30] =	ssyncadd.s32 $0xFFFFF000  }
0x212: {  	v20 =	vld.idx.msk [tilespmem:v60+s1+$0x0], $0xffff  }
0x213: {  	v21 =	vld.idx.msk [tilespmem:v61+s1+$0x0], $0xffff  }
0x214: {  	v22 =	vld.idx.msk [tilespmem:v62+s8+$0x0], $0xffff  }
0x215: {  	v23 =	vld.idx.msk [tilespmem:v63+s8+$0x0], $0xffff;
	_ =	sdelay $0x4  }
0x216: {  	(v2sf) =	vpush v19, $0x7;
	v20 =	vmul.f32 v22, v20;
	v21 =	vmul.f32 v23, v21;
	_ =	sdelay $0x1  }
0x217: {  	(v2sf) =	vpush v18, $0x7;
	v19 =	vadd.f32 v21, v20;
	_ =	sdelay $0x1  }
0x218: {  	(xrf2) =	vadd.scan.msk.f32 $0xffff, v19;
	_ =	sdelay $0x7  }
0x219: {  	v18 =	vmov s3;
	_ =	sdelay $0x1  }
0x21a: {  	v19, _, _ =	vpop (xrf2)  }
0x21b: {  	s26 =	spop (v2sf);
	v19 =	vbroadcast v19, $0xF  }
0x21c: {  	p0 =	sne.s32 s3, $0x1EF;
	s0 =	sand.u32 $0xFFFFF80, s26  }
.Ltmp0:
0x21d: {  	s28 =	spop (v2sf);
	s0 =	sadd.s32 s2, s0;
	[tilespmem:v18+s23+$0x0] =	vst.idx.msk $0x1, v19;
	(pc) =	sbr.rel @p0 .LBB2_2-.Ltmp0, $4  }
0x21e: {  	[tilespmem:s1], [sflag:$0x1] =	stream.strided.gather [hbm4b:s0+s12], $0x1000, s11, s12, $0x38;
	[tilespmem:$0x10600] =	vst v63  }
0x21f: {  	s10 =	sadd.s32 $0x10, s10;
	s0 =	sand.u32 $0xFFFFF80, s28  }
0x220: {  	s5 =	sadd.s32 $0x10, s5;
	s3 =	sadd.s32 $0x10, s3;
	s0 =	sadd.s32 s31, s0  }
0x221: {  	[tilespmem:s8], [sflag:$0x2] =	stream.strided.gather [hbm4b:s0+s12], $0x1000, s11, s12, $0x38;
	[tilespmem:$0x10600] =	vst v63  }
0x222: {  	v19 =	vld [tilespmem:$0x1F0]  }
0x223: {  	v18 =	vld [tilespmem:$0x3F0];
	_ =	swait.ge [sflag:s29], $0x1000  }
0x224: {  	[sflag:s29] =	ssyncset.done $0x0  }
0x225: {  	[sflag:s29] =	ssyncadd.s32 $0xFFFFF000  }
0x226: {  	_ =	swait.ge [sflag:s30], $0x1000  }
0x227: {  	(v2sf) =	vpush v19, $0x0;
	_ =	sdelay $0x1  }
0x228: {  	(v2sf) =	vpush v18, $0x0;
	_ =	sdelay $0xc  }
0x229: {  	s0 =	spop (v2sf)  }
0x22a: {  	s0 =	sand.u32 $0x7F, s0  }
0x22b: {  	s3 =	spop (v2sf);
	v20 =	vor.u32 s0, v0  }
0x22c: {  	s3 =	sand.u32 $0x7F, s3;
	v21 =	vor.u32 s0, v1  }
0x22d: {  	v22 =	vor.u32 s3, v0  }
0x22e: {  	[sflag:s30] =	ssyncset.done $0x0;
	v23 =	vor.u32 s3, v1  }
0x22f: {  	[sflag:s30] =	ssyncadd.s32 $0xFFFFF000  }
0x230: {  	v20 =	vld.idx.msk [tilespmem:v20+s12+$0x0], $0xffff  }
0x231: {  	s4 =	simm.s32 $0x8400;
	v21 =	vld.idx.msk [tilespmem:v21+s12+$0x0], $0xffff  }
0x232: {  	v22 =	vld.idx.msk [tilespmem:v22+s4+$0x0], $0xffff  }
0x233: {  	v23 =	vld.idx.msk [tilespmem:v23+s4+$0x0], $0xffff;
	_ =	sdelay $0x4  }
0x234: {  	(v2sf) =	vpush v19, $0x8;
	v20 =	vmul.f32 v22, v20;
	v21 =	vmul.f32 v23, v21  }
0x235: {  	(v2sf) =	vpush v18, $0x8  }
0x236: {  	v20 =	vadd.f32 v21, v20;
	_ =	sdelay $0x1  }
0x237: {  	(xrf2) =	vadd.scan.msk.f32 $0xffff, v20;
	_ =	sdelay $0x9  }
0x238: {  	v20, _, _ =	vpop (xrf2)  }
0x239: {  	s3 =	spop (v2sf);
	v20 =	vbroadcast v20, $0xF  }
0x23a: {  	s2 =	rddreg [dreg:$0x2];
	s4 =	sand.u32 $0xFFFFF80, s3;
	s0 =	spop (v2sf)  }
0x23b: {  	s25 =	rddreg [dreg:$0x3];
	s4 =	sadd.s32 s2, s4;
	s5 =	sand.u32 $0xFFFFF80, s0;
	[tilespmem:v2+s23+$0x0] =	vst.idx.msk $0x1, v20  }
0x23c: {  	[tilespmem:s12], [sflag:$0x1] =	stream.strided.gather [hbm4b:s4+s12], $0x1000, s11, s12, $0x38;
	[tilespmem:$0x10600] =	vst v63  }
0x23d: {  	s1 =	simm.s32 $0x8400;
	s4 =	sadd.s32 s25, s5  }
0x23e: {  	[tilespmem:s1], [sflag:$0x2] =	stream.strided.gather [hbm4b:s4+s12], $0x1000, s11, s12, $0x38;
	[tilespmem:$0x10600] =	vst v63  }
0x23f: {  	_ =	swait.ge [sflag:s29], $0x1000  }
0x240: {  	[sflag:s29] =	ssyncset.done $0x0  }
0x241: {  	[sflag:s29] =	ssyncadd.s32 $0xFFFFF000  }
0x242: {  	_ =	swait.ge [sflag:s30], $0x1000  }
0x243: {  	(v2sf) =	vpush v19, $0x1;
	_ =	sdelay $0x1  }
0x244: {  	(v2sf) =	vpush v18, $0x1;
	_ =	sdelay $0xc  }
0x245: {  	s6 =	spop (v2sf)  }
0x246: {  	s4 =	sand.u32 $0x7F, s6  }
0x247: {  	s5 =	spop (v2sf);
	v60 =	vor.u32 s4, v0  }
0x248: {  	s5 =	sand.u32 $0x7F, s5;
	v61 =	vor.u32 s4, v1  }
0x249: {  	v62 =	vor.u32 s5, v0  }
0x24a: {  	[sflag:s30] =	ssyncset.done $0x0;
	v63 =	vor.u32 s5, v1  }
0x24b: {  	s7 =	simm.s32 $0x1400;
	[sflag:s30] =	ssyncadd.s32 $0xFFFFF000  }
0x24c: {  	v20 =	vld.idx.msk [tilespmem:v60+s7+$0x0], $0xffff  }
0x24d: {  	s9 =	simm.s32 $0x9400;
	v21 =	vld.idx.msk [tilespmem:v61+s7+$0x0], $0xffff  }
0x24e: {  	v22 =	vld.idx.msk [tilespmem:v62+s9+$0x0], $0xffff  }
0x24f: {  	v23 =	vld.idx.msk [tilespmem:v63+s9+$0x0], $0xffff;
	_ =	sdelay $0x4  }
0x250: {  	(v2sf) =	vpush v19, $0x9;
	v20 =	vmul.f32 v22, v20;
	v21 =	vmul.f32 v23, v21  }
0x251: {  	(v2sf) =	vpush v18, $0x9  }
0x252: {  	v20 =	vadd.f32 v21, v20;
	_ =	sdelay $0x1  }
0x253: {  	(xrf2) =	vadd.scan.msk.f32 $0xffff, v20;
	_ =	sdelay $0x9  }
0x254: {  	v20, _, _ =	vpop (xrf2)  }
0x255: {  	s5 =	spop (v2sf);
	v20 =	vbroadcast v20, $0xF  }
0x256: {  	s6 =	sand.u32 $0xFFFFF80, s5;
	s21 =	spop (v2sf)  }
0x257: {  	s8 =	simm.s32 $0x1400;
	s6 =	sadd.s32 s2, s6;
	s13 =	sand.u32 $0xFFFFF80, s21;
	[tilespmem:v3+s23+$0x0] =	vst.idx.msk $0x1, v20  }
0x258: {  	[tilespmem:s8], [sflag:$0x1] =	stream.strided.gather [hbm4b:s6+s12], $0x1000, s11, s12, $0x38;
	[tilespmem:$0x10600] =	vst v63  }
0x259: {  	s10 =	simm.s32 $0x9400;
	s6 =	sadd.s32 s25, s13  }
0x25a: {  	[tilespmem:s10], [sflag:$0x2] =	stream.strided.gather [hbm4b:s6+s12], $0x1000, s11, s12, $0x38;
	[tilespmem:$0x10600] =	vst v63  }
0x25b: {  	_ =	swait.ge [sflag:s29], $0x1000  }
0x25c: {  	[sflag:s29] =	ssyncset.done $0x0  }
0x25d: {  	[sflag:s29] =	ssyncadd.s32 $0xFFFFF000  }
0x25e: {  	_ =	swait.ge [sflag:s30], $0x1000  }
0x25f: {  	(v2sf) =	vpush v19, $0x2;
	_ =	sdelay $0x1  }
0x260: {  	(v2sf) =	vpush v18, $0x2;
	_ =	sdelay $0xc  }
0x261: {  	s14 =	spop (v2sf)  }
0x262: {  	s6 =	sand.u32 $0x7F, s14  }
0x263: {  	s7 =	spop (v2sf);
	v24 =	vor.u32 s6, v0  }
0x264: {  	s7 =	sand.u32 $0x7F, s7;
	v25 =	vor.u32 s6, v1  }
0x265: {  	v26 =	vor.u32 s7, v0  }
0x266: {  	[sflag:s30] =	ssyncset.done $0x0;
	v27 =	vor.u32 s7, v1  }
0x267: {  	s15 =	simm.s32 $0x2400;
	[sflag:s30] =	ssyncadd.s32 $0xFFFFF000  }
0x268: {  	v20 =	vld.idx.msk [tilespmem:v24+s15+$0x0], $0xffff  }
0x269: {  	s17 =	simm.s32 $0xA400;
	v21 =	vld.idx.msk [tilespmem:v25+s15+$0x0], $0xffff  }
0x26a: {  	v22 =	vld.idx.msk [tilespmem:v26+s17+$0x0], $0xffff  }
0x26b: {  	v23 =	vld.idx.msk [tilespmem:v27+s17+$0x0], $0xffff;
	_ =	sdelay $0x4  }
0x26c: {  	(v2sf) =	vpush v19, $0xA;
	v20 =	vmul.f32 v22, v20;
	v21 =	vmul.f32 v23, v21  }
0x26d: {  	(v2sf) =	vpush v18, $0xA  }
0x26e: {  	v20 =	vadd.f32 v21, v20;
	_ =	sdelay $0x1  }
0x26f: {  	(xrf2) =	vadd.scan.msk.f32 $0xffff, v20;
	_ =	sdelay $0x9  }
0x270: {  	v20, _, _ =	vpop (xrf2)  }
0x271: {  	s7 =	spop (v2sf);
	v20 =	vbroadcast v20, $0xF  }
0x272: {  	s8 =	sand.u32 $0xFFFFF80, s7;
	s6 =	spop (v2sf)  }
0x273: {  	s16 =	simm.s32 $0x2400;
	s8 =	sadd.s32 s2, s8;
	s19 =	sand.u32 $0xFFFFF80, s6;
	[tilespmem:v4+s23+$0x0] =	vst.idx.msk $0x1, v20  }
0x274: {  	[tilespmem:s16], [sflag:$0x1] =	stream.strided.gather [hbm4b:s8+s12], $0x1000, s11, s12, $0x38;
	[tilespmem:$0x10600] =	vst v63  }
0x275: {  	s18 =	simm.s32 $0xA400;
	s8 =	sadd.s32 s25, s19  }
0x276: {  	[tilespmem:s18], [sflag:$0x2] =	stream.strided.gather [hbm4b:s8+s12], $0x1000, s11, s12, $0x38;
	[tilespmem:$0x10600] =	vst v63  }
0x277: {  	_ =	swait.ge [sflag:s29], $0x1000  }
0x278: {  	[sflag:s29] =	ssyncset.done $0x0  }
0x279: {  	[sflag:s29] =	ssyncadd.s32 $0xFFFFF000  }
0x27a: {  	_ =	swait.ge [sflag:s30], $0x1000  }
0x27b: {  	(v2sf) =	vpush v19, $0x3;
	_ =	sdelay $0x1  }
0x27c: {  	(v2sf) =	vpush v18, $0x3;
	_ =	sdelay $0xc  }
0x27d: {  	s20 =	spop (v2sf)  }
0x27e: {  	s8 =	sand.u32 $0x7F, s20  }
0x27f: {  	s9 =	spop (v2sf);
	v28 =	vor.u32 s8, v0  }
0x280: {  	s9 =	sand.u32 $0x7F, s9;
	v29 =	vor.u32 s8, v1  }
0x281: {  	v30 =	vor.u32 s9, v0  }
0x282: {  	[sflag:s30] =	ssyncset.done $0x0;
	v31 =	vor.u32 s9, v1  }
0x283: {  	s22 =	simm.s32 $0x3400;
	[sflag:s30] =	ssyncadd.s32 $0xFFFFF000  }
0x284: {  	v20 =	vld.idx.msk [tilespmem:v28+s22+$0x0], $0xffff  }
0x285: {  	s26 =	simm.s32 $0xB400;
	v21 =	vld.idx.msk [tilespmem:v29+s22+$0x0], $0xffff  }
0x286: {  	v22 =	vld.idx.msk [tilespmem:v30+s26+$0x0], $0xffff  }
0x287: {  	v23 =	vld.idx.msk [tilespmem:v31+s26+$0x0], $0xffff;
	_ =	sdelay $0x4  }
0x288: {  	(v2sf) =	vpush v19, $0xB;
	v20 =	vmul.f32 v22, v20;
	v21 =	vmul.f32 v23, v21  }
0x289: {  	(v2sf) =	vpush v18, $0xB  }
0x28a: {  	v20 =	vadd.f32 v21, v20;
	_ =	sdelay $0x1  }
0x28b: {  	(xrf2) =	vadd.scan.msk.f32 $0xffff, v20;
	_ =	sdelay $0x9  }
0x28c: {  	v20, _, _ =	vpop (xrf2)  }
0x28d: {  	s8 =	spop (v2sf);
	v20 =	vbroadcast v20, $0xF  }
0x28e: {  	s10 =	sand.u32 $0xFFFFF80, s8;
	s22 =	spop (v2sf)  }
0x28f: {  	s24 =	simm.s32 $0x3400;
	s10 =	sadd.s32 s2, s10;
	s31 =	sand.u32 $0xFFFFF80, s22;
	[tilespmem:v5+s23+$0x0] =	vst.idx.msk $0x1, v20  }
0x290: {  	[tilespmem:s24], [sflag:$0x1] =	stream.strided.gather [hbm4b:s10+s12], $0x1000, s11, s12, $0x38;
	[tilespmem:$0x10600] =	vst v63  }
0x291: {  	s28 =	simm.s32 $0xB400;
	s10 =	sadd.s32 s25, s31  }
0x292: {  	[tilespmem:s28], [sflag:$0x2] =	stream.strided.gather [hbm4b:s10+s12], $0x1000, s11, s12, $0x38;
	[tilespmem:$0x10600] =	vst v63  }
0x293: {  	_ =	swait.ge [sflag:s29], $0x1000  }
0x294: {  	[sflag:s29] =	ssyncset.done $0x0  }
0x295: {  	[sflag:s29] =	ssyncadd.s32 $0xFFFFF000  }
0x296: {  	_ =	swait.ge [sflag:s30], $0x1000  }
0x297: {  	(v2sf) =	vpush v19, $0x4;
	_ =	sdelay $0x1  }
0x298: {  	(v2sf) =	vpush v18, $0x4;
	_ =	sdelay $0xc  }
0x299: {  	s1 =	spop (v2sf)  }
0x29a: {  	s10 =	sand.u32 $0x7F, s1  }
0x29b: {  	s13 =	spop (v2sf);
	v32 =	vor.u32 s10, v0  }
0x29c: {  	s13 =	sand.u32 $0x7F, s13;
	v33 =	vor.u32 s10, v1  }
0x29d: {  	v34 =	vor.u32 s13, v0  }
0x29e: {  	[sflag:s30] =	ssyncset.done $0x0;
	v35 =	vor.u32 s13, v1  }
0x29f: {  	s31 =	simm.s32 $0x4400;
	[sflag:s30] =	ssyncadd.s32 $0xFFFFF000  }
0x2a0: {  	v20 =	vld.idx.msk [tilespmem:v32+s31+$0x0], $0xffff  }
0x2a1: {  	s4 =	simm.s32 $0xC400;
	v21 =	vld.idx.msk [tilespmem:v33+s31+$0x0], $0xffff  }
0x2a2: {  	v22 =	vld.idx.msk [tilespmem:v34+s4+$0x0], $0xffff  }
0x2a3: {  	v23 =	vld.idx.msk [tilespmem:v35+s4+$0x0], $0xffff;
	_ =	sdelay $0x4  }
0x2a4: {  	(v2sf) =	vpush v19, $0xC;
	v20 =	vmul.f32 v22, v20;
	v21 =	vmul.f32 v23, v21  }
0x2a5: {  	(v2sf) =	vpush v18, $0xC  }
0x2a6: {  	v20 =	vadd.f32 v21, v20;
	_ =	sdelay $0x1  }
0x2a7: {  	(xrf2) =	vadd.scan.msk.f32 $0xffff, v20;
	_ =	sdelay $0x9  }
0x2a8: {  	v20, _, _ =	vpop (xrf2)  }
0x2a9: {  	s13 =	spop (v2sf);
	v20 =	vbroadcast v20, $0xF  }
0x2aa: {  	s14 =	sand.u32 $0xFFFFF80, s13;
	s10 =	spop (v2sf)  }
0x2ab: {  	s14 =	sadd.s32 s2, s14;
	s15 =	sand.u32 $0xFFFFF80, s10;
	[tilespmem:v6+s23+$0x0] =	vst.idx.msk $0x1, v20  }
0x2ac: {  	[tilespmem:s31], [sflag:$0x1] =	stream.strided.gather [hbm4b:s14+s12], $0x1000, s11, s12, $0x38;
	[tilespmem:$0x10600] =	vst v63  }
0x2ad: {  	s9 =	simm.s32 $0xC400;
	s14 =	sadd.s32 s25, s15  }
0x2ae: {  	[tilespmem:s9], [sflag:$0x2] =	stream.strided.gather [hbm4b:s14+s12], $0x1000, s11, s12, $0x38;
	[tilespmem:$0x10600] =	vst v63  }
0x2af: {  	_ =	swait.ge [sflag:s29], $0x1000  }
0x2b0: {  	[sflag:s29] =	ssyncset.done $0x0  }
0x2b1: {  	[sflag:s29] =	ssyncadd.s32 $0xFFFFF000  }
0x2b2: {  	_ =	swait.ge [sflag:s30], $0x1000  }
0x2b3: {  	(v2sf) =	vpush v19, $0x5;
	_ =	sdelay $0x1  }
0x2b4: {  	(v2sf) =	vpush v18, $0x5;
	_ =	sdelay $0xc  }
0x2b5: {  	s16 =	spop (v2sf)  }
0x2b6: {  	s14 =	sand.u32 $0x7F, s16  }
0x2b7: {  	s15 =	spop (v2sf);
	v36 =	vor.u32 s14, v0  }
0x2b8: {  	s15 =	sand.u32 $0x7F, s15;
	v37 =	vor.u32 s14, v1  }
0x2b9: {  	v38 =	vor.u32 s15, v0  }
0x2ba: {  	[sflag:s30] =	ssyncset.done $0x0;
	v39 =	vor.u32 s15, v1  }
0x2bb: {  	s28 =	simm.s32 $0x5400;
	[sflag:s30] =	ssyncadd.s32 $0xFFFFF000  }
0x2bc: {  	v20 =	vld.idx.msk [tilespmem:v36+s28+$0x0], $0xffff  }
0x2bd: {  	s26 =	simm.s32 $0xD400;
	v21 =	vld.idx.msk [tilespmem:v37+s28+$0x0], $0xffff  }
0x2be: {  	v22 =	vld.idx.msk [tilespmem:v38+s26+$0x0], $0xffff  }
0x2bf: {  	v23 =	vld.idx.msk [tilespmem:v39+s26+$0x0], $0xffff;
	_ =	sdelay $0x4  }
0x2c0: {  	(v2sf) =	vpush v19, $0xD;
	v20 =	vmul.f32 v22, v20;
	v21 =	vmul.f32 v23, v21  }
0x2c1: {  	(v2sf) =	vpush v18, $0xD  }
0x2c2: {  	v20 =	vadd.f32 v21, v20;
	_ =	sdelay $0x1  }
0x2c3: {  	(xrf2) =	vadd.scan.msk.f32 $0xffff, v20;
	_ =	sdelay $0x9  }
0x2c4: {  	v20, _, _ =	vpop (xrf2)  }
0x2c5: {  	s15 =	spop (v2sf);
	v20 =	vbroadcast v20, $0xF  }
0x2c6: {  	s16 =	sand.u32 $0xFFFFF80, s15;
	s14 =	spop (v2sf)  }
0x2c7: {  	s16 =	sadd.s32 s2, s16;
	s17 =	sand.u32 $0xFFFFF80, s14;
	[tilespmem:v7+s23+$0x0] =	vst.idx.msk $0x1, v20  }
0x2c8: {  	[tilespmem:s28], [sflag:$0x1] =	stream.strided.gather [hbm4b:s16+s12], $0x1000, s11, s12, $0x38;
	[tilespmem:$0x10600] =	vst v63  }
0x2c9: {  	s16 =	sadd.s32 s25, s17  }
0x2ca: {  	[tilespmem:s26], [sflag:$0x2] =	stream.strided.gather [hbm4b:s16+s12], $0x1000, s11, s12, $0x38;
	[tilespmem:$0x10600] =	vst v63  }
0x2cb: {  	_ =	swait.ge [sflag:s29], $0x1000  }
0x2cc: {  	[sflag:s29] =	ssyncset.done $0x0  }
0x2cd: {  	[sflag:s29] =	ssyncadd.s32 $0xFFFFF000  }
0x2ce: {  	_ =	swait.ge [sflag:s30], $0x1000  }
0x2cf: {  	(v2sf) =	vpush v19, $0x6;
	_ =	sdelay $0x1  }
0x2d0: {  	(v2sf) =	vpush v18, $0x6;
	_ =	sdelay $0xc  }
0x2d1: {  	s18 =	spop (v2sf)  }
0x2d2: {  	s16 =	sand.u32 $0x7F, s18  }
0x2d3: {  	s17 =	spop (v2sf);
	v40 =	vor.u32 s16, v0  }
0x2d4: {  	s17 =	sand.u32 $0x7F, s17;
	v41 =	vor.u32 s16, v1  }
0x2d5: {  	v42 =	vor.u32 s17, v0  }
0x2d6: {  	[sflag:s30] =	ssyncset.done $0x0;
	v43 =	vor.u32 s17, v1  }
0x2d7: {  	s24 =	simm.s32 $0x6400;
	[sflag:s30] =	ssyncadd.s32 $0xFFFFF000  }
0x2d8: {  	v20 =	vld.idx.msk [tilespmem:v40+s24+$0x0], $0xffff  }
0x2d9: {  	s23 =	simm.s32 $0xE400;
	v21 =	vld.idx.msk [tilespmem:v41+s24+$0x0], $0xffff  }
0x2da: {  	v22 =	vld.idx.msk [tilespmem:v42+s23+$0x0], $0xffff  }
0x2db: {  	v23 =	vld.idx.msk [tilespmem:v43+s23+$0x0], $0xffff;
	_ =	sdelay $0x4  }
0x2dc: {  	(v2sf) =	vpush v19, $0xE;
	v20 =	vmul.f32 v22, v20;
	v21 =	vmul.f32 v23, v21  }
0x2dd: {  	(v2sf) =	vpush v18, $0xE  }
0x2de: {  	v20 =	vadd.f32 v21, v20;
	_ =	sdelay $0x1  }
0x2df: {  	(xrf2) =	vadd.scan.msk.f32 $0xffff, v20;
	_ =	sdelay $0x9  }
0x2e0: {  	v20, _, _ =	vpop (xrf2)  }
0x2e1: {  	s17 =	spop (v2sf);
	v20 =	vbroadcast v20, $0xF  }
0x2e2: {  	s1 =	simm.s32 $0x10400;
	s18 =	sand.u32 $0xFFFFF80, s17;
	s16 =	spop (v2sf)  }
0x2e3: {  	s18 =	sadd.s32 s2, s18;
	s19 =	sand.u32 $0xFFFFF80, s16;
	[tilespmem:v8+s1+$0x0] =	vst.idx.msk $0x1, v20  }
0x2e4: {  	[tilespmem:s24], [sflag:$0x1] =	stream.strided.gather [hbm4b:s18+s12], $0x1000, s11, s12, $0x38;
	[tilespmem:$0x10600] =	vst v63  }
0x2e5: {  	s18 =	sadd.s32 s25, s19  }
0x2e6: {  	[tilespmem:s23], [sflag:$0x2] =	stream.strided.gather [hbm4b:s18+s12], $0x1000, s11, s12, $0x38;
	[tilespmem:$0x10600] =	vst v63  }
0x2e7: {  	_ =	swait.ge [sflag:s29], $0x1000  }
0x2e8: {  	[sflag:s29] =	ssyncset.done $0x0  }
0x2e9: {  	[sflag:s29] =	ssyncadd.s32 $0xFFFFF000  }
0x2ea: {  	_ =	swait.ge [sflag:s30], $0x1000  }
0x2eb: {  	(v2sf) =	vpush v19, $0x7;
	_ =	sdelay $0x1  }
0x2ec: {  	(v2sf) =	vpush v18, $0x7;
	_ =	sdelay $0xc  }
0x2ed: {  	s20 =	spop (v2sf)  }
0x2ee: {  	s18 =	sand.u32 $0x7F, s20  }
0x2ef: {  	s19 =	spop (v2sf);
	v44 =	vor.u32 s18, v0  }
0x2f0: {  	s19 =	sand.u32 $0x7F, s19;
	v45 =	vor.u32 s18, v1  }
0x2f1: {  	v46 =	vor.u32 s19, v0  }
0x2f2: {  	[sflag:s30] =	ssyncset.done $0x0;
	v47 =	vor.u32 s19, v1  }
0x2f3: {  	s9 =	simm.s32 $0x7400;
	[sflag:s30] =	ssyncadd.s32 $0xFFFFF000  }
0x2f4: {  	v20 =	vld.idx.msk [tilespmem:v44+s9+$0x0], $0xffff  }
0x2f5: {  	s4 =	simm.s32 $0xF400;
	v21 =	vld.idx.msk [tilespmem:v45+s9+$0x0], $0xffff  }
0x2f6: {  	v22 =	vld.idx.msk [tilespmem:v46+s4+$0x0], $0xffff  }
0x2f7: {  	v23 =	vld.idx.msk [tilespmem:v47+s4+$0x0], $0xffff;
	_ =	sdelay $0x4  }
0x2f8: {  	(v2sf) =	vpush v19, $0xF;
	v20 =	vmul.f32 v22, v20;
	v21 =	vmul.f32 v23, v21  }
0x2f9: {  	(v2sf) =	vpush v18, $0xF  }
0x2fa: {  	v19 =	vadd.f32 v21, v20;
	_ =	sdelay $0x1  }
0x2fb: {  	(xrf2) =	vadd.scan.msk.f32 $0xffff, v19;
	_ =	sdelay $0x9  }
0x2fc: {  	v18, _, _ =	vpop (xrf2)  }
0x2fd: {  	s19 =	spop (v2sf);
	v18 =	vbroadcast v18, $0xF  }
0x2fe: {  	s20 =	sand.u32 $0xFFFFF80, s19;
	s18 =	spop (v2sf)  }
0x2ff: {  	s20 =	sadd.s32 s2, s20;
	s2 =	sand.u32 $0xFFFFF80, s18;
	[tilespmem:v9+s1+$0x0] =	vst.idx.msk $0x1, v18  }
0x300: {  	[tilespmem:s9], [sflag:$0x1] =	stream.strided.gather [hbm4b:s20+s12], $0x1000, s11, s12, $0x38;
	[tilespmem:$0x10600] =	vst v63  }
0x301: {  	s20 =	sadd.s32 s25, s2  }
0x302: {  	[tilespmem:s4], [sflag:$0x2] =	stream.strided.gather [hbm4b:s20+s12], $0x1000, s11, s12, $0x38;
	[tilespmem:$0x10600] =	vst v63  }
0x303: {  	s3 =	sand.u32 $0x7F, s3;
	_ =	swait.ge [sflag:s29], $0x1000  }
0x304: {  	v18 =	vor.u32 s3, v0;
	[sflag:s29] =	ssyncset.done $0x0  }
0x305: {  	s0 =	sand.u32 $0x7F, s0;
	v19 =	vor.u32 s3, v1;
	[sflag:s29] =	ssyncadd.s32 $0xFFFFF000  }
0x306: {  	v48 =	vor.u32 s0, v0;
	_ =	swait.ge [sflag:s30], $0x1000  }
0x307: {  	v49 =	vor.u32 s0, v1;
	[sflag:s30] =	ssyncset.done $0x0  }
0x308: {  	[sflag:s30] =	ssyncadd.s32 $0xFFFFF000  }
0x309: {  	v18 =	vld.idx.msk [tilespmem:v18+s12+$0x0], $0xffff  }
0x30a: {  	s3 =	simm.s32 $0x8400;
	v19 =	vld.idx.msk [tilespmem:v19+s12+$0x0], $0xffff  }
0x30b: {  	v20 =	vld.idx.msk [tilespmem:v48+s3+$0x0], $0xffff  }
0x30c: {  	v21 =	vld.idx.msk [tilespmem:v49+s3+$0x0], $0xffff;
	_ =	sdelay $0x4  }
0x30d: {  	v18 =	vmul.f32 v20, v18;
	v19 =	vmul.f32 v21, v19;
	_ =	sdelay $0x1  }
0x30e: {  	v18 =	vadd.f32 v19, v18;
	_ =	sdelay $0x1  }
0x30f: {  	(xrf2) =	vadd.scan.msk.f32 $0xffff, v18;
	_ =	sdelay $0x9  }
0x310: {  	v18, _, _ =	vpop (xrf2)  }
0x311: {  	v18 =	vbroadcast v18, $0xF;
	_ =	sdelay $0x1  }
0x312: {  	[tilespmem:v10+s1+$0x0] =	vst.idx.msk $0x1, v18  }
0x313: {  	s5 =	sand.u32 $0x7F, s5;
	_ =	swait.ge [sflag:s29], $0x1000  }
0x314: {  	v18 =	vor.u32 s5, v0;
	[sflag:s29] =	ssyncset.done $0x0  }
0x315: {  	s25 =	sand.u32 $0x7F, s21;
	v19 =	vor.u32 s5, v1;
	[sflag:s29] =	ssyncadd.s32 $0xFFFFF000  }
0x316: {  	v50 =	vor.u32 s25, v0;
	_ =	swait.ge [sflag:s30], $0x1000  }
0x317: {  	v51 =	vor.u32 s25, v1;
	[sflag:s30] =	ssyncset.done $0x0  }
0x318: {  	s2 =	simm.s32 $0x1400;
	[sflag:s30] =	ssyncadd.s32 $0xFFFFF000  }
0x319: {  	v18 =	vld.idx.msk [tilespmem:v18+s2+$0x0], $0xffff  }
0x31a: {  	s3 =	simm.s32 $0x9400;
	v19 =	vld.idx.msk [tilespmem:v19+s2+$0x0], $0xffff  }
0x31b: {  	v20 =	vld.idx.msk [tilespmem:v50+s3+$0x0], $0xffff  }
0x31c: {  	v21 =	vld.idx.msk [tilespmem:v51+s3+$0x0], $0xffff;
	_ =	sdelay $0x4  }
0x31d: {  	v18 =	vmul.f32 v20, v18;
	v19 =	vmul.f32 v21, v19;
	_ =	sdelay $0x1  }
0x31e: {  	v18 =	vadd.f32 v19, v18;
	_ =	sdelay $0x1  }
0x31f: {  	(xrf2) =	vadd.scan.msk.f32 $0xffff, v18;
	_ =	sdelay $0x9  }
0x320: {  	v18, _, _ =	vpop (xrf2)  }
0x321: {  	v18 =	vbroadcast v18, $0xF;
	_ =	sdelay $0x1  }
0x322: {  	[tilespmem:v11+s1+$0x0] =	vst.idx.msk $0x1, v18  }
0x323: {  	s7 =	sand.u32 $0x7F, s7;
	_ =	swait.ge [sflag:s29], $0x1000  }
0x324: {  	v18 =	vor.u32 s7, v0;
	[sflag:s29] =	ssyncset.done $0x0  }
0x325: {  	s25 =	sand.u32 $0x7F, s6;
	v19 =	vor.u32 s7, v1;
	[sflag:s29] =	ssyncadd.s32 $0xFFFFF000  }
0x326: {  	v52 =	vor.u32 s25, v0;
	_ =	swait.ge [sflag:s30], $0x1000  }
0x327: {  	v53 =	vor.u32 s25, v1;
	[sflag:s30] =	ssyncset.done $0x0  }
0x328: {  	s2 =	simm.s32 $0x2400;
	[sflag:s30] =	ssyncadd.s32 $0xFFFFF000  }
0x329: {  	v18 =	vld.idx.msk [tilespmem:v18+s2+$0x0], $0xffff  }
0x32a: {  	s3 =	simm.s32 $0xA400;
	v19 =	vld.idx.msk [tilespmem:v19+s2+$0x0], $0xffff  }
0x32b: {  	v20 =	vld.idx.msk [tilespmem:v52+s3+$0x0], $0xffff  }
0x32c: {  	v21 =	vld.idx.msk [tilespmem:v53+s3+$0x0], $0xffff;
	_ =	sdelay $0x4  }
0x32d: {  	v18 =	vmul.f32 v20, v18;
	v19 =	vmul.f32 v21, v19;
	_ =	sdelay $0x1  }
0x32e: {  	v18 =	vadd.f32 v19, v18;
	_ =	sdelay $0x1  }
0x32f: {  	(xrf2) =	vadd.scan.msk.f32 $0xffff, v18;
	_ =	sdelay $0x9  }
0x330: {  	v18, _, _ =	vpop (xrf2)  }
0x331: {  	v18 =	vbroadcast v18, $0xF;
	_ =	sdelay $0x1  }
0x332: {  	[tilespmem:v12+s1+$0x0] =	vst.idx.msk $0x1, v18  }
0x333: {  	s8 =	sand.u32 $0x7F, s8;
	_ =	swait.ge [sflag:s29], $0x1000  }
0x334: {  	v18 =	vor.u32 s8, v0;
	[sflag:s29] =	ssyncset.done $0x0  }
0x335: {  	s22 =	sand.u32 $0x7F, s22;
	v19 =	vor.u32 s8, v1;
	[sflag:s29] =	ssyncadd.s32 $0xFFFFF000  }
0x336: {  	v54 =	vor.u32 s22, v0;
	_ =	swait.ge [sflag:s30], $0x1000  }
0x337: {  	v55 =	vor.u32 s22, v1;
	[sflag:s30] =	ssyncset.done $0x0  }
0x338: {  	s25 =	simm.s32 $0x3400;
	[sflag:s30] =	ssyncadd.s32 $0xFFFFF000  }
0x339: {  	v18 =	vld.idx.msk [tilespmem:v18+s25+$0x0], $0xffff  }
0x33a: {  	s2 =	simm.s32 $0xB400;
	v19 =	vld.idx.msk [tilespmem:v19+s25+$0x0], $0xffff  }
0x33b: {  	v20 =	vld.idx.msk [tilespmem:v54+s2+$0x0], $0xffff  }
0x33c: {  	v21 =	vld.idx.msk [tilespmem:v55+s2+$0x0], $0xffff;
	_ =	sdelay $0x4  }
0x33d: {  	v18 =	vmul.f32 v20, v18;
	v19 =	vmul.f32 v21, v19;
	_ =	sdelay $0x1  }
0x33e: {  	v18 =	vadd.f32 v19, v18;
	_ =	sdelay $0x1  }
0x33f: {  	(xrf2) =	vadd.scan.msk.f32 $0xffff, v18;
	_ =	sdelay $0x9  }
0x340: {  	v18, _, _ =	vpop (xrf2)  }
0x341: {  	v18 =	vbroadcast v18, $0xF;
	_ =	sdelay $0x1  }
0x342: {  	[tilespmem:v13+s1+$0x0] =	vst.idx.msk $0x1, v18  }
0x343: {  	s3 =	sand.u32 $0x7F, s13;
	_ =	swait.ge [sflag:s29], $0x1000  }
0x344: {  	v18 =	vor.u32 s3, v0;
	[sflag:s29] =	ssyncset.done $0x0  }
0x345: {  	s13 =	sand.u32 $0x7F, s10;
	v19 =	vor.u32 s3, v1;
	[sflag:s29] =	ssyncadd.s32 $0xFFFFF000  }
0x346: {  	v56 =	vor.u32 s13, v0;
	_ =	swait.ge [sflag:s30], $0x1000  }
0x347: {  	v57 =	vor.u32 s13, v1;
	[sflag:s30] =	ssyncset.done $0x0  }
0x348: {  	[sflag:s30] =	ssyncadd.s32 $0xFFFFF000  }
0x349: {  	v18 =	vld.idx.msk [tilespmem:v18+s31+$0x0], $0xffff  }
0x34a: {  	s25 =	simm.s32 $0xC400;
	v19 =	vld.idx.msk [tilespmem:v19+s31+$0x0], $0xffff  }
0x34b: {  	v20 =	vld.idx.msk [tilespmem:v56+s25+$0x0], $0xffff  }
0x34c: {  	v21 =	vld.idx.msk [tilespmem:v57+s25+$0x0], $0xffff;
	_ =	sdelay $0x4  }
0x34d: {  	v18 =	vmul.f32 v20, v18;
	v19 =	vmul.f32 v21, v19;
	_ =	sdelay $0x1  }
0x34e: {  	v18 =	vadd.f32 v19, v18;
	_ =	sdelay $0x1  }
0x34f: {  	(xrf2) =	vadd.scan.msk.f32 $0xffff, v18;
	_ =	sdelay $0x9  }
0x350: {  	v18, _, _ =	vpop (xrf2)  }
0x351: {  	v18 =	vbroadcast v18, $0xF;
	_ =	sdelay $0x1  }
0x352: {  	[tilespmem:v14+s1+$0x0] =	vst.idx.msk $0x1, v18  }
0x353: {  	s31 =	sand.u32 $0x7F, s15;
	_ =	swait.ge [sflag:s29], $0x1000  }
0x354: {  	v18 =	vor.u32 s31, v0;
	[sflag:s29] =	ssyncset.done $0x0  }
0x355: {  	s2 =	sand.u32 $0x7F, s14;
	v19 =	vor.u32 s31, v1;
	[sflag:s29] =	ssyncadd.s32 $0xFFFFF000  }
0x356: {  	v58 =	vor.u32 s2, v0;
	_ =	swait.ge [sflag:s30], $0x1000  }
0x357: {  	v59 =	vor.u32 s2, v1;
	[sflag:s30] =	ssyncset.done $0x0  }
0x358: {  	[sflag:s30] =	ssyncadd.s32 $0xFFFFF000  }
0x359: {  	v18 =	vld.idx.msk [tilespmem:v18+s28+$0x0], $0xffff  }
0x35a: {  	v19 =	vld.idx.msk [tilespmem:v19+s28+$0x0], $0xffff  }
0x35b: {  	v20 =	vld.idx.msk [tilespmem:v58+s26+$0x0], $0xffff  }
0x35c: {  	v21 =	vld.idx.msk [tilespmem:v59+s26+$0x0], $0xffff;
	_ =	sdelay $0x4  }
0x35d: {  	v18 =	vmul.f32 v20, v18;
	v19 =	vmul.f32 v21, v19;
	_ =	sdelay $0x1  }
0x35e: {  	v18 =	vadd.f32 v19, v18;
	_ =	sdelay $0x1  }
0x35f: {  	(xrf2) =	vadd.scan.msk.f32 $0xffff, v18;
	_ =	sdelay $0x9  }
0x360: {  	v18, _, _ =	vpop (xrf2)  }
0x361: {  	v18 =	vbroadcast v18, $0xF;
	_ =	sdelay $0x1  }
0x362: {  	[tilespmem:v15+s1+$0x0] =	vst.idx.msk $0x1, v18  }
0x363: {  	s3 =	sand.u32 $0x7F, s17;
	_ =	swait.ge [sflag:s29], $0x1000  }
0x364: {  	v18 =	vor.u32 s3, v0;
	[sflag:s29] =	ssyncset.done $0x0  }
0x365: {  	s17 =	sand.u32 $0x7F, s16;
	v19 =	vor.u32 s3, v1;
	[sflag:s29] =	ssyncadd.s32 $0xFFFFF000  }
0x366: {  	v60 =	vor.u32 s17, v0;
	_ =	swait.ge [sflag:s30], $0x1000  }
0x367: {  	v61 =	vor.u32 s17, v1;
	[sflag:s30] =	ssyncset.done $0x0  }
0x368: {  	[sflag:s30] =	ssyncadd.s32 $0xFFFFF000  }
0x369: {  	v18 =	vld.idx.msk [tilespmem:v18+s24+$0x0], $0xffff  }
0x36a: {  	v19 =	vld.idx.msk [tilespmem:v19+s24+$0x0], $0xffff  }
0x36b: {  	v20 =	vld.idx.msk [tilespmem:v60+s23+$0x0], $0xffff  }
0x36c: {  	v21 =	vld.idx.msk [tilespmem:v61+s23+$0x0], $0xffff;
	_ =	sdelay $0x4  }
0x36d: {  	v18 =	vmul.f32 v20, v18;
	v19 =	vmul.f32 v21, v19;
	_ =	sdelay $0x1  }
0x36e: {  	v18 =	vadd.f32 v19, v18;
	_ =	sdelay $0x1  }
0x36f: {  	(xrf2) =	vadd.scan.msk.f32 $0xffff, v18;
	_ =	sdelay $0x9  }
0x370: {  	v18, _, _ =	vpop (xrf2)  }
0x371: {  	v18 =	vbroadcast v18, $0xF  }
0x372: {  	s23 =	simm.s32 $0x10400  }
0x373: {  	[tilespmem:v16+s23+$0x0] =	vst.idx.msk $0x1, v18  }
0x374: {  	s24 =	sand.u32 $0x7F, s19;
	_ =	swait.ge [sflag:s29], $0x1000  }
0x375: {  	v18 =	vor.u32 s24, v0;
	[sflag:s29] =	ssyncset.done $0x0  }
0x376: {  	s25 =	sand.u32 $0x7F, s18;
	v19 =	vor.u32 s24, v1;
	[sflag:s29] =	ssyncadd.s32 $0xFFFFF000  }
0x377: {  	v62 =	vor.u32 s25, v0;
	_ =	swait.ge [sflag:s30], $0x1000  }
0x378: {  	v63 =	vor.u32 s25, v1;
	[sflag:s30] =	ssyncset.done $0x0  }
0x379: {  	[sflag:s30] =	ssyncadd.s32 $0xFFFFF000  }
0x37a: {  	v18 =	vld.idx.msk [tilespmem:v18+s9+$0x0], $0xffff  }
0x37b: {  	v19 =	vld.idx.msk [tilespmem:v19+s9+$0x0], $0xffff  }
0x37c: {  	v20 =	vld.idx.msk [tilespmem:v62+s4+$0x0], $0xffff  }
0x37d: {  	v21 =	vld.idx.msk [tilespmem:v63+s4+$0x0], $0xffff;
	_ =	sdelay $0x4  }
0x37e: {  	v18 =	vmul.f32 v20, v18;
	v19 =	vmul.f32 v21, v19;
	_ =	sdelay $0x1  }
0x37f: {  	v18 =	vadd.f32 v19, v18;
	_ =	sdelay $0x1  }
0x380: {  	(xrf2) =	vadd.scan.msk.f32 $0xffff, v18;
	_ =	sdelay $0x9  }
0x381: {  	v18, _, _ =	vpop (xrf2)  }
0x382: {  	v18 =	vbroadcast v18, $0xF;
	_ =	sdelay $0x1  }
0x383: {  	s3 =	simm.s32 $0x3;
	s26 =	rddreg [dreg:$0x8];
	s9 =	simm.s32 $0x0;
	[tilespmem:v17+s23+$0x0] =	vst.idx.msk $0x1, v18  }
0x384: {  	[hbm4b:s26+s9] =	stream.linear.scatter [tilespmem:s23], [sflag:$0x3], $0x200, $0x38;
	[tilespmem:$0x10600] =	vst v63  }
0x385: {  	_ =	swait.ge [sflag:s3], $0x200  }
0x386: {  	s28 =	rddreg [dreg:$0xa]  }
0x387: {  	s22 =	simm.s32 $0xB400;
	s31 =	rddreg [dreg:$0x9];
	s1 =	sadd.s32 $0x1, s28  }
0x388: {  	s21 =	simm.s32 $0x9400;
	s6 =	simm.s32 $0x2400;
	p0 =	sne.s32 s1, s31  }
.Ltmp1:
0x389: {  	s20 =	simm.s32 $0x8400;
	s5 =	simm.s32 $0x1400;
	(pc) =	sbr.rel @p0 .LBB2_1-.Ltmp1, $4  }
0x38a: {  	s7 =	simm.s32 $0xA400;
	s10 =	simm.s32 $0x4400;
	s13 =	simm.s32 $0xC400  }
0x38b: {  	s8 =	simm.s32 $0x3400;
	s14 =	simm.s32 $0x5400;
	s16 =	simm.s32 $0x6400  }
0x38c: {  	s17 =	simm.s32 $0xE400;
	s15 =	simm.s32 $0xD400;
	[sflag:s3] =	ssyncset.done $0x0  }
0x38d: {  	s18 =	simm.s32 $0x7400;
	s19 =	simm.s32 $0xF400;
	[sflag:s3] =	ssyncadd.s32 $0xFFFFFE00  }
0x38e: {  	_ =	sfence.sel $0x180000  }
0x38f: {  	[bflag:$0x0] =	sbarrier.arrive $0xFFFF  }
0x390: {  	_ =	strace $0x90000047  }
0x391: {  	s0 =	stileid.u32;
	[bflag:$0x2] =	sbarrier.arrive $0xFFFF  }
0x392: {  	p0 =	sne.s32 s0, $0x0;
	s0 =	rddreg [dreg:$0x5]  }
0x393: {  	s0 =	sadd.s32 @!p0 $0x100000, s0  }
0x394: {  	[sflag:s0] =	ssyncadd.tile.s32 @!p0 $0x1;
	_ =	shalt  }
.Lfunc_end2:
_tile_overlayer_lowered:
.L_overlay_start_2:
0x395: {  	(tag) =	ssettag $0x2  }
0x396: {  	s0 =	rddreg [dreg:$0x0];
	s2 =	stileid.u32  }
0x397: {  	s1 =	rddreg [dreg:$0x1];
	p0 =	sne.s32 s2, $0x0  }
0x398: {  	s3 =	rddreg [dreg:$0x2];
	[bflag:$0x3] =	sbarrier.arrive $0xFFFF;
	s2 =	simm.s32 @!p0 $0x1C03  }
0x399: {  	[timem:s3], [sflag:s2] =	dma.local @!p0 [hbm:s0], s1  }
0x39a: {  	s0 =	simm.s32 @!p0 $0x3  }
0x39b: {  	_ =	swait.ge @!p0 [sflag:s0], s1  }
0x39c: {  	s1 =	ssub.s32 @!p0 $0x0, s1;
	[sflag:s0] =	ssyncset.done @!p0 $0x0  }
0x39d: {  	[sflag:s0] =	ssyncadd.s32 @!p0 s1  }
0x39e: {  	[bflag:$0x3] =	sbarrier.arrive $0xFFFF  }
0x39f: {  	_ =	shalt  }

</sc_bundles>
